<compile_context>
chip_gen: v7x
topology: tpu7x:2x2x1
jax: 0.10.2.dev20260603
libtpu: 0.0.44.dev20260713+nightly
codegen_flags: <defaults>
</compile_context>

<pallas_src>
import functools

import jax
import jax.numpy as jnp
from jax import lax
from jax.experimental import pallas as pl
from jax.experimental.pallas import tpu as pltpu
from jax.experimental.pallas import tpu_sc as plsc


@functools.lru_cache(maxsize=None)
def _build_sc_gather(bp, ih, iw, W, L, H):
    P = bp * ih * iw
    ppb = ih * iw
    info = plsc.get_sparse_core_info()
    NC, NS = info.num_cores, info.num_subcores
    NW = NC * NS
    ppw = P // NW
    C = 8192
    nchunks = ppw // C
    wpb = NW // bp
    LH = L * H

    mesh = plsc.VectorSubcoreMesh(core_axis_name="c", subcore_axis_name="s")

    @functools.partial(
        pl.kernel,
        out_type=jax.ShapeDtypeStruct((P,), jnp.float32),
        mesh=mesh,
        scratch_types=[
            pltpu.VMEM((C,), jnp.float32),
            pltpu.VMEM((C,), jnp.float32),
            pltpu.VMEM((C,), jnp.float32),
            pltpu.VMEM((C,), jnp.float32),
            pltpu.VMEM((C,), jnp.float32),
            pltpu.VMEM((C,), jnp.float32),
            pltpu.VMEM((C,), jnp.int32),
            pltpu.VMEM((C,), jnp.int32),
            pltpu.VMEM((C,), jnp.float32),
            pltpu.VMEM((C,), jnp.float32),
            pltpu.VMEM((4, 16), jnp.float32),
            pltpu.VMEM((6, 16), jnp.int32),
            pltpu.SemaphoreType.DMA,
            pltpu.SemaphoreType.DMA,
            pltpu.SemaphoreType.DMA,
            pltpu.SemaphoreType.DMA,
        ],
    )
    def sc_kernel(pts_hbm, tbl_hbm, fpar_hbm, ipar_hbm, out_hbm,
                  x0, x1, y0, y1, z0, z1, i0, i1, r0, r1,
                  fpv, ipv, semL, semG0, semG1, semS):
        xb, yb, zb = (x0, x1), (y0, y1), (z0, z1)
        ib, rb = (i0, i1), (r0, r1)
        semG = (semG0, semG1)
        wid = lax.axis_index("s") * NC + lax.axis_index("c")
        b = wid // wpb
        woff = (wid % wpb) * ppw
        base = b * 3 * ppb

        pltpu.sync_copy(fpar_hbm, fpv)
        pltpu.sync_copy(ipar_hbm, ipv)
        ox = fpv[0, :]
        oy = fpv[1, :]
        oz = fpv[2, :]
        rvs = 1.0 / fpv[3, :]
        mnx = ipv[0, :]
        mny = ipv[1, :]
        mnz = ipv[2, :]
        mxx = ipv[3, :]
        mxy = ipv[4, :]
        mxz = ipv[5, :]

        def start_loads(k, p):
            src = woff + k * C
            return [
                pltpu.async_copy(pts_hbm.at[pl.ds(base + src, C)],
                                 xb[p], semL),
                pltpu.async_copy(pts_hbm.at[pl.ds(base + ppb + src, C)],
                                 yb[p], semL),
                pltpu.async_copy(pts_hbm.at[pl.ds(base + 2 * ppb + src, C)],
                                 zb[p], semL),
            ]

        def compute(p):
            xv, yv, zv, idxv = xb[p], yb[p], zb[p], ib[p]

            def vec(i, c2):
                s = pl.ds(i * 16, 16)
                ix = ((xv[s] - ox) * rvs + 0.5).astype(jnp.int32)
                iy = ((yv[s] - oy) * rvs + 0.5).astype(jnp.int32)
                iz = ((zv[s] - oz) * rvs + 0.5).astype(jnp.int32)
                m = ((ix >= mnx) & (ix < mxx)
                     & (iy >= mny) & (iy < mxy)
                     & (iz >= mnz) & (iz < mxz))
                flat = ix * LH + iy * H + iz
                idxv[s] = jnp.where(m, flat, 0)
                return c2

            lax.fori_loop(0, C // 16, vec, 0, unroll=4)

        loads = start_loads(0, 0)
        gathers = [None] * nchunks
        stores = [None] * nchunks
        for k in range(nchunks):
            p = k & 1
            for cp in loads:
                cp.wait()
            if k + 1 < nchunks:
                loads = start_loads(k + 1, p ^ 1)
            compute(p)
            if k >= 2:
                stores[k - 2].wait()
            gathers[k] = pltpu.async_copy(tbl_hbm.at[ib[p]], rb[p], semG[p])
            if k >= 1:
                gathers[k - 1].wait()
                q = (k - 1) & 1
                dst = out_hbm.at[pl.ds(b * ppb + woff + (k - 1) * C, C)]
                stores[k - 1] = pltpu.async_copy(rb[q], dst, semS)
        kl = nchunks - 1
        gathers[kl].wait()
        stores[kl] = pltpu.async_copy(
            rb[kl & 1],
            out_hbm.at[pl.ds(b * ppb + woff + kl * C, C)], semS)
        stores[kl - 1].wait()
        stores[kl].wait()

    return sc_kernel


def kernel(point_coordinates, voxelgrid_data, origin, voxel_size,
           min_bounds, max_bounds):
    bp, _, ih, iw = point_coordinates.shape
    _, _, W, L, H = voxelgrid_data.shape

    pts_flat = point_coordinates.reshape(-1)
    tbl_flat = voxelgrid_data.reshape(-1)
    fpar = jnp.stack([
        jnp.broadcast_to(origin[0, 0], (16,)),
        jnp.broadcast_to(origin[0, 1], (16,)),
        jnp.broadcast_to(origin[0, 2], (16,)),
        jnp.broadcast_to(voxel_size[0], (16,)),
    ]).astype(jnp.float32)
    ipar = jnp.stack([
        jnp.broadcast_to(min_bounds[0], (16,)),
        jnp.broadcast_to(min_bounds[1], (16,)),
        jnp.broadcast_to(min_bounds[2], (16,)),
        jnp.broadcast_to(max_bounds[0], (16,)),
        jnp.broadcast_to(max_bounds[1], (16,)),
        jnp.broadcast_to(max_bounds[2], (16,)),
    ]).astype(jnp.int32)

    sc = _build_sc_gather(bp, ih, iw, W, L, H)
    out = sc(pts_flat, tbl_flat, fpar, ipar)
    return out.reshape(bp, 1, ih, iw)

# --- scband reference (transcript-rebuilt; emitter-appended) ---
"""Pipeline reference for scband-pointcloud-voxelgrid-intersection-41704132444295 (READ-ONLY COPY).

The authoritative reference and input builder live on the scoring server;
editing this copy changes nothing except your own understanding.
"""

import jax, jax.numpy as jnp
import numpy as np

ROUNDING_OFFSET = 0.5


def setup_inputs(seed: int = 0) -> dict:
    key = jax.random.key(seed)
    k1, k2 = jax.random.split(key)
    W, L, H = 256, 256, 32
    bp, ih, iw = 8, 512, 512
    # points span (slightly beyond) the voxel grid so both in-bounds gathers
    # and the out-of-bounds masking path are exercised
    scale = jnp.array([W, L, H], dtype=jnp.float32).reshape(1, 3, 1, 1)
    point_coordinates = jax.random.uniform(
        k1, (bp, 3, ih, iw), dtype=jnp.float32, minval=-0.05, maxval=1.05) * scale
    voxelgrid_data = jax.random.uniform(k2, (1, 1, W, L, H), dtype=jnp.float32)
    origin = jnp.zeros((1, 3), dtype=jnp.float32)
    voxel_size = jnp.ones((1,), dtype=jnp.float32)
    min_bounds = jnp.zeros((3,), dtype=jnp.int32)
    max_bounds = jnp.array([W, L, H], dtype=jnp.int32)
    return {
        "point_coordinates": point_coordinates,
        "voxelgrid_data": voxelgrid_data,
        "origin": origin,
        "voxel_size": voxel_size,
        "min_bounds": min_bounds,
        "max_bounds": max_bounds,
    }


def reference(point_coordinates, voxelgrid_data, origin, voxel_size, min_bounds, max_bounds):
    b, c, w, l, h = voxelgrid_data.shape
    bp, _, ih, iw = point_coordinates.shape
    if b == 1 and bp > 1:
        vdata = jnp.broadcast_to(voxelgrid_data, (bp, c, w, l, h))
        b = bp
    else:
        vdata = voxelgrid_data
    point_in_voxel_coords_f = (point_coordinates - origin[:, :, None, None]) / voxel_size[0]
    # torch .long() truncates toward zero; jnp astype(int) does the same
    point_in_voxel_coords = (point_in_voxel_coords_f + ROUNDING_OFFSET).astype(jnp.int32)
    point_in_bounds_mask = jnp.logical_and(
        point_in_voxel_coords >= min_bounds[None, :, None, None],
        point_in_voxel_coords < max_bounds[None, :, None, None])
    point_in_bounds_mask = jnp.all(point_in_bounds_mask, axis=1, keepdims=True)
    point_in_voxel_coords = point_in_voxel_coords * point_in_bounds_mask.astype(jnp.int32)
    point_in_voxel_flat_coords = (point_in_voxel_coords[:, 0] * (l * h)
                                  + point_in_voxel_coords[:, 1] * h
                                  + point_in_voxel_coords[:, 2])
    voxeldata_flat = vdata.reshape(b, c, -1)
    point_mask_flat = jnp.take_along_axis(
        voxeldata_flat, point_in_voxel_flat_coords.reshape(b, 1, -1), axis=2)
    point_mask = point_mask_flat.reshape(b, 1, ih, iw)
    return point_mask

if __name__ == "__main__":
    import jax
    _d = setup_inputs()
    print(jax.jit(kernel)(*tuple(_d.values())))

</pallas_src>

<mosaic_0001>
#map = affine_map<(d0, d1) -> (0)>
#map1 = affine_map<(d0, d1) -> (0, 0)>
module attributes {stable_mosaic.version = 14 : i64} {
  func.func @sc_kernel(%arg0: i32, %arg1: i32, %arg2: memref<6291456xf32, #tpu.memory_space<hbm>>, %arg3: memref<2097152xf32, #tpu.memory_space<hbm>>, %arg4: memref<4x16xf32, #tpu.memory_space<hbm>>, %arg5: memref<6x16xi32, #tpu.memory_space<hbm>>, %arg6: memref<2097152xf32, #tpu.memory_space<hbm>>, %arg7: memref<8192xf32, #tpu.memory_space<vmem>>, %arg8: memref<8192xf32, #tpu.memory_space<vmem>>, %arg9: memref<8192xf32, #tpu.memory_space<vmem>>, %arg10: memref<8192xf32, #tpu.memory_space<vmem>>, %arg11: memref<8192xf32, #tpu.memory_space<vmem>>, %arg12: memref<8192xf32, #tpu.memory_space<vmem>>, %arg13: memref<8192xi32, #tpu.memory_space<vmem>>, %arg14: memref<8192xi32, #tpu.memory_space<vmem>>, %arg15: memref<8192xf32, #tpu.memory_space<vmem>>, %arg16: memref<8192xf32, #tpu.memory_space<vmem>>, %arg17: memref<4x16xf32, #tpu.memory_space<vmem>>, %arg18: memref<6x16xi32, #tpu.memory_space<vmem>>, %arg19: memref<!tpu.dma_semaphore, #tpu.memory_space<semaphore_mem>>, %arg20: memref<!tpu.dma_semaphore, #tpu.memory_space<semaphore_mem>>, %arg21: memref<!tpu.dma_semaphore, #tpu.memory_space<semaphore_mem>>, %arg22: memref<!tpu.dma_semaphore, #tpu.memory_space<semaphore_mem>>) attributes {dimension_semantics = [#tpu.dimension_semantics<core_parallel>, #tpu.dimension_semantics<subcore_parallel>], iteration_bounds = array<i64: 2, 16>, scalar_prefetch = 0 : i64, scratch_operands = 16 : i64, tpu.core_type = #tpu.core_type<sc_vector_subcore>, window_params = [{transform_indices = #map}, {transform_indices = #map}, {transform_indices = #map1}, {transform_indices = #map1}, {transform_indices = #map}]} {
    %mul3A = arith.constant 2 : i32
    %mul3A_0 = arith.muli %arg1, %mul3A : i32
    %add3A = arith.addi %mul3A_0, %arg0 : i32
    %jit3A = arith.constant 4 : i32
    %div3A = arith.divsi %add3A, %jit3A : i32
    %sign3A = arith.constant 0 : i32
    %sign3A_1 = arith.cmpi sgt, %add3A, %sign3A : i32
    %sign3A_2 = arith.extui %sign3A_1 : i1 to i32
    %sign3A_3 = arith.constant 0 : i32
    %sign3A_4 = arith.cmpi slt, %add3A, %sign3A_3 : i32
    %sign3A_5 = arith.extui %sign3A_4 : i1 to i32
    %sign3A_6 = arith.subi %sign3A_2, %sign3A_5 : i32
    %sign3A_7 = arith.constant 0 : i32
    %sign3A_8 = arith.cmpi sgt, %jit3A, %sign3A_7 : i32
    %sign3A_9 = arith.extui %sign3A_8 : i1 to i32
    %sign3A_10 = arith.constant 0 : i32
    %sign3A_11 = arith.cmpi slt, %jit3A, %sign3A_10 : i32
    %sign3A_12 = arith.extui %sign3A_11 : i1 to i32
    %sign3A_13 = arith.subi %sign3A_9, %sign3A_12 : i32
    %ne3A = arith.cmpi ne, %sign3A_6, %sign3A_13 : i32
    %rem3A = arith.remsi %add3A, %jit3A : i32
    %ne3A_14 = arith.constant 0 : i32
    %ne3A_15 = arith.cmpi ne, %rem3A, %ne3A_14 : i32
    %and3A = arith.andi %ne3A, %ne3A_15 : i1
    %sub3A = arith.constant 1 : i32
    %sub3A_16 = arith.subi %div3A, %sub3A : i32
    %select_n3A = arith.select %and3A, %sub3A_16, %div3A : i32
    %jit3A_17 = arith.constant 4 : i32
    %eq3A = arith.constant 0 : i32
    %eq3A_18 = arith.cmpi eq, %jit3A_17, %eq3A : i32
    %jit3A_19 = arith.constant 1 : i32
    %select_n3A_20 = arith.select %eq3A_18, %jit3A_19, %jit3A_17 : i32
    %rem3A_21 = arith.remsi %add3A, %select_n3A_20 : i32
    %ne3A_22 = arith.constant 0 : i32
    %ne3A_23 = arith.cmpi ne, %rem3A_21, %ne3A_22 : i32
    %lt3A = arith.constant 0 : i32
    %lt3A_24 = arith.cmpi slt, %rem3A_21, %lt3A : i32
    %lt3A_25 = arith.constant 0 : i32
    %lt3A_26 = arith.cmpi slt, %select_n3A_20, %lt3A_25 : i32
    %ne3A_27 = arith.xori %lt3A_24, %lt3A_26 : i1
    %and3A_28 = arith.andi %ne3A_27, %ne3A_23 : i1
    %add3A_29 = arith.addi %rem3A_21, %select_n3A_20 : i32
    %select_n3A_30 = arith.select %and3A_28, %add3A_29, %rem3A_21 : i32
    %mul3A_31 = arith.constant 65536 : i32
    %mul3A_32 = arith.muli %select_n3A_30, %mul3A_31 : i32
    %mul3A_33 = arith.constant 3 : i32
    %mul3A_34 = arith.muli %select_n3A, %mul3A_33 : i32
    %mul3A_35 = arith.constant 262144 : i32
    %mul3A_36 = arith.muli %mul3A_34, %mul3A_35 : i32
    "tpu.region"() ({
      %run_scoped3A = tpu.sem_alloc : memref<!tpu.dma_semaphore, #tpu.memory_space<semaphore_mem>>
      tpu.enqueue_dma source(%arg4 : memref<4x16xf32, #tpu.memory_space<hbm>>) target(%arg17 : memref<4x16xf32, #tpu.memory_space<vmem>>) target_semaphore(%run_scoped3A : memref<!tpu.dma_semaphore, #tpu.memory_space<semaphore_mem>>)
      tpu.wait_dma2 semaphore(%run_scoped3A : memref<!tpu.dma_semaphore, #tpu.memory_space<semaphore_mem>>) src(%arg4 : memref<4x16xf32, #tpu.memory_space<hbm>>) dst(%arg17 : memref<4x16xf32, #tpu.memory_space<vmem>>)
      tpu.yield
    }) : () -> ()
    "tpu.region"() ({
      %run_scoped3A = tpu.sem_alloc : memref<!tpu.dma_semaphore, #tpu.memory_space<semaphore_mem>>
      tpu.enqueue_dma source(%arg5 : memref<6x16xi32, #tpu.memory_space<hbm>>) target(%arg18 : memref<6x16xi32, #tpu.memory_space<vmem>>) target_semaphore(%run_scoped3A : memref<!tpu.dma_semaphore, #tpu.memory_space<semaphore_mem>>)
      tpu.wait_dma2 semaphore(%run_scoped3A : memref<!tpu.dma_semaphore, #tpu.memory_space<semaphore_mem>>) src(%arg5 : memref<6x16xi32, #tpu.memory_space<hbm>>) dst(%arg18 : memref<6x16xi32, #tpu.memory_space<vmem>>)
      tpu.yield
    }) : () -> ()
    %get3A = arith.constant 0 : i32
    %get3A_37 = arith.index_cast %get3A : i32 to index
    %get3A_38 = arith.constant 0 : index
    %get3A_39 = tpu.vector_load %arg17[%get3A_37, %get3A_38] {strides = array<i32>} : memref<4x16xf32, #tpu.memory_space<vmem>>, vector<1x16xf32>,
    %get3A_40 = vector.shape_cast %get3A_39 : vector<1x16xf32> to vector<16xf32>
    %get3A_41 = arith.constant 1 : i32
    %get3A_42 = arith.index_cast %get3A_41 : i32 to index
    %get3A_43 = arith.constant 0 : index
    %get3A_44 = tpu.vector_load %arg17[%get3A_42, %get3A_43] {strides = array<i32>} : memref<4x16xf32, #tpu.memory_space<vmem>>, vector<1x16xf32>,
    %get3A_45 = vector.shape_cast %get3A_44 : vector<1x16xf32> to vector<16xf32>
    %get3A_46 = arith.constant 2 : i32
    %get3A_47 = arith.index_cast %get3A_46 : i32 to index
    %get3A_48 = arith.constant 0 : index
    %get3A_49 = tpu.vector_load %arg17[%get3A_47, %get3A_48] {strides = array<i32>} : memref<4x16xf32, #tpu.memory_space<vmem>>, vector<1x16xf32>,
    %get3A_50 = vector.shape_cast %get3A_49 : vector<1x16xf32> to vector<16xf32>
    %get3A_51 = arith.constant 3 : i32
    %get3A_52 = arith.index_cast %get3A_51 : i32 to index
    %get3A_53 = arith.constant 0 : index
    %get3A_54 = tpu.vector_load %arg17[%get3A_52, %get3A_53] {strides = array<i32>} : memref<4x16xf32, #tpu.memory_space<vmem>>, vector<1x16xf32>,
    %get3A_55 = vector.shape_cast %get3A_54 : vector<1x16xf32> to vector<16xf32>
    %div3A_56 = arith.constant 1.000000e+00 : f32
    %div3A_57 = vector.broadcast %div3A_56 : f32 to vector<16xf32>
    %div3A_58 = arith.divf %div3A_57, %get3A_55 : vector<16xf32>
    %get3A_59 = arith.constant 0 : i32
    %get3A_60 = arith.index_cast %get3A_59 : i32 to index
    %get3A_61 = arith.constant 0 : index
    %get3A_62 = tpu.vector_load %arg18[%get3A_60, %get3A_61] {strides = array<i32>} : memref<6x16xi32, #tpu.memory_space<vmem>>, vector<1x16xi32>,
    %get3A_63 = vector.shape_cast %get3A_62 : vector<1x16xi32> to vector<16xi32>
    %get3A_64 = arith.constant 1 : i32
    %get3A_65 = arith.index_cast %get3A_64 : i32 to index
    %get3A_66 = arith.constant 0 : index
    %get3A_67 = tpu.vector_load %arg18[%get3A_65, %get3A_66] {strides = array<i32>} : memref<6x16xi32, #tpu.memory_space<vmem>>, vector<1x16xi32>,
    %get3A_68 = vector.shape_cast %get3A_67 : vector<1x16xi32> to vector<16xi32>
    %get3A_69 = arith.constant 2 : i32
    %get3A_70 = arith.index_cast %get3A_69 : i32 to index
    %get3A_71 = arith.constant 0 : index
    %get3A_72 = tpu.vector_load %arg18[%get3A_70, %get3A_71] {strides = array<i32>} : memref<6x16xi32, #tpu.memory_space<vmem>>, vector<1x16xi32>,
    %get3A_73 = vector.shape_cast %get3A_72 : vector<1x16xi32> to vector<16xi32>
    %get3A_74 = arith.constant 3 : i32
    %get3A_75 = arith.index_cast %get3A_74 : i32 to index
    %get3A_76 = arith.constant 0 : index
    %get3A_77 = tpu.vector_load %arg18[%get3A_75, %get3A_76] {strides = array<i32>} : memref<6x16xi32, #tpu.memory_space<vmem>>, vector<1x16xi32>,
    %get3A_78 = vector.shape_cast %get3A_77 : vector<1x16xi32> to vector<16xi32>
    %get3A_79 = arith.constant 4 : i32
    %get3A_80 = arith.index_cast %get3A_79 : i32 to index
    %get3A_81 = arith.constant 0 : index
    %get3A_82 = tpu.vector_load %arg18[%get3A_80, %get3A_81] {strides = array<i32>} : memref<6x16xi32, #tpu.memory_space<vmem>>, vector<1x16xi32>,
    %get3A_83 = vector.shape_cast %get3A_82 : vector<1x16xi32> to vector<16xi32>
    %get3A_84 = arith.constant 5 : i32
    %get3A_85 = arith.index_cast %get3A_84 : i32 to index
    %get3A_86 = arith.constant 0 : index
    %get3A_87 = tpu.vector_load %arg18[%get3A_85, %get3A_86] {strides = array<i32>} : memref<6x16xi32, #tpu.memory_space<vmem>>, vector<1x16xi32>,
    %get3A_88 = vector.shape_cast %get3A_87 : vector<1x16xi32> to vector<16xi32>
    %add3A_89 = arith.constant 0 : i32
    %add3A_90 = arith.addi %mul3A_32, %add3A_89 : i32
    %add3A_91 = arith.addi %mul3A_36, %add3A_90 : i32
    %dma_start3A = tpu.memref_slice %arg2[%add3A_91] : memref<6291456xf32, #tpu.memory_space<hbm>> -> memref<8192xf32, #tpu.memory_space<hbm>>
    %dma_start3A_92 = tpu.memref_slice %arg2[%add3A_91] : memref<6291456xf32, #tpu.memory_space<hbm>> -> memref<8192xf32, #tpu.memory_space<hbm>>
    tpu.enqueue_dma source(%dma_start3A_92 : memref<8192xf32, #tpu.memory_space<hbm>>) target(%arg7 : memref<8192xf32, #tpu.memory_space<vmem>>) target_semaphore(%arg19 : memref<!tpu.dma_semaphore, #tpu.memory_space<semaphore_mem>>)
    %add3A_93 = arith.constant 262144 : i32
    %add3A_94 = arith.addi %mul3A_36, %add3A_93 : i32
    %add3A_95 = arith.addi %add3A_94, %add3A_90 : i32
    %dma_start3A_96 = tpu.memref_slice %arg2[%add3A_95] : memref<6291456xf32, #tpu.memory_space<hbm>> -> memref<8192xf32, #tpu.memory_space<hbm>>
    %dma_start3A_97 = tpu.memref_slice %arg2[%add3A_95] : memref<6291456xf32, #tpu.memory_space<hbm>> -> memref<8192xf32, #tpu.memory_space<hbm>>
    tpu.enqueue_dma source(%dma_start3A_97 : memref<8192xf32, #tpu.memory_space<hbm>>) target(%arg9 : memref<8192xf32, #tpu.memory_space<vmem>>) target_semaphore(%arg19 : memref<!tpu.dma_semaphore, #tpu.memory_space<semaphore_mem>>)
    %add3A_98 = arith.constant 524288 : i32
    %add3A_99 = arith.addi %mul3A_36, %add3A_98 : i32
    %add3A_100 = arith.addi %add3A_99, %add3A_90 : i32
    %dma_start3A_101 = tpu.memref_slice %arg2[%add3A_100] : memref<6291456xf32, #tpu.memory_space<hbm>> -> memref<8192xf32, #tpu.memory_space<hbm>>
    %dma_start3A_102 = tpu.memref_slice %arg2[%add3A_100] : memref<6291456xf32, #tpu.memory_space<hbm>> -> memref<8192xf32, #tpu.memory_space<hbm>>
    tpu.enqueue_dma source(%dma_start3A_102 : memref<8192xf32, #tpu.memory_space<hbm>>) target(%arg11 : memref<8192xf32, #tpu.memory_space<vmem>>) target_semaphore(%arg19 : memref<!tpu.dma_semaphore, #tpu.memory_space<semaphore_mem>>)
    %dma_wait3A = tpu.memref_slice %arg2[%add3A_91] : memref<6291456xf32, #tpu.memory_space<hbm>> -> memref<8192xf32, #tpu.memory_space<hbm>>
    %dma_wait3A_103 = tpu.memref_slice %arg2[%add3A_91] : memref<6291456xf32, #tpu.memory_space<hbm>> -> memref<8192xf32, #tpu.memory_space<hbm>>
    tpu.wait_dma2 semaphore(%arg19 : memref<!tpu.dma_semaphore, #tpu.memory_space<semaphore_mem>>) src(%dma_wait3A_103 : memref<8192xf32, #tpu.memory_space<hbm>>) dst(%arg7 : memref<8192xf32, #tpu.memory_space<vmem>>)
    %dma_wait3A_104 = tpu.memref_slice %arg2[%add3A_95] : memref<6291456xf32, #tpu.memory_space<hbm>> -> memref<8192xf32, #tpu.memory_space<hbm>>
    %dma_wait3A_105 = tpu.memref_slice %arg2[%add3A_95] : memref<6291456xf32, #tpu.memory_space<hbm>> -> memref<8192xf32, #tpu.memory_space<hbm>>
    tpu.wait_dma2 semaphore(%arg19 : memref<!tpu.dma_semaphore, #tpu.memory_space<semaphore_mem>>) src(%dma_wait3A_105 : memref<8192xf32, #tpu.memory_space<hbm>>) dst(%arg9 : memref<8192xf32, #tpu.memory_space<vmem>>)
    %dma_wait3A_106 = tpu.memref_slice %arg2[%add3A_100] : memref<6291456xf32, #tpu.memory_space<hbm>> -> memref<8192xf32, #tpu.memory_space<hbm>>
    %dma_wait3A_107 = tpu.memref_slice %arg2[%add3A_100] : memref<6291456xf32, #tpu.memory_space<hbm>> -> memref<8192xf32, #tpu.memory_space<hbm>>
    tpu.wait_dma2 semaphore(%arg19 : memref<!tpu.dma_semaphore, #tpu.memory_space<semaphore_mem>>) src(%dma_wait3A_107 : memref<8192xf32, #tpu.memory_space<hbm>>) dst(%arg11 : memref<8192xf32, #tpu.memory_space<vmem>>)
    %add3A_108 = arith.constant 8192 : i32
    %add3A_109 = arith.addi %mul3A_32, %add3A_108 : i32
    %add3A_110 = arith.addi %mul3A_36, %add3A_109 : i32
    %dma_start3A_111 = tpu.memref_slice %arg2[%add3A_110] : memref<6291456xf32, #tpu.memory_space<hbm>> -> memref<8192xf32, #tpu.memory_space<hbm>>
    %dma_start3A_112 = tpu.memref_slice %arg2[%add3A_110] : memref<6291456xf32, #tpu.memory_space<hbm>> -> memref<8192xf32, #tpu.memory_space<hbm>>
    tpu.enqueue_dma source(%dma_start3A_112 : memref<8192xf32, #tpu.memory_space<hbm>>) target(%arg8 : memref<8192xf32, #tpu.memory_space<vmem>>) target_semaphore(%arg19 : memref<!tpu.dma_semaphore, #tpu.memory_space<semaphore_mem>>)
    %add3A_113 = arith.constant 262144 : i32
    %add3A_114 = arith.addi %mul3A_36, %add3A_113 : i32
    %add3A_115 = arith.addi %add3A_114, %add3A_109 : i32
    %dma_start3A_116 = tpu.memref_slice %arg2[%add3A_115] : memref<6291456xf32, #tpu.memory_space<hbm>> -> memref<8192xf32, #tpu.memory_space<hbm>>
    %dma_start3A_117 = tpu.memref_slice %arg2[%add3A_115] : memref<6291456xf32, #tpu.memory_space<hbm>> -> memref<8192xf32, #tpu.memory_space<hbm>>
    tpu.enqueue_dma source(%dma_start3A_117 : memref<8192xf32, #tpu.memory_space<hbm>>) target(%arg10 : memref<8192xf32, #tpu.memory_space<vmem>>) target_semaphore(%arg19 : memref<!tpu.dma_semaphore, #tpu.memory_space<semaphore_mem>>)
    %add3A_118 = arith.constant 524288 : i32
    %add3A_119 = arith.addi %mul3A_36, %add3A_118 : i32
    %add3A_120 = arith.addi %add3A_119, %add3A_109 : i32
    %dma_start3A_121 = tpu.memref_slice %arg2[%add3A_120] : memref<6291456xf32, #tpu.memory_space<hbm>> -> memref<8192xf32, #tpu.memory_space<hbm>>
    %dma_start3A_122 = tpu.memref_slice %arg2[%add3A_120] : memref<6291456xf32, #tpu.memory_space<hbm>> -> memref<8192xf32, #tpu.memory_space<hbm>>
    tpu.enqueue_dma source(%dma_start3A_122 : memref<8192xf32, #tpu.memory_space<hbm>>) target(%arg12 : memref<8192xf32, #tpu.memory_space<vmem>>) target_semaphore(%arg19 : memref<!tpu.dma_semaphore, #tpu.memory_space<semaphore_mem>>)
    %scan3A = arith.constant 0 : i32
    %scan3A_123 = arith.constant 0 : i32
    %scan3A_124 = arith.constant 512 : i32
    %scan3A_125 = arith.addi %scan3A_123, %scan3A_124 : i32
    %scan3A_126 = arith.constant 4 : i32
    scf.for %scan3A_406 = %scan3A_123 to %scan3A_125 step %scan3A_126  : i32 {
      %mul3A_407 = arith.constant 16 : i32
      %mul3A_408 = arith.muli %scan3A_406, %mul3A_407 : i32
      %get3A_409 = arith.index_cast %mul3A_408 : i32 to index
      %get3A_410 = tpu.vector_load %arg7[%get3A_409] {strides = array<i32>} : memref<8192xf32, #tpu.memory_space<vmem>>, vector<16xf32>,
      %get3A_411 = vector.shape_cast %get3A_410 : vector<16xf32> to vector<16xf32>
      %sub3A_412 = arith.subf %get3A_411, %get3A_40 : vector<16xf32>
      %mul3A_413 = arith.mulf %sub3A_412, %div3A_58 : vector<16xf32>
      %add3A_414 = arith.constant 5.000000e-01 : f32
      %add3A_415 = vector.broadcast %add3A_414 : f32 to vector<16xf32>
      %add3A_416 = arith.addf %mul3A_413, %add3A_415 : vector<16xf32>
      %convert_element_type3A = arith.fptosi %add3A_416 : vector<16xf32> to vector<16xi32>
      %get3A_417 = arith.index_cast %mul3A_408 : i32 to index
      %get3A_418 = tpu.vector_load %arg9[%get3A_417] {strides = array<i32>} : memref<8192xf32, #tpu.memory_space<vmem>>, vector<16xf32>,
      %get3A_419 = vector.shape_cast %get3A_418 : vector<16xf32> to vector<16xf32>
      %sub3A_420 = arith.subf %get3A_419, %get3A_45 : vector<16xf32>
      %mul3A_421 = arith.mulf %sub3A_420, %div3A_58 : vector<16xf32>
      %add3A_422 = arith.constant 5.000000e-01 : f32
      %add3A_423 = vector.broadcast %add3A_422 : f32 to vector<16xf32>
      %add3A_424 = arith.addf %mul3A_421, %add3A_423 : vector<16xf32>
      %convert_element_type3A_425 = arith.fptosi %add3A_424 : vector<16xf32> to vector<16xi32>
      %get3A_426 = arith.index_cast %mul3A_408 : i32 to index
      %get3A_427 = tpu.vector_load %arg11[%get3A_426] {strides = array<i32>} : memref<8192xf32, #tpu.memory_space<vmem>>, vector<16xf32>,
      %get3A_428 = vector.shape_cast %get3A_427 : vector<16xf32> to vector<16xf32>
      %sub3A_429 = arith.subf %get3A_428, %get3A_50 : vector<16xf32>
      %mul3A_430 = arith.mulf %sub3A_429, %div3A_58 : vector<16xf32>
      %add3A_431 = arith.constant 5.000000e-01 : f32
      %add3A_432 = vector.broadcast %add3A_431 : f32 to vector<16xf32>
      %add3A_433 = arith.addf %mul3A_430, %add3A_432 : vector<16xf32>
      %convert_element_type3A_434 = arith.fptosi %add3A_433 : vector<16xf32> to vector<16xi32>
      %ge3A = arith.cmpi sge, %convert_element_type3A, %get3A_63 : vector<16xi32>
      %lt3A_435 = arith.cmpi slt, %convert_element_type3A, %get3A_78 : vector<16xi32>
      %and3A_436 = arith.andi %ge3A, %lt3A_435 : vector<16xi1>
      %ge3A_437 = arith.cmpi sge, %convert_element_type3A_425, %get3A_68 : vector<16xi32>
      %and3A_438 = arith.andi %and3A_436, %ge3A_437 : vector<16xi1>
      %lt3A_439 = arith.cmpi slt, %convert_element_type3A_425, %get3A_83 : vector<16xi32>
      %and3A_440 = arith.andi %and3A_438, %lt3A_439 : vector<16xi1>
      %ge3A_441 = arith.cmpi sge, %convert_element_type3A_434, %get3A_73 : vector<16xi32>
      %and3A_442 = arith.andi %and3A_440, %ge3A_441 : vector<16xi1>
      %lt3A_443 = arith.cmpi slt, %convert_element_type3A_434, %get3A_88 : vector<16xi32>
      %and3A_444 = arith.andi %and3A_442, %lt3A_443 : vector<16xi1>
      %mul3A_445 = arith.constant 8192 : i32
      %mul3A_446 = vector.broadcast %mul3A_445 : i32 to vector<16xi32>
      %mul3A_447 = arith.muli %convert_element_type3A, %mul3A_446 : vector<16xi32>
      %mul3A_448 = arith.constant 32 : i32
      %mul3A_449 = vector.broadcast %mul3A_448 : i32 to vector<16xi32>
      %mul3A_450 = arith.muli %convert_element_type3A_425, %mul3A_449 : vector<16xi32>
      %add3A_451 = arith.addi %mul3A_447, %mul3A_450 : vector<16xi32>
      %add3A_452 = arith.addi %add3A_451, %convert_element_type3A_434 : vector<16xi32>
      %jit3A_453 = arith.constant 0 : i32
      %broadcast_in_dim3A = vector.broadcast %jit3A_453 : i32 to vector<16xi32>
      %select_n3A_454 = arith.select %and3A_444, %add3A_452, %broadcast_in_dim3A : vector<16xi1>, vector<16xi32>
      %swap3A = arith.index_cast %mul3A_408 : i32 to index
      %swap3A_455 = tpu.vector_load %arg13[%swap3A] {strides = array<i32>} : memref<8192xi32, #tpu.memory_space<vmem>>, vector<16xi32>,
      %swap3A_456 = vector.shape_cast %swap3A_455 : vector<16xi32> to vector<16xi32>
      %swap3A_457 = vector.shape_cast %select_n3A_454 : vector<16xi32> to vector<16xi32>
      tpu.vector_store %arg13[%swap3A], %swap3A_457 {strides = array<i32>} : memref<8192xi32, #tpu.memory_space<vmem>>, vector<16xi32>,
      %scan3A_458 = arith.constant 1 : i32
      %scan3A_459 = arith.addi %scan3A_406, %scan3A_458 : i32
      %mul3A_460 = arith.constant 16 : i32
      %mul3A_461 = arith.muli %scan3A_459, %mul3A_460 : i32
      %get3A_462 = arith.index_cast %mul3A_461 : i32 to index
      %get3A_463 = tpu.vector_load %arg7[%get3A_462] {strides = array<i32>} : memref<8192xf32, #tpu.memory_space<vmem>>, vector<16xf32>,
      %get3A_464 = vector.shape_cast %get3A_463 : vector<16xf32> to vector<16xf32>
      %sub3A_465 = arith.subf %get3A_464, %get3A_40 : vector<16xf32>
      %mul3A_466 = arith.mulf %sub3A_465, %div3A_58 : vector<16xf32>
      %add3A_467 = arith.constant 5.000000e-01 : f32
      %add3A_468 = vector.broadcast %add3A_467 : f32 to vector<16xf32>
      %add3A_469 = arith.addf %mul3A_466, %add3A_468 : vector<16xf32>
      %convert_element_type3A_470 = arith.fptosi %add3A_469 : vector<16xf32> to vector<16xi32>
      %get3A_471 = arith.index_cast %mul3A_461 : i32 to index
      %get3A_472 = tpu.vector_load %arg9[%get3A_471] {strides = array<i32>} : memref<8192xf32, #tpu.memory_space<vmem>>, vector<16xf32>,
      %get3A_473 = vector.shape_cast %get3A_472 : vector<16xf32> to vector<16xf32>
      %sub3A_474 = arith.subf %get3A_473, %get3A_45 : vector<16xf32>
      %mul3A_475 = arith.mulf %sub3A_474, %div3A_58 : vector<16xf32>
      %add3A_476 = arith.constant 5.000000e-01 : f32
      %add3A_477 = vector.broadcast %add3A_476 : f32 to vector<16xf32>
      %add3A_478 = arith.addf %mul3A_475, %add3A_477 : vector<16xf32>
      %convert_element_type3A_479 = arith.fptosi %add3A_478 : vector<16xf32> to vector<16xi32>
      %get3A_480 = arith.index_cast %mul3A_461 : i32 to index
      %get3A_481 = tpu.vector_load %arg11[%get3A_480] {strides = array<i32>} : memref<8192xf32, #tpu.memory_space<vmem>>, vector<16xf32>,
      %get3A_482 = vector.shape_cast %get3A_481 : vector<16xf32> to vector<16xf32>
      %sub3A_483 = arith.subf %get3A_482, %get3A_50 : vector<16xf32>
      %mul3A_484 = arith.mulf %sub3A_483, %div3A_58 : vector<16xf32>
      %add3A_485 = arith.constant 5.000000e-01 : f32
      %add3A_486 = vector.broadcast %add3A_485 : f32 to vector<16xf32>
      %add3A_487 = arith.addf %mul3A_484, %add3A_486 : vector<16xf32>
      %convert_element_type3A_488 = arith.fptosi %add3A_487 : vector<16xf32> to vector<16xi32>
      %ge3A_489 = arith.cmpi sge, %convert_element_type3A_470, %get3A_63 : vector<16xi32>
      %lt3A_490 = arith.cmpi slt, %convert_element_type3A_470, %get3A_78 : vector<16xi32>
      %and3A_491 = arith.andi %ge3A_489, %lt3A_490 : vector<16xi1>
      %ge3A_492 = arith.cmpi sge, %convert_element_type3A_479, %get3A_68 : vector<16xi32>
      %and3A_493 = arith.andi %and3A_491, %ge3A_492 : vector<16xi1>
      %lt3A_494 = arith.cmpi slt, %convert_element_type3A_479, %get3A_83 : vector<16xi32>
      %and3A_495 = arith.andi %and3A_493, %lt3A_494 : vector<16xi1>
      %ge3A_496 = arith.cmpi sge, %convert_element_type3A_488, %get3A_73 : vector<16xi32>
      %and3A_497 = arith.andi %and3A_495, %ge3A_496 : vector<16xi1>
      %lt3A_498 = arith.cmpi slt, %convert_element_type3A_488, %get3A_88 : vector<16xi32>
      %and3A_499 = arith.andi %and3A_497, %lt3A_498 : vector<16xi1>
      %mul3A_500 = arith.constant 8192 : i32
      %mul3A_501 = vector.broadcast %mul3A_500 : i32 to vector<16xi32>
      %mul3A_502 = arith.muli %convert_element_type3A_470, %mul3A_501 : vector<16xi32>
      %mul3A_503 = arith.constant 32 : i32
      %mul3A_504 = vector.broadcast %mul3A_503 : i32 to vector<16xi32>
      %mul3A_505 = arith.muli %convert_element_type3A_479, %mul3A_504 : vector<16xi32>
      %add3A_506 = arith.addi %mul3A_502, %mul3A_505 : vector<16xi32>
      %add3A_507 = arith.addi %add3A_506, %convert_element_type3A_488 : vector<16xi32>
      %jit3A_508 = arith.constant 0 : i32
      %broadcast_in_dim3A_509 = vector.broadcast %jit3A_508 : i32 to vector<16xi32>
      %select_n3A_510 = arith.select %and3A_499, %add3A_507, %broadcast_in_dim3A_509 : vector<16xi1>, vector<16xi32>
      %swap3A_511 = arith.index_cast %mul3A_461 : i32 to index
      %swap3A_512 = tpu.vector_load %arg13[%swap3A_511] {strides = array<i32>} : memref<8192xi32, #tpu.memory_space<vmem>>, vector<16xi32>,
      %swap3A_513 = vector.shape_cast %swap3A_512 : vector<16xi32> to vector<16xi32>
      %swap3A_514 = vector.shape_cast %select_n3A_510 : vector<16xi32> to vector<16xi32>
      tpu.vector_store %arg13[%swap3A_511], %swap3A_514 {strides = array<i32>} : memref<8192xi32, #tpu.memory_space<vmem>>, vector<16xi32>,
      %scan3A_515 = arith.constant 2 : i32
      %scan3A_516 = arith.addi %scan3A_406, %scan3A_515 : i32
      %mul3A_517 = arith.constant 16 : i32
      %mul3A_518 = arith.muli %scan3A_516, %mul3A_517 : i32
      %get3A_519 = arith.index_cast %mul3A_518 : i32 to index
      %get3A_520 = tpu.vector_load %arg7[%get3A_519] {strides = array<i32>} : memref<8192xf32, #tpu.memory_space<vmem>>, vector<16xf32>,
      %get3A_521 = vector.shape_cast %get3A_520 : vector<16xf32> to vector<16xf32>
      %sub3A_522 = arith.subf %get3A_521, %get3A_40 : vector<16xf32>
      %mul3A_523 = arith.mulf %sub3A_522, %div3A_58 : vector<16xf32>
      %add3A_524 = arith.constant 5.000000e-01 : f32
      %add3A_525 = vector.broadcast %add3A_524 : f32 to vector<16xf32>
      %add3A_526 = arith.addf %mul3A_523, %add3A_525 : vector<16xf32>
      %convert_element_type3A_527 = arith.fptosi %add3A_526 : vector<16xf32> to vector<16xi32>
      %get3A_528 = arith.index_cast %mul3A_518 : i32 to index
      %get3A_529 = tpu.vector_load %arg9[%get3A_528] {strides = array<i32>} : memref<8192xf32, #tpu.memory_space<vmem>>, vector<16xf32>,
      %get3A_530 = vector.shape_cast %get3A_529 : vector<16xf32> to vector<16xf32>
      %sub3A_531 = arith.subf %get3A_530, %get3A_45 : vector<16xf32>
      %mul3A_532 = arith.mulf %sub3A_531, %div3A_58 : vector<16xf32>
      %add3A_533 = arith.constant 5.000000e-01 : f32
      %add3A_534 = vector.broadcast %add3A_533 : f32 to vector<16xf32>
      %add3A_535 = arith.addf %mul3A_532, %add3A_534 : vector<16xf32>
      %convert_element_type3A_536 = arith.fptosi %add3A_535 : vector<16xf32> to vector<16xi32>
      %get3A_537 = arith.index_cast %mul3A_518 : i32 to index
      %get3A_538 = tpu.vector_load %arg11[%get3A_537] {strides = array<i32>} : memref<8192xf32, #tpu.memory_space<vmem>>, vector<16xf32>,
      %get3A_539 = vector.shape_cast %get3A_538 : vector<16xf32> to vector<16xf32>
      %sub3A_540 = arith.subf %get3A_539, %get3A_50 : vector<16xf32>
      %mul3A_541 = arith.mulf %sub3A_540, %div3A_58 : vector<16xf32>
      %add3A_542 = arith.constant 5.000000e-01 : f32
      %add3A_543 = vector.broadcast %add3A_542 : f32 to vector<16xf32>
      %add3A_544 = arith.addf %mul3A_541, %add3A_543 : vector<16xf32>
      %convert_element_type3A_545 = arith.fptosi %add3A_544 : vector<16xf32> to vector<16xi32>
      %ge3A_546 = arith.cmpi sge, %convert_element_type3A_527, %get3A_63 : vector<16xi32>
      %lt3A_547 = arith.cmpi slt, %convert_element_type3A_527, %get3A_78 : vector<16xi32>
      %and3A_548 = arith.andi %ge3A_546, %lt3A_547 : vector<16xi1>
      %ge3A_549 = arith.cmpi sge, %convert_element_type3A_536, %get3A_68 : vector<16xi32>
      %and3A_550 = arith.andi %and3A_548, %ge3A_549 : vector<16xi1>
      %lt3A_551 = arith.cmpi slt, %convert_element_type3A_536, %get3A_83 : vector<16xi32>
      %and3A_552 = arith.andi %and3A_550, %lt3A_551 : vector<16xi1>
      %ge3A_553 = arith.cmpi sge, %convert_element_type3A_545, %get3A_73 : vector<16xi32>
      %and3A_554 = arith.andi %and3A_552, %ge3A_553 : vector<16xi1>
      %lt3A_555 = arith.cmpi slt, %convert_element_type3A_545, %get3A_88 : vector<16xi32>
      %and3A_556 = arith.andi %and3A_554, %lt3A_555 : vector<16xi1>
      %mul3A_557 = arith.constant 8192 : i32
      %mul3A_558 = vector.broadcast %mul3A_557 : i32 to vector<16xi32>
      %mul3A_559 = arith.muli %convert_element_type3A_527, %mul3A_558 : vector<16xi32>
      %mul3A_560 = arith.constant 32 : i32
      %mul3A_561 = vector.broadcast %mul3A_560 : i32 to vector<16xi32>
      %mul3A_562 = arith.muli %convert_element_type3A_536, %mul3A_561 : vector<16xi32>
      %add3A_563 = arith.addi %mul3A_559, %mul3A_562 : vector<16xi32>
      %add3A_564 = arith.addi %add3A_563, %convert_element_type3A_545 : vector<16xi32>
      %jit3A_565 = arith.constant 0 : i32
      %broadcast_in_dim3A_566 = vector.broadcast %jit3A_565 : i32 to vector<16xi32>
      %select_n3A_567 = arith.select %and3A_556, %add3A_564, %broadcast_in_dim3A_566 : vector<16xi1>, vector<16xi32>
      %swap3A_568 = arith.index_cast %mul3A_518 : i32 to index
      %swap3A_569 = tpu.vector_load %arg13[%swap3A_568] {strides = array<i32>} : memref<8192xi32, #tpu.memory_space<vmem>>, vector<16xi32>,
      %swap3A_570 = vector.shape_cast %swap3A_569 : vector<16xi32> to vector<16xi32>
      %swap3A_571 = vector.shape_cast %select_n3A_567 : vector<16xi32> to vector<16xi32>
      tpu.vector_store %arg13[%swap3A_568], %swap3A_571 {strides = array<i32>} : memref<8192xi32, #tpu.memory_space<vmem>>, vector<16xi32>,
      %scan3A_572 = arith.constant 3 : i32
      %scan3A_573 = arith.addi %scan3A_406, %scan3A_572 : i32
      %mul3A_574 = arith.constant 16 : i32
      %mul3A_575 = arith.muli %scan3A_573, %mul3A_574 : i32
      %get3A_576 = arith.index_cast %mul3A_575 : i32 to index
      %get3A_577 = tpu.vector_load %arg7[%get3A_576] {strides = array<i32>} : memref<8192xf32, #tpu.memory_space<vmem>>, vector<16xf32>,
      %get3A_578 = vector.shape_cast %get3A_577 : vector<16xf32> to vector<16xf32>
      %sub3A_579 = arith.subf %get3A_578, %get3A_40 : vector<16xf32>
      %mul3A_580 = arith.mulf %sub3A_579, %div3A_58 : vector<16xf32>
      %add3A_581 = arith.constant 5.000000e-01 : f32
      %add3A_582 = vector.broadcast %add3A_581 : f32 to vector<16xf32>
      %add3A_583 = arith.addf %mul3A_580, %add3A_582 : vector<16xf32>
      %convert_element_type3A_584 = arith.fptosi %add3A_583 : vector<16xf32> to vector<16xi32>
      %get3A_585 = arith.index_cast %mul3A_575 : i32 to index
      %get3A_586 = tpu.vector_load %arg9[%get3A_585] {strides = array<i32>} : memref<8192xf32, #tpu.memory_space<vmem>>, vector<16xf32>,
      %get3A_587 = vector.shape_cast %get3A_586 : vector<16xf32> to vector<16xf32>
      %sub3A_588 = arith.subf %get3A_587, %get3A_45 : vector<16xf32>
      %mul3A_589 = arith.mulf %sub3A_588, %div3A_58 : vector<16xf32>
      %add3A_590 = arith.constant 5.000000e-01 : f32
      %add3A_591 = vector.broadcast %add3A_590 : f32 to vector<16xf32>
      %add3A_592 = arith.addf %mul3A_589, %add3A_591 : vector<16xf32>
      %convert_element_type3A_593 = arith.fptosi %add3A_592 : vector<16xf32> to vector<16xi32>
      %get3A_594 = arith.index_cast %mul3A_575 : i32 to index
      %get3A_595 = tpu.vector_load %arg11[%get3A_594] {strides = array<i32>} : memref<8192xf32, #tpu.memory_space<vmem>>, vector<16xf32>,
      %get3A_596 = vector.shape_cast %get3A_595 : vector<16xf32> to vector<16xf32>
      %sub3A_597 = arith.subf %get3A_596, %get3A_50 : vector<16xf32>
      %mul3A_598 = arith.mulf %sub3A_597, %div3A_58 : vector<16xf32>
      %add3A_599 = arith.constant 5.000000e-01 : f32
      %add3A_600 = vector.broadcast %add3A_599 : f32 to vector<16xf32>
      %add3A_601 = arith.addf %mul3A_598, %add3A_600 : vector<16xf32>
      %convert_element_type3A_602 = arith.fptosi %add3A_601 : vector<16xf32> to vector<16xi32>
      %ge3A_603 = arith.cmpi sge, %convert_element_type3A_584, %get3A_63 : vector<16xi32>
      %lt3A_604 = arith.cmpi slt, %convert_element_type3A_584, %get3A_78 : vector<16xi32>
      %and3A_605 = arith.andi %ge3A_603, %lt3A_604 : vector<16xi1>
      %ge3A_606 = arith.cmpi sge, %convert_element_type3A_593, %get3A_68 : vector<16xi32>
      %and3A_607 = arith.andi %and3A_605, %ge3A_606 : vector<16xi1>
      %lt3A_608 = arith.cmpi slt, %convert_element_type3A_593, %get3A_83 : vector<16xi32>
      %and3A_609 = arith.andi %and3A_607, %lt3A_608 : vector<16xi1>
      %ge3A_610 = arith.cmpi sge, %convert_element_type3A_602, %get3A_73 : vector<16xi32>
      %and3A_611 = arith.andi %and3A_609, %ge3A_610 : vector<16xi1>
      %lt3A_612 = arith.cmpi slt, %convert_element_type3A_602, %get3A_88 : vector<16xi32>
      %and3A_613 = arith.andi %and3A_611, %lt3A_612 : vector<16xi1>
      %mul3A_614 = arith.constant 8192 : i32
      %mul3A_615 = vector.broadcast %mul3A_614 : i32 to vector<16xi32>
      %mul3A_616 = arith.muli %convert_element_type3A_584, %mul3A_615 : vector<16xi32>
      %mul3A_617 = arith.constant 32 : i32
      %mul3A_618 = vector.broadcast %mul3A_617 : i32 to vector<16xi32>
      %mul3A_619 = arith.muli %convert_element_type3A_593, %mul3A_618 : vector<16xi32>
      %add3A_620 = arith.addi %mul3A_616, %mul3A_619 : vector<16xi32>
      %add3A_621 = arith.addi %add3A_620, %convert_element_type3A_602 : vector<16xi32>
      %jit3A_622 = arith.constant 0 : i32
      %broadcast_in_dim3A_623 = vector.broadcast %jit3A_622 : i32 to vector<16xi32>
      %select_n3A_624 = arith.select %and3A_613, %add3A_621, %broadcast_in_dim3A_623 : vector<16xi1>, vector<16xi32>
      %swap3A_625 = arith.index_cast %mul3A_575 : i32 to index
      %swap3A_626 = tpu.vector_load %arg13[%swap3A_625] {strides = array<i32>} : memref<8192xi32, #tpu.memory_space<vmem>>, vector<16xi32>,
      %swap3A_627 = vector.shape_cast %swap3A_626 : vector<16xi32> to vector<16xi32>
      %swap3A_628 = vector.shape_cast %select_n3A_624 : vector<16xi32> to vector<16xi32>
      tpu.vector_store %arg13[%swap3A_625], %swap3A_628 {strides = array<i32>} : memref<8192xi32, #tpu.memory_space<vmem>>, vector<16xi32>,
    }
    %scan3A_127 = arith.constant 512 : i32
    %dma_start3A_128 = arith.constant 0 : i32
    %dma_start3A_129 = tpu.memref_slice %arg3[%dma_start3A_128] : memref<2097152xf32, #tpu.memory_space<hbm>> -> memref<2097152xf32, #tpu.memory_space<hbm>>
    tpu.enqueue_indirect_dma source(%dma_start3A_129 : memref<2097152xf32, #tpu.memory_space<hbm>>) target(%arg15 : memref<8192xf32, #tpu.memory_space<vmem>>) offsets(%arg13 : memref<8192xi32, #tpu.memory_space<vmem>>) semaphore(%arg20 : memref<!tpu.dma_semaphore, #tpu.memory_space<semaphore_mem>>)
    %dma_wait3A_130 = tpu.memref_slice %arg2[%add3A_110] : memref<6291456xf32, #tpu.memory_space<hbm>> -> memref<8192xf32, #tpu.memory_space<hbm>>
    %dma_wait3A_131 = tpu.memref_slice %arg2[%add3A_110] : memref<6291456xf32, #tpu.memory_space<hbm>> -> memref<8192xf32, #tpu.memory_space<hbm>>
    tpu.wait_dma2 semaphore(%arg19 : memref<!tpu.dma_semaphore, #tpu.memory_space<semaphore_mem>>) src(%dma_wait3A_131 : memref<8192xf32, #tpu.memory_space<hbm>>) dst(%arg8 : memref<8192xf32, #tpu.memory_space<vmem>>)
    %dma_wait3A_132 = tpu.memref_slice %arg2[%add3A_115] : memref<6291456xf32, #tpu.memory_space<hbm>> -> memref<8192xf32, #tpu.memory_space<hbm>>
    %dma_wait3A_133 = tpu.memref_slice %arg2[%add3A_115] : memref<6291456xf32, #tpu.memory_space<hbm>> -> memref<8192xf32, #tpu.memory_space<hbm>>
    tpu.wait_dma2 semaphore(%arg19 : memref<!tpu.dma_semaphore, #tpu.memory_space<semaphore_mem>>) src(%dma_wait3A_133 : memref<8192xf32, #tpu.memory_space<hbm>>) dst(%arg10 : memref<8192xf32, #tpu.memory_space<vmem>>)
    %dma_wait3A_134 = tpu.memref_slice %arg2[%add3A_120] : memref<6291456xf32, #tpu.memory_space<hbm>> -> memref<8192xf32, #tpu.memory_space<hbm>>
    %dma_wait3A_135 = tpu.memref_slice %arg2[%add3A_120] : memref<6291456xf32, #tpu.memory_space<hbm>> -> memref<8192xf32, #tpu.memory_space<hbm>>
    tpu.wait_dma2 semaphore(%arg19 : memref<!tpu.dma_semaphore, #tpu.memory_space<semaphore_mem>>) src(%dma_wait3A_135 : memref<8192xf32, #tpu.memory_space<hbm>>) dst(%arg12 : memref<8192xf32, #tpu.memory_space<vmem>>)
    %add3A_136 = arith.constant 16384 : i32
    %add3A_137 = arith.addi %mul3A_32, %add3A_136 : i32
    %add3A_138 = arith.addi %mul3A_36, %add3A_137 : i32
    %dma_start3A_139 = tpu.memref_slice %arg2[%add3A_138] : memref<6291456xf32, #tpu.memory_space<hbm>> -> memref<8192xf32, #tpu.memory_space<hbm>>
    %dma_start3A_140 = tpu.memref_slice %arg2[%add3A_138] : memref<6291456xf32, #tpu.memory_space<hbm>> -> memref<8192xf32, #tpu.memory_space<hbm>>
    tpu.enqueue_dma source(%dma_start3A_140 : memref<8192xf32, #tpu.memory_space<hbm>>) target(%arg7 : memref<8192xf32, #tpu.memory_space<vmem>>) target_semaphore(%arg19 : memref<!tpu.dma_semaphore, #tpu.memory_space<semaphore_mem>>)
    %add3A_141 = arith.constant 262144 : i32
    %add3A_142 = arith.addi %mul3A_36, %add3A_141 : i32
    %add3A_143 = arith.addi %add3A_142, %add3A_137 : i32
    %dma_start3A_144 = tpu.memref_slice %arg2[%add3A_143] : memref<6291456xf32, #tpu.memory_space<hbm>> -> memref<8192xf32, #tpu.memory_space<hbm>>
    %dma_start3A_145 = tpu.memref_slice %arg2[%add3A_143] : memref<6291456xf32, #tpu.memory_space<hbm>> -> memref<8192xf32, #tpu.memory_space<hbm>>
    tpu.enqueue_dma source(%dma_start3A_145 : memref<8192xf32, #tpu.memory_space<hbm>>) target(%arg9 : memref<8192xf32, #tpu.memory_space<vmem>>) target_semaphore(%arg19 : memref<!tpu.dma_semaphore, #tpu.memory_space<semaphore_mem>>)
    %add3A_146 = arith.constant 524288 : i32
    %add3A_147 = arith.addi %mul3A_36, %add3A_146 : i32
    %add3A_148 = arith.addi %add3A_147, %add3A_137 : i32
    %dma_start3A_149 = tpu.memref_slice %arg2[%add3A_148] : memref<6291456xf32, #tpu.memory_space<hbm>> -> memref<8192xf32, #tpu.memory_space<hbm>>
    %dma_start3A_150 = tpu.memref_slice %arg2[%add3A_148] : memref<6291456xf32, #tpu.memory_space<hbm>> -> memref<8192xf32, #tpu.memory_space<hbm>>
    tpu.enqueue_dma source(%dma_start3A_150 : memref<8192xf32, #tpu.memory_space<hbm>>) target(%arg11 : memref<8192xf32, #tpu.memory_space<vmem>>) target_semaphore(%arg19 : memref<!tpu.dma_semaphore, #tpu.memory_space<semaphore_mem>>)
    %scan3A_151 = arith.constant 0 : i32
    %scan3A_152 = arith.constant 0 : i32
    %scan3A_153 = arith.constant 512 : i32
    %scan3A_154 = arith.addi %scan3A_152, %scan3A_153 : i32
    %scan3A_155 = arith.constant 4 : i32
    scf.for %scan3A_406 = %scan3A_152 to %scan3A_154 step %scan3A_155  : i32 {
      %mul3A_407 = arith.constant 16 : i32
      %mul3A_408 = arith.muli %scan3A_406, %mul3A_407 : i32
      %get3A_409 = arith.index_cast %mul3A_408 : i32 to index
      %get3A_410 = tpu.vector_load %arg8[%get3A_409] {strides = array<i32>} : memref<8192xf32, #tpu.memory_space<vmem>>, vector<16xf32>,
      %get3A_411 = vector.shape_cast %get3A_410 : vector<16xf32> to vector<16xf32>
      %sub3A_412 = arith.subf %get3A_411, %get3A_40 : vector<16xf32>
      %mul3A_413 = arith.mulf %sub3A_412, %div3A_58 : vector<16xf32>
      %add3A_414 = arith.constant 5.000000e-01 : f32
      %add3A_415 = vector.broadcast %add3A_414 : f32 to vector<16xf32>
      %add3A_416 = arith.addf %mul3A_413, %add3A_415 : vector<16xf32>
      %convert_element_type3A = arith.fptosi %add3A_416 : vector<16xf32> to vector<16xi32>
      %get3A_417 = arith.index_cast %mul3A_408 : i32 to index
      %get3A_418 = tpu.vector_load %arg10[%get3A_417] {strides = array<i32>} : memref<8192xf32, #tpu.memory_space<vmem>>, vector<16xf32>,
      %get3A_419 = vector.shape_cast %get3A_418 : vector<16xf32> to vector<16xf32>
      %sub3A_420 = arith.subf %get3A_419, %get3A_45 : vector<16xf32>
      %mul3A_421 = arith.mulf %sub3A_420, %div3A_58 : vector<16xf32>
      %add3A_422 = arith.constant 5.000000e-01 : f32
      %add3A_423 = vector.broadcast %add3A_422 : f32 to vector<16xf32>
      %add3A_424 = arith.addf %mul3A_421, %add3A_423 : vector<16xf32>
      %convert_element_type3A_425 = arith.fptosi %add3A_424 : vector<16xf32> to vector<16xi32>
      %get3A_426 = arith.index_cast %mul3A_408 : i32 to index
      %get3A_427 = tpu.vector_load %arg12[%get3A_426] {strides = array<i32>} : memref<8192xf32, #tpu.memory_space<vmem>>, vector<16xf32>,
      %get3A_428 = vector.shape_cast %get3A_427 : vector<16xf32> to vector<16xf32>
      %sub3A_429 = arith.subf %get3A_428, %get3A_50 : vector<16xf32>
      %mul3A_430 = arith.mulf %sub3A_429, %div3A_58 : vector<16xf32>
      %add3A_431 = arith.constant 5.000000e-01 : f32
      %add3A_432 = vector.broadcast %add3A_431 : f32 to vector<16xf32>
      %add3A_433 = arith.addf %mul3A_430, %add3A_432 : vector<16xf32>
      %convert_element_type3A_434 = arith.fptosi %add3A_433 : vector<16xf32> to vector<16xi32>
      %ge3A = arith.cmpi sge, %convert_element_type3A, %get3A_63 : vector<16xi32>
      %lt3A_435 = arith.cmpi slt, %convert_element_type3A, %get3A_78 : vector<16xi32>
      %and3A_436 = arith.andi %ge3A, %lt3A_435 : vector<16xi1>
      %ge3A_437 = arith.cmpi sge, %convert_element_type3A_425, %get3A_68 : vector<16xi32>
      %and3A_438 = arith.andi %and3A_436, %ge3A_437 : vector<16xi1>
      %lt3A_439 = arith.cmpi slt, %convert_element_type3A_425, %get3A_83 : vector<16xi32>
      %and3A_440 = arith.andi %and3A_438, %lt3A_439 : vector<16xi1>
      %ge3A_441 = arith.cmpi sge, %convert_element_type3A_434, %get3A_73 : vector<16xi32>
      %and3A_442 = arith.andi %and3A_440, %ge3A_441 : vector<16xi1>
      %lt3A_443 = arith.cmpi slt, %convert_element_type3A_434, %get3A_88 : vector<16xi32>
      %and3A_444 = arith.andi %and3A_442, %lt3A_443 : vector<16xi1>
      %mul3A_445 = arith.constant 8192 : i32
      %mul3A_446 = vector.broadcast %mul3A_445 : i32 to vector<16xi32>
      %mul3A_447 = arith.muli %convert_element_type3A, %mul3A_446 : vector<16xi32>
      %mul3A_448 = arith.constant 32 : i32
      %mul3A_449 = vector.broadcast %mul3A_448 : i32 to vector<16xi32>
      %mul3A_450 = arith.muli %convert_element_type3A_425, %mul3A_449 : vector<16xi32>
      %add3A_451 = arith.addi %mul3A_447, %mul3A_450 : vector<16xi32>
      %add3A_452 = arith.addi %add3A_451, %convert_element_type3A_434 : vector<16xi32>
      %jit3A_453 = arith.constant 0 : i32
      %broadcast_in_dim3A = vector.broadcast %jit3A_453 : i32 to vector<16xi32>
      %select_n3A_454 = arith.select %and3A_444, %add3A_452, %broadcast_in_dim3A : vector<16xi1>, vector<16xi32>
      %swap3A = arith.index_cast %mul3A_408 : i32 to index
      %swap3A_455 = tpu.vector_load %arg14[%swap3A] {strides = array<i32>} : memref<8192xi32, #tpu.memory_space<vmem>>, vector<16xi32>,
      %swap3A_456 = vector.shape_cast %swap3A_455 : vector<16xi32> to vector<16xi32>
      %swap3A_457 = vector.shape_cast %select_n3A_454 : vector<16xi32> to vector<16xi32>
      tpu.vector_store %arg14[%swap3A], %swap3A_457 {strides = array<i32>} : memref<8192xi32, #tpu.memory_space<vmem>>, vector<16xi32>,
      %scan3A_458 = arith.constant 1 : i32
      %scan3A_459 = arith.addi %scan3A_406, %scan3A_458 : i32
      %mul3A_460 = arith.constant 16 : i32
      %mul3A_461 = arith.muli %scan3A_459, %mul3A_460 : i32
      %get3A_462 = arith.index_cast %mul3A_461 : i32 to index
      %get3A_463 = tpu.vector_load %arg8[%get3A_462] {strides = array<i32>} : memref<8192xf32, #tpu.memory_space<vmem>>, vector<16xf32>,
      %get3A_464 = vector.shape_cast %get3A_463 : vector<16xf32> to vector<16xf32>
      %sub3A_465 = arith.subf %get3A_464, %get3A_40 : vector<16xf32>
      %mul3A_466 = arith.mulf %sub3A_465, %div3A_58 : vector<16xf32>
      %add3A_467 = arith.constant 5.000000e-01 : f32
      %add3A_468 = vector.broadcast %add3A_467 : f32 to vector<16xf32>
      %add3A_469 = arith.addf %mul3A_466, %add3A_468 : vector<16xf32>
      %convert_element_type3A_470 = arith.fptosi %add3A_469 : vector<16xf32> to vector<16xi32>
      %get3A_471 = arith.index_cast %mul3A_461 : i32 to index
      %get3A_472 = tpu.vector_load %arg10[%get3A_471] {strides = array<i32>} : memref<8192xf32, #tpu.memory_space<vmem>>, vector<16xf32>,
      %get3A_473 = vector.shape_cast %get3A_472 : vector<16xf32> to vector<16xf32>
      %sub3A_474 = arith.subf %get3A_473, %get3A_45 : vector<16xf32>
      %mul3A_475 = arith.mulf %sub3A_474, %div3A_58 : vector<16xf32>
      %add3A_476 = arith.constant 5.000000e-01 : f32
      %add3A_477 = vector.broadcast %add3A_476 : f32 to vector<16xf32>
      %add3A_478 = arith.addf %mul3A_475, %add3A_477 : vector<16xf32>
      %convert_element_type3A_479 = arith.fptosi %add3A_478 : vector<16xf32> to vector<16xi32>
      %get3A_480 = arith.index_cast %mul3A_461 : i32 to index
      %get3A_481 = tpu.vector_load %arg12[%get3A_480] {strides = array<i32>} : memref<8192xf32, #tpu.memory_space<vmem>>, vector<16xf32>,
      %get3A_482 = vector.shape_cast %get3A_481 : vector<16xf32> to vector<16xf32>
      %sub3A_483 = arith.subf %get3A_482, %get3A_50 : vector<16xf32>
      %mul3A_484 = arith.mulf %sub3A_483, %div3A_58 : vector<16xf32>
      %add3A_485 = arith.constant 5.000000e-01 : f32
      %add3A_486 = vector.broadcast %add3A_485 : f32 to vector<16xf32>
      %add3A_487 = arith.addf %mul3A_484, %add3A_486 : vector<16xf32>
      %convert_element_type3A_488 = arith.fptosi %add3A_487 : vector<16xf32> to vector<16xi32>
      %ge3A_489 = arith.cmpi sge, %convert_element_type3A_470, %get3A_63 : vector<16xi32>
      %lt3A_490 = arith.cmpi slt, %convert_element_type3A_470, %get3A_78 : vector<16xi32>
      %and3A_491 = arith.andi %ge3A_489, %lt3A_490 : vector<16xi1>
      %ge3A_492 = arith.cmpi sge, %convert_element_type3A_479, %get3A_68 : vector<16xi32>
      %and3A_493 = arith.andi %and3A_491, %ge3A_492 : vector<16xi1>
      %lt3A_494 = arith.cmpi slt, %convert_element_type3A_479, %get3A_83 : vector<16xi32>
      %and3A_495 = arith.andi %and3A_493, %lt3A_494 : vector<16xi1>
      %ge3A_496 = arith.cmpi sge, %convert_element_type3A_488, %get3A_73 : vector<16xi32>
      %and3A_497 = arith.andi %and3A_495, %ge3A_496 : vector<16xi1>
      %lt3A_498 = arith.cmpi slt, %convert_element_type3A_488, %get3A_88 : vector<16xi32>
      %and3A_499 = arith.andi %and3A_497, %lt3A_498 : vector<16xi1>
      %mul3A_500 = arith.constant 8192 : i32
      %mul3A_501 = vector.broadcast %mul3A_500 : i32 to vector<16xi32>
      %mul3A_502 = arith.muli %convert_element_type3A_470, %mul3A_501 : vector<16xi32>
      %mul3A_503 = arith.constant 32 : i32
      %mul3A_504 = vector.broadcast %mul3A_503 : i32 to vector<16xi32>
      %mul3A_505 = arith.muli %convert_element_type3A_479, %mul3A_504 : vector<16xi32>
      %add3A_506 = arith.addi %mul3A_502, %mul3A_505 : vector<16xi32>
      %add3A_507 = arith.addi %add3A_506, %convert_element_type3A_488 : vector<16xi32>
      %jit3A_508 = arith.constant 0 : i32
      %broadcast_in_dim3A_509 = vector.broadcast %jit3A_508 : i32 to vector<16xi32>
      %select_n3A_510 = arith.select %and3A_499, %add3A_507, %broadcast_in_dim3A_509 : vector<16xi1>, vector<16xi32>
      %swap3A_511 = arith.index_cast %mul3A_461 : i32 to index
      %swap3A_512 = tpu.vector_load %arg14[%swap3A_511] {strides = array<i32>} : memref<8192xi32, #tpu.memory_space<vmem>>, vector<16xi32>,
      %swap3A_513 = vector.shape_cast %swap3A_512 : vector<16xi32> to vector<16xi32>
      %swap3A_514 = vector.shape_cast %select_n3A_510 : vector<16xi32> to vector<16xi32>
      tpu.vector_store %arg14[%swap3A_511], %swap3A_514 {strides = array<i32>} : memref<8192xi32, #tpu.memory_space<vmem>>, vector<16xi32>,
      %scan3A_515 = arith.constant 2 : i32
      %scan3A_516 = arith.addi %scan3A_406, %scan3A_515 : i32
      %mul3A_517 = arith.constant 16 : i32
      %mul3A_518 = arith.muli %scan3A_516, %mul3A_517 : i32
      %get3A_519 = arith.index_cast %mul3A_518 : i32 to index
      %get3A_520 = tpu.vector_load %arg8[%get3A_519] {strides = array<i32>} : memref<8192xf32, #tpu.memory_space<vmem>>, vector<16xf32>,
      %get3A_521 = vector.shape_cast %get3A_520 : vector<16xf32> to vector<16xf32>
      %sub3A_522 = arith.subf %get3A_521, %get3A_40 : vector<16xf32>
      %mul3A_523 = arith.mulf %sub3A_522, %div3A_58 : vector<16xf32>
      %add3A_524 = arith.constant 5.000000e-01 : f32
      %add3A_525 = vector.broadcast %add3A_524 : f32 to vector<16xf32>
      %add3A_526 = arith.addf %mul3A_523, %add3A_525 : vector<16xf32>
      %convert_element_type3A_527 = arith.fptosi %add3A_526 : vector<16xf32> to vector<16xi32>
      %get3A_528 = arith.index_cast %mul3A_518 : i32 to index
      %get3A_529 = tpu.vector_load %arg10[%get3A_528] {strides = array<i32>} : memref<8192xf32, #tpu.memory_space<vmem>>, vector<16xf32>,
      %get3A_530 = vector.shape_cast %get3A_529 : vector<16xf32> to vector<16xf32>
      %sub3A_531 = arith.subf %get3A_530, %get3A_45 : vector<16xf32>
      %mul3A_532 = arith.mulf %sub3A_531, %div3A_58 : vector<16xf32>
      %add3A_533 = arith.constant 5.000000e-01 : f32
      %add3A_534 = vector.broadcast %add3A_533 : f32 to vector<16xf32>
      %add3A_535 = arith.addf %mul3A_532, %add3A_534 : vector<16xf32>
      %convert_element_type3A_536 = arith.fptosi %add3A_535 : vector<16xf32> to vector<16xi32>
      %get3A_537 = arith.index_cast %mul3A_518 : i32 to index
      %get3A_538 = tpu.vector_load %arg12[%get3A_537] {strides = array<i32>} : memref<8192xf32, #tpu.memory_space<vmem>>, vector<16xf32>,
      %get3A_539 = vector.shape_cast %get3A_538 : vector<16xf32> to vector<16xf32>
      %sub3A_540 = arith.subf %get3A_539, %get3A_50 : vector<16xf32>
      %mul3A_541 = arith.mulf %sub3A_540, %div3A_58 : vector<16xf32>
      %add3A_542 = arith.constant 5.000000e-01 : f32
      %add3A_543 = vector.broadcast %add3A_542 : f32 to vector<16xf32>
      %add3A_544 = arith.addf %mul3A_541, %add3A_543 : vector<16xf32>
      %convert_element_type3A_545 = arith.fptosi %add3A_544 : vector<16xf32> to vector<16xi32>
      %ge3A_546 = arith.cmpi sge, %convert_element_type3A_527, %get3A_63 : vector<16xi32>
      %lt3A_547 = arith.cmpi slt, %convert_element_type3A_527, %get3A_78 : vector<16xi32>
      %and3A_548 = arith.andi %ge3A_546, %lt3A_547 : vector<16xi1>
      %ge3A_549 = arith.cmpi sge, %convert_element_type3A_536, %get3A_68 : vector<16xi32>
      %and3A_550 = arith.andi %and3A_548, %ge3A_549 : vector<16xi1>
      %lt3A_551 = arith.cmpi slt, %convert_element_type3A_536, %get3A_83 : vector<16xi32>
      %and3A_552 = arith.andi %and3A_550, %lt3A_551 : vector<16xi1>
      %ge3A_553 = arith.cmpi sge, %convert_element_type3A_545, %get3A_73 : vector<16xi32>
      %and3A_554 = arith.andi %and3A_552, %ge3A_553 : vector<16xi1>
      %lt3A_555 = arith.cmpi slt, %convert_element_type3A_545, %get3A_88 : vector<16xi32>
      %and3A_556 = arith.andi %and3A_554, %lt3A_555 : vector<16xi1>
      %mul3A_557 = arith.constant 8192 : i32
      %mul3A_558 = vector.broadcast %mul3A_557 : i32 to vector<16xi32>
      %mul3A_559 = arith.muli %convert_element_type3A_527, %mul3A_558 : vector<16xi32>
      %mul3A_560 = arith.constant 32 : i32
      %mul3A_561 = vector.broadcast %mul3A_560 : i32 to vector<16xi32>
      %mul3A_562 = arith.muli %convert_element_type3A_536, %mul3A_561 : vector<16xi32>
      %add3A_563 = arith.addi %mul3A_559, %mul3A_562 : vector<16xi32>
      %add3A_564 = arith.addi %add3A_563, %convert_element_type3A_545 : vector<16xi32>
      %jit3A_565 = arith.constant 0 : i32
      %broadcast_in_dim3A_566 = vector.broadcast %jit3A_565 : i32 to vector<16xi32>
      %select_n3A_567 = arith.select %and3A_556, %add3A_564, %broadcast_in_dim3A_566 : vector<16xi1>, vector<16xi32>
      %swap3A_568 = arith.index_cast %mul3A_518 : i32 to index
      %swap3A_569 = tpu.vector_load %arg14[%swap3A_568] {strides = array<i32>} : memref<8192xi32, #tpu.memory_space<vmem>>, vector<16xi32>,
      %swap3A_570 = vector.shape_cast %swap3A_569 : vector<16xi32> to vector<16xi32>
      %swap3A_571 = vector.shape_cast %select_n3A_567 : vector<16xi32> to vector<16xi32>
      tpu.vector_store %arg14[%swap3A_568], %swap3A_571 {strides = array<i32>} : memref<8192xi32, #tpu.memory_space<vmem>>, vector<16xi32>,
      %scan3A_572 = arith.constant 3 : i32
      %scan3A_573 = arith.addi %scan3A_406, %scan3A_572 : i32
      %mul3A_574 = arith.constant 16 : i32
      %mul3A_575 = arith.muli %scan3A_573, %mul3A_574 : i32
      %get3A_576 = arith.index_cast %mul3A_575 : i32 to index
      %get3A_577 = tpu.vector_load %arg8[%get3A_576] {strides = array<i32>} : memref<8192xf32, #tpu.memory_space<vmem>>, vector<16xf32>,
      %get3A_578 = vector.shape_cast %get3A_577 : vector<16xf32> to vector<16xf32>
      %sub3A_579 = arith.subf %get3A_578, %get3A_40 : vector<16xf32>
      %mul3A_580 = arith.mulf %sub3A_579, %div3A_58 : vector<16xf32>
      %add3A_581 = arith.constant 5.000000e-01 : f32
      %add3A_582 = vector.broadcast %add3A_581 : f32 to vector<16xf32>
      %add3A_583 = arith.addf %mul3A_580, %add3A_582 : vector<16xf32>
      %convert_element_type3A_584 = arith.fptosi %add3A_583 : vector<16xf32> to vector<16xi32>
      %get3A_585 = arith.index_cast %mul3A_575 : i32 to index
      %get3A_586 = tpu.vector_load %arg10[%get3A_585] {strides = array<i32>} : memref<8192xf32, #tpu.memory_space<vmem>>, vector<16xf32>,
      %get3A_587 = vector.shape_cast %get3A_586 : vector<16xf32> to vector<16xf32>
      %sub3A_588 = arith.subf %get3A_587, %get3A_45 : vector<16xf32>
      %mul3A_589 = arith.mulf %sub3A_588, %div3A_58 : vector<16xf32>
      %add3A_590 = arith.constant 5.000000e-01 : f32
      %add3A_591 = vector.broadcast %add3A_590 : f32 to vector<16xf32>
      %add3A_592 = arith.addf %mul3A_589, %add3A_591 : vector<16xf32>
      %convert_element_type3A_593 = arith.fptosi %add3A_592 : vector<16xf32> to vector<16xi32>
      %get3A_594 = arith.index_cast %mul3A_575 : i32 to index
      %get3A_595 = tpu.vector_load %arg12[%get3A_594] {strides = array<i32>} : memref<8192xf32, #tpu.memory_space<vmem>>, vector<16xf32>,
      %get3A_596 = vector.shape_cast %get3A_595 : vector<16xf32> to vector<16xf32>
      %sub3A_597 = arith.subf %get3A_596, %get3A_50 : vector<16xf32>
      %mul3A_598 = arith.mulf %sub3A_597, %div3A_58 : vector<16xf32>
      %add3A_599 = arith.constant 5.000000e-01 : f32
      %add3A_600 = vector.broadcast %add3A_599 : f32 to vector<16xf32>
      %add3A_601 = arith.addf %mul3A_598, %add3A_600 : vector<16xf32>
      %convert_element_type3A_602 = arith.fptosi %add3A_601 : vector<16xf32> to vector<16xi32>
      %ge3A_603 = arith.cmpi sge, %convert_element_type3A_584, %get3A_63 : vector<16xi32>
      %lt3A_604 = arith.cmpi slt, %convert_element_type3A_584, %get3A_78 : vector<16xi32>
      %and3A_605 = arith.andi %ge3A_603, %lt3A_604 : vector<16xi1>
      %ge3A_606 = arith.cmpi sge, %convert_element_type3A_593, %get3A_68 : vector<16xi32>
      %and3A_607 = arith.andi %and3A_605, %ge3A_606 : vector<16xi1>
      %lt3A_608 = arith.cmpi slt, %convert_element_type3A_593, %get3A_83 : vector<16xi32>
      %and3A_609 = arith.andi %and3A_607, %lt3A_608 : vector<16xi1>
      %ge3A_610 = arith.cmpi sge, %convert_element_type3A_602, %get3A_73 : vector<16xi32>
      %and3A_611 = arith.andi %and3A_609, %ge3A_610 : vector<16xi1>
      %lt3A_612 = arith.cmpi slt, %convert_element_type3A_602, %get3A_88 : vector<16xi32>
      %and3A_613 = arith.andi %and3A_611, %lt3A_612 : vector<16xi1>
      %mul3A_614 = arith.constant 8192 : i32
      %mul3A_615 = vector.broadcast %mul3A_614 : i32 to vector<16xi32>
      %mul3A_616 = arith.muli %convert_element_type3A_584, %mul3A_615 : vector<16xi32>
      %mul3A_617 = arith.constant 32 : i32
      %mul3A_618 = vector.broadcast %mul3A_617 : i32 to vector<16xi32>
      %mul3A_619 = arith.muli %convert_element_type3A_593, %mul3A_618 : vector<16xi32>
      %add3A_620 = arith.addi %mul3A_616, %mul3A_619 : vector<16xi32>
      %add3A_621 = arith.addi %add3A_620, %convert_element_type3A_602 : vector<16xi32>
      %jit3A_622 = arith.constant 0 : i32
      %broadcast_in_dim3A_623 = vector.broadcast %jit3A_622 : i32 to vector<16xi32>
      %select_n3A_624 = arith.select %and3A_613, %add3A_621, %broadcast_in_dim3A_623 : vector<16xi1>, vector<16xi32>
      %swap3A_625 = arith.index_cast %mul3A_575 : i32 to index
      %swap3A_626 = tpu.vector_load %arg14[%swap3A_625] {strides = array<i32>} : memref<8192xi32, #tpu.memory_space<vmem>>, vector<16xi32>,
      %swap3A_627 = vector.shape_cast %swap3A_626 : vector<16xi32> to vector<16xi32>
      %swap3A_628 = vector.shape_cast %select_n3A_624 : vector<16xi32> to vector<16xi32>
      tpu.vector_store %arg14[%swap3A_625], %swap3A_628 {strides = array<i32>} : memref<8192xi32, #tpu.memory_space<vmem>>, vector<16xi32>,
    }
    %scan3A_156 = arith.constant 512 : i32
    %dma_start3A_157 = arith.constant 0 : i32
    %dma_start3A_158 = tpu.memref_slice %arg3[%dma_start3A_157] : memref<2097152xf32, #tpu.memory_space<hbm>> -> memref<2097152xf32, #tpu.memory_space<hbm>>
    tpu.enqueue_indirect_dma source(%dma_start3A_158 : memref<2097152xf32, #tpu.memory_space<hbm>>) target(%arg16 : memref<8192xf32, #tpu.memory_space<vmem>>) offsets(%arg14 : memref<8192xi32, #tpu.memory_space<vmem>>) semaphore(%arg21 : memref<!tpu.dma_semaphore, #tpu.memory_space<semaphore_mem>>)
    %dma_wait3A_159 = arith.constant 0 : i32
    %dma_wait3A_160 = tpu.memref_slice %arg3[%dma_wait3A_159] : memref<2097152xf32, #tpu.memory_space<hbm>> -> memref<2097152xf32, #tpu.memory_space<hbm>>
    tpu.wait_indirect_dma semaphore(%arg20 : memref<!tpu.dma_semaphore, #tpu.memory_space<semaphore_mem>>) src(%dma_wait3A_160 : memref<2097152xf32, #tpu.memory_space<hbm>>) dst(%arg15 : memref<8192xf32, #tpu.memory_space<vmem>>)
    %mul3A_161 = arith.constant 262144 : i32
    %mul3A_162 = arith.muli %select_n3A, %mul3A_161 : i32
    %add3A_163 = arith.addi %mul3A_162, %mul3A_32 : i32
    %add3A_164 = arith.constant 0 : i32
    %add3A_165 = arith.addi %add3A_163, %add3A_164 : i32
    %dma_start3A_166 = tpu.memref_slice %arg6[%add3A_165] : memref<2097152xf32, #tpu.memory_space<hbm>> -> memref<8192xf32, #tpu.memory_space<hbm>>
    %dma_start3A_167 = tpu.memref_slice %arg6[%add3A_165] : memref<2097152xf32, #tpu.memory_space<hbm>> -> memref<8192xf32, #tpu.memory_space<hbm>>
    tpu.enqueue_dma source(%arg15 : memref<8192xf32, #tpu.memory_space<vmem>>) target(%dma_start3A_167 : memref<8192xf32, #tpu.memory_space<hbm>>) target_semaphore(%arg22 : memref<!tpu.dma_semaphore, #tpu.memory_space<semaphore_mem>>)
    %dma_wait3A_168 = tpu.memref_slice %arg2[%add3A_138] : memref<6291456xf32, #tpu.memory_space<hbm>> -> memref<8192xf32, #tpu.memory_space<hbm>>
    %dma_wait3A_169 = tpu.memref_slice %arg2[%add3A_138] : memref<6291456xf32, #tpu.memory_space<hbm>> -> memref<8192xf32, #tpu.memory_space<hbm>>
    tpu.wait_dma2 semaphore(%arg19 : memref<!tpu.dma_semaphore, #tpu.memory_space<semaphore_mem>>) src(%dma_wait3A_169 : memref<8192xf32, #tpu.memory_space<hbm>>) dst(%arg7 : memref<8192xf32, #tpu.memory_space<vmem>>)
    %dma_wait3A_170 = tpu.memref_slice %arg2[%add3A_143] : memref<6291456xf32, #tpu.memory_space<hbm>> -> memref<8192xf32, #tpu.memory_space<hbm>>
    %dma_wait3A_171 = tpu.memref_slice %arg2[%add3A_143] : memref<6291456xf32, #tpu.memory_space<hbm>> -> memref<8192xf32, #tpu.memory_space<hbm>>
    tpu.wait_dma2 semaphore(%arg19 : memref<!tpu.dma_semaphore, #tpu.memory_space<semaphore_mem>>) src(%dma_wait3A_171 : memref<8192xf32, #tpu.memory_space<hbm>>) dst(%arg9 : memref<8192xf32, #tpu.memory_space<vmem>>)
    %dma_wait3A_172 = tpu.memref_slice %arg2[%add3A_148] : memref<6291456xf32, #tpu.memory_space<hbm>> -> memref<8192xf32, #tpu.memory_space<hbm>>
    %dma_wait3A_173 = tpu.memref_slice %arg2[%add3A_148] : memref<6291456xf32, #tpu.memory_space<hbm>> -> memref<8192xf32, #tpu.memory_space<hbm>>
    tpu.wait_dma2 semaphore(%arg19 : memref<!tpu.dma_semaphore, #tpu.memory_space<semaphore_mem>>) src(%dma_wait3A_173 : memref<8192xf32, #tpu.memory_space<hbm>>) dst(%arg11 : memref<8192xf32, #tpu.memory_space<vmem>>)
    %add3A_174 = arith.constant 24576 : i32
    %add3A_175 = arith.addi %mul3A_32, %add3A_174 : i32
    %add3A_176 = arith.addi %mul3A_36, %add3A_175 : i32
    %dma_start3A_177 = tpu.memref_slice %arg2[%add3A_176] : memref<6291456xf32, #tpu.memory_space<hbm>> -> memref<8192xf32, #tpu.memory_space<hbm>>
    %dma_start3A_178 = tpu.memref_slice %arg2[%add3A_176] : memref<6291456xf32, #tpu.memory_space<hbm>> -> memref<8192xf32, #tpu.memory_space<hbm>>
    tpu.enqueue_dma source(%dma_start3A_178 : memref<8192xf32, #tpu.memory_space<hbm>>) target(%arg8 : memref<8192xf32, #tpu.memory_space<vmem>>) target_semaphore(%arg19 : memref<!tpu.dma_semaphore, #tpu.memory_space<semaphore_mem>>)
    %add3A_179 = arith.constant 262144 : i32
    %add3A_180 = arith.addi %mul3A_36, %add3A_179 : i32
    %add3A_181 = arith.addi %add3A_180, %add3A_175 : i32
    %dma_start3A_182 = tpu.memref_slice %arg2[%add3A_181] : memref<6291456xf32, #tpu.memory_space<hbm>> -> memref<8192xf32, #tpu.memory_space<hbm>>
    %dma_start3A_183 = tpu.memref_slice %arg2[%add3A_181] : memref<6291456xf32, #tpu.memory_space<hbm>> -> memref<8192xf32, #tpu.memory_space<hbm>>
    tpu.enqueue_dma source(%dma_start3A_183 : memref<8192xf32, #tpu.memory_space<hbm>>) target(%arg10 : memref<8192xf32, #tpu.memory_space<vmem>>) target_semaphore(%arg19 : memref<!tpu.dma_semaphore, #tpu.memory_space<semaphore_mem>>)
    %add3A_184 = arith.constant 524288 : i32
    %add3A_185 = arith.addi %mul3A_36, %add3A_184 : i32
    %add3A_186 = arith.addi %add3A_185, %add3A_175 : i32
    %dma_start3A_187 = tpu.memref_slice %arg2[%add3A_186] : memref<6291456xf32, #tpu.memory_space<hbm>> -> memref<8192xf32, #tpu.memory_space<hbm>>
    %dma_start3A_188 = tpu.memref_slice %arg2[%add3A_186] : memref<6291456xf32, #tpu.memory_space<hbm>> -> memref<8192xf32, #tpu.memory_space<hbm>>
    tpu.enqueue_dma source(%dma_start3A_188 : memref<8192xf32, #tpu.memory_space<hbm>>) target(%arg12 : memref<8192xf32, #tpu.memory_space<vmem>>) target_semaphore(%arg19 : memref<!tpu.dma_semaphore, #tpu.memory_space<semaphore_mem>>)
    %scan3A_189 = arith.constant 0 : i32
    %scan3A_190 = arith.constant 0 : i32
    %scan3A_191 = arith.constant 512 : i32
    %scan3A_192 = arith.addi %scan3A_190, %scan3A_191 : i32
    %scan3A_193 = arith.constant 4 : i32
    scf.for %scan3A_406 = %scan3A_190 to %scan3A_192 step %scan3A_193  : i32 {
      %mul3A_407 = arith.constant 16 : i32
      %mul3A_408 = arith.muli %scan3A_406, %mul3A_407 : i32
      %get3A_409 = arith.index_cast %mul3A_408 : i32 to index
      %get3A_410 = tpu.vector_load %arg7[%get3A_409] {strides = array<i32>} : memref<8192xf32, #tpu.memory_space<vmem>>, vector<16xf32>,
      %get3A_411 = vector.shape_cast %get3A_410 : vector<16xf32> to vector<16xf32>
      %sub3A_412 = arith.subf %get3A_411, %get3A_40 : vector<16xf32>
      %mul3A_413 = arith.mulf %sub3A_412, %div3A_58 : vector<16xf32>
      %add3A_414 = arith.constant 5.000000e-01 : f32
      %add3A_415 = vector.broadcast %add3A_414 : f32 to vector<16xf32>
      %add3A_416 = arith.addf %mul3A_413, %add3A_415 : vector<16xf32>
      %convert_element_type3A = arith.fptosi %add3A_416 : vector<16xf32> to vector<16xi32>
      %get3A_417 = arith.index_cast %mul3A_408 : i32 to index
      %get3A_418 = tpu.vector_load %arg9[%get3A_417] {strides = array<i32>} : memref<8192xf32, #tpu.memory_space<vmem>>, vector<16xf32>,
      %get3A_419 = vector.shape_cast %get3A_418 : vector<16xf32> to vector<16xf32>
      %sub3A_420 = arith.subf %get3A_419, %get3A_45 : vector<16xf32>
      %mul3A_421 = arith.mulf %sub3A_420, %div3A_58 : vector<16xf32>
      %add3A_422 = arith.constant 5.000000e-01 : f32
      %add3A_423 = vector.broadcast %add3A_422 : f32 to vector<16xf32>
      %add3A_424 = arith.addf %mul3A_421, %add3A_423 : vector<16xf32>
      %convert_element_type3A_425 = arith.fptosi %add3A_424 : vector<16xf32> to vector<16xi32>
      %get3A_426 = arith.index_cast %mul3A_408 : i32 to index
      %get3A_427 = tpu.vector_load %arg11[%get3A_426] {strides = array<i32>} : memref<8192xf32, #tpu.memory_space<vmem>>, vector<16xf32>,
      %get3A_428 = vector.shape_cast %get3A_427 : vector<16xf32> to vector<16xf32>
      %sub3A_429 = arith.subf %get3A_428, %get3A_50 : vector<16xf32>
      %mul3A_430 = arith.mulf %sub3A_429, %div3A_58 : vector<16xf32>
      %add3A_431 = arith.constant 5.000000e-01 : f32
      %add3A_432 = vector.broadcast %add3A_431 : f32 to vector<16xf32>
      %add3A_433 = arith.addf %mul3A_430, %add3A_432 : vector<16xf32>
      %convert_element_type3A_434 = arith.fptosi %add3A_433 : vector<16xf32> to vector<16xi32>
      %ge3A = arith.cmpi sge, %convert_element_type3A, %get3A_63 : vector<16xi32>
      %lt3A_435 = arith.cmpi slt, %convert_element_type3A, %get3A_78 : vector<16xi32>
      %and3A_436 = arith.andi %ge3A, %lt3A_435 : vector<16xi1>
      %ge3A_437 = arith.cmpi sge, %convert_element_type3A_425, %get3A_68 : vector<16xi32>
      %and3A_438 = arith.andi %and3A_436, %ge3A_437 : vector<16xi1>
      %lt3A_439 = arith.cmpi slt, %convert_element_type3A_425, %get3A_83 : vector<16xi32>
      %and3A_440 = arith.andi %and3A_438, %lt3A_439 : vector<16xi1>
      %ge3A_441 = arith.cmpi sge, %convert_element_type3A_434, %get3A_73 : vector<16xi32>
      %and3A_442 = arith.andi %and3A_440, %ge3A_441 : vector<16xi1>
      %lt3A_443 = arith.cmpi slt, %convert_element_type3A_434, %get3A_88 : vector<16xi32>
      %and3A_444 = arith.andi %and3A_442, %lt3A_443 : vector<16xi1>
      %mul3A_445 = arith.constant 8192 : i32
      %mul3A_446 = vector.broadcast %mul3A_445 : i32 to vector<16xi32>
      %mul3A_447 = arith.muli %convert_element_type3A, %mul3A_446 : vector<16xi32>
      %mul3A_448 = arith.constant 32 : i32
      %mul3A_449 = vector.broadcast %mul3A_448 : i32 to vector<16xi32>
      %mul3A_450 = arith.muli %convert_element_type3A_425, %mul3A_449 : vector<16xi32>
      %add3A_451 = arith.addi %mul3A_447, %mul3A_450 : vector<16xi32>
      %add3A_452 = arith.addi %add3A_451, %convert_element_type3A_434 : vector<16xi32>
      %jit3A_453 = arith.constant 0 : i32
      %broadcast_in_dim3A = vector.broadcast %jit3A_453 : i32 to vector<16xi32>
      %select_n3A_454 = arith.select %and3A_444, %add3A_452, %broadcast_in_dim3A : vector<16xi1>, vector<16xi32>
      %swap3A = arith.index_cast %mul3A_408 : i32 to index
      %swap3A_455 = tpu.vector_load %arg13[%swap3A] {strides = array<i32>} : memref<8192xi32, #tpu.memory_space<vmem>>, vector<16xi32>,
      %swap3A_456 = vector.shape_cast %swap3A_455 : vector<16xi32> to vector<16xi32>
      %swap3A_457 = vector.shape_cast %select_n3A_454 : vector<16xi32> to vector<16xi32>
      tpu.vector_store %arg13[%swap3A], %swap3A_457 {strides = array<i32>} : memref<8192xi32, #tpu.memory_space<vmem>>, vector<16xi32>,
      %scan3A_458 = arith.constant 1 : i32
      %scan3A_459 = arith.addi %scan3A_406, %scan3A_458 : i32
      %mul3A_460 = arith.constant 16 : i32
      %mul3A_461 = arith.muli %scan3A_459, %mul3A_460 : i32
      %get3A_462 = arith.index_cast %mul3A_461 : i32 to index
      %get3A_463 = tpu.vector_load %arg7[%get3A_462] {strides = array<i32>} : memref<8192xf32, #tpu.memory_space<vmem>>, vector<16xf32>,
      %get3A_464 = vector.shape_cast %get3A_463 : vector<16xf32> to vector<16xf32>
      %sub3A_465 = arith.subf %get3A_464, %get3A_40 : vector<16xf32>
      %mul3A_466 = arith.mulf %sub3A_465, %div3A_58 : vector<16xf32>
      %add3A_467 = arith.constant 5.000000e-01 : f32
      %add3A_468 = vector.broadcast %add3A_467 : f32 to vector<16xf32>
      %add3A_469 = arith.addf %mul3A_466, %add3A_468 : vector<16xf32>
      %convert_element_type3A_470 = arith.fptosi %add3A_469 : vector<16xf32> to vector<16xi32>
      %get3A_471 = arith.index_cast %mul3A_461 : i32 to index
      %get3A_472 = tpu.vector_load %arg9[%get3A_471] {strides = array<i32>} : memref<8192xf32, #tpu.memory_space<vmem>>, vector<16xf32>,
      %get3A_473 = vector.shape_cast %get3A_472 : vector<16xf32> to vector<16xf32>
      %sub3A_474 = arith.subf %get3A_473, %get3A_45 : vector<16xf32>
      %mul3A_475 = arith.mulf %sub3A_474, %div3A_58 : vector<16xf32>
      %add3A_476 = arith.constant 5.000000e-01 : f32
      %add3A_477 = vector.broadcast %add3A_476 : f32 to vector<16xf32>
      %add3A_478 = arith.addf %mul3A_475, %add3A_477 : vector<16xf32>
      %convert_element_type3A_479 = arith.fptosi %add3A_478 : vector<16xf32> to vector<16xi32>
      %get3A_480 = arith.index_cast %mul3A_461 : i32 to index
      %get3A_481 = tpu.vector_load %arg11[%get3A_480] {strides = array<i32>} : memref<8192xf32, #tpu.memory_space<vmem>>, vector<16xf32>,
      %get3A_482 = vector.shape_cast %get3A_481 : vector<16xf32> to vector<16xf32>
      %sub3A_483 = arith.subf %get3A_482, %get3A_50 : vector<16xf32>
      %mul3A_484 = arith.mulf %sub3A_483, %div3A_58 : vector<16xf32>
      %add3A_485 = arith.constant 5.000000e-01 : f32
      %add3A_486 = vector.broadcast %add3A_485 : f32 to vector<16xf32>
      %add3A_487 = arith.addf %mul3A_484, %add3A_486 : vector<16xf32>
      %convert_element_type3A_488 = arith.fptosi %add3A_487 : vector<16xf32> to vector<16xi32>
      %ge3A_489 = arith.cmpi sge, %convert_element_type3A_470, %get3A_63 : vector<16xi32>
      %lt3A_490 = arith.cmpi slt, %convert_element_type3A_470, %get3A_78 : vector<16xi32>
      %and3A_491 = arith.andi %ge3A_489, %lt3A_490 : vector<16xi1>
      %ge3A_492 = arith.cmpi sge, %convert_element_type3A_479, %get3A_68 : vector<16xi32>
      %and3A_493 = arith.andi %and3A_491, %ge3A_492 : vector<16xi1>
      %lt3A_494 = arith.cmpi slt, %convert_element_type3A_479, %get3A_83 : vector<16xi32>
      %and3A_495 = arith.andi %and3A_493, %lt3A_494 : vector<16xi1>
      %ge3A_496 = arith.cmpi sge, %convert_element_type3A_488, %get3A_73 : vector<16xi32>
      %and3A_497 = arith.andi %and3A_495, %ge3A_496 : vector<16xi1>
      %lt3A_498 = arith.cmpi slt, %convert_element_type3A_488, %get3A_88 : vector<16xi32>
      %and3A_499 = arith.andi %and3A_497, %lt3A_498 : vector<16xi1>
      %mul3A_500 = arith.constant 8192 : i32
      %mul3A_501 = vector.broadcast %mul3A_500 : i32 to vector<16xi32>
      %mul3A_502 = arith.muli %convert_element_type3A_470, %mul3A_501 : vector<16xi32>
      %mul3A_503 = arith.constant 32 : i32
      %mul3A_504 = vector.broadcast %mul3A_503 : i32 to vector<16xi32>
      %mul3A_505 = arith.muli %convert_element_type3A_479, %mul3A_504 : vector<16xi32>
      %add3A_506 = arith.addi %mul3A_502, %mul3A_505 : vector<16xi32>
      %add3A_507 = arith.addi %add3A_506, %convert_element_type3A_488 : vector<16xi32>
      %jit3A_508 = arith.constant 0 : i32
      %broadcast_in_dim3A_509 = vector.broadcast %jit3A_508 : i32 to vector<16xi32>
      %select_n3A_510 = arith.select %and3A_499, %add3A_507, %broadcast_in_dim3A_509 : vector<16xi1>, vector<16xi32>
      %swap3A_511 = arith.index_cast %mul3A_461 : i32 to index
      %swap3A_512 = tpu.vector_load %arg13[%swap3A_511] {strides = array<i32>} : memref<8192xi32, #tpu.memory_space<vmem>>, vector<16xi32>,
      %swap3A_513 = vector.shape_cast %swap3A_512 : vector<16xi32> to vector<16xi32>
      %swap3A_514 = vector.shape_cast %select_n3A_510 : vector<16xi32> to vector<16xi32>
      tpu.vector_store %arg13[%swap3A_511], %swap3A_514 {strides = array<i32>} : memref<8192xi32, #tpu.memory_space<vmem>>, vector<16xi32>,
      %scan3A_515 = arith.constant 2 : i32
      %scan3A_516 = arith.addi %scan3A_406, %scan3A_515 : i32
      %mul3A_517 = arith.constant 16 : i32
      %mul3A_518 = arith.muli %scan3A_516, %mul3A_517 : i32
      %get3A_519 = arith.index_cast %mul3A_518 : i32 to index
      %get3A_520 = tpu.vector_load %arg7[%get3A_519] {strides = array<i32>} : memref<8192xf32, #tpu.memory_space<vmem>>, vector<16xf32>,
      %get3A_521 = vector.shape_cast %get3A_520 : vector<16xf32> to vector<16xf32>
      %sub3A_522 = arith.subf %get3A_521, %get3A_40 : vector<16xf32>
      %mul3A_523 = arith.mulf %sub3A_522, %div3A_58 : vector<16xf32>
      %add3A_524 = arith.constant 5.000000e-01 : f32
      %add3A_525 = vector.broadcast %add3A_524 : f32 to vector<16xf32>
      %add3A_526 = arith.addf %mul3A_523, %add3A_525 : vector<16xf32>
      %convert_element_type3A_527 = arith.fptosi %add3A_526 : vector<16xf32> to vector<16xi32>
      %get3A_528 = arith.index_cast %mul3A_518 : i32 to index
      %get3A_529 = tpu.vector_load %arg9[%get3A_528] {strides = array<i32>} : memref<8192xf32, #tpu.memory_space<vmem>>, vector<16xf32>,
      %get3A_530 = vector.shape_cast %get3A_529 : vector<16xf32> to vector<16xf32>
      %sub3A_531 = arith.subf %get3A_530, %get3A_45 : vector<16xf32>
      %mul3A_532 = arith.mulf %sub3A_531, %div3A_58 : vector<16xf32>
      %add3A_533 = arith.constant 5.000000e-01 : f32
      %add3A_534 = vector.broadcast %add3A_533 : f32 to vector<16xf32>
      %add3A_535 = arith.addf %mul3A_532, %add3A_534 : vector<16xf32>
      %convert_element_type3A_536 = arith.fptosi %add3A_535 : vector<16xf32> to vector<16xi32>
      %get3A_537 = arith.index_cast %mul3A_518 : i32 to index
      %get3A_538 = tpu.vector_load %arg11[%get3A_537] {strides = array<i32>} : memref<8192xf32, #tpu.memory_space<vmem>>, vector<16xf32>,
      %get3A_539 = vector.shape_cast %get3A_538 : vector<16xf32> to vector<16xf32>
      %sub3A_540 = arith.subf %get3A_539, %get3A_50 : vector<16xf32>
      %mul3A_541 = arith.mulf %sub3A_540, %div3A_58 : vector<16xf32>
      %add3A_542 = arith.constant 5.000000e-01 : f32
      %add3A_543 = vector.broadcast %add3A_542 : f32 to vector<16xf32>
      %add3A_544 = arith.addf %mul3A_541, %add3A_543 : vector<16xf32>
      %convert_element_type3A_545 = arith.fptosi %add3A_544 : vector<16xf32> to vector<16xi32>
      %ge3A_546 = arith.cmpi sge, %convert_element_type3A_527, %get3A_63 : vector<16xi32>
      %lt3A_547 = arith.cmpi slt, %convert_element_type3A_527, %get3A_78 : vector<16xi32>
      %and3A_548 = arith.andi %ge3A_546, %lt3A_547 : vector<16xi1>
      %ge3A_549 = arith.cmpi sge, %convert_element_type3A_536, %get3A_68 : vector<16xi32>
      %and3A_550 = arith.andi %and3A_548, %ge3A_549 : vector<16xi1>
      %lt3A_551 = arith.cmpi slt, %convert_element_type3A_536, %get3A_83 : vector<16xi32>
      %and3A_552 = arith.andi %and3A_550, %lt3A_551 : vector<16xi1>
      %ge3A_553 = arith.cmpi sge, %convert_element_type3A_545, %get3A_73 : vector<16xi32>
      %and3A_554 = arith.andi %and3A_552, %ge3A_553 : vector<16xi1>
      %lt3A_555 = arith.cmpi slt, %convert_element_type3A_545, %get3A_88 : vector<16xi32>
      %and3A_556 = arith.andi %and3A_554, %lt3A_555 : vector<16xi1>
      %mul3A_557 = arith.constant 8192 : i32
      %mul3A_558 = vector.broadcast %mul3A_557 : i32 to vector<16xi32>
      %mul3A_559 = arith.muli %convert_element_type3A_527, %mul3A_558 : vector<16xi32>
      %mul3A_560 = arith.constant 32 : i32
      %mul3A_561 = vector.broadcast %mul3A_560 : i32 to vector<16xi32>
      %mul3A_562 = arith.muli %convert_element_type3A_536, %mul3A_561 : vector<16xi32>
      %add3A_563 = arith.addi %mul3A_559, %mul3A_562 : vector<16xi32>
      %add3A_564 = arith.addi %add3A_563, %convert_element_type3A_545 : vector<16xi32>
      %jit3A_565 = arith.constant 0 : i32
      %broadcast_in_dim3A_566 = vector.broadcast %jit3A_565 : i32 to vector<16xi32>
      %select_n3A_567 = arith.select %and3A_556, %add3A_564, %broadcast_in_dim3A_566 : vector<16xi1>, vector<16xi32>
      %swap3A_568 = arith.index_cast %mul3A_518 : i32 to index
      %swap3A_569 = tpu.vector_load %arg13[%swap3A_568] {strides = array<i32>} : memref<8192xi32, #tpu.memory_space<vmem>>, vector<16xi32>,
      %swap3A_570 = vector.shape_cast %swap3A_569 : vector<16xi32> to vector<16xi32>
      %swap3A_571 = vector.shape_cast %select_n3A_567 : vector<16xi32> to vector<16xi32>
      tpu.vector_store %arg13[%swap3A_568], %swap3A_571 {strides = array<i32>} : memref<8192xi32, #tpu.memory_space<vmem>>, vector<16xi32>,
      %scan3A_572 = arith.constant 3 : i32
      %scan3A_573 = arith.addi %scan3A_406, %scan3A_572 : i32
      %mul3A_574 = arith.constant 16 : i32
      %mul3A_575 = arith.muli %scan3A_573, %mul3A_574 : i32
      %get3A_576 = arith.index_cast %mul3A_575 : i32 to index
      %get3A_577 = tpu.vector_load %arg7[%get3A_576] {strides = array<i32>} : memref<8192xf32, #tpu.memory_space<vmem>>, vector<16xf32>,
      %get3A_578 = vector.shape_cast %get3A_577 : vector<16xf32> to vector<16xf32>
      %sub3A_579 = arith.subf %get3A_578, %get3A_40 : vector<16xf32>
      %mul3A_580 = arith.mulf %sub3A_579, %div3A_58 : vector<16xf32>
      %add3A_581 = arith.constant 5.000000e-01 : f32
      %add3A_582 = vector.broadcast %add3A_581 : f32 to vector<16xf32>
      %add3A_583 = arith.addf %mul3A_580, %add3A_582 : vector<16xf32>
      %convert_element_type3A_584 = arith.fptosi %add3A_583 : vector<16xf32> to vector<16xi32>
      %get3A_585 = arith.index_cast %mul3A_575 : i32 to index
      %get3A_586 = tpu.vector_load %arg9[%get3A_585] {strides = array<i32>} : memref<8192xf32, #tpu.memory_space<vmem>>, vector<16xf32>,
      %get3A_587 = vector.shape_cast %get3A_586 : vector<16xf32> to vector<16xf32>
      %sub3A_588 = arith.subf %get3A_587, %get3A_45 : vector<16xf32>
      %mul3A_589 = arith.mulf %sub3A_588, %div3A_58 : vector<16xf32>
      %add3A_590 = arith.constant 5.000000e-01 : f32
      %add3A_591 = vector.broadcast %add3A_590 : f32 to vector<16xf32>
      %add3A_592 = arith.addf %mul3A_589, %add3A_591 : vector<16xf32>
      %convert_element_type3A_593 = arith.fptosi %add3A_592 : vector<16xf32> to vector<16xi32>
      %get3A_594 = arith.index_cast %mul3A_575 : i32 to index
      %get3A_595 = tpu.vector_load %arg11[%get3A_594] {strides = array<i32>} : memref<8192xf32, #tpu.memory_space<vmem>>, vector<16xf32>,
      %get3A_596 = vector.shape_cast %get3A_595 : vector<16xf32> to vector<16xf32>
      %sub3A_597 = arith.subf %get3A_596, %get3A_50 : vector<16xf32>
      %mul3A_598 = arith.mulf %sub3A_597, %div3A_58 : vector<16xf32>
      %add3A_599 = arith.constant 5.000000e-01 : f32
      %add3A_600 = vector.broadcast %add3A_599 : f32 to vector<16xf32>
      %add3A_601 = arith.addf %mul3A_598, %add3A_600 : vector<16xf32>
      %convert_element_type3A_602 = arith.fptosi %add3A_601 : vector<16xf32> to vector<16xi32>
      %ge3A_603 = arith.cmpi sge, %convert_element_type3A_584, %get3A_63 : vector<16xi32>
      %lt3A_604 = arith.cmpi slt, %convert_element_type3A_584, %get3A_78 : vector<16xi32>
      %and3A_605 = arith.andi %ge3A_603, %lt3A_604 : vector<16xi1>
      %ge3A_606 = arith.cmpi sge, %convert_element_type3A_593, %get3A_68 : vector<16xi32>
      %and3A_607 = arith.andi %and3A_605, %ge3A_606 : vector<16xi1>
      %lt3A_608 = arith.cmpi slt, %convert_element_type3A_593, %get3A_83 : vector<16xi32>
      %and3A_609 = arith.andi %and3A_607, %lt3A_608 : vector<16xi1>
      %ge3A_610 = arith.cmpi sge, %convert_element_type3A_602, %get3A_73 : vector<16xi32>
      %and3A_611 = arith.andi %and3A_609, %ge3A_610 : vector<16xi1>
      %lt3A_612 = arith.cmpi slt, %convert_element_type3A_602, %get3A_88 : vector<16xi32>
      %and3A_613 = arith.andi %and3A_611, %lt3A_612 : vector<16xi1>
      %mul3A_614 = arith.constant 8192 : i32
      %mul3A_615 = vector.broadcast %mul3A_614 : i32 to vector<16xi32>
      %mul3A_616 = arith.muli %convert_element_type3A_584, %mul3A_615 : vector<16xi32>
      %mul3A_617 = arith.constant 32 : i32
      %mul3A_618 = vector.broadcast %mul3A_617 : i32 to vector<16xi32>
      %mul3A_619 = arith.muli %convert_element_type3A_593, %mul3A_618 : vector<16xi32>
      %add3A_620 = arith.addi %mul3A_616, %mul3A_619 : vector<16xi32>
      %add3A_621 = arith.addi %add3A_620, %convert_element_type3A_602 : vector<16xi32>
      %jit3A_622 = arith.constant 0 : i32
      %broadcast_in_dim3A_623 = vector.broadcast %jit3A_622 : i32 to vector<16xi32>
      %select_n3A_624 = arith.select %and3A_613, %add3A_621, %broadcast_in_dim3A_623 : vector<16xi1>, vector<16xi32>
      %swap3A_625 = arith.index_cast %mul3A_575 : i32 to index
      %swap3A_626 = tpu.vector_load %arg13[%swap3A_625] {strides = array<i32>} : memref<8192xi32, #tpu.memory_space<vmem>>, vector<16xi32>,
      %swap3A_627 = vector.shape_cast %swap3A_626 : vector<16xi32> to vector<16xi32>
      %swap3A_628 = vector.shape_cast %select_n3A_624 : vector<16xi32> to vector<16xi32>
      tpu.vector_store %arg13[%swap3A_625], %swap3A_628 {strides = array<i32>} : memref<8192xi32, #tpu.memory_space<vmem>>, vector<16xi32>,
    }
    %scan3A_194 = arith.constant 512 : i32
    %dma_wait3A_195 = tpu.memref_slice %arg6[%add3A_165] : memref<2097152xf32, #tpu.memory_space<hbm>> -> memref<8192xf32, #tpu.memory_space<hbm>>
    %dma_wait3A_196 = tpu.memref_slice %arg6[%add3A_165] : memref<2097152xf32, #tpu.memory_space<hbm>> -> memref<8192xf32, #tpu.memory_space<hbm>>
    tpu.wait_dma2 semaphore(%arg22 : memref<!tpu.dma_semaphore, #tpu.memory_space<semaphore_mem>>) src(%arg15 : memref<8192xf32, #tpu.memory_space<vmem>>) dst(%dma_wait3A_196 : memref<8192xf32, #tpu.memory_space<hbm>>)
    %dma_start3A_197 = arith.constant 0 : i32
    %dma_start3A_198 = tpu.memref_slice %arg3[%dma_start3A_197] : memref<2097152xf32, #tpu.memory_space<hbm>> -> memref<2097152xf32, #tpu.memory_space<hbm>>
    tpu.enqueue_indirect_dma source(%dma_start3A_198 : memref<2097152xf32, #tpu.memory_space<hbm>>) target(%arg15 : memref<8192xf32, #tpu.memory_space<vmem>>) offsets(%arg13 : memref<8192xi32, #tpu.memory_space<vmem>>) semaphore(%arg20 : memref<!tpu.dma_semaphore, #tpu.memory_space<semaphore_mem>>)
    %dma_wait3A_199 = arith.constant 0 : i32
    %dma_wait3A_200 = tpu.memref_slice %arg3[%dma_wait3A_199] : memref<2097152xf32, #tpu.memory_space<hbm>> -> memref<2097152xf32, #tpu.memory_space<hbm>>
    tpu.wait_indirect_dma semaphore(%arg21 : memref<!tpu.dma_semaphore, #tpu.memory_space<semaphore_mem>>) src(%dma_wait3A_200 : memref<2097152xf32, #tpu.memory_space<hbm>>) dst(%arg16 : memref<8192xf32, #tpu.memory_space<vmem>>)
    %mul3A_201 = arith.constant 262144 : i32
    %mul3A_202 = arith.muli %select_n3A, %mul3A_201 : i32
    %add3A_203 = arith.addi %mul3A_202, %mul3A_32 : i32
    %add3A_204 = arith.constant 8192 : i32
    %add3A_205 = arith.addi %add3A_203, %add3A_204 : i32
    %dma_start3A_206 = tpu.memref_slice %arg6[%add3A_205] : memref<2097152xf32, #tpu.memory_space<hbm>> -> memref<8192xf32, #tpu.memory_space<hbm>>
    %dma_start3A_207 = tpu.memref_slice %arg6[%add3A_205] : memref<2097152xf32, #tpu.memory_space<hbm>> -> memref<8192xf32, #tpu.memory_space<hbm>>
    tpu.enqueue_dma source(%arg16 : memref<8192xf32, #tpu.memory_space<vmem>>) target(%dma_start3A_207 : memref<8192xf32, #tpu.memory_space<hbm>>) target_semaphore(%arg22 : memref<!tpu.dma_semaphore, #tpu.memory_space<semaphore_mem>>)
    %dma_wait3A_208 = tpu.memref_slice %arg2[%add3A_176] : memref<6291456xf32, #tpu.memory_space<hbm>> -> memref<8192xf32, #tpu.memory_space<hbm>>
    %dma_wait3A_209 = tpu.memref_slice %arg2[%add3A_176] : memref<6291456xf32, #tpu.memory_space<hbm>> -> memref<8192xf32, #tpu.memory_space<hbm>>
    tpu.wait_dma2 semaphore(%arg19 : memref<!tpu.dma_semaphore, #tpu.memory_space<semaphore_mem>>) src(%dma_wait3A_209 : memref<8192xf32, #tpu.memory_space<hbm>>) dst(%arg8 : memref<8192xf32, #tpu.memory_space<vmem>>)
    %dma_wait3A_210 = tpu.memref_slice %arg2[%add3A_181] : memref<6291456xf32, #tpu.memory_space<hbm>> -> memref<8192xf32, #tpu.memory_space<hbm>>
    %dma_wait3A_211 = tpu.memref_slice %arg2[%add3A_181] : memref<6291456xf32, #tpu.memory_space<hbm>> -> memref<8192xf32, #tpu.memory_space<hbm>>
    tpu.wait_dma2 semaphore(%arg19 : memref<!tpu.dma_semaphore, #tpu.memory_space<semaphore_mem>>) src(%dma_wait3A_211 : memref<8192xf32, #tpu.memory_space<hbm>>) dst(%arg10 : memref<8192xf32, #tpu.memory_space<vmem>>)
    %dma_wait3A_212 = tpu.memref_slice %arg2[%add3A_186] : memref<6291456xf32, #tpu.memory_space<hbm>> -> memref<8192xf32, #tpu.memory_space<hbm>>
    %dma_wait3A_213 = tpu.memref_slice %arg2[%add3A_186] : memref<6291456xf32, #tpu.memory_space<hbm>> -> memref<8192xf32, #tpu.memory_space<hbm>>
    tpu.wait_dma2 semaphore(%arg19 : memref<!tpu.dma_semaphore, #tpu.memory_space<semaphore_mem>>) src(%dma_wait3A_213 : memref<8192xf32, #tpu.memory_space<hbm>>) dst(%arg12 : memref<8192xf32, #tpu.memory_space<vmem>>)
    %add3A_214 = arith.constant 32768 : i32
    %add3A_215 = arith.addi %mul3A_32, %add3A_214 : i32
    %add3A_216 = arith.addi %mul3A_36, %add3A_215 : i32
    %dma_start3A_217 = tpu.memref_slice %arg2[%add3A_216] : memref<6291456xf32, #tpu.memory_space<hbm>> -> memref<8192xf32, #tpu.memory_space<hbm>>
    %dma_start3A_218 = tpu.memref_slice %arg2[%add3A_216] : memref<6291456xf32, #tpu.memory_space<hbm>> -> memref<8192xf32, #tpu.memory_space<hbm>>
    tpu.enqueue_dma source(%dma_start3A_218 : memref<8192xf32, #tpu.memory_space<hbm>>) target(%arg7 : memref<8192xf32, #tpu.memory_space<vmem>>) target_semaphore(%arg19 : memref<!tpu.dma_semaphore, #tpu.memory_space<semaphore_mem>>)
    %add3A_219 = arith.constant 262144 : i32
    %add3A_220 = arith.addi %mul3A_36, %add3A_219 : i32
    %add3A_221 = arith.addi %add3A_220, %add3A_215 : i32
    %dma_start3A_222 = tpu.memref_slice %arg2[%add3A_221] : memref<6291456xf32, #tpu.memory_space<hbm>> -> memref<8192xf32, #tpu.memory_space<hbm>>
    %dma_start3A_223 = tpu.memref_slice %arg2[%add3A_221] : memref<6291456xf32, #tpu.memory_space<hbm>> -> memref<8192xf32, #tpu.memory_space<hbm>>
    tpu.enqueue_dma source(%dma_start3A_223 : memref<8192xf32, #tpu.memory_space<hbm>>) target(%arg9 : memref<8192xf32, #tpu.memory_space<vmem>>) target_semaphore(%arg19 : memref<!tpu.dma_semaphore, #tpu.memory_space<semaphore_mem>>)
    %add3A_224 = arith.constant 524288 : i32
    %add3A_225 = arith.addi %mul3A_36, %add3A_224 : i32
    %add3A_226 = arith.addi %add3A_225, %add3A_215 : i32
    %dma_start3A_227 = tpu.memref_slice %arg2[%add3A_226] : memref<6291456xf32, #tpu.memory_space<hbm>> -> memref<8192xf32, #tpu.memory_space<hbm>>
    %dma_start3A_228 = tpu.memref_slice %arg2[%add3A_226] : memref<6291456xf32, #tpu.memory_space<hbm>> -> memref<8192xf32, #tpu.memory_space<hbm>>
    tpu.enqueue_dma source(%dma_start3A_228 : memref<8192xf32, #tpu.memory_space<hbm>>) target(%arg11 : memref<8192xf32, #tpu.memory_space<vmem>>) target_semaphore(%arg19 : memref<!tpu.dma_semaphore, #tpu.memory_space<semaphore_mem>>)
    %scan3A_229 = arith.constant 0 : i32
    %scan3A_230 = arith.constant 0 : i32
    %scan3A_231 = arith.constant 512 : i32
    %scan3A_232 = arith.addi %scan3A_230, %scan3A_231 : i32
    %scan3A_233 = arith.constant 4 : i32
    scf.for %scan3A_406 = %scan3A_230 to %scan3A_232 step %scan3A_233  : i32 {
      %mul3A_407 = arith.constant 16 : i32
      %mul3A_408 = arith.muli %scan3A_406, %mul3A_407 : i32
      %get3A_409 = arith.index_cast %mul3A_408 : i32 to index
      %get3A_410 = tpu.vector_load %arg8[%get3A_409] {strides = array<i32>} : memref<8192xf32, #tpu.memory_space<vmem>>, vector<16xf32>,
      %get3A_411 = vector.shape_cast %get3A_410 : vector<16xf32> to vector<16xf32>
      %sub3A_412 = arith.subf %get3A_411, %get3A_40 : vector<16xf32>
      %mul3A_413 = arith.mulf %sub3A_412, %div3A_58 : vector<16xf32>
      %add3A_414 = arith.constant 5.000000e-01 : f32
      %add3A_415 = vector.broadcast %add3A_414 : f32 to vector<16xf32>
      %add3A_416 = arith.addf %mul3A_413, %add3A_415 : vector<16xf32>
      %convert_element_type3A = arith.fptosi %add3A_416 : vector<16xf32> to vector<16xi32>
      %get3A_417 = arith.index_cast %mul3A_408 : i32 to index
      %get3A_418 = tpu.vector_load %arg10[%get3A_417] {strides = array<i32>} : memref<8192xf32, #tpu.memory_space<vmem>>, vector<16xf32>,
      %get3A_419 = vector.shape_cast %get3A_418 : vector<16xf32> to vector<16xf32>
      %sub3A_420 = arith.subf %get3A_419, %get3A_45 : vector<16xf32>
      %mul3A_421 = arith.mulf %sub3A_420, %div3A_58 : vector<16xf32>
      %add3A_422 = arith.constant 5.000000e-01 : f32
      %add3A_423 = vector.broadcast %add3A_422 : f32 to vector<16xf32>
      %add3A_424 = arith.addf %mul3A_421, %add3A_423 : vector<16xf32>
      %convert_element_type3A_425 = arith.fptosi %add3A_424 : vector<16xf32> to vector<16xi32>
      %get3A_426 = arith.index_cast %mul3A_408 : i32 to index
      %get3A_427 = tpu.vector_load %arg12[%get3A_426] {strides = array<i32>} : memref<8192xf32, #tpu.memory_space<vmem>>, vector<16xf32>,
      %get3A_428 = vector.shape_cast %get3A_427 : vector<16xf32> to vector<16xf32>
      %sub3A_429 = arith.subf %get3A_428, %get3A_50 : vector<16xf32>
      %mul3A_430 = arith.mulf %sub3A_429, %div3A_58 : vector<16xf32>
      %add3A_431 = arith.constant 5.000000e-01 : f32
      %add3A_432 = vector.broadcast %add3A_431 : f32 to vector<16xf32>
      %add3A_433 = arith.addf %mul3A_430, %add3A_432 : vector<16xf32>
      %convert_element_type3A_434 = arith.fptosi %add3A_433 : vector<16xf32> to vector<16xi32>
      %ge3A = arith.cmpi sge, %convert_element_type3A, %get3A_63 : vector<16xi32>
      %lt3A_435 = arith.cmpi slt, %convert_element_type3A, %get3A_78 : vector<16xi32>
      %and3A_436 = arith.andi %ge3A, %lt3A_435 : vector<16xi1>
      %ge3A_437 = arith.cmpi sge, %convert_element_type3A_425, %get3A_68 : vector<16xi32>
      %and3A_438 = arith.andi %and3A_436, %ge3A_437 : vector<16xi1>
      %lt3A_439 = arith.cmpi slt, %convert_element_type3A_425, %get3A_83 : vector<16xi32>
      %and3A_440 = arith.andi %and3A_438, %lt3A_439 : vector<16xi1>
      %ge3A_441 = arith.cmpi sge, %convert_element_type3A_434, %get3A_73 : vector<16xi32>
      %and3A_442 = arith.andi %and3A_440, %ge3A_441 : vector<16xi1>
      %lt3A_443 = arith.cmpi slt, %convert_element_type3A_434, %get3A_88 : vector<16xi32>
      %and3A_444 = arith.andi %and3A_442, %lt3A_443 : vector<16xi1>
      %mul3A_445 = arith.constant 8192 : i32
      %mul3A_446 = vector.broadcast %mul3A_445 : i32 to vector<16xi32>
      %mul3A_447 = arith.muli %convert_element_type3A, %mul3A_446 : vector<16xi32>
      %mul3A_448 = arith.constant 32 : i32
      %mul3A_449 = vector.broadcast %mul3A_448 : i32 to vector<16xi32>
      %mul3A_450 = arith.muli %convert_element_type3A_425, %mul3A_449 : vector<16xi32>
      %add3A_451 = arith.addi %mul3A_447, %mul3A_450 : vector<16xi32>
      %add3A_452 = arith.addi %add3A_451, %convert_element_type3A_434 : vector<16xi32>
      %jit3A_453 = arith.constant 0 : i32
      %broadcast_in_dim3A = vector.broadcast %jit3A_453 : i32 to vector<16xi32>
      %select_n3A_454 = arith.select %and3A_444, %add3A_452, %broadcast_in_dim3A : vector<16xi1>, vector<16xi32>
      %swap3A = arith.index_cast %mul3A_408 : i32 to index
      %swap3A_455 = tpu.vector_load %arg14[%swap3A] {strides = array<i32>} : memref<8192xi32, #tpu.memory_space<vmem>>, vector<16xi32>,
      %swap3A_456 = vector.shape_cast %swap3A_455 : vector<16xi32> to vector<16xi32>
      %swap3A_457 = vector.shape_cast %select_n3A_454 : vector<16xi32> to vector<16xi32>
      tpu.vector_store %arg14[%swap3A], %swap3A_457 {strides = array<i32>} : memref<8192xi32, #tpu.memory_space<vmem>>, vector<16xi32>,
      %scan3A_458 = arith.constant 1 : i32
      %scan3A_459 = arith.addi %scan3A_406, %scan3A_458 : i32
      %mul3A_460 = arith.constant 16 : i32
      %mul3A_461 = arith.muli %scan3A_459, %mul3A_460 : i32
      %get3A_462 = arith.index_cast %mul3A_461 : i32 to index
      %get3A_463 = tpu.vector_load %arg8[%get3A_462] {strides = array<i32>} : memref<8192xf32, #tpu.memory_space<vmem>>, vector<16xf32>,
      %get3A_464 = vector.shape_cast %get3A_463 : vector<16xf32> to vector<16xf32>
      %sub3A_465 = arith.subf %get3A_464, %get3A_40 : vector<16xf32>
      %mul3A_466 = arith.mulf %sub3A_465, %div3A_58 : vector<16xf32>
      %add3A_467 = arith.constant 5.000000e-01 : f32
      %add3A_468 = vector.broadcast %add3A_467 : f32 to vector<16xf32>
      %add3A_469 = arith.addf %mul3A_466, %add3A_468 : vector<16xf32>
      %convert_element_type3A_470 = arith.fptosi %add3A_469 : vector<16xf32> to vector<16xi32>
      %get3A_471 = arith.index_cast %mul3A_461 : i32 to index
      %get3A_472 = tpu.vector_load %arg10[%get3A_471] {strides = array<i32>} : memref<8192xf32, #tpu.memory_space<vmem>>, vector<16xf32>,
      %get3A_473 = vector.shape_cast %get3A_472 : vector<16xf32> to vector<16xf32>
      %sub3A_474 = arith.subf %get3A_473, %get3A_45 : vector<16xf32>
      %mul3A_475 = arith.mulf %sub3A_474, %div3A_58 : vector<16xf32>
      %add3A_476 = arith.constant 5.000000e-01 : f32
      %add3A_477 = vector.broadcast %add3A_476 : f32 to vector<16xf32>
      %add3A_478 = arith.addf %mul3A_475, %add3A_477 : vector<16xf32>
      %convert_element_type3A_479 = arith.fptosi %add3A_478 : vector<16xf32> to vector<16xi32>
      %get3A_480 = arith.index_cast %mul3A_461 : i32 to index
      %get3A_481 = tpu.vector_load %arg12[%get3A_480] {strides = array<i32>} : memref<8192xf32, #tpu.memory_space<vmem>>, vector<16xf32>,
      %get3A_482 = vector.shape_cast %get3A_481 : vector<16xf32> to vector<16xf32>
      %sub3A_483 = arith.subf %get3A_482, %get3A_50 : vector<16xf32>
      %mul3A_484 = arith.mulf %sub3A_483, %div3A_58 : vector<16xf32>
      %add3A_485 = arith.constant 5.000000e-01 : f32
      %add3A_486 = vector.broadcast %add3A_485 : f32 to vector<16xf32>
      %add3A_487 = arith.addf %mul3A_484, %add3A_486 : vector<16xf32>
      %convert_element_type3A_488 = arith.fptosi %add3A_487 : vector<16xf32> to vector<16xi32>
      %ge3A_489 = arith.cmpi sge, %convert_element_type3A_470, %get3A_63 : vector<16xi32>
      %lt3A_490 = arith.cmpi slt, %convert_element_type3A_470, %get3A_78 : vector<16xi32>
      %and3A_491 = arith.andi %ge3A_489, %lt3A_490 : vector<16xi1>
      %ge3A_492 = arith.cmpi sge, %convert_element_type3A_479, %get3A_68 : vector<16xi32>
      %and3A_493 = arith.andi %and3A_491, %ge3A_492 : vector<16xi1>
      %lt3A_494 = arith.cmpi slt, %convert_element_type3A_479, %get3A_83 : vector<16xi32>
      %and3A_495 = arith.andi %and3A_493, %lt3A_494 : vector<16xi1>
      %ge3A_496 = arith.cmpi sge, %convert_element_type3A_488, %get3A_73 : vector<16xi32>
      %and3A_497 = arith.andi %and3A_495, %ge3A_496 : vector<16xi1>
      %lt3A_498 = arith.cmpi slt, %convert_element_type3A_488, %get3A_88 : vector<16xi32>
      %and3A_499 = arith.andi %and3A_497, %lt3A_498 : vector<16xi1>
      %mul3A_500 = arith.constant 8192 : i32
      %mul3A_501 = vector.broadcast %mul3A_500 : i32 to vector<16xi32>
      %mul3A_502 = arith.muli %convert_element_type3A_470, %mul3A_501 : vector<16xi32>
      %mul3A_503 = arith.constant 32 : i32
      %mul3A_504 = vector.broadcast %mul3A_503 : i32 to vector<16xi32>
      %mul3A_505 = arith.muli %convert_element_type3A_479, %mul3A_504 : vector<16xi32>
      %add3A_506 = arith.addi %mul3A_502, %mul3A_505 : vector<16xi32>
      %add3A_507 = arith.addi %add3A_506, %convert_element_type3A_488 : vector<16xi32>
      %jit3A_508 = arith.constant 0 : i32
      %broadcast_in_dim3A_509 = vector.broadcast %jit3A_508 : i32 to vector<16xi32>
      %select_n3A_510 = arith.select %and3A_499, %add3A_507, %broadcast_in_dim3A_509 : vector<16xi1>, vector<16xi32>
      %swap3A_511 = arith.index_cast %mul3A_461 : i32 to index
      %swap3A_512 = tpu.vector_load %arg14[%swap3A_511] {strides = array<i32>} : memref<8192xi32, #tpu.memory_space<vmem>>, vector<16xi32>,
      %swap3A_513 = vector.shape_cast %swap3A_512 : vector<16xi32> to vector<16xi32>
      %swap3A_514 = vector.shape_cast %select_n3A_510 : vector<16xi32> to vector<16xi32>
      tpu.vector_store %arg14[%swap3A_511], %swap3A_514 {strides = array<i32>} : memref<8192xi32, #tpu.memory_space<vmem>>, vector<16xi32>,
      %scan3A_515 = arith.constant 2 : i32
      %scan3A_516 = arith.addi %scan3A_406, %scan3A_515 : i32
      %mul3A_517 = arith.constant 16 : i32
      %mul3A_518 = arith.muli %scan3A_516, %mul3A_517 : i32
      %get3A_519 = arith.index_cast %mul3A_518 : i32 to index
      %get3A_520 = tpu.vector_load %arg8[%get3A_519] {strides = array<i32>} : memref<8192xf32, #tpu.memory_space<vmem>>, vector<16xf32>,
      %get3A_521 = vector.shape_cast %get3A_520 : vector<16xf32> to vector<16xf32>
      %sub3A_522 = arith.subf %get3A_521, %get3A_40 : vector<16xf32>
      %mul3A_523 = arith.mulf %sub3A_522, %div3A_58 : vector<16xf32>
      %add3A_524 = arith.constant 5.000000e-01 : f32
      %add3A_525 = vector.broadcast %add3A_524 : f32 to vector<16xf32>
      %add3A_526 = arith.addf %mul3A_523, %add3A_525 : vector<16xf32>
      %convert_element_type3A_527 = arith.fptosi %add3A_526 : vector<16xf32> to vector<16xi32>
      %get3A_528 = arith.index_cast %mul3A_518 : i32 to index
      %get3A_529 = tpu.vector_load %arg10[%get3A_528] {strides = array<i32>} : memref<8192xf32, #tpu.memory_space<vmem>>, vector<16xf32>,
      %get3A_530 = vector.shape_cast %get3A_529 : vector<16xf32> to vector<16xf32>
      %sub3A_531 = arith.subf %get3A_530, %get3A_45 : vector<16xf32>
      %mul3A_532 = arith.mulf %sub3A_531, %div3A_58 : vector<16xf32>
      %add3A_533 = arith.constant 5.000000e-01 : f32
      %add3A_534 = vector.broadcast %add3A_533 : f32 to vector<16xf32>
      %add3A_535 = arith.addf %mul3A_532, %add3A_534 : vector<16xf32>
      %convert_element_type3A_536 = arith.fptosi %add3A_535 : vector<16xf32> to vector<16xi32>
      %get3A_537 = arith.index_cast %mul3A_518 : i32 to index
      %get3A_538 = tpu.vector_load %arg12[%get3A_537] {strides = array<i32>} : memref<8192xf32, #tpu.memory_space<vmem>>, vector<16xf32>,
      %get3A_539 = vector.shape_cast %get3A_538 : vector<16xf32> to vector<16xf32>
      %sub3A_540 = arith.subf %get3A_539, %get3A_50 : vector<16xf32>
      %mul3A_541 = arith.mulf %sub3A_540, %div3A_58 : vector<16xf32>
      %add3A_542 = arith.constant 5.000000e-01 : f32
      %add3A_543 = vector.broadcast %add3A_542 : f32 to vector<16xf32>
      %add3A_544 = arith.addf %mul3A_541, %add3A_543 : vector<16xf32>
      %convert_element_type3A_545 = arith.fptosi %add3A_544 : vector<16xf32> to vector<16xi32>
      %ge3A_546 = arith.cmpi sge, %convert_element_type3A_527, %get3A_63 : vector<16xi32>
      %lt3A_547 = arith.cmpi slt, %convert_element_type3A_527, %get3A_78 : vector<16xi32>
      %and3A_548 = arith.andi %ge3A_546, %lt3A_547 : vector<16xi1>
      %ge3A_549 = arith.cmpi sge, %convert_element_type3A_536, %get3A_68 : vector<16xi32>
      %and3A_550 = arith.andi %and3A_548, %ge3A_549 : vector<16xi1>
      %lt3A_551 = arith.cmpi slt, %convert_element_type3A_536, %get3A_83 : vector<16xi32>
      %and3A_552 = arith.andi %and3A_550, %lt3A_551 : vector<16xi1>
      %ge3A_553 = arith.cmpi sge, %convert_element_type3A_545, %get3A_73 : vector<16xi32>
      %and3A_554 = arith.andi %and3A_552, %ge3A_553 : vector<16xi1>
      %lt3A_555 = arith.cmpi slt, %convert_element_type3A_545, %get3A_88 : vector<16xi32>
      %and3A_556 = arith.andi %and3A_554, %lt3A_555 : vector<16xi1>
      %mul3A_557 = arith.constant 8192 : i32
      %mul3A_558 = vector.broadcast %mul3A_557 : i32 to vector<16xi32>
      %mul3A_559 = arith.muli %convert_element_type3A_527, %mul3A_558 : vector<16xi32>
      %mul3A_560 = arith.constant 32 : i32
      %mul3A_561 = vector.broadcast %mul3A_560 : i32 to vector<16xi32>
      %mul3A_562 = arith.muli %convert_element_type3A_536, %mul3A_561 : vector<16xi32>
      %add3A_563 = arith.addi %mul3A_559, %mul3A_562 : vector<16xi32>
      %add3A_564 = arith.addi %add3A_563, %convert_element_type3A_545 : vector<16xi32>
      %jit3A_565 = arith.constant 0 : i32
      %broadcast_in_dim3A_566 = vector.broadcast %jit3A_565 : i32 to vector<16xi32>
      %select_n3A_567 = arith.select %and3A_556, %add3A_564, %broadcast_in_dim3A_566 : vector<16xi1>, vector<16xi32>
      %swap3A_568 = arith.index_cast %mul3A_518 : i32 to index
      %swap3A_569 = tpu.vector_load %arg14[%swap3A_568] {strides = array<i32>} : memref<8192xi32, #tpu.memory_space<vmem>>, vector<16xi32>,
      %swap3A_570 = vector.shape_cast %swap3A_569 : vector<16xi32> to vector<16xi32>
      %swap3A_571 = vector.shape_cast %select_n3A_567 : vector<16xi32> to vector<16xi32>
      tpu.vector_store %arg14[%swap3A_568], %swap3A_571 {strides = array<i32>} : memref<8192xi32, #tpu.memory_space<vmem>>, vector<16xi32>,
      %scan3A_572 = arith.constant 3 : i32
      %scan3A_573 = arith.addi %scan3A_406, %scan3A_572 : i32
      %mul3A_574 = arith.constant 16 : i32
      %mul3A_575 = arith.muli %scan3A_573, %mul3A_574 : i32
      %get3A_576 = arith.index_cast %mul3A_575 : i32 to index
      %get3A_577 = tpu.vector_load %arg8[%get3A_576] {strides = array<i32>} : memref<8192xf32, #tpu.memory_space<vmem>>, vector<16xf32>,
      %get3A_578 = vector.shape_cast %get3A_577 : vector<16xf32> to vector<16xf32>
      %sub3A_579 = arith.subf %get3A_578, %get3A_40 : vector<16xf32>
      %mul3A_580 = arith.mulf %sub3A_579, %div3A_58 : vector<16xf32>
      %add3A_581 = arith.constant 5.000000e-01 : f32
      %add3A_582 = vector.broadcast %add3A_581 : f32 to vector<16xf32>
      %add3A_583 = arith.addf %mul3A_580, %add3A_582 : vector<16xf32>
      %convert_element_type3A_584 = arith.fptosi %add3A_583 : vector<16xf32> to vector<16xi32>
      %get3A_585 = arith.index_cast %mul3A_575 : i32 to index
      %get3A_586 = tpu.vector_load %arg10[%get3A_585] {strides = array<i32>} : memref<8192xf32, #tpu.memory_space<vmem>>, vector<16xf32>,
      %get3A_587 = vector.shape_cast %get3A_586 : vector<16xf32> to vector<16xf32>
      %sub3A_588 = arith.subf %get3A_587, %get3A_45 : vector<16xf32>
      %mul3A_589 = arith.mulf %sub3A_588, %div3A_58 : vector<16xf32>
      %add3A_590 = arith.constant 5.000000e-01 : f32
      %add3A_591 = vector.broadcast %add3A_590 : f32 to vector<16xf32>
      %add3A_592 = arith.addf %mul3A_589, %add3A_591 : vector<16xf32>
      %convert_element_type3A_593 = arith.fptosi %add3A_592 : vector<16xf32> to vector<16xi32>
      %get3A_594 = arith.index_cast %mul3A_575 : i32 to index
      %get3A_595 = tpu.vector_load %arg12[%get3A_594] {strides = array<i32>} : memref<8192xf32, #tpu.memory_space<vmem>>, vector<16xf32>,
      %get3A_596 = vector.shape_cast %get3A_595 : vector<16xf32> to vector<16xf32>
      %sub3A_597 = arith.subf %get3A_596, %get3A_50 : vector<16xf32>
      %mul3A_598 = arith.mulf %sub3A_597, %div3A_58 : vector<16xf32>
      %add3A_599 = arith.constant 5.000000e-01 : f32
      %add3A_600 = vector.broadcast %add3A_599 : f32 to vector<16xf32>
      %add3A_601 = arith.addf %mul3A_598, %add3A_600 : vector<16xf32>
      %convert_element_type3A_602 = arith.fptosi %add3A_601 : vector<16xf32> to vector<16xi32>
      %ge3A_603 = arith.cmpi sge, %convert_element_type3A_584, %get3A_63 : vector<16xi32>
      %lt3A_604 = arith.cmpi slt, %convert_element_type3A_584, %get3A_78 : vector<16xi32>
      %and3A_605 = arith.andi %ge3A_603, %lt3A_604 : vector<16xi1>
      %ge3A_606 = arith.cmpi sge, %convert_element_type3A_593, %get3A_68 : vector<16xi32>
      %and3A_607 = arith.andi %and3A_605, %ge3A_606 : vector<16xi1>
      %lt3A_608 = arith.cmpi slt, %convert_element_type3A_593, %get3A_83 : vector<16xi32>
      %and3A_609 = arith.andi %and3A_607, %lt3A_608 : vector<16xi1>
      %ge3A_610 = arith.cmpi sge, %convert_element_type3A_602, %get3A_73 : vector<16xi32>
      %and3A_611 = arith.andi %and3A_609, %ge3A_610 : vector<16xi1>
      %lt3A_612 = arith.cmpi slt, %convert_element_type3A_602, %get3A_88 : vector<16xi32>
      %and3A_613 = arith.andi %and3A_611, %lt3A_612 : vector<16xi1>
      %mul3A_614 = arith.constant 8192 : i32
      %mul3A_615 = vector.broadcast %mul3A_614 : i32 to vector<16xi32>
      %mul3A_616 = arith.muli %convert_element_type3A_584, %mul3A_615 : vector<16xi32>
      %mul3A_617 = arith.constant 32 : i32
      %mul3A_618 = vector.broadcast %mul3A_617 : i32 to vector<16xi32>
      %mul3A_619 = arith.muli %convert_element_type3A_593, %mul3A_618 : vector<16xi32>
      %add3A_620 = arith.addi %mul3A_616, %mul3A_619 : vector<16xi32>
      %add3A_621 = arith.addi %add3A_620, %convert_element_type3A_602 : vector<16xi32>
      %jit3A_622 = arith.constant 0 : i32
      %broadcast_in_dim3A_623 = vector.broadcast %jit3A_622 : i32 to vector<16xi32>
      %select_n3A_624 = arith.select %and3A_613, %add3A_621, %broadcast_in_dim3A_623 : vector<16xi1>, vector<16xi32>
      %swap3A_625 = arith.index_cast %mul3A_575 : i32 to index
      %swap3A_626 = tpu.vector_load %arg14[%swap3A_625] {strides = array<i32>} : memref<8192xi32, #tpu.memory_space<vmem>>, vector<16xi32>,
      %swap3A_627 = vector.shape_cast %swap3A_626 : vector<16xi32> to vector<16xi32>
      %swap3A_628 = vector.shape_cast %select_n3A_624 : vector<16xi32> to vector<16xi32>
      tpu.vector_store %arg14[%swap3A_625], %swap3A_628 {strides = array<i32>} : memref<8192xi32, #tpu.memory_space<vmem>>, vector<16xi32>,
    }
    %scan3A_234 = arith.constant 512 : i32
    %dma_wait3A_235 = tpu.memref_slice %arg6[%add3A_205] : memref<2097152xf32, #tpu.memory_space<hbm>> -> memref<8192xf32, #tpu.memory_space<hbm>>
    %dma_wait3A_236 = tpu.memref_slice %arg6[%add3A_205] : memref<2097152xf32, #tpu.memory_space<hbm>> -> memref<8192xf32, #tpu.memory_space<hbm>>
    tpu.wait_dma2 semaphore(%arg22 : memref<!tpu.dma_semaphore, #tpu.memory_space<semaphore_mem>>) src(%arg16 : memref<8192xf32, #tpu.memory_space<vmem>>) dst(%dma_wait3A_236 : memref<8192xf32, #tpu.memory_space<hbm>>)
    %dma_start3A_237 = arith.constant 0 : i32
    %dma_start3A_238 = tpu.memref_slice %arg3[%dma_start3A_237] : memref<2097152xf32, #tpu.memory_space<hbm>> -> memref<2097152xf32, #tpu.memory_space<hbm>>
    tpu.enqueue_indirect_dma source(%dma_start3A_238 : memref<2097152xf32, #tpu.memory_space<hbm>>) target(%arg16 : memref<8192xf32, #tpu.memory_space<vmem>>) offsets(%arg14 : memref<8192xi32, #tpu.memory_space<vmem>>) semaphore(%arg21 : memref<!tpu.dma_semaphore, #tpu.memory_space<semaphore_mem>>)
    %dma_wait3A_239 = arith.constant 0 : i32
    %dma_wait3A_240 = tpu.memref_slice %arg3[%dma_wait3A_239] : memref<2097152xf32, #tpu.memory_space<hbm>> -> memref<2097152xf32, #tpu.memory_space<hbm>>
    tpu.wait_indirect_dma semaphore(%arg20 : memref<!tpu.dma_semaphore, #tpu.memory_space<semaphore_mem>>) src(%dma_wait3A_240 : memref<2097152xf32, #tpu.memory_space<hbm>>) dst(%arg15 : memref<8192xf32, #tpu.memory_space<vmem>>)
    %mul3A_241 = arith.constant 262144 : i32
    %mul3A_242 = arith.muli %select_n3A, %mul3A_241 : i32
    %add3A_243 = arith.addi %mul3A_242, %mul3A_32 : i32
    %add3A_244 = arith.constant 16384 : i32
    %add3A_245 = arith.addi %add3A_243, %add3A_244 : i32
    %dma_start3A_246 = tpu.memref_slice %arg6[%add3A_245] : memref<2097152xf32, #tpu.memory_space<hbm>> -> memref<8192xf32, #tpu.memory_space<hbm>>
    %dma_start3A_247 = tpu.memref_slice %arg6[%add3A_245] : memref<2097152xf32, #tpu.memory_space<hbm>> -> memref<8192xf32, #tpu.memory_space<hbm>>
    tpu.enqueue_dma source(%arg15 : memref<8192xf32, #tpu.memory_space<vmem>>) target(%dma_start3A_247 : memref<8192xf32, #tpu.memory_space<hbm>>) target_semaphore(%arg22 : memref<!tpu.dma_semaphore, #tpu.memory_space<semaphore_mem>>)
    %dma_wait3A_248 = tpu.memref_slice %arg2[%add3A_216] : memref<6291456xf32, #tpu.memory_space<hbm>> -> memref<8192xf32, #tpu.memory_space<hbm>>
    %dma_wait3A_249 = tpu.memref_slice %arg2[%add3A_216] : memref<6291456xf32, #tpu.memory_space<hbm>> -> memref<8192xf32, #tpu.memory_space<hbm>>
    tpu.wait_dma2 semaphore(%arg19 : memref<!tpu.dma_semaphore, #tpu.memory_space<semaphore_mem>>) src(%dma_wait3A_249 : memref<8192xf32, #tpu.memory_space<hbm>>) dst(%arg7 : memref<8192xf32, #tpu.memory_space<vmem>>)
    %dma_wait3A_250 = tpu.memref_slice %arg2[%add3A_221] : memref<6291456xf32, #tpu.memory_space<hbm>> -> memref<8192xf32, #tpu.memory_space<hbm>>
    %dma_wait3A_251 = tpu.memref_slice %arg2[%add3A_221] : memref<6291456xf32, #tpu.memory_space<hbm>> -> memref<8192xf32, #tpu.memory_space<hbm>>
    tpu.wait_dma2 semaphore(%arg19 : memref<!tpu.dma_semaphore, #tpu.memory_space<semaphore_mem>>) src(%dma_wait3A_251 : memref<8192xf32, #tpu.memory_space<hbm>>) dst(%arg9 : memref<8192xf32, #tpu.memory_space<vmem>>)
    %dma_wait3A_252 = tpu.memref_slice %arg2[%add3A_226] : memref<6291456xf32, #tpu.memory_space<hbm>> -> memref<8192xf32, #tpu.memory_space<hbm>>
    %dma_wait3A_253 = tpu.memref_slice %arg2[%add3A_226] : memref<6291456xf32, #tpu.memory_space<hbm>> -> memref<8192xf32, #tpu.memory_space<hbm>>
    tpu.wait_dma2 semaphore(%arg19 : memref<!tpu.dma_semaphore, #tpu.memory_space<semaphore_mem>>) src(%dma_wait3A_253 : memref<8192xf32, #tpu.memory_space<hbm>>) dst(%arg11 : memref<8192xf32, #tpu.memory_space<vmem>>)
    %add3A_254 = arith.constant 40960 : i32
    %add3A_255 = arith.addi %mul3A_32, %add3A_254 : i32
    %add3A_256 = arith.addi %mul3A_36, %add3A_255 : i32
    %dma_start3A_257 = tpu.memref_slice %arg2[%add3A_256] : memref<6291456xf32, #tpu.memory_space<hbm>> -> memref<8192xf32, #tpu.memory_space<hbm>>
    %dma_start3A_258 = tpu.memref_slice %arg2[%add3A_256] : memref<6291456xf32, #tpu.memory_space<hbm>> -> memref<8192xf32, #tpu.memory_space<hbm>>
    tpu.enqueue_dma source(%dma_start3A_258 : memref<8192xf32, #tpu.memory_space<hbm>>) target(%arg8 : memref<8192xf32, #tpu.memory_space<vmem>>) target_semaphore(%arg19 : memref<!tpu.dma_semaphore, #tpu.memory_space<semaphore_mem>>)
    %add3A_259 = arith.constant 262144 : i32
    %add3A_260 = arith.addi %mul3A_36, %add3A_259 : i32
    %add3A_261 = arith.addi %add3A_260, %add3A_255 : i32
    %dma_start3A_262 = tpu.memref_slice %arg2[%add3A_261] : memref<6291456xf32, #tpu.memory_space<hbm>> -> memref<8192xf32, #tpu.memory_space<hbm>>
    %dma_start3A_263 = tpu.memref_slice %arg2[%add3A_261] : memref<6291456xf32, #tpu.memory_space<hbm>> -> memref<8192xf32, #tpu.memory_space<hbm>>
    tpu.enqueue_dma source(%dma_start3A_263 : memref<8192xf32, #tpu.memory_space<hbm>>) target(%arg10 : memref<8192xf32, #tpu.memory_space<vmem>>) target_semaphore(%arg19 : memref<!tpu.dma_semaphore, #tpu.memory_space<semaphore_mem>>)
    %add3A_264 = arith.constant 524288 : i32
    %add3A_265 = arith.addi %mul3A_36, %add3A_264 : i32
    %add3A_266 = arith.addi %add3A_265, %add3A_255 : i32
    %dma_start3A_267 = tpu.memref_slice %arg2[%add3A_266] : memref<6291456xf32, #tpu.memory_space<hbm>> -> memref<8192xf32, #tpu.memory_space<hbm>>
    %dma_start3A_268 = tpu.memref_slice %arg2[%add3A_266] : memref<6291456xf32, #tpu.memory_space<hbm>> -> memref<8192xf32, #tpu.memory_space<hbm>>
    tpu.enqueue_dma source(%dma_start3A_268 : memref<8192xf32, #tpu.memory_space<hbm>>) target(%arg12 : memref<8192xf32, #tpu.memory_space<vmem>>) target_semaphore(%arg19 : memref<!tpu.dma_semaphore, #tpu.memory_space<semaphore_mem>>)
    %scan3A_269 = arith.constant 0 : i32
    %scan3A_270 = arith.constant 0 : i32
    %scan3A_271 = arith.constant 512 : i32
    %scan3A_272 = arith.addi %scan3A_270, %scan3A_271 : i32
    %scan3A_273 = arith.constant 4 : i32
    scf.for %scan3A_406 = %scan3A_270 to %scan3A_272 step %scan3A_273  : i32 {
      %mul3A_407 = arith.constant 16 : i32
      %mul3A_408 = arith.muli %scan3A_406, %mul3A_407 : i32
      %get3A_409 = arith.index_cast %mul3A_408 : i32 to index
      %get3A_410 = tpu.vector_load %arg7[%get3A_409] {strides = array<i32>} : memref<8192xf32, #tpu.memory_space<vmem>>, vector<16xf32>,
      %get3A_411 = vector.shape_cast %get3A_410 : vector<16xf32> to vector<16xf32>
      %sub3A_412 = arith.subf %get3A_411, %get3A_40 : vector<16xf32>
      %mul3A_413 = arith.mulf %sub3A_412, %div3A_58 : vector<16xf32>
      %add3A_414 = arith.constant 5.000000e-01 : f32
      %add3A_415 = vector.broadcast %add3A_414 : f32 to vector<16xf32>
      %add3A_416 = arith.addf %mul3A_413, %add3A_415 : vector<16xf32>
      %convert_element_type3A = arith.fptosi %add3A_416 : vector<16xf32> to vector<16xi32>
      %get3A_417 = arith.index_cast %mul3A_408 : i32 to index
      %get3A_418 = tpu.vector_load %arg9[%get3A_417] {strides = array<i32>} : memref<8192xf32, #tpu.memory_space<vmem>>, vector<16xf32>,
      %get3A_419 = vector.shape_cast %get3A_418 : vector<16xf32> to vector<16xf32>
      %sub3A_420 = arith.subf %get3A_419, %get3A_45 : vector<16xf32>
      %mul3A_421 = arith.mulf %sub3A_420, %div3A_58 : vector<16xf32>
      %add3A_422 = arith.constant 5.000000e-01 : f32
      %add3A_423 = vector.broadcast %add3A_422 : f32 to vector<16xf32>
      %add3A_424 = arith.addf %mul3A_421, %add3A_423 : vector<16xf32>
      %convert_element_type3A_425 = arith.fptosi %add3A_424 : vector<16xf32> to vector<16xi32>
      %get3A_426 = arith.index_cast %mul3A_408 : i32 to index
      %get3A_427 = tpu.vector_load %arg11[%get3A_426] {strides = array<i32>} : memref<8192xf32, #tpu.memory_space<vmem>>, vector<16xf32>,
      %get3A_428 = vector.shape_cast %get3A_427 : vector<16xf32> to vector<16xf32>
      %sub3A_429 = arith.subf %get3A_428, %get3A_50 : vector<16xf32>
      %mul3A_430 = arith.mulf %sub3A_429, %div3A_58 : vector<16xf32>
      %add3A_431 = arith.constant 5.000000e-01 : f32
      %add3A_432 = vector.broadcast %add3A_431 : f32 to vector<16xf32>
      %add3A_433 = arith.addf %mul3A_430, %add3A_432 : vector<16xf32>
      %convert_element_type3A_434 = arith.fptosi %add3A_433 : vector<16xf32> to vector<16xi32>
      %ge3A = arith.cmpi sge, %convert_element_type3A, %get3A_63 : vector<16xi32>
      %lt3A_435 = arith.cmpi slt, %convert_element_type3A, %get3A_78 : vector<16xi32>
      %and3A_436 = arith.andi %ge3A, %lt3A_435 : vector<16xi1>
      %ge3A_437 = arith.cmpi sge, %convert_element_type3A_425, %get3A_68 : vector<16xi32>
      %and3A_438 = arith.andi %and3A_436, %ge3A_437 : vector<16xi1>
      %lt3A_439 = arith.cmpi slt, %convert_element_type3A_425, %get3A_83 : vector<16xi32>
      %and3A_440 = arith.andi %and3A_438, %lt3A_439 : vector<16xi1>
      %ge3A_441 = arith.cmpi sge, %convert_element_type3A_434, %get3A_73 : vector<16xi32>
      %and3A_442 = arith.andi %and3A_440, %ge3A_441 : vector<16xi1>
      %lt3A_443 = arith.cmpi slt, %convert_element_type3A_434, %get3A_88 : vector<16xi32>
      %and3A_444 = arith.andi %and3A_442, %lt3A_443 : vector<16xi1>
      %mul3A_445 = arith.constant 8192 : i32
      %mul3A_446 = vector.broadcast %mul3A_445 : i32 to vector<16xi32>
      %mul3A_447 = arith.muli %convert_element_type3A, %mul3A_446 : vector<16xi32>
      %mul3A_448 = arith.constant 32 : i32
      %mul3A_449 = vector.broadcast %mul3A_448 : i32 to vector<16xi32>
      %mul3A_450 = arith.muli %convert_element_type3A_425, %mul3A_449 : vector<16xi32>
      %add3A_451 = arith.addi %mul3A_447, %mul3A_450 : vector<16xi32>
      %add3A_452 = arith.addi %add3A_451, %convert_element_type3A_434 : vector<16xi32>
      %jit3A_453 = arith.constant 0 : i32
      %broadcast_in_dim3A = vector.broadcast %jit3A_453 : i32 to vector<16xi32>
      %select_n3A_454 = arith.select %and3A_444, %add3A_452, %broadcast_in_dim3A : vector<16xi1>, vector<16xi32>
      %swap3A = arith.index_cast %mul3A_408 : i32 to index
      %swap3A_455 = tpu.vector_load %arg13[%swap3A] {strides = array<i32>} : memref<8192xi32, #tpu.memory_space<vmem>>, vector<16xi32>,
      %swap3A_456 = vector.shape_cast %swap3A_455 : vector<16xi32> to vector<16xi32>
      %swap3A_457 = vector.shape_cast %select_n3A_454 : vector<16xi32> to vector<16xi32>
      tpu.vector_store %arg13[%swap3A], %swap3A_457 {strides = array<i32>} : memref<8192xi32, #tpu.memory_space<vmem>>, vector<16xi32>,
      %scan3A_458 = arith.constant 1 : i32
      %scan3A_459 = arith.addi %scan3A_406, %scan3A_458 : i32
      %mul3A_460 = arith.constant 16 : i32
      %mul3A_461 = arith.muli %scan3A_459, %mul3A_460 : i32
      %get3A_462 = arith.index_cast %mul3A_461 : i32 to index
      %get3A_463 = tpu.vector_load %arg7[%get3A_462] {strides = array<i32>} : memref<8192xf32, #tpu.memory_space<vmem>>, vector<16xf32>,
      %get3A_464 = vector.shape_cast %get3A_463 : vector<16xf32> to vector<16xf32>
      %sub3A_465 = arith.subf %get3A_464, %get3A_40 : vector<16xf32>
      %mul3A_466 = arith.mulf %sub3A_465, %div3A_58 : vector<16xf32>
      %add3A_467 = arith.constant 5.000000e-01 : f32
      %add3A_468 = vector.broadcast %add3A_467 : f32 to vector<16xf32>
      %add3A_469 = arith.addf %mul3A_466, %add3A_468 : vector<16xf32>
      %convert_element_type3A_470 = arith.fptosi %add3A_469 : vector<16xf32> to vector<16xi32>
      %get3A_471 = arith.index_cast %mul3A_461 : i32 to index
      %get3A_472 = tpu.vector_load %arg9[%get3A_471] {strides = array<i32>} : memref<8192xf32, #tpu.memory_space<vmem>>, vector<16xf32>,
      %get3A_473 = vector.shape_cast %get3A_472 : vector<16xf32> to vector<16xf32>
      %sub3A_474 = arith.subf %get3A_473, %get3A_45 : vector<16xf32>
      %mul3A_475 = arith.mulf %sub3A_474, %div3A_58 : vector<16xf32>
      %add3A_476 = arith.constant 5.000000e-01 : f32
      %add3A_477 = vector.broadcast %add3A_476 : f32 to vector<16xf32>
      %add3A_478 = arith.addf %mul3A_475, %add3A_477 : vector<16xf32>
      %convert_element_type3A_479 = arith.fptosi %add3A_478 : vector<16xf32> to vector<16xi32>
      %get3A_480 = arith.index_cast %mul3A_461 : i32 to index
      %get3A_481 = tpu.vector_load %arg11[%get3A_480] {strides = array<i32>} : memref<8192xf32, #tpu.memory_space<vmem>>, vector<16xf32>,
      %get3A_482 = vector.shape_cast %get3A_481 : vector<16xf32> to vector<16xf32>
      %sub3A_483 = arith.subf %get3A_482, %get3A_50 : vector<16xf32>
      %mul3A_484 = arith.mulf %sub3A_483, %div3A_58 : vector<16xf32>
      %add3A_485 = arith.constant 5.000000e-01 : f32
      %add3A_486 = vector.broadcast %add3A_485 : f32 to vector<16xf32>
      %add3A_487 = arith.addf %mul3A_484, %add3A_486 : vector<16xf32>
      %convert_element_type3A_488 = arith.fptosi %add3A_487 : vector<16xf32> to vector<16xi32>
      %ge3A_489 = arith.cmpi sge, %convert_element_type3A_470, %get3A_63 : vector<16xi32>
      %lt3A_490 = arith.cmpi slt, %convert_element_type3A_470, %get3A_78 : vector<16xi32>
      %and3A_491 = arith.andi %ge3A_489, %lt3A_490 : vector<16xi1>
      %ge3A_492 = arith.cmpi sge, %convert_element_type3A_479, %get3A_68 : vector<16xi32>
      %and3A_493 = arith.andi %and3A_491, %ge3A_492 : vector<16xi1>
      %lt3A_494 = arith.cmpi slt, %convert_element_type3A_479, %get3A_83 : vector<16xi32>
      %and3A_495 = arith.andi %and3A_493, %lt3A_494 : vector<16xi1>
      %ge3A_496 = arith.cmpi sge, %convert_element_type3A_488, %get3A_73 : vector<16xi32>
      %and3A_497 = arith.andi %and3A_495, %ge3A_496 : vector<16xi1>
      %lt3A_498 = arith.cmpi slt, %convert_element_type3A_488, %get3A_88 : vector<16xi32>
      %and3A_499 = arith.andi %and3A_497, %lt3A_498 : vector<16xi1>
      %mul3A_500 = arith.constant 8192 : i32
      %mul3A_501 = vector.broadcast %mul3A_500 : i32 to vector<16xi32>
      %mul3A_502 = arith.muli %convert_element_type3A_470, %mul3A_501 : vector<16xi32>
      %mul3A_503 = arith.constant 32 : i32
      %mul3A_504 = vector.broadcast %mul3A_503 : i32 to vector<16xi32>
      %mul3A_505 = arith.muli %convert_element_type3A_479, %mul3A_504 : vector<16xi32>
      %add3A_506 = arith.addi %mul3A_502, %mul3A_505 : vector<16xi32>
      %add3A_507 = arith.addi %add3A_506, %convert_element_type3A_488 : vector<16xi32>
      %jit3A_508 = arith.constant 0 : i32
      %broadcast_in_dim3A_509 = vector.broadcast %jit3A_508 : i32 to vector<16xi32>
      %select_n3A_510 = arith.select %and3A_499, %add3A_507, %broadcast_in_dim3A_509 : vector<16xi1>, vector<16xi32>
      %swap3A_511 = arith.index_cast %mul3A_461 : i32 to index
      %swap3A_512 = tpu.vector_load %arg13[%swap3A_511] {strides = array<i32>} : memref<8192xi32, #tpu.memory_space<vmem>>, vector<16xi32>,
      %swap3A_513 = vector.shape_cast %swap3A_512 : vector<16xi32> to vector<16xi32>
      %swap3A_514 = vector.shape_cast %select_n3A_510 : vector<16xi32> to vector<16xi32>
      tpu.vector_store %arg13[%swap3A_511], %swap3A_514 {strides = array<i32>} : memref<8192xi32, #tpu.memory_space<vmem>>, vector<16xi32>,
      %scan3A_515 = arith.constant 2 : i32
      %scan3A_516 = arith.addi %scan3A_406, %scan3A_515 : i32
      %mul3A_517 = arith.constant 16 : i32
      %mul3A_518 = arith.muli %scan3A_516, %mul3A_517 : i32
      %get3A_519 = arith.index_cast %mul3A_518 : i32 to index
      %get3A_520 = tpu.vector_load %arg7[%get3A_519] {strides = array<i32>} : memref<8192xf32, #tpu.memory_space<vmem>>, vector<16xf32>,
      %get3A_521 = vector.shape_cast %get3A_520 : vector<16xf32> to vector<16xf32>
      %sub3A_522 = arith.subf %get3A_521, %get3A_40 : vector<16xf32>
      %mul3A_523 = arith.mulf %sub3A_522, %div3A_58 : vector<16xf32>
      %add3A_524 = arith.constant 5.000000e-01 : f32
      %add3A_525 = vector.broadcast %add3A_524 : f32 to vector<16xf32>
      %add3A_526 = arith.addf %mul3A_523, %add3A_525 : vector<16xf32>
      %convert_element_type3A_527 = arith.fptosi %add3A_526 : vector<16xf32> to vector<16xi32>
      %get3A_528 = arith.index_cast %mul3A_518 : i32 to index
      %get3A_529 = tpu.vector_load %arg9[%get3A_528] {strides = array<i32>} : memref<8192xf32, #tpu.memory_space<vmem>>, vector<16xf32>,
      %get3A_530 = vector.shape_cast %get3A_529 : vector<16xf32> to vector<16xf32>
      %sub3A_531 = arith.subf %get3A_530, %get3A_45 : vector<16xf32>
      %mul3A_532 = arith.mulf %sub3A_531, %div3A_58 : vector<16xf32>
      %add3A_533 = arith.constant 5.000000e-01 : f32
      %add3A_534 = vector.broadcast %add3A_533 : f32 to vector<16xf32>
      %add3A_535 = arith.addf %mul3A_532, %add3A_534 : vector<16xf32>
      %convert_element_type3A_536 = arith.fptosi %add3A_535 : vector<16xf32> to vector<16xi32>
      %get3A_537 = arith.index_cast %mul3A_518 : i32 to index
      %get3A_538 = tpu.vector_load %arg11[%get3A_537] {strides = array<i32>} : memref<8192xf32, #tpu.memory_space<vmem>>, vector<16xf32>,
      %get3A_539 = vector.shape_cast %get3A_538 : vector<16xf32> to vector<16xf32>
      %sub3A_540 = arith.subf %get3A_539, %get3A_50 : vector<16xf32>
      %mul3A_541 = arith.mulf %sub3A_540, %div3A_58 : vector<16xf32>
      %add3A_542 = arith.constant 5.000000e-01 : f32
      %add3A_543 = vector.broadcast %add3A_542 : f32 to vector<16xf32>
      %add3A_544 = arith.addf %mul3A_541, %add3A_543 : vector<16xf32>
      %convert_element_type3A_545 = arith.fptosi %add3A_544 : vector<16xf32> to vector<16xi32>
      %ge3A_546 = arith.cmpi sge, %convert_element_type3A_527, %get3A_63 : vector<16xi32>
      %lt3A_547 = arith.cmpi slt, %convert_element_type3A_527, %get3A_78 : vector<16xi32>
      %and3A_548 = arith.andi %ge3A_546, %lt3A_547 : vector<16xi1>
      %ge3A_549 = arith.cmpi sge, %convert_element_type3A_536, %get3A_68 : vector<16xi32>
      %and3A_550 = arith.andi %and3A_548, %ge3A_549 : vector<16xi1>
      %lt3A_551 = arith.cmpi slt, %convert_element_type3A_536, %get3A_83 : vector<16xi32>
      %and3A_552 = arith.andi %and3A_550, %lt3A_551 : vector<16xi1>
      %ge3A_553 = arith.cmpi sge, %convert_element_type3A_545, %get3A_73 : vector<16xi32>
      %and3A_554 = arith.andi %and3A_552, %ge3A_553 : vector<16xi1>
      %lt3A_555 = arith.cmpi slt, %convert_element_type3A_545, %get3A_88 : vector<16xi32>
      %and3A_556 = arith.andi %and3A_554, %lt3A_555 : vector<16xi1>
      %mul3A_557 = arith.constant 8192 : i32
      %mul3A_558 = vector.broadcast %mul3A_557 : i32 to vector<16xi32>
      %mul3A_559 = arith.muli %convert_element_type3A_527, %mul3A_558 : vector<16xi32>
      %mul3A_560 = arith.constant 32 : i32
      %mul3A_561 = vector.broadcast %mul3A_560 : i32 to vector<16xi32>
      %mul3A_562 = arith.muli %convert_element_type3A_536, %mul3A_561 : vector<16xi32>
      %add3A_563 = arith.addi %mul3A_559, %mul3A_562 : vector<16xi32>
      %add3A_564 = arith.addi %add3A_563, %convert_element_type3A_545 : vector<16xi32>
      %jit3A_565 = arith.constant 0 : i32
      %broadcast_in_dim3A_566 = vector.broadcast %jit3A_565 : i32 to vector<16xi32>
      %select_n3A_567 = arith.select %and3A_556, %add3A_564, %broadcast_in_dim3A_566 : vector<16xi1>, vector<16xi32>
      %swap3A_568 = arith.index_cast %mul3A_518 : i32 to index
      %swap3A_569 = tpu.vector_load %arg13[%swap3A_568] {strides = array<i32>} : memref<8192xi32, #tpu.memory_space<vmem>>, vector<16xi32>,
      %swap3A_570 = vector.shape_cast %swap3A_569 : vector<16xi32> to vector<16xi32>
      %swap3A_571 = vector.shape_cast %select_n3A_567 : vector<16xi32> to vector<16xi32>
      tpu.vector_store %arg13[%swap3A_568], %swap3A_571 {strides = array<i32>} : memref<8192xi32, #tpu.memory_space<vmem>>, vector<16xi32>,
      %scan3A_572 = arith.constant 3 : i32
      %scan3A_573 = arith.addi %scan3A_406, %scan3A_572 : i32
      %mul3A_574 = arith.constant 16 : i32
      %mul3A_575 = arith.muli %scan3A_573, %mul3A_574 : i32
      %get3A_576 = arith.index_cast %mul3A_575 : i32 to index
      %get3A_577 = tpu.vector_load %arg7[%get3A_576] {strides = array<i32>} : memref<8192xf32, #tpu.memory_space<vmem>>, vector<16xf32>,
      %get3A_578 = vector.shape_cast %get3A_577 : vector<16xf32> to vector<16xf32>
      %sub3A_579 = arith.subf %get3A_578, %get3A_40 : vector<16xf32>
      %mul3A_580 = arith.mulf %sub3A_579, %div3A_58 : vector<16xf32>
      %add3A_581 = arith.constant 5.000000e-01 : f32
      %add3A_582 = vector.broadcast %add3A_581 : f32 to vector<16xf32>
      %add3A_583 = arith.addf %mul3A_580, %add3A_582 : vector<16xf32>
      %convert_element_type3A_584 = arith.fptosi %add3A_583 : vector<16xf32> to vector<16xi32>
      %get3A_585 = arith.index_cast %mul3A_575 : i32 to index
      %get3A_586 = tpu.vector_load %arg9[%get3A_585] {strides = array<i32>} : memref<8192xf32, #tpu.memory_space<vmem>>, vector<16xf32>,
      %get3A_587 = vector.shape_cast %get3A_586 : vector<16xf32> to vector<16xf32>
      %sub3A_588 = arith.subf %get3A_587, %get3A_45 : vector<16xf32>
      %mul3A_589 = arith.mulf %sub3A_588, %div3A_58 : vector<16xf32>
      %add3A_590 = arith.constant 5.000000e-01 : f32
      %add3A_591 = vector.broadcast %add3A_590 : f32 to vector<16xf32>
      %add3A_592 = arith.addf %mul3A_589, %add3A_591 : vector<16xf32>
      %convert_element_type3A_593 = arith.fptosi %add3A_592 : vector<16xf32> to vector<16xi32>
      %get3A_594 = arith.index_cast %mul3A_575 : i32 to index
      %get3A_595 = tpu.vector_load %arg11[%get3A_594] {strides = array<i32>} : memref<8192xf32, #tpu.memory_space<vmem>>, vector<16xf32>,
      %get3A_596 = vector.shape_cast %get3A_595 : vector<16xf32> to vector<16xf32>
      %sub3A_597 = arith.subf %get3A_596, %get3A_50 : vector<16xf32>
      %mul3A_598 = arith.mulf %sub3A_597, %div3A_58 : vector<16xf32>
      %add3A_599 = arith.constant 5.000000e-01 : f32
      %add3A_600 = vector.broadcast %add3A_599 : f32 to vector<16xf32>
      %add3A_601 = arith.addf %mul3A_598, %add3A_600 : vector<16xf32>
      %convert_element_type3A_602 = arith.fptosi %add3A_601 : vector<16xf32> to vector<16xi32>
      %ge3A_603 = arith.cmpi sge, %convert_element_type3A_584, %get3A_63 : vector<16xi32>
      %lt3A_604 = arith.cmpi slt, %convert_element_type3A_584, %get3A_78 : vector<16xi32>
      %and3A_605 = arith.andi %ge3A_603, %lt3A_604 : vector<16xi1>
      %ge3A_606 = arith.cmpi sge, %convert_element_type3A_593, %get3A_68 : vector<16xi32>
      %and3A_607 = arith.andi %and3A_605, %ge3A_606 : vector<16xi1>
      %lt3A_608 = arith.cmpi slt, %convert_element_type3A_593, %get3A_83 : vector<16xi32>
      %and3A_609 = arith.andi %and3A_607, %lt3A_608 : vector<16xi1>
      %ge3A_610 = arith.cmpi sge, %convert_element_type3A_602, %get3A_73 : vector<16xi32>
      %and3A_611 = arith.andi %and3A_609, %ge3A_610 : vector<16xi1>
      %lt3A_612 = arith.cmpi slt, %convert_element_type3A_602, %get3A_88 : vector<16xi32>
      %and3A_613 = arith.andi %and3A_611, %lt3A_612 : vector<16xi1>
      %mul3A_614 = arith.constant 8192 : i32
      %mul3A_615 = vector.broadcast %mul3A_614 : i32 to vector<16xi32>
      %mul3A_616 = arith.muli %convert_element_type3A_584, %mul3A_615 : vector<16xi32>
      %mul3A_617 = arith.constant 32 : i32
      %mul3A_618 = vector.broadcast %mul3A_617 : i32 to vector<16xi32>
      %mul3A_619 = arith.muli %convert_element_type3A_593, %mul3A_618 : vector<16xi32>
      %add3A_620 = arith.addi %mul3A_616, %mul3A_619 : vector<16xi32>
      %add3A_621 = arith.addi %add3A_620, %convert_element_type3A_602 : vector<16xi32>
      %jit3A_622 = arith.constant 0 : i32
      %broadcast_in_dim3A_623 = vector.broadcast %jit3A_622 : i32 to vector<16xi32>
      %select_n3A_624 = arith.select %and3A_613, %add3A_621, %broadcast_in_dim3A_623 : vector<16xi1>, vector<16xi32>
      %swap3A_625 = arith.index_cast %mul3A_575 : i32 to index
      %swap3A_626 = tpu.vector_load %arg13[%swap3A_625] {strides = array<i32>} : memref<8192xi32, #tpu.memory_space<vmem>>, vector<16xi32>,
      %swap3A_627 = vector.shape_cast %swap3A_626 : vector<16xi32> to vector<16xi32>
      %swap3A_628 = vector.shape_cast %select_n3A_624 : vector<16xi32> to vector<16xi32>
      tpu.vector_store %arg13[%swap3A_625], %swap3A_628 {strides = array<i32>} : memref<8192xi32, #tpu.memory_space<vmem>>, vector<16xi32>,
    }
    %scan3A_274 = arith.constant 512 : i32
    %dma_wait3A_275 = tpu.memref_slice %arg6[%add3A_245] : memref<2097152xf32, #tpu.memory_space<hbm>> -> memref<8192xf32, #tpu.memory_space<hbm>>
    %dma_wait3A_276 = tpu.memref_slice %arg6[%add3A_245] : memref<2097152xf32, #tpu.memory_space<hbm>> -> memref<8192xf32, #tpu.memory_space<hbm>>
    tpu.wait_dma2 semaphore(%arg22 : memref<!tpu.dma_semaphore, #tpu.memory_space<semaphore_mem>>) src(%arg15 : memref<8192xf32, #tpu.memory_space<vmem>>) dst(%dma_wait3A_276 : memref<8192xf32, #tpu.memory_space<hbm>>)
    %dma_start3A_277 = arith.constant 0 : i32
    %dma_start3A_278 = tpu.memref_slice %arg3[%dma_start3A_277] : memref<2097152xf32, #tpu.memory_space<hbm>> -> memref<2097152xf32, #tpu.memory_space<hbm>>
    tpu.enqueue_indirect_dma source(%dma_start3A_278 : memref<2097152xf32, #tpu.memory_space<hbm>>) target(%arg15 : memref<8192xf32, #tpu.memory_space<vmem>>) offsets(%arg13 : memref<8192xi32, #tpu.memory_space<vmem>>) semaphore(%arg20 : memref<!tpu.dma_semaphore, #tpu.memory_space<semaphore_mem>>)
    %dma_wait3A_279 = arith.constant 0 : i32
    %dma_wait3A_280 = tpu.memref_slice %arg3[%dma_wait3A_279] : memref<2097152xf32, #tpu.memory_space<hbm>> -> memref<2097152xf32, #tpu.memory_space<hbm>>
    tpu.wait_indirect_dma semaphore(%arg21 : memref<!tpu.dma_semaphore, #tpu.memory_space<semaphore_mem>>) src(%dma_wait3A_280 : memref<2097152xf32, #tpu.memory_space<hbm>>) dst(%arg16 : memref<8192xf32, #tpu.memory_space<vmem>>)
    %mul3A_281 = arith.constant 262144 : i32
    %mul3A_282 = arith.muli %select_n3A, %mul3A_281 : i32
    %add3A_283 = arith.addi %mul3A_282, %mul3A_32 : i32
    %add3A_284 = arith.constant 24576 : i32
    %add3A_285 = arith.addi %add3A_283, %add3A_284 : i32
    %dma_start3A_286 = tpu.memref_slice %arg6[%add3A_285] : memref<2097152xf32, #tpu.memory_space<hbm>> -> memref<8192xf32, #tpu.memory_space<hbm>>
    %dma_start3A_287 = tpu.memref_slice %arg6[%add3A_285] : memref<2097152xf32, #tpu.memory_space<hbm>> -> memref<8192xf32, #tpu.memory_space<hbm>>
    tpu.enqueue_dma source(%arg16 : memref<8192xf32, #tpu.memory_space<vmem>>) target(%dma_start3A_287 : memref<8192xf32, #tpu.memory_space<hbm>>) target_semaphore(%arg22 : memref<!tpu.dma_semaphore, #tpu.memory_space<semaphore_mem>>)
    %dma_wait3A_288 = tpu.memref_slice %arg2[%add3A_256] : memref<6291456xf32, #tpu.memory_space<hbm>> -> memref<8192xf32, #tpu.memory_space<hbm>>
    %dma_wait3A_289 = tpu.memref_slice %arg2[%add3A_256] : memref<6291456xf32, #tpu.memory_space<hbm>> -> memref<8192xf32, #tpu.memory_space<hbm>>
    tpu.wait_dma2 semaphore(%arg19 : memref<!tpu.dma_semaphore, #tpu.memory_space<semaphore_mem>>) src(%dma_wait3A_289 : memref<8192xf32, #tpu.memory_space<hbm>>) dst(%arg8 : memref<8192xf32, #tpu.memory_space<vmem>>)
    %dma_wait3A_290 = tpu.memref_slice %arg2[%add3A_261] : memref<6291456xf32, #tpu.memory_space<hbm>> -> memref<8192xf32, #tpu.memory_space<hbm>>
    %dma_wait3A_291 = tpu.memref_slice %arg2[%add3A_261] : memref<6291456xf32, #tpu.memory_space<hbm>> -> memref<8192xf32, #tpu.memory_space<hbm>>
    tpu.wait_dma2 semaphore(%arg19 : memref<!tpu.dma_semaphore, #tpu.memory_space<semaphore_mem>>) src(%dma_wait3A_291 : memref<8192xf32, #tpu.memory_space<hbm>>) dst(%arg10 : memref<8192xf32, #tpu.memory_space<vmem>>)
    %dma_wait3A_292 = tpu.memref_slice %arg2[%add3A_266] : memref<6291456xf32, #tpu.memory_space<hbm>> -> memref<8192xf32, #tpu.memory_space<hbm>>
    %dma_wait3A_293 = tpu.memref_slice %arg2[%add3A_266] : memref<6291456xf32, #tpu.memory_space<hbm>> -> memref<8192xf32, #tpu.memory_space<hbm>>
    tpu.wait_dma2 semaphore(%arg19 : memref<!tpu.dma_semaphore, #tpu.memory_space<semaphore_mem>>) src(%dma_wait3A_293 : memref<8192xf32, #tpu.memory_space<hbm>>) dst(%arg12 : memref<8192xf32, #tpu.memory_space<vmem>>)
    %add3A_294 = arith.constant 49152 : i32
    %add3A_295 = arith.addi %mul3A_32, %add3A_294 : i32
    %add3A_296 = arith.addi %mul3A_36, %add3A_295 : i32
    %dma_start3A_297 = tpu.memref_slice %arg2[%add3A_296] : memref<6291456xf32, #tpu.memory_space<hbm>> -> memref<8192xf32, #tpu.memory_space<hbm>>
    %dma_start3A_298 = tpu.memref_slice %arg2[%add3A_296] : memref<6291456xf32, #tpu.memory_space<hbm>> -> memref<8192xf32, #tpu.memory_space<hbm>>
    tpu.enqueue_dma source(%dma_start3A_298 : memref<8192xf32, #tpu.memory_space<hbm>>) target(%arg7 : memref<8192xf32, #tpu.memory_space<vmem>>) target_semaphore(%arg19 : memref<!tpu.dma_semaphore, #tpu.memory_space<semaphore_mem>>)
    %add3A_299 = arith.constant 262144 : i32
    %add3A_300 = arith.addi %mul3A_36, %add3A_299 : i32
    %add3A_301 = arith.addi %add3A_300, %add3A_295 : i32
    %dma_start3A_302 = tpu.memref_slice %arg2[%add3A_301] : memref<6291456xf32, #tpu.memory_space<hbm>> -> memref<8192xf32, #tpu.memory_space<hbm>>
    %dma_start3A_303 = tpu.memref_slice %arg2[%add3A_301] : memref<6291456xf32, #tpu.memory_space<hbm>> -> memref<8192xf32, #tpu.memory_space<hbm>>
    tpu.enqueue_dma source(%dma_start3A_303 : memref<8192xf32, #tpu.memory_space<hbm>>) target(%arg9 : memref<8192xf32, #tpu.memory_space<vmem>>) target_semaphore(%arg19 : memref<!tpu.dma_semaphore, #tpu.memory_space<semaphore_mem>>)
    %add3A_304 = arith.constant 524288 : i32
    %add3A_305 = arith.addi %mul3A_36, %add3A_304 : i32
    %add3A_306 = arith.addi %add3A_305, %add3A_295 : i32
    %dma_start3A_307 = tpu.memref_slice %arg2[%add3A_306] : memref<6291456xf32, #tpu.memory_space<hbm>> -> memref<8192xf32, #tpu.memory_space<hbm>>
    %dma_start3A_308 = tpu.memref_slice %arg2[%add3A_306] : memref<6291456xf32, #tpu.memory_space<hbm>> -> memref<8192xf32, #tpu.memory_space<hbm>>
    tpu.enqueue_dma source(%dma_start3A_308 : memref<8192xf32, #tpu.memory_space<hbm>>) target(%arg11 : memref<8192xf32, #tpu.memory_space<vmem>>) target_semaphore(%arg19 : memref<!tpu.dma_semaphore, #tpu.memory_space<semaphore_mem>>)
    %scan3A_309 = arith.constant 0 : i32
    %scan3A_310 = arith.constant 0 : i32
    %scan3A_311 = arith.constant 512 : i32
    %scan3A_312 = arith.addi %scan3A_310, %scan3A_311 : i32
    %scan3A_313 = arith.constant 4 : i32
    scf.for %scan3A_406 = %scan3A_310 to %scan3A_312 step %scan3A_313  : i32 {
      %mul3A_407 = arith.constant 16 : i32
      %mul3A_408 = arith.muli %scan3A_406, %mul3A_407 : i32
      %get3A_409 = arith.index_cast %mul3A_408 : i32 to index
      %get3A_410 = tpu.vector_load %arg8[%get3A_409] {strides = array<i32>} : memref<8192xf32, #tpu.memory_space<vmem>>, vector<16xf32>,
      %get3A_411 = vector.shape_cast %get3A_410 : vector<16xf32> to vector<16xf32>
      %sub3A_412 = arith.subf %get3A_411, %get3A_40 : vector<16xf32>
      %mul3A_413 = arith.mulf %sub3A_412, %div3A_58 : vector<16xf32>
      %add3A_414 = arith.constant 5.000000e-01 : f32
      %add3A_415 = vector.broadcast %add3A_414 : f32 to vector<16xf32>
      %add3A_416 = arith.addf %mul3A_413, %add3A_415 : vector<16xf32>
      %convert_element_type3A = arith.fptosi %add3A_416 : vector<16xf32> to vector<16xi32>
      %get3A_417 = arith.index_cast %mul3A_408 : i32 to index
      %get3A_418 = tpu.vector_load %arg10[%get3A_417] {strides = array<i32>} : memref<8192xf32, #tpu.memory_space<vmem>>, vector<16xf32>,
      %get3A_419 = vector.shape_cast %get3A_418 : vector<16xf32> to vector<16xf32>
      %sub3A_420 = arith.subf %get3A_419, %get3A_45 : vector<16xf32>
      %mul3A_421 = arith.mulf %sub3A_420, %div3A_58 : vector<16xf32>
      %add3A_422 = arith.constant 5.000000e-01 : f32
      %add3A_423 = vector.broadcast %add3A_422 : f32 to vector<16xf32>
      %add3A_424 = arith.addf %mul3A_421, %add3A_423 : vector<16xf32>
      %convert_element_type3A_425 = arith.fptosi %add3A_424 : vector<16xf32> to vector<16xi32>
      %get3A_426 = arith.index_cast %mul3A_408 : i32 to index
      %get3A_427 = tpu.vector_load %arg12[%get3A_426] {strides = array<i32>} : memref<8192xf32, #tpu.memory_space<vmem>>, vector<16xf32>,
      %get3A_428 = vector.shape_cast %get3A_427 : vector<16xf32> to vector<16xf32>
      %sub3A_429 = arith.subf %get3A_428, %get3A_50 : vector<16xf32>
      %mul3A_430 = arith.mulf %sub3A_429, %div3A_58 : vector<16xf32>
      %add3A_431 = arith.constant 5.000000e-01 : f32
      %add3A_432 = vector.broadcast %add3A_431 : f32 to vector<16xf32>
      %add3A_433 = arith.addf %mul3A_430, %add3A_432 : vector<16xf32>
      %convert_element_type3A_434 = arith.fptosi %add3A_433 : vector<16xf32> to vector<16xi32>
      %ge3A = arith.cmpi sge, %convert_element_type3A, %get3A_63 : vector<16xi32>
      %lt3A_435 = arith.cmpi slt, %convert_element_type3A, %get3A_78 : vector<16xi32>
      %and3A_436 = arith.andi %ge3A, %lt3A_435 : vector<16xi1>
      %ge3A_437 = arith.cmpi sge, %convert_element_type3A_425, %get3A_68 : vector<16xi32>
      %and3A_438 = arith.andi %and3A_436, %ge3A_437 : vector<16xi1>
      %lt3A_439 = arith.cmpi slt, %convert_element_type3A_425, %get3A_83 : vector<16xi32>
      %and3A_440 = arith.andi %and3A_438, %lt3A_439 : vector<16xi1>
      %ge3A_441 = arith.cmpi sge, %convert_element_type3A_434, %get3A_73 : vector<16xi32>
      %and3A_442 = arith.andi %and3A_440, %ge3A_441 : vector<16xi1>
      %lt3A_443 = arith.cmpi slt, %convert_element_type3A_434, %get3A_88 : vector<16xi32>
      %and3A_444 = arith.andi %and3A_442, %lt3A_443 : vector<16xi1>
      %mul3A_445 = arith.constant 8192 : i32
      %mul3A_446 = vector.broadcast %mul3A_445 : i32 to vector<16xi32>
      %mul3A_447 = arith.muli %convert_element_type3A, %mul3A_446 : vector<16xi32>
      %mul3A_448 = arith.constant 32 : i32
      %mul3A_449 = vector.broadcast %mul3A_448 : i32 to vector<16xi32>
      %mul3A_450 = arith.muli %convert_element_type3A_425, %mul3A_449 : vector<16xi32>
      %add3A_451 = arith.addi %mul3A_447, %mul3A_450 : vector<16xi32>
      %add3A_452 = arith.addi %add3A_451, %convert_element_type3A_434 : vector<16xi32>
      %jit3A_453 = arith.constant 0 : i32
      %broadcast_in_dim3A = vector.broadcast %jit3A_453 : i32 to vector<16xi32>
      %select_n3A_454 = arith.select %and3A_444, %add3A_452, %broadcast_in_dim3A : vector<16xi1>, vector<16xi32>
      %swap3A = arith.index_cast %mul3A_408 : i32 to index
      %swap3A_455 = tpu.vector_load %arg14[%swap3A] {strides = array<i32>} : memref<8192xi32, #tpu.memory_space<vmem>>, vector<16xi32>,
      %swap3A_456 = vector.shape_cast %swap3A_455 : vector<16xi32> to vector<16xi32>
      %swap3A_457 = vector.shape_cast %select_n3A_454 : vector<16xi32> to vector<16xi32>
      tpu.vector_store %arg14[%swap3A], %swap3A_457 {strides = array<i32>} : memref<8192xi32, #tpu.memory_space<vmem>>, vector<16xi32>,
      %scan3A_458 = arith.constant 1 : i32
      %scan3A_459 = arith.addi %scan3A_406, %scan3A_458 : i32
      %mul3A_460 = arith.constant 16 : i32
      %mul3A_461 = arith.muli %scan3A_459, %mul3A_460 : i32
      %get3A_462 = arith.index_cast %mul3A_461 : i32 to index
      %get3A_463 = tpu.vector_load %arg8[%get3A_462] {strides = array<i32>} : memref<8192xf32, #tpu.memory_space<vmem>>, vector<16xf32>,
      %get3A_464 = vector.shape_cast %get3A_463 : vector<16xf32> to vector<16xf32>
      %sub3A_465 = arith.subf %get3A_464, %get3A_40 : vector<16xf32>
      %mul3A_466 = arith.mulf %sub3A_465, %div3A_58 : vector<16xf32>
      %add3A_467 = arith.constant 5.000000e-01 : f32
      %add3A_468 = vector.broadcast %add3A_467 : f32 to vector<16xf32>
      %add3A_469 = arith.addf %mul3A_466, %add3A_468 : vector<16xf32>
      %convert_element_type3A_470 = arith.fptosi %add3A_469 : vector<16xf32> to vector<16xi32>
      %get3A_471 = arith.index_cast %mul3A_461 : i32 to index
      %get3A_472 = tpu.vector_load %arg10[%get3A_471] {strides = array<i32>} : memref<8192xf32, #tpu.memory_space<vmem>>, vector<16xf32>,
      %get3A_473 = vector.shape_cast %get3A_472 : vector<16xf32> to vector<16xf32>
      %sub3A_474 = arith.subf %get3A_473, %get3A_45 : vector<16xf32>
      %mul3A_475 = arith.mulf %sub3A_474, %div3A_58 : vector<16xf32>
      %add3A_476 = arith.constant 5.000000e-01 : f32
      %add3A_477 = vector.broadcast %add3A_476 : f32 to vector<16xf32>
      %add3A_478 = arith.addf %mul3A_475, %add3A_477 : vector<16xf32>
      %convert_element_type3A_479 = arith.fptosi %add3A_478 : vector<16xf32> to vector<16xi32>
      %get3A_480 = arith.index_cast %mul3A_461 : i32 to index
      %get3A_481 = tpu.vector_load %arg12[%get3A_480] {strides = array<i32>} : memref<8192xf32, #tpu.memory_space<vmem>>, vector<16xf32>,
      %get3A_482 = vector.shape_cast %get3A_481 : vector<16xf32> to vector<16xf32>
      %sub3A_483 = arith.subf %get3A_482, %get3A_50 : vector<16xf32>
      %mul3A_484 = arith.mulf %sub3A_483, %div3A_58 : vector<16xf32>
      %add3A_485 = arith.constant 5.000000e-01 : f32
      %add3A_486 = vector.broadcast %add3A_485 : f32 to vector<16xf32>
      %add3A_487 = arith.addf %mul3A_484, %add3A_486 : vector<16xf32>
      %convert_element_type3A_488 = arith.fptosi %add3A_487 : vector<16xf32> to vector<16xi32>
      %ge3A_489 = arith.cmpi sge, %convert_element_type3A_470, %get3A_63 : vector<16xi32>
      %lt3A_490 = arith.cmpi slt, %convert_element_type3A_470, %get3A_78 : vector<16xi32>
      %and3A_491 = arith.andi %ge3A_489, %lt3A_490 : vector<16xi1>
      %ge3A_492 = arith.cmpi sge, %convert_element_type3A_479, %get3A_68 : vector<16xi32>
      %and3A_493 = arith.andi %and3A_491, %ge3A_492 : vector<16xi1>
      %lt3A_494 = arith.cmpi slt, %convert_element_type3A_479, %get3A_83 : vector<16xi32>
      %and3A_495 = arith.andi %and3A_493, %lt3A_494 : vector<16xi1>
      %ge3A_496 = arith.cmpi sge, %convert_element_type3A_488, %get3A_73 : vector<16xi32>
      %and3A_497 = arith.andi %and3A_495, %ge3A_496 : vector<16xi1>
      %lt3A_498 = arith.cmpi slt, %convert_element_type3A_488, %get3A_88 : vector<16xi32>
      %and3A_499 = arith.andi %and3A_497, %lt3A_498 : vector<16xi1>
      %mul3A_500 = arith.constant 8192 : i32
      %mul3A_501 = vector.broadcast %mul3A_500 : i32 to vector<16xi32>
      %mul3A_502 = arith.muli %convert_element_type3A_470, %mul3A_501 : vector<16xi32>
      %mul3A_503 = arith.constant 32 : i32
      %mul3A_504 = vector.broadcast %mul3A_503 : i32 to vector<16xi32>
      %mul3A_505 = arith.muli %convert_element_type3A_479, %mul3A_504 : vector<16xi32>
      %add3A_506 = arith.addi %mul3A_502, %mul3A_505 : vector<16xi32>
      %add3A_507 = arith.addi %add3A_506, %convert_element_type3A_488 : vector<16xi32>
      %jit3A_508 = arith.constant 0 : i32
      %broadcast_in_dim3A_509 = vector.broadcast %jit3A_508 : i32 to vector<16xi32>
      %select_n3A_510 = arith.select %and3A_499, %add3A_507, %broadcast_in_dim3A_509 : vector<16xi1>, vector<16xi32>
      %swap3A_511 = arith.index_cast %mul3A_461 : i32 to index
      %swap3A_512 = tpu.vector_load %arg14[%swap3A_511] {strides = array<i32>} : memref<8192xi32, #tpu.memory_space<vmem>>, vector<16xi32>,
      %swap3A_513 = vector.shape_cast %swap3A_512 : vector<16xi32> to vector<16xi32>
      %swap3A_514 = vector.shape_cast %select_n3A_510 : vector<16xi32> to vector<16xi32>
      tpu.vector_store %arg14[%swap3A_511], %swap3A_514 {strides = array<i32>} : memref<8192xi32, #tpu.memory_space<vmem>>, vector<16xi32>,
      %scan3A_515 = arith.constant 2 : i32
      %scan3A_516 = arith.addi %scan3A_406, %scan3A_515 : i32
      %mul3A_517 = arith.constant 16 : i32
      %mul3A_518 = arith.muli %scan3A_516, %mul3A_517 : i32
      %get3A_519 = arith.index_cast %mul3A_518 : i32 to index
      %get3A_520 = tpu.vector_load %arg8[%get3A_519] {strides = array<i32>} : memref<8192xf32, #tpu.memory_space<vmem>>, vector<16xf32>,
      %get3A_521 = vector.shape_cast %get3A_520 : vector<16xf32> to vector<16xf32>
      %sub3A_522 = arith.subf %get3A_521, %get3A_40 : vector<16xf32>
      %mul3A_523 = arith.mulf %sub3A_522, %div3A_58 : vector<16xf32>
      %add3A_524 = arith.constant 5.000000e-01 : f32
      %add3A_525 = vector.broadcast %add3A_524 : f32 to vector<16xf32>
      %add3A_526 = arith.addf %mul3A_523, %add3A_525 : vector<16xf32>
      %convert_element_type3A_527 = arith.fptosi %add3A_526 : vector<16xf32> to vector<16xi32>
      %get3A_528 = arith.index_cast %mul3A_518 : i32 to index
      %get3A_529 = tpu.vector_load %arg10[%get3A_528] {strides = array<i32>} : memref<8192xf32, #tpu.memory_space<vmem>>, vector<16xf32>,
      %get3A_530 = vector.shape_cast %get3A_529 : vector<16xf32> to vector<16xf32>
      %sub3A_531 = arith.subf %get3A_530, %get3A_45 : vector<16xf32>
      %mul3A_532 = arith.mulf %sub3A_531, %div3A_58 : vector<16xf32>
      %add3A_533 = arith.constant 5.000000e-01 : f32
      %add3A_534 = vector.broadcast %add3A_533 : f32 to vector<16xf32>
      %add3A_535 = arith.addf %mul3A_532, %add3A_534 : vector<16xf32>
      %convert_element_type3A_536 = arith.fptosi %add3A_535 : vector<16xf32> to vector<16xi32>
      %get3A_537 = arith.index_cast %mul3A_518 : i32 to index
      %get3A_538 = tpu.vector_load %arg12[%get3A_537] {strides = array<i32>} : memref<8192xf32, #tpu.memory_space<vmem>>, vector<16xf32>,
      %get3A_539 = vector.shape_cast %get3A_538 : vector<16xf32> to vector<16xf32>
      %sub3A_540 = arith.subf %get3A_539, %get3A_50 : vector<16xf32>
      %mul3A_541 = arith.mulf %sub3A_540, %div3A_58 : vector<16xf32>
      %add3A_542 = arith.constant 5.000000e-01 : f32
      %add3A_543 = vector.broadcast %add3A_542 : f32 to vector<16xf32>
      %add3A_544 = arith.addf %mul3A_541, %add3A_543 : vector<16xf32>
      %convert_element_type3A_545 = arith.fptosi %add3A_544 : vector<16xf32> to vector<16xi32>
      %ge3A_546 = arith.cmpi sge, %convert_element_type3A_527, %get3A_63 : vector<16xi32>
      %lt3A_547 = arith.cmpi slt, %convert_element_type3A_527, %get3A_78 : vector<16xi32>
      %and3A_548 = arith.andi %ge3A_546, %lt3A_547 : vector<16xi1>
      %ge3A_549 = arith.cmpi sge, %convert_element_type3A_536, %get3A_68 : vector<16xi32>
      %and3A_550 = arith.andi %and3A_548, %ge3A_549 : vector<16xi1>
      %lt3A_551 = arith.cmpi slt, %convert_element_type3A_536, %get3A_83 : vector<16xi32>
      %and3A_552 = arith.andi %and3A_550, %lt3A_551 : vector<16xi1>
      %ge3A_553 = arith.cmpi sge, %convert_element_type3A_545, %get3A_73 : vector<16xi32>
      %and3A_554 = arith.andi %and3A_552, %ge3A_553 : vector<16xi1>
      %lt3A_555 = arith.cmpi slt, %convert_element_type3A_545, %get3A_88 : vector<16xi32>
      %and3A_556 = arith.andi %and3A_554, %lt3A_555 : vector<16xi1>
      %mul3A_557 = arith.constant 8192 : i32
      %mul3A_558 = vector.broadcast %mul3A_557 : i32 to vector<16xi32>
      %mul3A_559 = arith.muli %convert_element_type3A_527, %mul3A_558 : vector<16xi32>
      %mul3A_560 = arith.constant 32 : i32
      %mul3A_561 = vector.broadcast %mul3A_560 : i32 to vector<16xi32>
      %mul3A_562 = arith.muli %convert_element_type3A_536, %mul3A_561 : vector<16xi32>
      %add3A_563 = arith.addi %mul3A_559, %mul3A_562 : vector<16xi32>
      %add3A_564 = arith.addi %add3A_563, %convert_element_type3A_545 : vector<16xi32>
      %jit3A_565 = arith.constant 0 : i32
      %broadcast_in_dim3A_566 = vector.broadcast %jit3A_565 : i32 to vector<16xi32>
      %select_n3A_567 = arith.select %and3A_556, %add3A_564, %broadcast_in_dim3A_566 : vector<16xi1>, vector<16xi32>
      %swap3A_568 = arith.index_cast %mul3A_518 : i32 to index
      %swap3A_569 = tpu.vector_load %arg14[%swap3A_568] {strides = array<i32>} : memref<8192xi32, #tpu.memory_space<vmem>>, vector<16xi32>,
      %swap3A_570 = vector.shape_cast %swap3A_569 : vector<16xi32> to vector<16xi32>
      %swap3A_571 = vector.shape_cast %select_n3A_567 : vector<16xi32> to vector<16xi32>
      tpu.vector_store %arg14[%swap3A_568], %swap3A_571 {strides = array<i32>} : memref<8192xi32, #tpu.memory_space<vmem>>, vector<16xi32>,
      %scan3A_572 = arith.constant 3 : i32
      %scan3A_573 = arith.addi %scan3A_406, %scan3A_572 : i32
      %mul3A_574 = arith.constant 16 : i32
      %mul3A_575 = arith.muli %scan3A_573, %mul3A_574 : i32
      %get3A_576 = arith.index_cast %mul3A_575 : i32 to index
      %get3A_577 = tpu.vector_load %arg8[%get3A_576] {strides = array<i32>} : memref<8192xf32, #tpu.memory_space<vmem>>, vector<16xf32>,
      %get3A_578 = vector.shape_cast %get3A_577 : vector<16xf32> to vector<16xf32>
      %sub3A_579 = arith.subf %get3A_578, %get3A_40 : vector<16xf32>
      %mul3A_580 = arith.mulf %sub3A_579, %div3A_58 : vector<16xf32>
      %add3A_581 = arith.constant 5.000000e-01 : f32
      %add3A_582 = vector.broadcast %add3A_581 : f32 to vector<16xf32>
      %add3A_583 = arith.addf %mul3A_580, %add3A_582 : vector<16xf32>
      %convert_element_type3A_584 = arith.fptosi %add3A_583 : vector<16xf32> to vector<16xi32>
      %get3A_585 = arith.index_cast %mul3A_575 : i32 to index
      %get3A_586 = tpu.vector_load %arg10[%get3A_585] {strides = array<i32>} : memref<8192xf32, #tpu.memory_space<vmem>>, vector<16xf32>,
      %get3A_587 = vector.shape_cast %get3A_586 : vector<16xf32> to vector<16xf32>
      %sub3A_588 = arith.subf %get3A_587, %get3A_45 : vector<16xf32>
      %mul3A_589 = arith.mulf %sub3A_588, %div3A_58 : vector<16xf32>
      %add3A_590 = arith.constant 5.000000e-01 : f32
      %add3A_591 = vector.broadcast %add3A_590 : f32 to vector<16xf32>
      %add3A_592 = arith.addf %mul3A_589, %add3A_591 : vector<16xf32>
      %convert_element_type3A_593 = arith.fptosi %add3A_592 : vector<16xf32> to vector<16xi32>
      %get3A_594 = arith.index_cast %mul3A_575 : i32 to index
      %get3A_595 = tpu.vector_load %arg12[%get3A_594] {strides = array<i32>} : memref<8192xf32, #tpu.memory_space<vmem>>, vector<16xf32>,
      %get3A_596 = vector.shape_cast %get3A_595 : vector<16xf32> to vector<16xf32>
      %sub3A_597 = arith.subf %get3A_596, %get3A_50 : vector<16xf32>
      %mul3A_598 = arith.mulf %sub3A_597, %div3A_58 : vector<16xf32>
      %add3A_599 = arith.constant 5.000000e-01 : f32
      %add3A_600 = vector.broadcast %add3A_599 : f32 to vector<16xf32>
      %add3A_601 = arith.addf %mul3A_598, %add3A_600 : vector<16xf32>
      %convert_element_type3A_602 = arith.fptosi %add3A_601 : vector<16xf32> to vector<16xi32>
      %ge3A_603 = arith.cmpi sge, %convert_element_type3A_584, %get3A_63 : vector<16xi32>
      %lt3A_604 = arith.cmpi slt, %convert_element_type3A_584, %get3A_78 : vector<16xi32>
      %and3A_605 = arith.andi %ge3A_603, %lt3A_604 : vector<16xi1>
      %ge3A_606 = arith.cmpi sge, %convert_element_type3A_593, %get3A_68 : vector<16xi32>
      %and3A_607 = arith.andi %and3A_605, %ge3A_606 : vector<16xi1>
      %lt3A_608 = arith.cmpi slt, %convert_element_type3A_593, %get3A_83 : vector<16xi32>
      %and3A_609 = arith.andi %and3A_607, %lt3A_608 : vector<16xi1>
      %ge3A_610 = arith.cmpi sge, %convert_element_type3A_602, %get3A_73 : vector<16xi32>
      %and3A_611 = arith.andi %and3A_609, %ge3A_610 : vector<16xi1>
      %lt3A_612 = arith.cmpi slt, %convert_element_type3A_602, %get3A_88 : vector<16xi32>
      %and3A_613 = arith.andi %and3A_611, %lt3A_612 : vector<16xi1>
      %mul3A_614 = arith.constant 8192 : i32
      %mul3A_615 = vector.broadcast %mul3A_614 : i32 to vector<16xi32>
      %mul3A_616 = arith.muli %convert_element_type3A_584, %mul3A_615 : vector<16xi32>
      %mul3A_617 = arith.constant 32 : i32
      %mul3A_618 = vector.broadcast %mul3A_617 : i32 to vector<16xi32>
      %mul3A_619 = arith.muli %convert_element_type3A_593, %mul3A_618 : vector<16xi32>
      %add3A_620 = arith.addi %mul3A_616, %mul3A_619 : vector<16xi32>
      %add3A_621 = arith.addi %add3A_620, %convert_element_type3A_602 : vector<16xi32>
      %jit3A_622 = arith.constant 0 : i32
      %broadcast_in_dim3A_623 = vector.broadcast %jit3A_622 : i32 to vector<16xi32>
      %select_n3A_624 = arith.select %and3A_613, %add3A_621, %broadcast_in_dim3A_623 : vector<16xi1>, vector<16xi32>
      %swap3A_625 = arith.index_cast %mul3A_575 : i32 to index
      %swap3A_626 = tpu.vector_load %arg14[%swap3A_625] {strides = array<i32>} : memref<8192xi32, #tpu.memory_space<vmem>>, vector<16xi32>,
      %swap3A_627 = vector.shape_cast %swap3A_626 : vector<16xi32> to vector<16xi32>
      %swap3A_628 = vector.shape_cast %select_n3A_624 : vector<16xi32> to vector<16xi32>
      tpu.vector_store %arg14[%swap3A_625], %swap3A_628 {strides = array<i32>} : memref<8192xi32, #tpu.memory_space<vmem>>, vector<16xi32>,
    }
    %scan3A_314 = arith.constant 512 : i32
    %dma_wait3A_315 = tpu.memref_slice %arg6[%add3A_285] : memref<2097152xf32, #tpu.memory_space<hbm>> -> memref<8192xf32, #tpu.memory_space<hbm>>
    %dma_wait3A_316 = tpu.memref_slice %arg6[%add3A_285] : memref<2097152xf32, #tpu.memory_space<hbm>> -> memref<8192xf32, #tpu.memory_space<hbm>>
    tpu.wait_dma2 semaphore(%arg22 : memref<!tpu.dma_semaphore, #tpu.memory_space<semaphore_mem>>) src(%arg16 : memref<8192xf32, #tpu.memory_space<vmem>>) dst(%dma_wait3A_316 : memref<8192xf32, #tpu.memory_space<hbm>>)
    %dma_start3A_317 = arith.constant 0 : i32
    %dma_start3A_318 = tpu.memref_slice %arg3[%dma_start3A_317] : memref<2097152xf32, #tpu.memory_space<hbm>> -> memref<2097152xf32, #tpu.memory_space<hbm>>
    tpu.enqueue_indirect_dma source(%dma_start3A_318 : memref<2097152xf32, #tpu.memory_space<hbm>>) target(%arg16 : memref<8192xf32, #tpu.memory_space<vmem>>) offsets(%arg14 : memref<8192xi32, #tpu.memory_space<vmem>>) semaphore(%arg21 : memref<!tpu.dma_semaphore, #tpu.memory_space<semaphore_mem>>)
    %dma_wait3A_319 = arith.constant 0 : i32
    %dma_wait3A_320 = tpu.memref_slice %arg3[%dma_wait3A_319] : memref<2097152xf32, #tpu.memory_space<hbm>> -> memref<2097152xf32, #tpu.memory_space<hbm>>
    tpu.wait_indirect_dma semaphore(%arg20 : memref<!tpu.dma_semaphore, #tpu.memory_space<semaphore_mem>>) src(%dma_wait3A_320 : memref<2097152xf32, #tpu.memory_space<hbm>>) dst(%arg15 : memref<8192xf32, #tpu.memory_space<vmem>>)
    %mul3A_321 = arith.constant 262144 : i32
    %mul3A_322 = arith.muli %select_n3A, %mul3A_321 : i32
    %add3A_323 = arith.addi %mul3A_322, %mul3A_32 : i32
    %add3A_324 = arith.constant 32768 : i32
    %add3A_325 = arith.addi %add3A_323, %add3A_324 : i32
    %dma_start3A_326 = tpu.memref_slice %arg6[%add3A_325] : memref<2097152xf32, #tpu.memory_space<hbm>> -> memref<8192xf32, #tpu.memory_space<hbm>>
    %dma_start3A_327 = tpu.memref_slice %arg6[%add3A_325] : memref<2097152xf32, #tpu.memory_space<hbm>> -> memref<8192xf32, #tpu.memory_space<hbm>>
    tpu.enqueue_dma source(%arg15 : memref<8192xf32, #tpu.memory_space<vmem>>) target(%dma_start3A_327 : memref<8192xf32, #tpu.memory_space<hbm>>) target_semaphore(%arg22 : memref<!tpu.dma_semaphore, #tpu.memory_space<semaphore_mem>>)
    %dma_wait3A_328 = tpu.memref_slice %arg2[%add3A_296] : memref<6291456xf32, #tpu.memory_space<hbm>> -> memref<8192xf32, #tpu.memory_space<hbm>>
    %dma_wait3A_329 = tpu.memref_slice %arg2[%add3A_296] : memref<6291456xf32, #tpu.memory_space<hbm>> -> memref<8192xf32, #tpu.memory_space<hbm>>
    tpu.wait_dma2 semaphore(%arg19 : memref<!tpu.dma_semaphore, #tpu.memory_space<semaphore_mem>>) src(%dma_wait3A_329 : memref<8192xf32, #tpu.memory_space<hbm>>) dst(%arg7 : memref<8192xf32, #tpu.memory_space<vmem>>)
    %dma_wait3A_330 = tpu.memref_slice %arg2[%add3A_301] : memref<6291456xf32, #tpu.memory_space<hbm>> -> memref<8192xf32, #tpu.memory_space<hbm>>
    %dma_wait3A_331 = tpu.memref_slice %arg2[%add3A_301] : memref<6291456xf32, #tpu.memory_space<hbm>> -> memref<8192xf32, #tpu.memory_space<hbm>>
    tpu.wait_dma2 semaphore(%arg19 : memref<!tpu.dma_semaphore, #tpu.memory_space<semaphore_mem>>) src(%dma_wait3A_331 : memref<8192xf32, #tpu.memory_space<hbm>>) dst(%arg9 : memref<8192xf32, #tpu.memory_space<vmem>>)
    %dma_wait3A_332 = tpu.memref_slice %arg2[%add3A_306] : memref<6291456xf32, #tpu.memory_space<hbm>> -> memref<8192xf32, #tpu.memory_space<hbm>>
    %dma_wait3A_333 = tpu.memref_slice %arg2[%add3A_306] : memref<6291456xf32, #tpu.memory_space<hbm>> -> memref<8192xf32, #tpu.memory_space<hbm>>
    tpu.wait_dma2 semaphore(%arg19 : memref<!tpu.dma_semaphore, #tpu.memory_space<semaphore_mem>>) src(%dma_wait3A_333 : memref<8192xf32, #tpu.memory_space<hbm>>) dst(%arg11 : memref<8192xf32, #tpu.memory_space<vmem>>)
    %add3A_334 = arith.constant 57344 : i32
    %add3A_335 = arith.addi %mul3A_32, %add3A_334 : i32
    %add3A_336 = arith.addi %mul3A_36, %add3A_335 : i32
    %dma_start3A_337 = tpu.memref_slice %arg2[%add3A_336] : memref<6291456xf32, #tpu.memory_space<hbm>> -> memref<8192xf32, #tpu.memory_space<hbm>>
    %dma_start3A_338 = tpu.memref_slice %arg2[%add3A_336] : memref<6291456xf32, #tpu.memory_space<hbm>> -> memref<8192xf32, #tpu.memory_space<hbm>>
    tpu.enqueue_dma source(%dma_start3A_338 : memref<8192xf32, #tpu.memory_space<hbm>>) target(%arg8 : memref<8192xf32, #tpu.memory_space<vmem>>) target_semaphore(%arg19 : memref<!tpu.dma_semaphore, #tpu.memory_space<semaphore_mem>>)
    %add3A_339 = arith.constant 262144 : i32
    %add3A_340 = arith.addi %mul3A_36, %add3A_339 : i32
    %add3A_341 = arith.addi %add3A_340, %add3A_335 : i32
    %dma_start3A_342 = tpu.memref_slice %arg2[%add3A_341] : memref<6291456xf32, #tpu.memory_space<hbm>> -> memref<8192xf32, #tpu.memory_space<hbm>>
    %dma_start3A_343 = tpu.memref_slice %arg2[%add3A_341] : memref<6291456xf32, #tpu.memory_space<hbm>> -> memref<8192xf32, #tpu.memory_space<hbm>>
    tpu.enqueue_dma source(%dma_start3A_343 : memref<8192xf32, #tpu.memory_space<hbm>>) target(%arg10 : memref<8192xf32, #tpu.memory_space<vmem>>) target_semaphore(%arg19 : memref<!tpu.dma_semaphore, #tpu.memory_space<semaphore_mem>>)
    %add3A_344 = arith.constant 524288 : i32
    %add3A_345 = arith.addi %mul3A_36, %add3A_344 : i32
    %add3A_346 = arith.addi %add3A_345, %add3A_335 : i32
    %dma_start3A_347 = tpu.memref_slice %arg2[%add3A_346] : memref<6291456xf32, #tpu.memory_space<hbm>> -> memref<8192xf32, #tpu.memory_space<hbm>>
    %dma_start3A_348 = tpu.memref_slice %arg2[%add3A_346] : memref<6291456xf32, #tpu.memory_space<hbm>> -> memref<8192xf32, #tpu.memory_space<hbm>>
    tpu.enqueue_dma source(%dma_start3A_348 : memref<8192xf32, #tpu.memory_space<hbm>>) target(%arg12 : memref<8192xf32, #tpu.memory_space<vmem>>) target_semaphore(%arg19 : memref<!tpu.dma_semaphore, #tpu.memory_space<semaphore_mem>>)
    %scan3A_349 = arith.constant 0 : i32
    %scan3A_350 = arith.constant 0 : i32
    %scan3A_351 = arith.constant 512 : i32
    %scan3A_352 = arith.addi %scan3A_350, %scan3A_351 : i32
    %scan3A_353 = arith.constant 4 : i32
    scf.for %scan3A_406 = %scan3A_350 to %scan3A_352 step %scan3A_353  : i32 {
      %mul3A_407 = arith.constant 16 : i32
      %mul3A_408 = arith.muli %scan3A_406, %mul3A_407 : i32
      %get3A_409 = arith.index_cast %mul3A_408 : i32 to index
      %get3A_410 = tpu.vector_load %arg7[%get3A_409] {strides = array<i32>} : memref<8192xf32, #tpu.memory_space<vmem>>, vector<16xf32>,
      %get3A_411 = vector.shape_cast %get3A_410 : vector<16xf32> to vector<16xf32>
      %sub3A_412 = arith.subf %get3A_411, %get3A_40 : vector<16xf32>
      %mul3A_413 = arith.mulf %sub3A_412, %div3A_58 : vector<16xf32>
      %add3A_414 = arith.constant 5.000000e-01 : f32
      %add3A_415 = vector.broadcast %add3A_414 : f32 to vector<16xf32>
      %add3A_416 = arith.addf %mul3A_413, %add3A_415 : vector<16xf32>
      %convert_element_type3A = arith.fptosi %add3A_416 : vector<16xf32> to vector<16xi32>
      %get3A_417 = arith.index_cast %mul3A_408 : i32 to index
      %get3A_418 = tpu.vector_load %arg9[%get3A_417] {strides = array<i32>} : memref<8192xf32, #tpu.memory_space<vmem>>, vector<16xf32>,
      %get3A_419 = vector.shape_cast %get3A_418 : vector<16xf32> to vector<16xf32>
      %sub3A_420 = arith.subf %get3A_419, %get3A_45 : vector<16xf32>
      %mul3A_421 = arith.mulf %sub3A_420, %div3A_58 : vector<16xf32>
      %add3A_422 = arith.constant 5.000000e-01 : f32
      %add3A_423 = vector.broadcast %add3A_422 : f32 to vector<16xf32>
      %add3A_424 = arith.addf %mul3A_421, %add3A_423 : vector<16xf32>
      %convert_element_type3A_425 = arith.fptosi %add3A_424 : vector<16xf32> to vector<16xi32>
      %get3A_426 = arith.index_cast %mul3A_408 : i32 to index
      %get3A_427 = tpu.vector_load %arg11[%get3A_426] {strides = array<i32>} : memref<8192xf32, #tpu.memory_space<vmem>>, vector<16xf32>,
      %get3A_428 = vector.shape_cast %get3A_427 : vector<16xf32> to vector<16xf32>
      %sub3A_429 = arith.subf %get3A_428, %get3A_50 : vector<16xf32>
      %mul3A_430 = arith.mulf %sub3A_429, %div3A_58 : vector<16xf32>
      %add3A_431 = arith.constant 5.000000e-01 : f32
      %add3A_432 = vector.broadcast %add3A_431 : f32 to vector<16xf32>
      %add3A_433 = arith.addf %mul3A_430, %add3A_432 : vector<16xf32>
      %convert_element_type3A_434 = arith.fptosi %add3A_433 : vector<16xf32> to vector<16xi32>
      %ge3A = arith.cmpi sge, %convert_element_type3A, %get3A_63 : vector<16xi32>
      %lt3A_435 = arith.cmpi slt, %convert_element_type3A, %get3A_78 : vector<16xi32>
      %and3A_436 = arith.andi %ge3A, %lt3A_435 : vector<16xi1>
      %ge3A_437 = arith.cmpi sge, %convert_element_type3A_425, %get3A_68 : vector<16xi32>
      %and3A_438 = arith.andi %and3A_436, %ge3A_437 : vector<16xi1>
      %lt3A_439 = arith.cmpi slt, %convert_element_type3A_425, %get3A_83 : vector<16xi32>
      %and3A_440 = arith.andi %and3A_438, %lt3A_439 : vector<16xi1>
      %ge3A_441 = arith.cmpi sge, %convert_element_type3A_434, %get3A_73 : vector<16xi32>
      %and3A_442 = arith.andi %and3A_440, %ge3A_441 : vector<16xi1>
      %lt3A_443 = arith.cmpi slt, %convert_element_type3A_434, %get3A_88 : vector<16xi32>
      %and3A_444 = arith.andi %and3A_442, %lt3A_443 : vector<16xi1>
      %mul3A_445 = arith.constant 8192 : i32
      %mul3A_446 = vector.broadcast %mul3A_445 : i32 to vector<16xi32>
      %mul3A_447 = arith.muli %convert_element_type3A, %mul3A_446 : vector<16xi32>
      %mul3A_448 = arith.constant 32 : i32
      %mul3A_449 = vector.broadcast %mul3A_448 : i32 to vector<16xi32>
      %mul3A_450 = arith.muli %convert_element_type3A_425, %mul3A_449 : vector<16xi32>
      %add3A_451 = arith.addi %mul3A_447, %mul3A_450 : vector<16xi32>
      %add3A_452 = arith.addi %add3A_451, %convert_element_type3A_434 : vector<16xi32>
      %jit3A_453 = arith.constant 0 : i32
      %broadcast_in_dim3A = vector.broadcast %jit3A_453 : i32 to vector<16xi32>
      %select_n3A_454 = arith.select %and3A_444, %add3A_452, %broadcast_in_dim3A : vector<16xi1>, vector<16xi32>
      %swap3A = arith.index_cast %mul3A_408 : i32 to index
      %swap3A_455 = tpu.vector_load %arg13[%swap3A] {strides = array<i32>} : memref<8192xi32, #tpu.memory_space<vmem>>, vector<16xi32>,
      %swap3A_456 = vector.shape_cast %swap3A_455 : vector<16xi32> to vector<16xi32>
      %swap3A_457 = vector.shape_cast %select_n3A_454 : vector<16xi32> to vector<16xi32>
      tpu.vector_store %arg13[%swap3A], %swap3A_457 {strides = array<i32>} : memref<8192xi32, #tpu.memory_space<vmem>>, vector<16xi32>,
      %scan3A_458 = arith.constant 1 : i32
      %scan3A_459 = arith.addi %scan3A_406, %scan3A_458 : i32
      %mul3A_460 = arith.constant 16 : i32
      %mul3A_461 = arith.muli %scan3A_459, %mul3A_460 : i32
      %get3A_462 = arith.index_cast %mul3A_461 : i32 to index
      %get3A_463 = tpu.vector_load %arg7[%get3A_462] {strides = array<i32>} : memref<8192xf32, #tpu.memory_space<vmem>>, vector<16xf32>,
      %get3A_464 = vector.shape_cast %get3A_463 : vector<16xf32> to vector<16xf32>
      %sub3A_465 = arith.subf %get3A_464, %get3A_40 : vector<16xf32>
      %mul3A_466 = arith.mulf %sub3A_465, %div3A_58 : vector<16xf32>
      %add3A_467 = arith.constant 5.000000e-01 : f32
      %add3A_468 = vector.broadcast %add3A_467 : f32 to vector<16xf32>
      %add3A_469 = arith.addf %mul3A_466, %add3A_468 : vector<16xf32>
      %convert_element_type3A_470 = arith.fptosi %add3A_469 : vector<16xf32> to vector<16xi32>
      %get3A_471 = arith.index_cast %mul3A_461 : i32 to index
      %get3A_472 = tpu.vector_load %arg9[%get3A_471] {strides = array<i32>} : memref<8192xf32, #tpu.memory_space<vmem>>, vector<16xf32>,
      %get3A_473 = vector.shape_cast %get3A_472 : vector<16xf32> to vector<16xf32>
      %sub3A_474 = arith.subf %get3A_473, %get3A_45 : vector<16xf32>
      %mul3A_475 = arith.mulf %sub3A_474, %div3A_58 : vector<16xf32>
      %add3A_476 = arith.constant 5.000000e-01 : f32
      %add3A_477 = vector.broadcast %add3A_476 : f32 to vector<16xf32>
      %add3A_478 = arith.addf %mul3A_475, %add3A_477 : vector<16xf32>
      %convert_element_type3A_479 = arith.fptosi %add3A_478 : vector<16xf32> to vector<16xi32>
      %get3A_480 = arith.index_cast %mul3A_461 : i32 to index
      %get3A_481 = tpu.vector_load %arg11[%get3A_480] {strides = array<i32>} : memref<8192xf32, #tpu.memory_space<vmem>>, vector<16xf32>,
      %get3A_482 = vector.shape_cast %get3A_481 : vector<16xf32> to vector<16xf32>
      %sub3A_483 = arith.subf %get3A_482, %get3A_50 : vector<16xf32>
      %mul3A_484 = arith.mulf %sub3A_483, %div3A_58 : vector<16xf32>
      %add3A_485 = arith.constant 5.000000e-01 : f32
      %add3A_486 = vector.broadcast %add3A_485 : f32 to vector<16xf32>
      %add3A_487 = arith.addf %mul3A_484, %add3A_486 : vector<16xf32>
      %convert_element_type3A_488 = arith.fptosi %add3A_487 : vector<16xf32> to vector<16xi32>
      %ge3A_489 = arith.cmpi sge, %convert_element_type3A_470, %get3A_63 : vector<16xi32>
      %lt3A_490 = arith.cmpi slt, %convert_element_type3A_470, %get3A_78 : vector<16xi32>
      %and3A_491 = arith.andi %ge3A_489, %lt3A_490 : vector<16xi1>
      %ge3A_492 = arith.cmpi sge, %convert_element_type3A_479, %get3A_68 : vector<16xi32>
      %and3A_493 = arith.andi %and3A_491, %ge3A_492 : vector<16xi1>
      %lt3A_494 = arith.cmpi slt, %convert_element_type3A_479, %get3A_83 : vector<16xi32>
      %and3A_495 = arith.andi %and3A_493, %lt3A_494 : vector<16xi1>
      %ge3A_496 = arith.cmpi sge, %convert_element_type3A_488, %get3A_73 : vector<16xi32>
      %and3A_497 = arith.andi %and3A_495, %ge3A_496 : vector<16xi1>
      %lt3A_498 = arith.cmpi slt, %convert_element_type3A_488, %get3A_88 : vector<16xi32>
      %and3A_499 = arith.andi %and3A_497, %lt3A_498 : vector<16xi1>
      %mul3A_500 = arith.constant 8192 : i32
      %mul3A_501 = vector.broadcast %mul3A_500 : i32 to vector<16xi32>
      %mul3A_502 = arith.muli %convert_element_type3A_470, %mul3A_501 : vector<16xi32>
      %mul3A_503 = arith.constant 32 : i32
      %mul3A_504 = vector.broadcast %mul3A_503 : i32 to vector<16xi32>
      %mul3A_505 = arith.muli %convert_element_type3A_479, %mul3A_504 : vector<16xi32>
      %add3A_506 = arith.addi %mul3A_502, %mul3A_505 : vector<16xi32>
      %add3A_507 = arith.addi %add3A_506, %convert_element_type3A_488 : vector<16xi32>
      %jit3A_508 = arith.constant 0 : i32
      %broadcast_in_dim3A_509 = vector.broadcast %jit3A_508 : i32 to vector<16xi32>
      %select_n3A_510 = arith.select %and3A_499, %add3A_507, %broadcast_in_dim3A_509 : vector<16xi1>, vector<16xi32>
      %swap3A_511 = arith.index_cast %mul3A_461 : i32 to index
      %swap3A_512 = tpu.vector_load %arg13[%swap3A_511] {strides = array<i32>} : memref<8192xi32, #tpu.memory_space<vmem>>, vector<16xi32>,
      %swap3A_513 = vector.shape_cast %swap3A_512 : vector<16xi32> to vector<16xi32>
      %swap3A_514 = vector.shape_cast %select_n3A_510 : vector<16xi32> to vector<16xi32>
      tpu.vector_store %arg13[%swap3A_511], %swap3A_514 {strides = array<i32>} : memref<8192xi32, #tpu.memory_space<vmem>>, vector<16xi32>,
      %scan3A_515 = arith.constant 2 : i32
      %scan3A_516 = arith.addi %scan3A_406, %scan3A_515 : i32
      %mul3A_517 = arith.constant 16 : i32
      %mul3A_518 = arith.muli %scan3A_516, %mul3A_517 : i32
      %get3A_519 = arith.index_cast %mul3A_518 : i32 to index
      %get3A_520 = tpu.vector_load %arg7[%get3A_519] {strides = array<i32>} : memref<8192xf32, #tpu.memory_space<vmem>>, vector<16xf32>,
      %get3A_521 = vector.shape_cast %get3A_520 : vector<16xf32> to vector<16xf32>
      %sub3A_522 = arith.subf %get3A_521, %get3A_40 : vector<16xf32>
      %mul3A_523 = arith.mulf %sub3A_522, %div3A_58 : vector<16xf32>
      %add3A_524 = arith.constant 5.000000e-01 : f32
      %add3A_525 = vector.broadcast %add3A_524 : f32 to vector<16xf32>
      %add3A_526 = arith.addf %mul3A_523, %add3A_525 : vector<16xf32>
      %convert_element_type3A_527 = arith.fptosi %add3A_526 : vector<16xf32> to vector<16xi32>
      %get3A_528 = arith.index_cast %mul3A_518 : i32 to index
      %get3A_529 = tpu.vector_load %arg9[%get3A_528] {strides = array<i32>} : memref<8192xf32, #tpu.memory_space<vmem>>, vector<16xf32>,
      %get3A_530 = vector.shape_cast %get3A_529 : vector<16xf32> to vector<16xf32>
      %sub3A_531 = arith.subf %get3A_530, %get3A_45 : vector<16xf32>
      %mul3A_532 = arith.mulf %sub3A_531, %div3A_58 : vector<16xf32>
      %add3A_533 = arith.constant 5.000000e-01 : f32
      %add3A_534 = vector.broadcast %add3A_533 : f32 to vector<16xf32>
      %add3A_535 = arith.addf %mul3A_532, %add3A_534 : vector<16xf32>
      %convert_element_type3A_536 = arith.fptosi %add3A_535 : vector<16xf32> to vector<16xi32>
      %get3A_537 = arith.index_cast %mul3A_518 : i32 to index
      %get3A_538 = tpu.vector_load %arg11[%get3A_537] {strides = array<i32>} : memref<8192xf32, #tpu.memory_space<vmem>>, vector<16xf32>,
      %get3A_539 = vector.shape_cast %get3A_538 : vector<16xf32> to vector<16xf32>
      %sub3A_540 = arith.subf %get3A_539, %get3A_50 : vector<16xf32>
      %mul3A_541 = arith.mulf %sub3A_540, %div3A_58 : vector<16xf32>
      %add3A_542 = arith.constant 5.000000e-01 : f32
      %add3A_543 = vector.broadcast %add3A_542 : f32 to vector<16xf32>
      %add3A_544 = arith.addf %mul3A_541, %add3A_543 : vector<16xf32>
      %convert_element_type3A_545 = arith.fptosi %add3A_544 : vector<16xf32> to vector<16xi32>
      %ge3A_546 = arith.cmpi sge, %convert_element_type3A_527, %get3A_63 : vector<16xi32>
      %lt3A_547 = arith.cmpi slt, %convert_element_type3A_527, %get3A_78 : vector<16xi32>
      %and3A_548 = arith.andi %ge3A_546, %lt3A_547 : vector<16xi1>
      %ge3A_549 = arith.cmpi sge, %convert_element_type3A_536, %get3A_68 : vector<16xi32>
      %and3A_550 = arith.andi %and3A_548, %ge3A_549 : vector<16xi1>
      %lt3A_551 = arith.cmpi slt, %convert_element_type3A_536, %get3A_83 : vector<16xi32>
      %and3A_552 = arith.andi %and3A_550, %lt3A_551 : vector<16xi1>
      %ge3A_553 = arith.cmpi sge, %convert_element_type3A_545, %get3A_73 : vector<16xi32>
      %and3A_554 = arith.andi %and3A_552, %ge3A_553 : vector<16xi1>
      %lt3A_555 = arith.cmpi slt, %convert_element_type3A_545, %get3A_88 : vector<16xi32>
      %and3A_556 = arith.andi %and3A_554, %lt3A_555 : vector<16xi1>
      %mul3A_557 = arith.constant 8192 : i32
      %mul3A_558 = vector.broadcast %mul3A_557 : i32 to vector<16xi32>
      %mul3A_559 = arith.muli %convert_element_type3A_527, %mul3A_558 : vector<16xi32>
      %mul3A_560 = arith.constant 32 : i32
      %mul3A_561 = vector.broadcast %mul3A_560 : i32 to vector<16xi32>
      %mul3A_562 = arith.muli %convert_element_type3A_536, %mul3A_561 : vector<16xi32>
      %add3A_563 = arith.addi %mul3A_559, %mul3A_562 : vector<16xi32>
      %add3A_564 = arith.addi %add3A_563, %convert_element_type3A_545 : vector<16xi32>
      %jit3A_565 = arith.constant 0 : i32
      %broadcast_in_dim3A_566 = vector.broadcast %jit3A_565 : i32 to vector<16xi32>
      %select_n3A_567 = arith.select %and3A_556, %add3A_564, %broadcast_in_dim3A_566 : vector<16xi1>, vector<16xi32>
      %swap3A_568 = arith.index_cast %mul3A_518 : i32 to index
      %swap3A_569 = tpu.vector_load %arg13[%swap3A_568] {strides = array<i32>} : memref<8192xi32, #tpu.memory_space<vmem>>, vector<16xi32>,
      %swap3A_570 = vector.shape_cast %swap3A_569 : vector<16xi32> to vector<16xi32>
      %swap3A_571 = vector.shape_cast %select_n3A_567 : vector<16xi32> to vector<16xi32>
      tpu.vector_store %arg13[%swap3A_568], %swap3A_571 {strides = array<i32>} : memref<8192xi32, #tpu.memory_space<vmem>>, vector<16xi32>,
      %scan3A_572 = arith.constant 3 : i32
      %scan3A_573 = arith.addi %scan3A_406, %scan3A_572 : i32
      %mul3A_574 = arith.constant 16 : i32
      %mul3A_575 = arith.muli %scan3A_573, %mul3A_574 : i32
      %get3A_576 = arith.index_cast %mul3A_575 : i32 to index
      %get3A_577 = tpu.vector_load %arg7[%get3A_576] {strides = array<i32>} : memref<8192xf32, #tpu.memory_space<vmem>>, vector<16xf32>,
      %get3A_578 = vector.shape_cast %get3A_577 : vector<16xf32> to vector<16xf32>
      %sub3A_579 = arith.subf %get3A_578, %get3A_40 : vector<16xf32>
      %mul3A_580 = arith.mulf %sub3A_579, %div3A_58 : vector<16xf32>
      %add3A_581 = arith.constant 5.000000e-01 : f32
      %add3A_582 = vector.broadcast %add3A_581 : f32 to vector<16xf32>
      %add3A_583 = arith.addf %mul3A_580, %add3A_582 : vector<16xf32>
      %convert_element_type3A_584 = arith.fptosi %add3A_583 : vector<16xf32> to vector<16xi32>
      %get3A_585 = arith.index_cast %mul3A_575 : i32 to index
      %get3A_586 = tpu.vector_load %arg9[%get3A_585] {strides = array<i32>} : memref<8192xf32, #tpu.memory_space<vmem>>, vector<16xf32>,
      %get3A_587 = vector.shape_cast %get3A_586 : vector<16xf32> to vector<16xf32>
      %sub3A_588 = arith.subf %get3A_587, %get3A_45 : vector<16xf32>
      %mul3A_589 = arith.mulf %sub3A_588, %div3A_58 : vector<16xf32>
      %add3A_590 = arith.constant 5.000000e-01 : f32
      %add3A_591 = vector.broadcast %add3A_590 : f32 to vector<16xf32>
      %add3A_592 = arith.addf %mul3A_589, %add3A_591 : vector<16xf32>
      %convert_element_type3A_593 = arith.fptosi %add3A_592 : vector<16xf32> to vector<16xi32>
      %get3A_594 = arith.index_cast %mul3A_575 : i32 to index
      %get3A_595 = tpu.vector_load %arg11[%get3A_594] {strides = array<i32>} : memref<8192xf32, #tpu.memory_space<vmem>>, vector<16xf32>,
      %get3A_596 = vector.shape_cast %get3A_595 : vector<16xf32> to vector<16xf32>
      %sub3A_597 = arith.subf %get3A_596, %get3A_50 : vector<16xf32>
      %mul3A_598 = arith.mulf %sub3A_597, %div3A_58 : vector<16xf32>
      %add3A_599 = arith.constant 5.000000e-01 : f32
      %add3A_600 = vector.broadcast %add3A_599 : f32 to vector<16xf32>
      %add3A_601 = arith.addf %mul3A_598, %add3A_600 : vector<16xf32>
      %convert_element_type3A_602 = arith.fptosi %add3A_601 : vector<16xf32> to vector<16xi32>
      %ge3A_603 = arith.cmpi sge, %convert_element_type3A_584, %get3A_63 : vector<16xi32>
      %lt3A_604 = arith.cmpi slt, %convert_element_type3A_584, %get3A_78 : vector<16xi32>
      %and3A_605 = arith.andi %ge3A_603, %lt3A_604 : vector<16xi1>
      %ge3A_606 = arith.cmpi sge, %convert_element_type3A_593, %get3A_68 : vector<16xi32>
      %and3A_607 = arith.andi %and3A_605, %ge3A_606 : vector<16xi1>
      %lt3A_608 = arith.cmpi slt, %convert_element_type3A_593, %get3A_83 : vector<16xi32>
      %and3A_609 = arith.andi %and3A_607, %lt3A_608 : vector<16xi1>
      %ge3A_610 = arith.cmpi sge, %convert_element_type3A_602, %get3A_73 : vector<16xi32>
      %and3A_611 = arith.andi %and3A_609, %ge3A_610 : vector<16xi1>
      %lt3A_612 = arith.cmpi slt, %convert_element_type3A_602, %get3A_88 : vector<16xi32>
      %and3A_613 = arith.andi %and3A_611, %lt3A_612 : vector<16xi1>
      %mul3A_614 = arith.constant 8192 : i32
      %mul3A_615 = vector.broadcast %mul3A_614 : i32 to vector<16xi32>
      %mul3A_616 = arith.muli %convert_element_type3A_584, %mul3A_615 : vector<16xi32>
      %mul3A_617 = arith.constant 32 : i32
      %mul3A_618 = vector.broadcast %mul3A_617 : i32 to vector<16xi32>
      %mul3A_619 = arith.muli %convert_element_type3A_593, %mul3A_618 : vector<16xi32>
      %add3A_620 = arith.addi %mul3A_616, %mul3A_619 : vector<16xi32>
      %add3A_621 = arith.addi %add3A_620, %convert_element_type3A_602 : vector<16xi32>
      %jit3A_622 = arith.constant 0 : i32
      %broadcast_in_dim3A_623 = vector.broadcast %jit3A_622 : i32 to vector<16xi32>
      %select_n3A_624 = arith.select %and3A_613, %add3A_621, %broadcast_in_dim3A_623 : vector<16xi1>, vector<16xi32>
      %swap3A_625 = arith.index_cast %mul3A_575 : i32 to index
      %swap3A_626 = tpu.vector_load %arg13[%swap3A_625] {strides = array<i32>} : memref<8192xi32, #tpu.memory_space<vmem>>, vector<16xi32>,
      %swap3A_627 = vector.shape_cast %swap3A_626 : vector<16xi32> to vector<16xi32>
      %swap3A_628 = vector.shape_cast %select_n3A_624 : vector<16xi32> to vector<16xi32>
      tpu.vector_store %arg13[%swap3A_625], %swap3A_628 {strides = array<i32>} : memref<8192xi32, #tpu.memory_space<vmem>>, vector<16xi32>,
    }
    %scan3A_354 = arith.constant 512 : i32
    %dma_wait3A_355 = tpu.memref_slice %arg6[%add3A_325] : memref<2097152xf32, #tpu.memory_space<hbm>> -> memref<8192xf32, #tpu.memory_space<hbm>>
    %dma_wait3A_356 = tpu.memref_slice %arg6[%add3A_325] : memref<2097152xf32, #tpu.memory_space<hbm>> -> memref<8192xf32, #tpu.memory_space<hbm>>
    tpu.wait_dma2 semaphore(%arg22 : memref<!tpu.dma_semaphore, #tpu.memory_space<semaphore_mem>>) src(%arg15 : memref<8192xf32, #tpu.memory_space<vmem>>) dst(%dma_wait3A_356 : memref<8192xf32, #tpu.memory_space<hbm>>)
    %dma_start3A_357 = arith.constant 0 : i32
    %dma_start3A_358 = tpu.memref_slice %arg3[%dma_start3A_357] : memref<2097152xf32, #tpu.memory_space<hbm>> -> memref<2097152xf32, #tpu.memory_space<hbm>>
    tpu.enqueue_indirect_dma source(%dma_start3A_358 : memref<2097152xf32, #tpu.memory_space<hbm>>) target(%arg15 : memref<8192xf32, #tpu.memory_space<vmem>>) offsets(%arg13 : memref<8192xi32, #tpu.memory_space<vmem>>) semaphore(%arg20 : memref<!tpu.dma_semaphore, #tpu.memory_space<semaphore_mem>>)
    %dma_wait3A_359 = arith.constant 0 : i32
    %dma_wait3A_360 = tpu.memref_slice %arg3[%dma_wait3A_359] : memref<2097152xf32, #tpu.memory_space<hbm>> -> memref<2097152xf32, #tpu.memory_space<hbm>>
    tpu.wait_indirect_dma semaphore(%arg21 : memref<!tpu.dma_semaphore, #tpu.memory_space<semaphore_mem>>) src(%dma_wait3A_360 : memref<2097152xf32, #tpu.memory_space<hbm>>) dst(%arg16 : memref<8192xf32, #tpu.memory_space<vmem>>)
    %mul3A_361 = arith.constant 262144 : i32
    %mul3A_362 = arith.muli %select_n3A, %mul3A_361 : i32
    %add3A_363 = arith.addi %mul3A_362, %mul3A_32 : i32
    %add3A_364 = arith.constant 40960 : i32
    %add3A_365 = arith.addi %add3A_363, %add3A_364 : i32
    %dma_start3A_366 = tpu.memref_slice %arg6[%add3A_365] : memref<2097152xf32, #tpu.memory_space<hbm>> -> memref<8192xf32, #tpu.memory_space<hbm>>
    %dma_start3A_367 = tpu.memref_slice %arg6[%add3A_365] : memref<2097152xf32, #tpu.memory_space<hbm>> -> memref<8192xf32, #tpu.memory_space<hbm>>
    tpu.enqueue_dma source(%arg16 : memref<8192xf32, #tpu.memory_space<vmem>>) target(%dma_start3A_367 : memref<8192xf32, #tpu.memory_space<hbm>>) target_semaphore(%arg22 : memref<!tpu.dma_semaphore, #tpu.memory_space<semaphore_mem>>)
    %dma_wait3A_368 = tpu.memref_slice %arg2[%add3A_336] : memref<6291456xf32, #tpu.memory_space<hbm>> -> memref<8192xf32, #tpu.memory_space<hbm>>
    %dma_wait3A_369 = tpu.memref_slice %arg2[%add3A_336] : memref<6291456xf32, #tpu.memory_space<hbm>> -> memref<8192xf32, #tpu.memory_space<hbm>>
    tpu.wait_dma2 semaphore(%arg19 : memref<!tpu.dma_semaphore, #tpu.memory_space<semaphore_mem>>) src(%dma_wait3A_369 : memref<8192xf32, #tpu.memory_space<hbm>>) dst(%arg8 : memref<8192xf32, #tpu.memory_space<vmem>>)
    %dma_wait3A_370 = tpu.memref_slice %arg2[%add3A_341] : memref<6291456xf32, #tpu.memory_space<hbm>> -> memref<8192xf32, #tpu.memory_space<hbm>>
    %dma_wait3A_371 = tpu.memref_slice %arg2[%add3A_341] : memref<6291456xf32, #tpu.memory_space<hbm>> -> memref<8192xf32, #tpu.memory_space<hbm>>
    tpu.wait_dma2 semaphore(%arg19 : memref<!tpu.dma_semaphore, #tpu.memory_space<semaphore_mem>>) src(%dma_wait3A_371 : memref<8192xf32, #tpu.memory_space<hbm>>) dst(%arg10 : memref<8192xf32, #tpu.memory_space<vmem>>)
    %dma_wait3A_372 = tpu.memref_slice %arg2[%add3A_346] : memref<6291456xf32, #tpu.memory_space<hbm>> -> memref<8192xf32, #tpu.memory_space<hbm>>
    %dma_wait3A_373 = tpu.memref_slice %arg2[%add3A_346] : memref<6291456xf32, #tpu.memory_space<hbm>> -> memref<8192xf32, #tpu.memory_space<hbm>>
    tpu.wait_dma2 semaphore(%arg19 : memref<!tpu.dma_semaphore, #tpu.memory_space<semaphore_mem>>) src(%dma_wait3A_373 : memref<8192xf32, #tpu.memory_space<hbm>>) dst(%arg12 : memref<8192xf32, #tpu.memory_space<vmem>>)
    %scan3A_374 = arith.constant 0 : i32
    %scan3A_375 = arith.constant 0 : i32
    %scan3A_376 = arith.constant 512 : i32
    %scan3A_377 = arith.addi %scan3A_375, %scan3A_376 : i32
    %scan3A_378 = arith.constant 4 : i32
    scf.for %scan3A_406 = %scan3A_375 to %scan3A_377 step %scan3A_378  : i32 {
      %mul3A_407 = arith.constant 16 : i32
      %mul3A_408 = arith.muli %scan3A_406, %mul3A_407 : i32
      %get3A_409 = arith.index_cast %mul3A_408 : i32 to index
      %get3A_410 = tpu.vector_load %arg8[%get3A_409] {strides = array<i32>} : memref<8192xf32, #tpu.memory_space<vmem>>, vector<16xf32>,
      %get3A_411 = vector.shape_cast %get3A_410 : vector<16xf32> to vector<16xf32>
      %sub3A_412 = arith.subf %get3A_411, %get3A_40 : vector<16xf32>
      %mul3A_413 = arith.mulf %sub3A_412, %div3A_58 : vector<16xf32>
      %add3A_414 = arith.constant 5.000000e-01 : f32
      %add3A_415 = vector.broadcast %add3A_414 : f32 to vector<16xf32>
      %add3A_416 = arith.addf %mul3A_413, %add3A_415 : vector<16xf32>
      %convert_element_type3A = arith.fptosi %add3A_416 : vector<16xf32> to vector<16xi32>
      %get3A_417 = arith.index_cast %mul3A_408 : i32 to index
      %get3A_418 = tpu.vector_load %arg10[%get3A_417] {strides = array<i32>} : memref<8192xf32, #tpu.memory_space<vmem>>, vector<16xf32>,
      %get3A_419 = vector.shape_cast %get3A_418 : vector<16xf32> to vector<16xf32>
      %sub3A_420 = arith.subf %get3A_419, %get3A_45 : vector<16xf32>
      %mul3A_421 = arith.mulf %sub3A_420, %div3A_58 : vector<16xf32>
      %add3A_422 = arith.constant 5.000000e-01 : f32
      %add3A_423 = vector.broadcast %add3A_422 : f32 to vector<16xf32>
      %add3A_424 = arith.addf %mul3A_421, %add3A_423 : vector<16xf32>
      %convert_element_type3A_425 = arith.fptosi %add3A_424 : vector<16xf32> to vector<16xi32>
      %get3A_426 = arith.index_cast %mul3A_408 : i32 to index
      %get3A_427 = tpu.vector_load %arg12[%get3A_426] {strides = array<i32>} : memref<8192xf32, #tpu.memory_space<vmem>>, vector<16xf32>,
      %get3A_428 = vector.shape_cast %get3A_427 : vector<16xf32> to vector<16xf32>
      %sub3A_429 = arith.subf %get3A_428, %get3A_50 : vector<16xf32>
      %mul3A_430 = arith.mulf %sub3A_429, %div3A_58 : vector<16xf32>
      %add3A_431 = arith.constant 5.000000e-01 : f32
      %add3A_432 = vector.broadcast %add3A_431 : f32 to vector<16xf32>
      %add3A_433 = arith.addf %mul3A_430, %add3A_432 : vector<16xf32>
      %convert_element_type3A_434 = arith.fptosi %add3A_433 : vector<16xf32> to vector<16xi32>
      %ge3A = arith.cmpi sge, %convert_element_type3A, %get3A_63 : vector<16xi32>
      %lt3A_435 = arith.cmpi slt, %convert_element_type3A, %get3A_78 : vector<16xi32>
      %and3A_436 = arith.andi %ge3A, %lt3A_435 : vector<16xi1>
      %ge3A_437 = arith.cmpi sge, %convert_element_type3A_425, %get3A_68 : vector<16xi32>
      %and3A_438 = arith.andi %and3A_436, %ge3A_437 : vector<16xi1>
      %lt3A_439 = arith.cmpi slt, %convert_element_type3A_425, %get3A_83 : vector<16xi32>
      %and3A_440 = arith.andi %and3A_438, %lt3A_439 : vector<16xi1>
      %ge3A_441 = arith.cmpi sge, %convert_element_type3A_434, %get3A_73 : vector<16xi32>
      %and3A_442 = arith.andi %and3A_440, %ge3A_441 : vector<16xi1>
      %lt3A_443 = arith.cmpi slt, %convert_element_type3A_434, %get3A_88 : vector<16xi32>
      %and3A_444 = arith.andi %and3A_442, %lt3A_443 : vector<16xi1>
      %mul3A_445 = arith.constant 8192 : i32
      %mul3A_446 = vector.broadcast %mul3A_445 : i32 to vector<16xi32>
      %mul3A_447 = arith.muli %convert_element_type3A, %mul3A_446 : vector<16xi32>
      %mul3A_448 = arith.constant 32 : i32
      %mul3A_449 = vector.broadcast %mul3A_448 : i32 to vector<16xi32>
      %mul3A_450 = arith.muli %convert_element_type3A_425, %mul3A_449 : vector<16xi32>
      %add3A_451 = arith.addi %mul3A_447, %mul3A_450 : vector<16xi32>
      %add3A_452 = arith.addi %add3A_451, %convert_element_type3A_434 : vector<16xi32>
      %jit3A_453 = arith.constant 0 : i32
      %broadcast_in_dim3A = vector.broadcast %jit3A_453 : i32 to vector<16xi32>
      %select_n3A_454 = arith.select %and3A_444, %add3A_452, %broadcast_in_dim3A : vector<16xi1>, vector<16xi32>
      %swap3A = arith.index_cast %mul3A_408 : i32 to index
      %swap3A_455 = tpu.vector_load %arg14[%swap3A] {strides = array<i32>} : memref<8192xi32, #tpu.memory_space<vmem>>, vector<16xi32>,
      %swap3A_456 = vector.shape_cast %swap3A_455 : vector<16xi32> to vector<16xi32>
      %swap3A_457 = vector.shape_cast %select_n3A_454 : vector<16xi32> to vector<16xi32>
      tpu.vector_store %arg14[%swap3A], %swap3A_457 {strides = array<i32>} : memref<8192xi32, #tpu.memory_space<vmem>>, vector<16xi32>,
      %scan3A_458 = arith.constant 1 : i32
      %scan3A_459 = arith.addi %scan3A_406, %scan3A_458 : i32
      %mul3A_460 = arith.constant 16 : i32
      %mul3A_461 = arith.muli %scan3A_459, %mul3A_460 : i32
      %get3A_462 = arith.index_cast %mul3A_461 : i32 to index
      %get3A_463 = tpu.vector_load %arg8[%get3A_462] {strides = array<i32>} : memref<8192xf32, #tpu.memory_space<vmem>>, vector<16xf32>,
      %get3A_464 = vector.shape_cast %get3A_463 : vector<16xf32> to vector<16xf32>
      %sub3A_465 = arith.subf %get3A_464, %get3A_40 : vector<16xf32>
      %mul3A_466 = arith.mulf %sub3A_465, %div3A_58 : vector<16xf32>
      %add3A_467 = arith.constant 5.000000e-01 : f32
      %add3A_468 = vector.broadcast %add3A_467 : f32 to vector<16xf32>
      %add3A_469 = arith.addf %mul3A_466, %add3A_468 : vector<16xf32>
      %convert_element_type3A_470 = arith.fptosi %add3A_469 : vector<16xf32> to vector<16xi32>
      %get3A_471 = arith.index_cast %mul3A_461 : i32 to index
      %get3A_472 = tpu.vector_load %arg10[%get3A_471] {strides = array<i32>} : memref<8192xf32, #tpu.memory_space<vmem>>, vector<16xf32>,
      %get3A_473 = vector.shape_cast %get3A_472 : vector<16xf32> to vector<16xf32>
      %sub3A_474 = arith.subf %get3A_473, %get3A_45 : vector<16xf32>
      %mul3A_475 = arith.mulf %sub3A_474, %div3A_58 : vector<16xf32>
      %add3A_476 = arith.constant 5.000000e-01 : f32
      %add3A_477 = vector.broadcast %add3A_476 : f32 to vector<16xf32>
      %add3A_478 = arith.addf %mul3A_475, %add3A_477 : vector<16xf32>
      %convert_element_type3A_479 = arith.fptosi %add3A_478 : vector<16xf32> to vector<16xi32>
      %get3A_480 = arith.index_cast %mul3A_461 : i32 to index
      %get3A_481 = tpu.vector_load %arg12[%get3A_480] {strides = array<i32>} : memref<8192xf32, #tpu.memory_space<vmem>>, vector<16xf32>,
      %get3A_482 = vector.shape_cast %get3A_481 : vector<16xf32> to vector<16xf32>
      %sub3A_483 = arith.subf %get3A_482, %get3A_50 : vector<16xf32>
      %mul3A_484 = arith.mulf %sub3A_483, %div3A_58 : vector<16xf32>
      %add3A_485 = arith.constant 5.000000e-01 : f32
      %add3A_486 = vector.broadcast %add3A_485 : f32 to vector<16xf32>
      %add3A_487 = arith.addf %mul3A_484, %add3A_486 : vector<16xf32>
      %convert_element_type3A_488 = arith.fptosi %add3A_487 : vector<16xf32> to vector<16xi32>
      %ge3A_489 = arith.cmpi sge, %convert_element_type3A_470, %get3A_63 : vector<16xi32>
      %lt3A_490 = arith.cmpi slt, %convert_element_type3A_470, %get3A_78 : vector<16xi32>
      %and3A_491 = arith.andi %ge3A_489, %lt3A_490 : vector<16xi1>
      %ge3A_492 = arith.cmpi sge, %convert_element_type3A_479, %get3A_68 : vector<16xi32>
      %and3A_493 = arith.andi %and3A_491, %ge3A_492 : vector<16xi1>
      %lt3A_494 = arith.cmpi slt, %convert_element_type3A_479, %get3A_83 : vector<16xi32>
      %and3A_495 = arith.andi %and3A_493, %lt3A_494 : vector<16xi1>
      %ge3A_496 = arith.cmpi sge, %convert_element_type3A_488, %get3A_73 : vector<16xi32>
      %and3A_497 = arith.andi %and3A_495, %ge3A_496 : vector<16xi1>
      %lt3A_498 = arith.cmpi slt, %convert_element_type3A_488, %get3A_88 : vector<16xi32>
      %and3A_499 = arith.andi %and3A_497, %lt3A_498 : vector<16xi1>
      %mul3A_500 = arith.constant 8192 : i32
      %mul3A_501 = vector.broadcast %mul3A_500 : i32 to vector<16xi32>
      %mul3A_502 = arith.muli %convert_element_type3A_470, %mul3A_501 : vector<16xi32>
      %mul3A_503 = arith.constant 32 : i32
      %mul3A_504 = vector.broadcast %mul3A_503 : i32 to vector<16xi32>
      %mul3A_505 = arith.muli %convert_element_type3A_479, %mul3A_504 : vector<16xi32>
      %add3A_506 = arith.addi %mul3A_502, %mul3A_505 : vector<16xi32>
      %add3A_507 = arith.addi %add3A_506, %convert_element_type3A_488 : vector<16xi32>
      %jit3A_508 = arith.constant 0 : i32
      %broadcast_in_dim3A_509 = vector.broadcast %jit3A_508 : i32 to vector<16xi32>
      %select_n3A_510 = arith.select %and3A_499, %add3A_507, %broadcast_in_dim3A_509 : vector<16xi1>, vector<16xi32>
      %swap3A_511 = arith.index_cast %mul3A_461 : i32 to index
      %swap3A_512 = tpu.vector_load %arg14[%swap3A_511] {strides = array<i32>} : memref<8192xi32, #tpu.memory_space<vmem>>, vector<16xi32>,
      %swap3A_513 = vector.shape_cast %swap3A_512 : vector<16xi32> to vector<16xi32>
      %swap3A_514 = vector.shape_cast %select_n3A_510 : vector<16xi32> to vector<16xi32>
      tpu.vector_store %arg14[%swap3A_511], %swap3A_514 {strides = array<i32>} : memref<8192xi32, #tpu.memory_space<vmem>>, vector<16xi32>,
      %scan3A_515 = arith.constant 2 : i32
      %scan3A_516 = arith.addi %scan3A_406, %scan3A_515 : i32
      %mul3A_517 = arith.constant 16 : i32
      %mul3A_518 = arith.muli %scan3A_516, %mul3A_517 : i32
      %get3A_519 = arith.index_cast %mul3A_518 : i32 to index
      %get3A_520 = tpu.vector_load %arg8[%get3A_519] {strides = array<i32>} : memref<8192xf32, #tpu.memory_space<vmem>>, vector<16xf32>,
      %get3A_521 = vector.shape_cast %get3A_520 : vector<16xf32> to vector<16xf32>
      %sub3A_522 = arith.subf %get3A_521, %get3A_40 : vector<16xf32>
      %mul3A_523 = arith.mulf %sub3A_522, %div3A_58 : vector<16xf32>
      %add3A_524 = arith.constant 5.000000e-01 : f32
      %add3A_525 = vector.broadcast %add3A_524 : f32 to vector<16xf32>
      %add3A_526 = arith.addf %mul3A_523, %add3A_525 : vector<16xf32>
      %convert_element_type3A_527 = arith.fptosi %add3A_526 : vector<16xf32> to vector<16xi32>
      %get3A_528 = arith.index_cast %mul3A_518 : i32 to index
      %get3A_529 = tpu.vector_load %arg10[%get3A_528] {strides = array<i32>} : memref<8192xf32, #tpu.memory_space<vmem>>, vector<16xf32>,
      %get3A_530 = vector.shape_cast %get3A_529 : vector<16xf32> to vector<16xf32>
      %sub3A_531 = arith.subf %get3A_530, %get3A_45 : vector<16xf32>
      %mul3A_532 = arith.mulf %sub3A_531, %div3A_58 : vector<16xf32>
      %add3A_533 = arith.constant 5.000000e-01 : f32
      %add3A_534 = vector.broadcast %add3A_533 : f32 to vector<16xf32>
      %add3A_535 = arith.addf %mul3A_532, %add3A_534 : vector<16xf32>
      %convert_element_type3A_536 = arith.fptosi %add3A_535 : vector<16xf32> to vector<16xi32>
      %get3A_537 = arith.index_cast %mul3A_518 : i32 to index
      %get3A_538 = tpu.vector_load %arg12[%get3A_537] {strides = array<i32>} : memref<8192xf32, #tpu.memory_space<vmem>>, vector<16xf32>,
      %get3A_539 = vector.shape_cast %get3A_538 : vector<16xf32> to vector<16xf32>
      %sub3A_540 = arith.subf %get3A_539, %get3A_50 : vector<16xf32>
      %mul3A_541 = arith.mulf %sub3A_540, %div3A_58 : vector<16xf32>
      %add3A_542 = arith.constant 5.000000e-01 : f32
      %add3A_543 = vector.broadcast %add3A_542 : f32 to vector<16xf32>
      %add3A_544 = arith.addf %mul3A_541, %add3A_543 : vector<16xf32>
      %convert_element_type3A_545 = arith.fptosi %add3A_544 : vector<16xf32> to vector<16xi32>
      %ge3A_546 = arith.cmpi sge, %convert_element_type3A_527, %get3A_63 : vector<16xi32>
      %lt3A_547 = arith.cmpi slt, %convert_element_type3A_527, %get3A_78 : vector<16xi32>
      %and3A_548 = arith.andi %ge3A_546, %lt3A_547 : vector<16xi1>
      %ge3A_549 = arith.cmpi sge, %convert_element_type3A_536, %get3A_68 : vector<16xi32>
      %and3A_550 = arith.andi %and3A_548, %ge3A_549 : vector<16xi1>
      %lt3A_551 = arith.cmpi slt, %convert_element_type3A_536, %get3A_83 : vector<16xi32>
      %and3A_552 = arith.andi %and3A_550, %lt3A_551 : vector<16xi1>
      %ge3A_553 = arith.cmpi sge, %convert_element_type3A_545, %get3A_73 : vector<16xi32>
      %and3A_554 = arith.andi %and3A_552, %ge3A_553 : vector<16xi1>
      %lt3A_555 = arith.cmpi slt, %convert_element_type3A_545, %get3A_88 : vector<16xi32>
      %and3A_556 = arith.andi %and3A_554, %lt3A_555 : vector<16xi1>
      %mul3A_557 = arith.constant 8192 : i32
      %mul3A_558 = vector.broadcast %mul3A_557 : i32 to vector<16xi32>
      %mul3A_559 = arith.muli %convert_element_type3A_527, %mul3A_558 : vector<16xi32>
      %mul3A_560 = arith.constant 32 : i32
      %mul3A_561 = vector.broadcast %mul3A_560 : i32 to vector<16xi32>
      %mul3A_562 = arith.muli %convert_element_type3A_536, %mul3A_561 : vector<16xi32>
      %add3A_563 = arith.addi %mul3A_559, %mul3A_562 : vector<16xi32>
      %add3A_564 = arith.addi %add3A_563, %convert_element_type3A_545 : vector<16xi32>
      %jit3A_565 = arith.constant 0 : i32
      %broadcast_in_dim3A_566 = vector.broadcast %jit3A_565 : i32 to vector<16xi32>
      %select_n3A_567 = arith.select %and3A_556, %add3A_564, %broadcast_in_dim3A_566 : vector<16xi1>, vector<16xi32>
      %swap3A_568 = arith.index_cast %mul3A_518 : i32 to index
      %swap3A_569 = tpu.vector_load %arg14[%swap3A_568] {strides = array<i32>} : memref<8192xi32, #tpu.memory_space<vmem>>, vector<16xi32>,
      %swap3A_570 = vector.shape_cast %swap3A_569 : vector<16xi32> to vector<16xi32>
      %swap3A_571 = vector.shape_cast %select_n3A_567 : vector<16xi32> to vector<16xi32>
      tpu.vector_store %arg14[%swap3A_568], %swap3A_571 {strides = array<i32>} : memref<8192xi32, #tpu.memory_space<vmem>>, vector<16xi32>,
      %scan3A_572 = arith.constant 3 : i32
      %scan3A_573 = arith.addi %scan3A_406, %scan3A_572 : i32
      %mul3A_574 = arith.constant 16 : i32
      %mul3A_575 = arith.muli %scan3A_573, %mul3A_574 : i32
      %get3A_576 = arith.index_cast %mul3A_575 : i32 to index
      %get3A_577 = tpu.vector_load %arg8[%get3A_576] {strides = array<i32>} : memref<8192xf32, #tpu.memory_space<vmem>>, vector<16xf32>,
      %get3A_578 = vector.shape_cast %get3A_577 : vector<16xf32> to vector<16xf32>
      %sub3A_579 = arith.subf %get3A_578, %get3A_40 : vector<16xf32>
      %mul3A_580 = arith.mulf %sub3A_579, %div3A_58 : vector<16xf32>
      %add3A_581 = arith.constant 5.000000e-01 : f32
      %add3A_582 = vector.broadcast %add3A_581 : f32 to vector<16xf32>
      %add3A_583 = arith.addf %mul3A_580, %add3A_582 : vector<16xf32>
      %convert_element_type3A_584 = arith.fptosi %add3A_583 : vector<16xf32> to vector<16xi32>
      %get3A_585 = arith.index_cast %mul3A_575 : i32 to index
      %get3A_586 = tpu.vector_load %arg10[%get3A_585] {strides = array<i32>} : memref<8192xf32, #tpu.memory_space<vmem>>, vector<16xf32>,
      %get3A_587 = vector.shape_cast %get3A_586 : vector<16xf32> to vector<16xf32>
      %sub3A_588 = arith.subf %get3A_587, %get3A_45 : vector<16xf32>
      %mul3A_589 = arith.mulf %sub3A_588, %div3A_58 : vector<16xf32>
      %add3A_590 = arith.constant 5.000000e-01 : f32
      %add3A_591 = vector.broadcast %add3A_590 : f32 to vector<16xf32>
      %add3A_592 = arith.addf %mul3A_589, %add3A_591 : vector<16xf32>
      %convert_element_type3A_593 = arith.fptosi %add3A_592 : vector<16xf32> to vector<16xi32>
      %get3A_594 = arith.index_cast %mul3A_575 : i32 to index
      %get3A_595 = tpu.vector_load %arg12[%get3A_594] {strides = array<i32>} : memref<8192xf32, #tpu.memory_space<vmem>>, vector<16xf32>,
      %get3A_596 = vector.shape_cast %get3A_595 : vector<16xf32> to vector<16xf32>
      %sub3A_597 = arith.subf %get3A_596, %get3A_50 : vector<16xf32>
      %mul3A_598 = arith.mulf %sub3A_597, %div3A_58 : vector<16xf32>
      %add3A_599 = arith.constant 5.000000e-01 : f32
      %add3A_600 = vector.broadcast %add3A_599 : f32 to vector<16xf32>
      %add3A_601 = arith.addf %mul3A_598, %add3A_600 : vector<16xf32>
      %convert_element_type3A_602 = arith.fptosi %add3A_601 : vector<16xf32> to vector<16xi32>
      %ge3A_603 = arith.cmpi sge, %convert_element_type3A_584, %get3A_63 : vector<16xi32>
      %lt3A_604 = arith.cmpi slt, %convert_element_type3A_584, %get3A_78 : vector<16xi32>
      %and3A_605 = arith.andi %ge3A_603, %lt3A_604 : vector<16xi1>
      %ge3A_606 = arith.cmpi sge, %convert_element_type3A_593, %get3A_68 : vector<16xi32>
      %and3A_607 = arith.andi %and3A_605, %ge3A_606 : vector<16xi1>
      %lt3A_608 = arith.cmpi slt, %convert_element_type3A_593, %get3A_83 : vector<16xi32>
      %and3A_609 = arith.andi %and3A_607, %lt3A_608 : vector<16xi1>
      %ge3A_610 = arith.cmpi sge, %convert_element_type3A_602, %get3A_73 : vector<16xi32>
      %and3A_611 = arith.andi %and3A_609, %ge3A_610 : vector<16xi1>
      %lt3A_612 = arith.cmpi slt, %convert_element_type3A_602, %get3A_88 : vector<16xi32>
      %and3A_613 = arith.andi %and3A_611, %lt3A_612 : vector<16xi1>
      %mul3A_614 = arith.constant 8192 : i32
      %mul3A_615 = vector.broadcast %mul3A_614 : i32 to vector<16xi32>
      %mul3A_616 = arith.muli %convert_element_type3A_584, %mul3A_615 : vector<16xi32>
      %mul3A_617 = arith.constant 32 : i32
      %mul3A_618 = vector.broadcast %mul3A_617 : i32 to vector<16xi32>
      %mul3A_619 = arith.muli %convert_element_type3A_593, %mul3A_618 : vector<16xi32>
      %add3A_620 = arith.addi %mul3A_616, %mul3A_619 : vector<16xi32>
      %add3A_621 = arith.addi %add3A_620, %convert_element_type3A_602 : vector<16xi32>
      %jit3A_622 = arith.constant 0 : i32
      %broadcast_in_dim3A_623 = vector.broadcast %jit3A_622 : i32 to vector<16xi32>
      %select_n3A_624 = arith.select %and3A_613, %add3A_621, %broadcast_in_dim3A_623 : vector<16xi1>, vector<16xi32>
      %swap3A_625 = arith.index_cast %mul3A_575 : i32 to index
      %swap3A_626 = tpu.vector_load %arg14[%swap3A_625] {strides = array<i32>} : memref<8192xi32, #tpu.memory_space<vmem>>, vector<16xi32>,
      %swap3A_627 = vector.shape_cast %swap3A_626 : vector<16xi32> to vector<16xi32>
      %swap3A_628 = vector.shape_cast %select_n3A_624 : vector<16xi32> to vector<16xi32>
      tpu.vector_store %arg14[%swap3A_625], %swap3A_628 {strides = array<i32>} : memref<8192xi32, #tpu.memory_space<vmem>>, vector<16xi32>,
    }
    %scan3A_379 = arith.constant 512 : i32
    %dma_wait3A_380 = tpu.memref_slice %arg6[%add3A_365] : memref<2097152xf32, #tpu.memory_space<hbm>> -> memref<8192xf32, #tpu.memory_space<hbm>>
    %dma_wait3A_381 = tpu.memref_slice %arg6[%add3A_365] : memref<2097152xf32, #tpu.memory_space<hbm>> -> memref<8192xf32, #tpu.memory_space<hbm>>
    tpu.wait_dma2 semaphore(%arg22 : memref<!tpu.dma_semaphore, #tpu.memory_space<semaphore_mem>>) src(%arg16 : memref<8192xf32, #tpu.memory_space<vmem>>) dst(%dma_wait3A_381 : memref<8192xf32, #tpu.memory_space<hbm>>)
    %dma_start3A_382 = arith.constant 0 : i32
    %dma_start3A_383 = tpu.memref_slice %arg3[%dma_start3A_382] : memref<2097152xf32, #tpu.memory_space<hbm>> -> memref<2097152xf32, #tpu.memory_space<hbm>>
    tpu.enqueue_indirect_dma source(%dma_start3A_383 : memref<2097152xf32, #tpu.memory_space<hbm>>) target(%arg16 : memref<8192xf32, #tpu.memory_space<vmem>>) offsets(%arg14 : memref<8192xi32, #tpu.memory_space<vmem>>) semaphore(%arg21 : memref<!tpu.dma_semaphore, #tpu.memory_space<semaphore_mem>>)
    %dma_wait3A_384 = arith.constant 0 : i32
    %dma_wait3A_385 = tpu.memref_slice %arg3[%dma_wait3A_384] : memref<2097152xf32, #tpu.memory_space<hbm>> -> memref<2097152xf32, #tpu.memory_space<hbm>>
    tpu.wait_indirect_dma semaphore(%arg20 : memref<!tpu.dma_semaphore, #tpu.memory_space<semaphore_mem>>) src(%dma_wait3A_385 : memref<2097152xf32, #tpu.memory_space<hbm>>) dst(%arg15 : memref<8192xf32, #tpu.memory_space<vmem>>)
    %mul3A_386 = arith.constant 262144 : i32
    %mul3A_387 = arith.muli %select_n3A, %mul3A_386 : i32
    %add3A_388 = arith.addi %mul3A_387, %mul3A_32 : i32
    %add3A_389 = arith.constant 49152 : i32
    %add3A_390 = arith.addi %add3A_388, %add3A_389 : i32
    %dma_start3A_391 = tpu.memref_slice %arg6[%add3A_390] : memref<2097152xf32, #tpu.memory_space<hbm>> -> memref<8192xf32, #tpu.memory_space<hbm>>
    %dma_start3A_392 = tpu.memref_slice %arg6[%add3A_390] : memref<2097152xf32, #tpu.memory_space<hbm>> -> memref<8192xf32, #tpu.memory_space<hbm>>
    tpu.enqueue_dma source(%arg15 : memref<8192xf32, #tpu.memory_space<vmem>>) target(%dma_start3A_392 : memref<8192xf32, #tpu.memory_space<hbm>>) target_semaphore(%arg22 : memref<!tpu.dma_semaphore, #tpu.memory_space<semaphore_mem>>)
    %dma_wait3A_393 = arith.constant 0 : i32
    %dma_wait3A_394 = tpu.memref_slice %arg3[%dma_wait3A_393] : memref<2097152xf32, #tpu.memory_space<hbm>> -> memref<2097152xf32, #tpu.memory_space<hbm>>
    tpu.wait_indirect_dma semaphore(%arg21 : memref<!tpu.dma_semaphore, #tpu.memory_space<semaphore_mem>>) src(%dma_wait3A_394 : memref<2097152xf32, #tpu.memory_space<hbm>>) dst(%arg16 : memref<8192xf32, #tpu.memory_space<vmem>>)
    %mul3A_395 = arith.constant 262144 : i32
    %mul3A_396 = arith.muli %select_n3A, %mul3A_395 : i32
    %add3A_397 = arith.addi %mul3A_396, %mul3A_32 : i32
    %add3A_398 = arith.constant 57344 : i32
    %add3A_399 = arith.addi %add3A_397, %add3A_398 : i32
    %dma_start3A_400 = tpu.memref_slice %arg6[%add3A_399] : memref<2097152xf32, #tpu.memory_space<hbm>> -> memref<8192xf32, #tpu.memory_space<hbm>>
    %dma_start3A_401 = tpu.memref_slice %arg6[%add3A_399] : memref<2097152xf32, #tpu.memory_space<hbm>> -> memref<8192xf32, #tpu.memory_space<hbm>>
    tpu.enqueue_dma source(%arg16 : memref<8192xf32, #tpu.memory_space<vmem>>) target(%dma_start3A_401 : memref<8192xf32, #tpu.memory_space<hbm>>) target_semaphore(%arg22 : memref<!tpu.dma_semaphore, #tpu.memory_space<semaphore_mem>>)
    %dma_wait3A_402 = tpu.memref_slice %arg6[%add3A_390] : memref<2097152xf32, #tpu.memory_space<hbm>> -> memref<8192xf32, #tpu.memory_space<hbm>>
    %dma_wait3A_403 = tpu.memref_slice %arg6[%add3A_390] : memref<2097152xf32, #tpu.memory_space<hbm>> -> memref<8192xf32, #tpu.memory_space<hbm>>
    tpu.wait_dma2 semaphore(%arg22 : memref<!tpu.dma_semaphore, #tpu.memory_space<semaphore_mem>>) src(%arg15 : memref<8192xf32, #tpu.memory_space<vmem>>) dst(%dma_wait3A_403 : memref<8192xf32, #tpu.memory_space<hbm>>)
    %dma_wait3A_404 = tpu.memref_slice %arg6[%add3A_399] : memref<2097152xf32, #tpu.memory_space<hbm>> -> memref<8192xf32, #tpu.memory_space<hbm>>
    %dma_wait3A_405 = tpu.memref_slice %arg6[%add3A_399] : memref<2097152xf32, #tpu.memory_space<hbm>> -> memref<8192xf32, #tpu.memory_space<hbm>>
    tpu.wait_dma2 semaphore(%arg22 : memref<!tpu.dma_semaphore, #tpu.memory_space<semaphore_mem>>) src(%arg16 : memref<8192xf32, #tpu.memory_space<vmem>>) dst(%dma_wait3A_405 : memref<8192xf32, #tpu.memory_space<hbm>>)
    return
  }
}

</mosaic_0001>

<sc_bundles>
// kernel: kernel.3.cloned.1.call-start
scs
__scs_entry_jumppad:
0x0: {  	(pc) =	sbr.rel $0x88, $3  }
0x1: {  	(tag) =	ssettag $0x0;
	lr =	simm.s32 $0x1  }
0x2: {  	[smem:$0x3F9B] =	sst lr;
	_ =	strace $0xD0000000  }
0x3: {  	_ = 	snop  }
0x4: {  	_ = 	snop  }
0x5: {  	_ = 	snop  }
0x6: {  	_ = 	snop  }
0x7: {  	_ = 	snop  }
__scs_overlays_trampoline_lowered:
0x8: {  	[smem:$0x3FAA] =	sst s0  }
0x9: {  	[smem:$0x3FAB] =	sst s1  }
0xa: {  	[smem:$0x3FAC] =	sst s2  }
0xb: {  	[smem:$0x3FAD] =	sst s3  }
0xc: {  	[smem:$0x3FAE] =	sst s4  }
0xd: {  	[smem:$0x3FAF] =	sst s5  }
0xe: {  	[smem:$0x3FB0] =	sst s6  }
0xf: {  	[smem:$0x3FB1] =	sst s7  }
0x10: {  	[smem:$0x3FB2] =	sst s8  }
0x11: {  	[smem:$0x3FB3] =	sst s9;
	s0 =	simm.s32 @!p0 $0x0  }
0x12: {  	s1 =	sld [smem:$0x3F99];
	s0 =	simm.s32 @p0 $0x1  }
0x13: {  	[smem:$0x3FB4] =	sst s0;
	s0 =	simm.s32 @!p1 $0x0  }
0x14: {  	s2 =	sld [smem:$0x3F98];
	s0 =	simm.s32 @p1 $0x1  }
0x15: {  	[smem:$0x3FB5] =	sst s0;
	s0 =	simm.s32 @!p2 $0x0  }
0x16: {  	s3 =	sld [smem:$0x3FDB];
	s0 =	simm.s32 @p2 $0x1  }
0x17: {  	s4 =	simm.s32 $0x1BF5;
	[smem:$0x3FB7] =	sst s0  }
0x18: {  	s0 =	sld [smem:$0x3F9A];
	_ =	swait.ge [sflag:s4], $0x0  }
0x19: {  	s7 =	sld [smem:$0x3F9B]  }
0x1a: {  	s8 =	sadd.s32 $0xFFFFE003, lr  }
0x1b: {  	s9 =	sadd.s32 $0xFFFFFEF7, lr;
	s5 =	simm.s32 $0xFFFFFFFF;
	p2 =	slt.u32 s8, $0xFFFFF086  }
0x1c: {  	p1 =	slt.u32 s9, $0xF7A;
	s5 =	simm.s32 @!p2 $0x0  }
0x1d: {  	s5 =	simm.s32 @p1 $0x1;
	p0 =	seq.s32 s7, s2  }
0x1e: {  	s7 =	smul.u32 @!p0 $0xF7A, s2;
	p2 =	seq.s32 @!p0 s5, $0x0  }
0x1f: {  	s9 =	smul.u32 $0xF7A, s1;
	s8 =	simm.s32 @!p0 $0x1BF5;
	p2 =	por !p2, p0  }
0x20: {  	[sflag:s8] =	ssyncset.s32 @!p0 $0xFFFFF086;
	s6 =	sadd.s32 @!p0 s3, s7;
	s7 =	simm.s32 @!p0 $0x108  }
0x21: {  	s3 =	sadd.s32 s3, s9;
	s6 =	sadd.s32 @!p0 $0x88, s6;
	s7 =	simm.s32 @p2 $0x1082  }
0x22: {  	[simem:s7], [sflag:s8] =	dma.local @!p0 [hbm:s6], $0xF7A  }
0x23: {  	s9 =	sor.u32 $0xD0000000, s2;
	s6 =	simm.s32 $0x108;
	_ =	swait.ge @!p0 [sflag:s8], $0x0  }
0x24: {  	s3 =	sadd.s32 $0x88, s3;
	s6 =	simm.s32 @!p1 $0x1082;
	[sflag:s4] =	ssyncset.s32 $0xFFFFF086  }
0x25: {  	[simem:s6], [sflag:s4] =	dma.local [hbm:s3], $0xF7A  }
0x26: {  	[smem:$0x3F9B] =	sst s1;
	(tag) =	ssettag s2;
	_ =	strace s9  }
0x27: {  	s1 =	sld [smem:$0x3FAB]  }
0x28: {  	s2 =	sld [smem:$0x3FAC]  }
0x29: {  	s4 =	sld [smem:$0x3FAE]  }
0x2a: {  	p0 =	seq.s32 s5, $0x0;
	s5 =	sld [smem:$0x3FAF]  }
0x2b: {  	s6 =	sld [smem:$0x3FB0]  }
0x2c: {  	s7 =	sld [smem:$0x3FB1]  }
0x2d: {  	s3 =	simm.s32 $0x108;
	s8 =	sld [smem:$0x3FB2]  }
0x2e: {  	s3 =	simm.s32 @!p0 $0x1082;
	s9 =	sld [smem:$0x3FB3]  }
0x2f: {  	lr =	sadd.s32 s0, s3;
	s0 =	sld [smem:$0x3FAA]  }
0x30: {  	s3 =	sld [smem:$0x3FAD]  }
0x31: {  	[smem:$0x3FB6] =	sst s10  }
0x32: {  	s10 =	sld [smem:$0x3FB4];
	_ =	sdelay $0x3  }
0x33: {  	p0 =	seq.s32 s10, $0x1;
	s10 =	sld [smem:$0x3FB6];
	_ =	sdelay $0x3  }
0x34: {  	[smem:$0x3FB6] =	sst s10  }
0x35: {  	s10 =	sld [smem:$0x3FB5];
	_ =	sdelay $0x3  }
0x36: {  	p1 =	seq.s32 s10, $0x1;
	s10 =	sld [smem:$0x3FB6];
	_ =	sdelay $0x3  }
0x37: {  	[smem:$0x3FB6] =	sst s10  }
0x38: {  	s10 =	sld [smem:$0x3FB7]  }
0x39: {  	_ = 	snop;
	(pc) =	sbr.ind lr, $3  }
0x3a: {  	_ = 	snop  }
0x3b: {  	_ = 	snop  }
0x3c: {  	p2 =	seq.s32 s10, $0x1;
	s10 =	sld [smem:$0x3FB6]  }
0x3d: {  	_ =	shalt  }
0x3e: {  	_ =	shalt  }
0x3f: {  	_ =	shalt  }
0x40: {  	_ =	shalt  }
0x41: {  	_ =	shalt  }
0x42: {  	_ =	shalt  }
0x43: {  	_ =	shalt  }
0x44: {  	_ =	shalt  }
0x45: {  	_ =	shalt  }
0x46: {  	_ =	shalt  }
0x47: {  	_ =	shalt  }
0x48: {  	_ =	shalt  }
0x49: {  	_ =	shalt  }
0x4a: {  	_ =	shalt  }
0x4b: {  	_ =	shalt  }
0x4c: {  	_ =	shalt  }
0x4d: {  	_ =	shalt  }
0x4e: {  	_ =	shalt  }
0x4f: {  	_ =	shalt  }
0x50: {  	_ =	shalt  }
0x51: {  	_ =	shalt  }
0x52: {  	_ =	shalt  }
0x53: {  	_ =	shalt  }
0x54: {  	_ =	shalt  }
0x55: {  	_ =	shalt  }
0x56: {  	_ =	shalt  }
0x57: {  	_ =	shalt  }
0x58: {  	_ =	shalt  }
0x59: {  	_ =	shalt  }
0x5a: {  	_ =	shalt  }
0x5b: {  	_ =	shalt  }
0x5c: {  	_ =	shalt  }
0x5d: {  	_ =	shalt  }
0x5e: {  	_ =	shalt  }
0x5f: {  	_ =	shalt  }
0x60: {  	_ =	shalt  }
0x61: {  	_ =	shalt  }
0x62: {  	_ =	shalt  }
0x63: {  	_ =	shalt  }
0x64: {  	_ =	shalt  }
0x65: {  	_ =	shalt  }
0x66: {  	_ =	shalt  }
0x67: {  	_ =	shalt  }
0x68: {  	_ =	shalt  }
0x69: {  	_ =	shalt  }
0x6a: {  	_ =	shalt  }
0x6b: {  	_ =	shalt  }
0x6c: {  	_ =	shalt  }
0x6d: {  	_ =	shalt  }
0x6e: {  	_ =	shalt  }
0x6f: {  	_ =	shalt  }
0x70: {  	_ =	shalt  }
0x71: {  	_ =	shalt  }
0x72: {  	_ =	shalt  }
0x73: {  	_ =	shalt  }
0x74: {  	_ =	shalt  }
0x75: {  	_ =	shalt  }
0x76: {  	_ =	shalt  }
0x77: {  	_ =	shalt  }
0x78: {  	_ =	shalt  }
0x79: {  	_ =	shalt  }
0x7a: {  	_ =	shalt  }
0x7b: {  	_ =	shalt  }
0x7c: {  	_ =	shalt  }
0x7d: {  	_ =	shalt  }
0x7e: {  	_ =	shalt  }
0x7f: {  	_ =	shalt  }
0x80: {  	_ =	shalt  }
0x81: {  	_ =	shalt  }
0x82: {  	_ =	shalt  }
0x83: {  	_ =	shalt  }
0x84: {  	_ =	shalt  }
0x85: {  	_ =	shalt  }
0x86: {  	_ =	shalt  }
0x87: {  	_ =	shalt  }
.Lfunc_end0:
.L_simem_size_0:
called_computation_lowered:
.L_overlay_start_0:
0x88: {  	s2 =	sld [smem:$0x3FD9]  }
0x89: {  	s3 =	sld [smem:$0x3FFE];
	_ =	sdelay $0x1  }
0x8a: {  	s1 =	srdreg.scid  }
0x8b: {  	s0 =	sand.u32 $0x1, s1  }
0x8c: {  	s17 =	sshll.u32 s0, $0xA;
	s2 =	sadd.s32 s3, s2  }
0x8d: {  	s2 =	sadd.s32 s2, s17  }
0x8e: {  	[smem:$0x3FC2] =	sst s2  }
0x8f: {  	_ = 	snop  }
0x90: {  	s2 =	sld [smem:$0x3FD0];
	(tm) =	ssettm $0x1  }
0x91: {  	s18 =	sld [smem:$0x3FFB];
	_ =	sdelay $0x3  }
0x92: {  	_ =	strace s18  }
0x93: {  	s3 =	sld [smem:$0x3FFC];
	_ =	sdelay $0x3  }
0x94: {  	_ =	strace s3  }
0x95: {  	s3 =	sld [smem:$0x3FFD];
	_ =	sdelay $0x3  }
0x96: {  	_ =	strace s3  }
0x97: {  	_ =	strace $0x8FFFFFFF  }
0x98: {  	s19 =	sld [smem:$0x3FDB];
	_ =	sdelay $0x1  }
0x99: {  	s4 =	simm.s32 $_scs_section_size  }
0x9a: {  	s5 =	simm.s32 $_size__tile_overlayer_lowered;
	s6 =	simm.s32 $_tile_overlayer_lowered  }
0x9b: {  	s22 =	simm.s32 $0x1BFF;
	s21 =	sshll.u32 s6, $0x1;
	s3 =	sadd.s32 s4, s19  }
0x9c: {  	s7 =	simm.s32 $0x0;
	s20 =	sshll.u32 s5, $0x1;
	s5 =	sadd.s32 s21, s3  }
0x9d: {  	[timem:s7], [sflag:s22] =	dma.local [hbm:s5], s20  }
0x9e: {  	_ =	swait.ge [sflag:s22], s20  }
0x9f: {  	s4 =	ssub.s32 $0x0, s20;
	[sflag:s22] =	ssyncset.done $0x0  }
0xa0: {  	[sflag:s22] =	ssyncadd.s32 s4;
	_ =	sdelay $0x1  }
0xa1: {  	s23 =	simm.s32 $0x1B8B  }
0xa2: {  	_ =	swait.ge [sflag:s23], $0x1  }
0xa3: {  	[sflag:s23] =	ssyncset.done $0x0  }
0xa4: {  	s25 =	simm.s32 $0x1B8E;
	s24 =	sld [smem:$0x3FFE];
	[sflag:s23] =	ssyncadd.s32 $0xFFFFFFFF  }
0xa5: {  	s26 =	simm.s32 $execute0_lowered;
	[smem:$0x3FD2] =	sst s25  }
0xa6: {  	s5 =	sshll.u32 s26, $0x1;
	_ =	strace $0x80000046;
	[dreg:$0x1] =	wrdreg $0xFFFFFFFF  }
0xa7: {  	s28 =	simm.s32 $_size_execute0_lowered;
	s3 =	sadd.s32 s3, s5;
	[dreg:$0x0] =	wrdreg $0x0  }
0xa8: {  	s5 =	sshll.u32 s28, $0x1;
	[dreg:$0x2] =	wrdreg s3  }
0xa9: {  	[dreg:$0x3] =	wrdreg s5  }
0xaa: {  	[dreg:$0x4] =	wrdreg $0xC0  }
0xab: {  	_ =	task [dreg:s7], $0x5FFFF  }
0xac: {  	[dreg:$0x1] =	wrdreg $0xFFFFFFFF  }
0xad: {  	[dreg:$0x0] =	wrdreg $0x60  }
0xae: {  	[dreg:$0x2] =	wrdreg s24  }
0xaf: {  	[dreg:$0x3] =	wrdreg s2  }
0xb0: {  	[dreg:$0x4] =	wrdreg $0x9  }
0xb1: {  	_ =	task.clear_ibuf [dreg:s7], $0x5FFFF;
	_ =	strace $0x90000046  }
0xb2: {  	s29 =	simm.s32 $0x9;
	_ =	strace $0x80000048  }
0xb3: {  	_ =	swait.ge [sflag:s29], $0x1  }
0xb4: {  	[sflag:s29] =	ssyncadd.s32 $0xFFFFFFFF  }
0xb5: {  	_ =	strace $0x90000048  }
0xb6: {  	_ =	sfence  }
0xb7: {  	s30 =	sld [smem:$0x0];
	_ =	sdelay $0x2  }
0xb8: {  	s31 =	sshll.u32 s1, $0xD;
	s1 =	sshrl.u32 s1, $0x2  }
0xb9: {  	s3 =	sand.u32 $0x4000, s31;
	s1 =	sadd.s32 s1, s30  }
0xba: {  	s0 =	sor.u32 s3, s0;
	s1 =	sshll.u32 s1, $0x11  }
0xbb: {  	s0 =	sor.u32 s1, s0  }
0xbc: {  	s0 =	sadd.s32 $0x8F2B, s0  }
0xbd: {  	[sflag:s0] =	ssyncadd.remote.s32 $0x1  }
0xbe: {  	_ =	sfence.sel $0xFFFF  }
0xbf: {  	[dreg:$0x0] =	wrdreg $0xFFFFFFFF;
	(pc) =	sbr.abs _section_cstart, $3  }
0xc0: {  	[dreg:$0x1] =	wrdreg $0xFFFFFFFF  }
0xc1: {  	_ =	task.clear_ibuf [dreg:s7], $0x2FFFF;
	_ =	strace $0x9FFFFFFF  }
0xc2: {  	(tm) =	ssettm $0x7FFFFFFF  }
0xc3: {  	_ =	shalt  }
tec
execute0_lowered:
.L_overlay_start_1:
0x0: {  	(tag) =	ssettag $0x1  }
0x1: {  	s2 =	stileid.u32  }
0x2: {  	s0 =	srdreg.scid;
	s1 =	sshll.u32 s2, $0x1  }
0x3: {  	s0 =	sand.u32 $0x1, s0;
	s2 =	sshrl.u32 s2, $0x1;
	s1 =	sand.u32 $0x2, s1  }
0x4: {  	s3 =	ssub.s32 $0x2, s0;
	s4 =	smul.u32 $0xC0000, s2;
	s1 =	sor.u32 s0, s1  }
0x5: {  	s28 =	sshll.u32 s2, $0x12;
	s29 =	sshrl.u32 s3, $0x1;
	s1 =	sshll.u32 s1, $0x10  }
0x6: {  	s7 =	ssub.s32 s3, s29;
	s31 =	sadd.s32 $0x40000, s4;
	s5 =	sadd.s32 $0x80000, s4  }
0x7: {  	s0 =	sor.u32 s28, s1;
	s30 =	sor.u32 s4, s1;
	s6 =	sor.u32 $0x2000, s1  }
0x8: {  	s8 =	sor.u32 s31, s1;
	s9 =	sor.u32 s5, s1;
	s12 =	sor.u32 $0x4000, s1  }
0x9: {  	s15 =	sor.u32 $0x6000, s1;
	s17 =	sor.u32 $0x8000, s1;
	s21 =	sor.u32 $0xA000, s1  }
0xa: {  	s24 =	sor.u32 $0xC000, s1;
	s1 =	sor.u32 $0xE000, s1;
	s28 =	rddreg [dreg:$0x0]  }
0xb: {  	s7 =	smax.u32 s7, $0x1;
	s10 =	sor.u32 s4, s6;
	s11 =	sor.u32 s31, s6  }
0xc: {  	s6 =	sor.u32 s5, s6;
	s13 =	sor.u32 s4, s12;
	s14 =	sor.u32 s31, s12  }
0xd: {  	s12 =	sor.u32 s5, s12;
	s16 =	sor.u32 s4, s15;
	s18 =	sor.u32 s31, s15  }
0xe: {  	s15 =	sor.u32 s5, s15;
	s19 =	sor.u32 s4, s17;
	s20 =	sor.u32 s31, s17  }
0xf: {  	s17 =	sor.u32 s5, s17;
	s22 =	sor.u32 s4, s21;
	s23 =	sor.u32 s31, s21  }
0x10: {  	s21 =	sor.u32 s5, s21;
	s25 =	sor.u32 s4, s24;
	s26 =	sor.u32 s31, s24  }
0x11: {  	s24 =	sor.u32 s5, s24;
	s4 =	sor.u32 s4, s1;
	s3 =	sor.u32 s31, s1  }
0x12: {  	s5 =	sor.u32 s5, s1;
	s2 =	sshrl.u32 s30, $0x3;
	s1 =	simm.s32 $0x0  }
0x13: {  	s29 =	sadd.s32 $0x3400, s28;
	s8 =	sshrl.u32 s8, $0x3;
	s30 =	sshrl.u32 s9, $0x3  }
0x14: {  	s0 =	sshrl.u32 s0, $0x3;
	[smem:$0x7FF] =	sst s1;
	s2 =	sadd.s32 s29, s2  }
0x15: {  	s31 =	sshrl.u32 s10, $0x3;
	s9 =	sshrl.u32 s11, $0x3;
	s10 =	sshrl.u32 s6, $0x3  }
0x16: {  	s11 =	sshrl.u32 s13, $0x3;
	s14 =	sshrl.u32 s14, $0x3;
	s4 =	sshrl.u32 s4, $0x3  }
0x17: {  	[dreg:$0x3] =	wrdreg s2;
	s2 =	sadd.s32 s29, s8;
	s8 =	sadd.s32 s29, s31  }
0x18: {  	s13 =	sadd.s32 s29, s11;
	s31 =	sshrl.u32 s16, $0x3;
	[dreg:$0x4] =	wrdreg s2  }
0x19: {  	s16 =	sshrl.u32 s23, $0x3;
	s23 =	sshrl.u32 s3, $0x3;
	[dreg:$0x6] =	wrdreg s8  }
0x1a: {  	s2 =	sadd.s32 s29, s30;
	[dreg:$0x9] =	wrdreg s13;
	s30 =	sshrl.u32 s12, $0x3  }
0x1b: {  	s6 =	sadd.s32 s29, s31;
	s8 =	sshrl.u32 s18, $0x3;
	s12 =	sshrl.u32 s20, $0x3  }
0x1c: {  	s13 =	sshrl.u32 s17, $0x3;
	s17 =	sshrl.u32 s21, $0x3;
	s18 =	sshrl.u32 s25, $0x3  }
0x1d: {  	s20 =	sshrl.u32 s26, $0x3;
	s21 =	sshrl.u32 s24, $0x3;
	s26 =	rddreg [dreg:$0x1]  }
0x1e: {  	s24 =	sshrl.u32 s5, $0x3;
	s25 =	sadd.s32 s0, s28;
	[dreg:$0x5] =	wrdreg s2  }
0x1f: {  	s2 =	sadd.s32 s29, s9;
	[dreg:$0xc] =	wrdreg s6;
	s9 =	sshrl.u32 s15, $0x3  }
0x20: {  	s31 =	sadd.s32 $0xC3400, s25;
	s0 =	sadd.s32 $0xC3C00, s25;
	s3 =	sadd.s32 $0xC4400, s25  }
0x21: {  	s5 =	sadd.s32 $0xC4C00, s25;
	[dreg:$0x7] =	wrdreg s2;
	s2 =	sadd.s32 s29, s10  }
0x22: {  	s10 =	sshrl.u32 s19, $0x3;
	s19 =	sadd.s32 s29, s18;
	[dreg:$0x8] =	wrdreg s2  }
0x23: {  	s6 =	sadd.s32 $0xC5000, s25;
	s2 =	sadd.s32 s29, s14;
	[dreg:$0x15] =	wrdreg s19  }
0x24: {  	s18 =	simm.s32 $0x12000;
	s11 =	sadd.s32 s29, s10;
	[dreg:$0xa] =	wrdreg s2  }
0x25: {  	s14 =	sshrl.u32 s22, $0x3;
	s22 =	sadd.s32 s29, s4;
	[dreg:$0xf] =	wrdreg s11  }
0x26: {  	s4 =	sadd.s32 $0xC4800, s25;
	s2 =	sadd.s32 s29, s30;
	[dreg:$0x18] =	wrdreg s22  }
0x27: {  	s10 =	simm.s32 $0x8000;
	s15 =	sadd.s32 s29, s14;
	[dreg:$0xb] =	wrdreg s2  }
0x28: {  	s19 =	simm.s32 $0x2;
	s2 =	sadd.s32 s29, s8;
	[dreg:$0x12] =	wrdreg s15  }
0x29: {  	s30 =	sadd.s32 $0x2200, s28;
	[dreg:$0xd] =	wrdreg s2;
	s2 =	sadd.s32 s29, s9  }
0x2a: {  	s11 =	simm.s32 $0x1;
	[dreg:$0xe] =	wrdreg s2;
	s2 =	sadd.s32 s29, s12  }
0x2b: {  	s14 =	simm.s32 $0xA000;
	[dreg:$0x10] =	wrdreg s2;
	s2 =	sadd.s32 s29, s13  }
0x2c: {  	s22 =	simm.s32 $0x0;
	[dreg:$0x11] =	wrdreg s2;
	s2 =	sadd.s32 s29, s16  }
0x2d: {  	s8 =	simm.s32 $0x5;
	[dreg:$0x13] =	wrdreg s2;
	s2 =	sadd.s32 s29, s17  }
0x2e: {  	s15 =	simm.s32 $0xC000;
	[dreg:$0x14] =	wrdreg s2;
	s2 =	sadd.s32 s29, s20  }
0x2f: {  	s9 =	simm.s32 $0x4000;
	[dreg:$0x16] =	wrdreg s2;
	s2 =	sadd.s32 s29, s21  }
0x30: {  	s12 =	simm.s32 $0x2000;
	[dreg:$0x17] =	wrdreg s2;
	s2 =	sadd.s32 s29, s23  }
0x31: {  	s13 =	simm.s32 $0x6000;
	[dreg:$0x19] =	wrdreg s2;
	s2 =	sadd.s32 s29, s24  }
0x32: {  	s16 =	simm.s32 $0x10000;
	s29 =	sadd.s32 $0x2400, s28;
	[dreg:$0x1a] =	wrdreg s2  }
0x33: {  	s17 =	simm.s32 $0xE000;
	_ =	strace $0x80000047;
	[dreg:$0x1b] =	wrdreg s29  }
0x34: {  	s20 =	simm.s32 $0x4;
	s21 =	simm.s32 $0x3;
	[dreg:$0x1c] =	wrdreg s30  }
0x35: {  	s24 =	sadd.s32 $0xC3800, s25;
	s2 =	sadd.s32 $0xC4000, s25;
	[dreg:$0x1d] =	wrdreg s31  }
.LBB2_1:
0x36: {  	s23 =	rddreg [dreg:$0x1b];
	s25 =	simm.s32 $0x14000  }
0x37: {  	[tilespmem:s25], [sflag:$0x5] =	stream.linear.gather [hbm4b:s23+s1], $0x200, $0x38;
	[tilespmem:$0x14600] =	vst v63  }
0x38: {  	_ =	swait.ge [sflag:s8], $0x200  }
0x39: {  	[sflag:s8] =	ssyncset.done $0x0  }
0x3a: {  	s25 =	simm.s32 $0x14200;
	s23 =	rddreg [dreg:$0x1c];
	[sflag:s8] =	ssyncadd.s32 $0xFFFFFE00  }
0x3b: {  	[tilespmem:s25], [sflag:$0x5] =	stream.linear.gather [hbm4b:s23+s1], $0x300, $0x38;
	[tilespmem:$0x14600] =	vst v63  }
0x3c: {  	_ =	swait.ge [sflag:s8], $0x300  }
0x3d: {  	[sflag:s8] =	ssyncset.done $0x0  }
0x3e: {  	[sflag:s8] =	ssyncadd.s32 $0xFFFFFD00  }
0x3f: {  	v0 =	vld [tilespmem:$0x14180];
	_ =	sdelay $0x1  }
0x40: {  	v3 =	vld [tilespmem:$0x14000]  }
0x41: {  	v7 =	vld [tilespmem:$0x14080]  }
0x42: {  	v8 =	vld [tilespmem:$0x14100]  }
0x43: {  	v4 =	vld [tilespmem:$0x14200];
	(erf) = vrcp.f32 v0  }
0x44: {  	v5 =	vld [tilespmem:$0x14280]  }
0x45: {  	v6 =	vld [tilespmem:$0x14380]  }
0x46: {  	v2 =	vld [tilespmem:$0x14400]  }
0x47: {  	s25 =	rddreg [dreg:$0x3];
	v1 =	vld [tilespmem:$0x14480]  }
0x48: {  	v0 =	vld [tilespmem:$0x14300];
	[tilespmem:s1], [sflag:$0x1] =	stream.linear.gather [hbm4b:s25+s1], $0x2000, $0x38  }
0x49: {  	s25 =	rddreg [dreg:$0x4]  }
0x4a: {  	[tilespmem:s9], [sflag:$0x1] =	stream.linear.gather [hbm4b:s25+s1], $0x2000, $0x38;
	[tilespmem:$0x14600] =	vst v63  }
0x4b: {  	s25 =	rddreg [dreg:$0x5]  }
0x4c: {  	[tilespmem:s10], [sflag:$0x1] =	stream.linear.gather [hbm4b:s25+s1], $0x2000, $0x38;
	v9 =	vpop (erf);
	[tilespmem:$0x14600] =	vst v63  }
0x4d: {  	_ =	swait.ge [sflag:s11], $0x2000  }
0x4e: {  	[sflag:s11] =	ssyncset.done $0x0  }
0x4f: {  	[sflag:s11] =	ssyncadd.s32 $0xFFFFE000  }
0x50: {  	_ =	swait.ge [sflag:s11], $0x2000  }
0x51: {  	[sflag:s11] =	ssyncset.done $0x0  }
0x52: {  	[sflag:s11] =	ssyncadd.s32 $0xFFFFE000  }
0x53: {  	_ =	swait.ge [sflag:s11], $0x2000  }
0x54: {  	[sflag:s11] =	ssyncset.done $0x0  }
0x55: {  	s25 =	rddreg [dreg:$0x6];
	[sflag:s11] =	ssyncadd.s32 $0xFFFFE000  }
0x56: {  	[tilespmem:s12], [sflag:$0x1] =	stream.linear.gather [hbm4b:s25+s1], $0x2000, $0x38;
	[tilespmem:$0x14600] =	vst v63  }
0x57: {  	s25 =	rddreg [dreg:$0x7]  }
0x58: {  	[tilespmem:s13], [sflag:$0x1] =	stream.linear.gather [hbm4b:s25+s1], $0x2000, $0x38;
	[tilespmem:$0x14600] =	vst v63  }
0x59: {  	s28 =	simm.s32 $0x4020;
	s25 =	rddreg [dreg:$0x8]  }
0x5a: {  	[tilespmem:s14], [sflag:$0x1] =	stream.linear.gather [hbm4b:s25+s1], $0x2000, $0x38;
	[tilespmem:$0x14600] =	vst v63  }
0x5b: {  	s29 =	simm.s32 $0x20;
	v10 =	vld [tilespmem:s28+$0xFFFFFFE0]  }
0x5c: {  	v11 =	vld [tilespmem:s29+$0xFFFFFFE0];
	_ =	sdelay $0x1  }
0x5d: {  	s23 =	simm.s32 $0x8020  }
0x5e: {  	v12 =	vld [tilespmem:s23+$0xFFFFFFE0];
	_ =	sdelay $0x1  }
0x5f: {  	v10 =	vsub.f32 v10, v7;
	v11 =	vsub.f32 v11, v3;
	_ =	sdelay $0x1  }
0x60: {  	v10 =	vmul.f32 v10, v9;
	v11 =	vmul.f32 v11, v9  }
0x61: {  	v12 =	vsub.f32 v12, v8  }
0x62: {  	v10 =	vadd.f32 $5.000000000e-01, v10;
	v11 =	vadd.f32 $5.000000000e-01, v11  }
0x63: {  	v12 =	vmul.f32 v12, v9  }
0x64: {  	v10 =	vtrunc.f32 v10;
	v11 =	vtrunc.f32 v11  }
0x65: {  	v12 =	vadd.f32 $5.000000000e-01, v12;
	v10 =	vcvt.f32.s32 v10;
	v11 =	vcvt.f32.s32 v11;
	_ =	sdelay $0x1  }
0x66: {  	v12 =	vtrunc.f32 v12;
	vm0 =	vle.s32 v4, v11;
	vm1 =	vle.s32 v5, v10  }
0x67: {  	v12 =	vcvt.f32.s32 v12;
	vm2 =	vgt.s32 v6, v11;
	vm0 =	vmand vm0, vm1  }
0x68: {  	v13 =	vshll.u32 v10, $0x5;
	vm13 =	vgt.s32 v2, v10;
	vm0 =	vmand vm0, vm2  }
0x69: {  	v10 =	vshll.u32 v11, $0xD;
	vm14 =	vle.s32 v0, v12;
	vm0 =	vmand vm13, vm0  }
0x6a: {  	vm15 =	vgt.s32 v1, v12;
	v10 =	vadd.s32 v10, v13;
	vm0 =	vmand vm14, vm0  }
0x6b: {  	v10 =	vadd.s32 v12, v10;
	vm0 =	vmand vm15, vm0  }
0x6c: {  	s25 =	simm.s32 $0xC020;
	v10 =	vnsel vm0, $0x0, v10  }
0x6d: {  	[tilespmem:s25+$0xFFFFFFE0] =	vst v10  }
0x6e: {  	v10 =	vld [tilespmem:s29+$0xFFFFFFF0]  }
0x6f: {  	v11 =	vld [tilespmem:s28+$0xFFFFFFF0];
	_ =	sdelay $0x2  }
0x70: {  	v12 =	vld [tilespmem:s23+$0xFFFFFFF0];
	_ =	sdelay $0x1  }
0x71: {  	v10 =	vsub.f32 v10, v3;
	v11 =	vsub.f32 v11, v7;
	_ =	sdelay $0x1  }
0x72: {  	v10 =	vmul.f32 v10, v9;
	v11 =	vmul.f32 v11, v9  }
0x73: {  	v12 =	vsub.f32 v12, v8  }
0x74: {  	v10 =	vadd.f32 $5.000000000e-01, v10;
	v11 =	vadd.f32 $5.000000000e-01, v11  }
0x75: {  	v12 =	vmul.f32 v12, v9  }
0x76: {  	v10 =	vtrunc.f32 v10;
	v11 =	vtrunc.f32 v11  }
0x77: {  	v12 =	vadd.f32 $5.000000000e-01, v12;
	v10 =	vcvt.f32.s32 v10;
	v11 =	vcvt.f32.s32 v11;
	_ =	sdelay $0x1  }
0x78: {  	v12 =	vtrunc.f32 v12;
	vm4 =	vle.s32 v4, v10;
	vm5 =	vle.s32 v5, v11  }
0x79: {  	v12 =	vcvt.f32.s32 v12;
	vm6 =	vgt.s32 v6, v10;
	vm0 =	vmand vm4, vm5  }
0x7a: {  	v13 =	vshll.u32 v11, $0x5;
	vm7 =	vgt.s32 v2, v11;
	vm0 =	vmand vm0, vm6  }
0x7b: {  	vm8 =	vle.s32 v0, v12;
	v10 =	vshll.u32 v10, $0xD;
	vm0 =	vmand vm7, vm0  }
0x7c: {  	vm9 =	vgt.s32 v1, v12;
	v10 =	vadd.s32 v10, v13;
	vm0 =	vmand vm8, vm0  }
0x7d: {  	v10 =	vadd.s32 v12, v10;
	vm0 =	vmand vm9, vm0  }
0x7e: {  	v10 =	vnsel vm0, $0x0, v10  }
0x7f: {  	[tilespmem:s25+$0xFFFFFFF0] =	vst v10  }
0x80: {  	v10 =	vld [tilespmem:s29+$0x0]  }
0x81: {  	v11 =	vld [tilespmem:s28+$0x0];
	_ =	sdelay $0x2  }
0x82: {  	v12 =	vld [tilespmem:s23+$0x0];
	_ =	sdelay $0x1  }
0x83: {  	v10 =	vsub.f32 v10, v3;
	v11 =	vsub.f32 v11, v7;
	_ =	sdelay $0x1  }
0x84: {  	v10 =	vmul.f32 v10, v9;
	v11 =	vmul.f32 v11, v9  }
0x85: {  	v12 =	vsub.f32 v12, v8  }
0x86: {  	v10 =	vadd.f32 $5.000000000e-01, v10;
	v11 =	vadd.f32 $5.000000000e-01, v11  }
0x87: {  	v12 =	vmul.f32 v12, v9  }
0x88: {  	v10 =	vtrunc.f32 v10;
	v11 =	vtrunc.f32 v11  }
0x89: {  	v12 =	vadd.f32 $5.000000000e-01, v12;
	v10 =	vcvt.f32.s32 v10;
	v11 =	vcvt.f32.s32 v11;
	_ =	sdelay $0x1  }
0x8a: {  	v12 =	vtrunc.f32 v12;
	vm10 =	vle.s32 v4, v10;
	vm11 =	vle.s32 v5, v11  }
0x8b: {  	v12 =	vcvt.f32.s32 v12;
	vm12 =	vgt.s32 v6, v10;
	vm0 =	vmand vm10, vm11  }
0x8c: {  	vm13 =	vgt.s32 v2, v11;
	v10 =	vshll.u32 v10, $0xD;
	vm0 =	vmand vm0, vm12  }
0x8d: {  	vm14 =	vle.s32 v0, v12;
	v11 =	vshll.u32 v11, $0x5;
	vm0 =	vmand vm13, vm0  }
0x8e: {  	vm15 =	vgt.s32 v1, v12;
	v10 =	vadd.s32 v10, v11;
	vm0 =	vmand vm14, vm0  }
0x8f: {  	v10 =	vadd.s32 v12, v10;
	vm0 =	vmand vm15, vm0  }
0x90: {  	v10 =	vnsel vm0, $0x0, v10  }
0x91: {  	[tilespmem:s25+$0x0] =	vst v10  }
0x92: {  	v10 =	vld [tilespmem:s29+$0x10]  }
0x93: {  	v11 =	vld [tilespmem:s28+$0x10];
	_ =	sdelay $0x1  }
0x94: {  	v12 =	vld [tilespmem:s23+$0x10];
	_ =	sdelay $0x1  }
0x95: {  	v10 =	vsub.f32 v10, v3  }
0x96: {  	v11 =	vsub.f32 v11, v7  }
0x97: {  	v10 =	vmul.f32 v10, v9  }
0x98: {  	v12 =	vsub.f32 v12, v8;
	v11 =	vmul.f32 v11, v9  }
0x99: {  	v10 =	vadd.f32 $5.000000000e-01, v10  }
0x9a: {  	v12 =	vmul.f32 v12, v9;
	v13 =	vadd.f32 $5.000000000e-01, v11  }
0x9b: {  	s30 =	simm.s32 $0x4060;
	v10 =	vtrunc.f32 v10  }
0x9c: {  	s31 =	simm.s32 $0x60;
	s29 =	simm.s32 $0x0;
	s28 =	simm.s32 $0xC020;
	v11 =	vadd.f32 $5.000000000e-01, v12;
	v12 =	vtrunc.f32 v13;
	v10 =	vcvt.f32.s32 v10  }
.LBB2_2:
0x9d: {  	s29 =	sadd.s32 $0x4, s29;
	v12 =	vcvt.f32.s32 v12;
	s25 =	sadd.s32 $0x40, s25;
	s23 =	sadd.s32 $0x40, s23  }
0x9e: {  	p0 =	slt.u32 s29, $0x1FC;
	vm0 =	vle.s32 v4, v10  }
0x9f: {  	v11 =	vtrunc.f32 v11;
	vm1 =	vle.s32 v5, v12;
	v13 =	vshll.u32 v12, $0x5  }
0xa0: {  	v11 =	vcvt.f32.s32 v11;
	vm2 =	vgt.s32 v6, v10;
	vm0 =	vmand vm0, vm1  }
0xa1: {  	vm1 =	vgt.s32 v2, v12;
	vm0 =	vmand vm0, vm2  }
0xa2: {  	v10 =	vshll.u32 v10, $0xD;
	vm0 =	vmand vm1, vm0;
	vm1 =	vle.s32 v0, v11  }
0xa3: {  	v10 =	vadd.s32 v10, v13;
	vm0 =	vmand vm1, vm0;
	vm1 =	vgt.s32 v1, v11  }
0xa4: {  	v10 =	vadd.s32 v11, v10;
	vm0 =	vmand vm1, vm0  }
0xa5: {  	v10 =	vnsel vm0, $0x0, v10  }
0xa6: {  	[tilespmem:s28+$0x10] =	vst v10;
	s28 =	smov.u32 s25  }
0xa7: {  	v10 =	vld [tilespmem:s30+$0xFFFFFFE0]  }
0xa8: {  	v11 =	vld [tilespmem:s31+$0xFFFFFFE0]  }
0xa9: {  	v12 =	vld [tilespmem:s23+$0xFFFFFFE0];
	_ =	sdelay $0x2  }
0xaa: {  	v10 =	vsub.f32 v10, v7  }
0xab: {  	v11 =	vsub.f32 v11, v3  }
0xac: {  	v10 =	vmul.f32 v10, v9;
	v12 =	vsub.f32 v12, v8  }
0xad: {  	v11 =	vmul.f32 v11, v9  }
0xae: {  	v10 =	vadd.f32 $5.000000000e-01, v10;
	v12 =	vmul.f32 v12, v9  }
0xaf: {  	v11 =	vadd.f32 $5.000000000e-01, v11  }
0xb0: {  	v10 =	vtrunc.f32 v10;
	v12 =	vadd.f32 $5.000000000e-01, v12  }
0xb1: {  	v11 =	vtrunc.f32 v11;
	v10 =	vcvt.f32.s32 v10  }
0xb2: {  	v11 =	vcvt.f32.s32 v11;
	v12 =	vtrunc.f32 v12  }
0xb3: {  	v12 =	vcvt.f32.s32 v12;
	v13 =	vshll.u32 v10, $0x5  }
0xb4: {  	vm1 =	vle.s32 v5, v10;
	vm0 =	vle.s32 v4, v11;
	v14 =	vshll.u32 v11, $0xD  }
0xb5: {  	vm2 =	vgt.s32 v6, v11;
	vm0 =	vmand vm0, vm1;
	v11 =	vadd.s32 v14, v13  }
0xb6: {  	vm1 =	vgt.s32 v2, v10;
	vm0 =	vmand vm0, vm2;
	v10 =	vadd.s32 v12, v11  }
0xb7: {  	vm0 =	vmand vm1, vm0;
	vm1 =	vle.s32 v0, v12  }
0xb8: {  	vm0 =	vmand vm1, vm0;
	vm1 =	vgt.s32 v1, v12  }
0xb9: {  	vm0 =	vmand vm1, vm0  }
0xba: {  	v10 =	vnsel vm0, $0x0, v10  }
0xbb: {  	[tilespmem:s25+$0xFFFFFFE0] =	vst v10  }
0xbc: {  	v10 =	vld [tilespmem:s31+$0xFFFFFFF0]  }
0xbd: {  	v11 =	vld [tilespmem:s30+$0xFFFFFFF0];
	_ =	sdelay $0x2  }
0xbe: {  	v12 =	vld [tilespmem:s23+$0xFFFFFFF0]  }
0xbf: {  	v10 =	vsub.f32 v10, v3  }
0xc0: {  	v11 =	vsub.f32 v11, v7  }
0xc1: {  	v10 =	vmul.f32 v10, v9  }
0xc2: {  	v11 =	vmul.f32 v11, v9  }
0xc3: {  	v10 =	vadd.f32 $5.000000000e-01, v10;
	v12 =	vsub.f32 v12, v8  }
0xc4: {  	v11 =	vadd.f32 $5.000000000e-01, v11  }
0xc5: {  	v10 =	vtrunc.f32 v10;
	v12 =	vmul.f32 v12, v9  }
0xc6: {  	v10 =	vcvt.f32.s32 v10;
	v11 =	vtrunc.f32 v11  }
0xc7: {  	v11 =	vcvt.f32.s32 v11;
	v12 =	vadd.f32 $5.000000000e-01, v12  }
0xc8: {  	vm0 =	vle.s32 v4, v10  }
0xc9: {  	v12 =	vtrunc.f32 v12;
	vm1 =	vle.s32 v5, v11;
	v13 =	vshll.u32 v11, $0x5  }
0xca: {  	vm2 =	vgt.s32 v6, v10;
	v12 =	vcvt.f32.s32 v12;
	vm0 =	vmand vm0, vm1  }
0xcb: {  	vm1 =	vgt.s32 v2, v11;
	vm0 =	vmand vm0, vm2  }
0xcc: {  	v10 =	vshll.u32 v10, $0xD;
	vm0 =	vmand vm1, vm0;
	vm1 =	vle.s32 v0, v12  }
0xcd: {  	v10 =	vadd.s32 v10, v13;
	vm0 =	vmand vm1, vm0;
	vm1 =	vgt.s32 v1, v12  }
0xce: {  	v10 =	vadd.s32 v12, v10;
	vm0 =	vmand vm1, vm0  }
0xcf: {  	v10 =	vnsel vm0, $0x0, v10  }
0xd0: {  	[tilespmem:s25+$0xFFFFFFF0] =	vst v10  }
0xd1: {  	v10 =	vld [tilespmem:s31+$0x0]  }
0xd2: {  	v11 =	vld [tilespmem:s30+$0x0];
	_ =	sdelay $0x2  }
0xd3: {  	v12 =	vld [tilespmem:s23+$0x0]  }
0xd4: {  	v10 =	vsub.f32 v10, v3  }
0xd5: {  	v11 =	vsub.f32 v11, v7  }
0xd6: {  	v10 =	vmul.f32 v10, v9  }
0xd7: {  	v11 =	vmul.f32 v11, v9  }
0xd8: {  	v10 =	vadd.f32 $5.000000000e-01, v10;
	v12 =	vsub.f32 v12, v8  }
0xd9: {  	v11 =	vadd.f32 $5.000000000e-01, v11  }
0xda: {  	v10 =	vtrunc.f32 v10;
	v12 =	vmul.f32 v12, v9  }
0xdb: {  	v10 =	vcvt.f32.s32 v10;
	v11 =	vtrunc.f32 v11  }
0xdc: {  	v11 =	vcvt.f32.s32 v11;
	v12 =	vadd.f32 $5.000000000e-01, v12;
	_ =	sdelay $0x1  }
0xdd: {  	vm0 =	vle.s32 v4, v10;
	v12 =	vtrunc.f32 v12;
	vm1 =	vle.s32 v5, v11  }
0xde: {  	vm2 =	vgt.s32 v6, v10;
	v12 =	vcvt.f32.s32 v12;
	vm0 =	vmand vm0, vm1  }
0xdf: {  	v10 =	vshll.u32 v10, $0xD;
	vm1 =	vgt.s32 v2, v11;
	vm0 =	vmand vm0, vm2  }
0xe0: {  	v11 =	vshll.u32 v11, $0x5;
	vm0 =	vmand vm1, vm0;
	vm1 =	vle.s32 v0, v12  }
0xe1: {  	v10 =	vadd.s32 v10, v11;
	vm0 =	vmand vm1, vm0;
	vm1 =	vgt.s32 v1, v12  }
0xe2: {  	v10 =	vadd.s32 v12, v10;
	vm0 =	vmand vm1, vm0  }
0xe3: {  	v10 =	vnsel vm0, $0x0, v10  }
0xe4: {  	[tilespmem:s25+$0x0] =	vst v10  }
0xe5: {  	v10 =	vld [tilespmem:s31+$0x10]  }
0xe6: {  	v11 =	vld [tilespmem:s30+$0x10]  }
0xe7: {  	v12 =	vld [tilespmem:s23+$0x10];
	_ =	sdelay $0x2  }
0xe8: {  	v10 =	vsub.f32 v10, v3  }
0xe9: {  	v11 =	vsub.f32 v11, v7  }
0xea: {  	v10 =	vmul.f32 v10, v9;
	v12 =	vsub.f32 v12, v8  }
.Ltmp0:
0xeb: {  	v11 =	vmul.f32 v11, v9;
	(pc) =	sbr.rel @p0 .LBB2_2-.Ltmp0, $4  }
0xec: {  	v10 =	vadd.f32 $5.000000000e-01, v10;
	v12 =	vmul.f32 v12, v9  }
0xed: {  	v13 =	vadd.f32 $5.000000000e-01, v11  }
0xee: {  	v10 =	vtrunc.f32 v10;
	v11 =	vadd.f32 $5.000000000e-01, v12  }
0xef: {  	s31 =	sadd.s32 $0x40, s31;
	s30 =	sadd.s32 $0x40, s30;
	v10 =	vcvt.f32.s32 v10;
	v12 =	vtrunc.f32 v13  }
0xf0: {  	v12 =	vcvt.f32.s32 v12;
	_ =	sdelay $0x1  }
0xf1: {  	v11 =	vtrunc.f32 v11;
	vm0 =	vle.s32 v4, v10;
	vm1 =	vle.s32 v5, v12  }
0xf2: {  	v11 =	vcvt.f32.s32 v11;
	vm2 =	vgt.s32 v6, v10;
	vm0 =	vmand vm0, vm1  }
0xf3: {  	v10 =	vshll.u32 v10, $0xD;
	vm7 =	vgt.s32 v2, v12;
	vm0 =	vmand vm0, vm2  }
0xf4: {  	v13 =	vshll.u32 v12, $0x5;
	vm8 =	vle.s32 v0, v11;
	vm0 =	vmand vm7, vm0  }
0xf5: {  	vm9 =	vgt.s32 v1, v11;
	v10 =	vadd.s32 v10, v13;
	vm0 =	vmand vm8, vm0  }
0xf6: {  	v10 =	vadd.s32 v11, v10;
	vm0 =	vmand vm9, vm0  }
0xf7: {  	v10 =	vnsel vm0, $0x0, v10  }
0xf8: {  	[tilespmem:s28+$0x10] =	vst v10  }
0xf9: {  	[tilespmem:s16], [sflag:$0x2] =	stream.indirect.gather [hbm4b:s26+s12], $0x1, s15, s12, $0xb8;
	[tilespmem:$0x14600] =	vst v63  }
0xfa: {  	_ =	swait.ge [sflag:s11], $0x2000  }
0xfb: {  	[sflag:s11] =	ssyncset.done $0x0  }
0xfc: {  	[sflag:s11] =	ssyncadd.s32 $0xFFFFE000  }
0xfd: {  	_ =	swait.ge [sflag:s11], $0x2000  }
0xfe: {  	[sflag:s11] =	ssyncset.done $0x0  }
0xff: {  	[sflag:s11] =	ssyncadd.s32 $0xFFFFE000  }
0x100: {  	_ =	swait.ge [sflag:s11], $0x2000  }
0x101: {  	[sflag:s11] =	ssyncset.done $0x0  }
0x102: {  	s23 =	rddreg [dreg:$0x9];
	[sflag:s11] =	ssyncadd.s32 $0xFFFFE000  }
0x103: {  	[tilespmem:s1], [sflag:$0x1] =	stream.linear.gather [hbm4b:s23+s1], $0x2000, $0x38;
	[tilespmem:$0x14600] =	vst v63  }
0x104: {  	s25 =	rddreg [dreg:$0xa]  }
0x105: {  	[tilespmem:s9], [sflag:$0x1] =	stream.linear.gather [hbm4b:s25+s1], $0x2000, $0x38;
	[tilespmem:$0x14600] =	vst v63  }
0x106: {  	s28 =	simm.s32 $0x6020;
	s25 =	rddreg [dreg:$0xb]  }
0x107: {  	[tilespmem:s10], [sflag:$0x1] =	stream.linear.gather [hbm4b:s25+s1], $0x2000, $0x38;
	[tilespmem:$0x14600] =	vst v63  }
0x108: {  	s29 =	simm.s32 $0x2020;
	v10 =	vld [tilespmem:s28+$0xFFFFFFE0]  }
0x109: {  	v11 =	vld [tilespmem:s29+$0xFFFFFFE0];
	_ =	sdelay $0x1  }
0x10a: {  	s23 =	simm.s32 $0xA020  }
0x10b: {  	v12 =	vld [tilespmem:s23+$0xFFFFFFE0];
	_ =	sdelay $0x1  }
0x10c: {  	v10 =	vsub.f32 v10, v7;
	v11 =	vsub.f32 v11, v3;
	_ =	sdelay $0x1  }
0x10d: {  	v10 =	vmul.f32 v10, v9;
	v11 =	vmul.f32 v11, v9  }
0x10e: {  	v12 =	vsub.f32 v12, v8  }
0x10f: {  	v10 =	vadd.f32 $5.000000000e-01, v10;
	v11 =	vadd.f32 $5.000000000e-01, v11  }
0x110: {  	v12 =	vmul.f32 v12, v9  }
0x111: {  	v10 =	vtrunc.f32 v10;
	v11 =	vtrunc.f32 v11  }
0x112: {  	v12 =	vadd.f32 $5.000000000e-01, v12;
	v10 =	vcvt.f32.s32 v10;
	v11 =	vcvt.f32.s32 v11;
	_ =	sdelay $0x1  }
0x113: {  	v12 =	vtrunc.f32 v12;
	vm10 =	vle.s32 v4, v11;
	vm11 =	vle.s32 v5, v10  }
0x114: {  	v12 =	vcvt.f32.s32 v12;
	vm12 =	vgt.s32 v6, v11;
	vm0 =	vmand vm10, vm11  }
0x115: {  	v13 =	vshll.u32 v10, $0x5;
	vm13 =	vgt.s32 v2, v10;
	vm0 =	vmand vm0, vm12  }
0x116: {  	v10 =	vshll.u32 v11, $0xD;
	vm14 =	vle.s32 v0, v12;
	vm0 =	vmand vm13, vm0  }
0x117: {  	vm15 =	vgt.s32 v1, v12;
	v10 =	vadd.s32 v10, v13;
	vm0 =	vmand vm14, vm0  }
0x118: {  	v10 =	vadd.s32 v12, v10;
	vm0 =	vmand vm15, vm0  }
0x119: {  	s25 =	simm.s32 $0xE020;
	v10 =	vnsel vm0, $0x0, v10  }
0x11a: {  	[tilespmem:s25+$0xFFFFFFE0] =	vst v10  }
0x11b: {  	v10 =	vld [tilespmem:s29+$0xFFFFFFF0]  }
0x11c: {  	v11 =	vld [tilespmem:s28+$0xFFFFFFF0];
	_ =	sdelay $0x2  }
0x11d: {  	v12 =	vld [tilespmem:s23+$0xFFFFFFF0];
	_ =	sdelay $0x1  }
0x11e: {  	v10 =	vsub.f32 v10, v3;
	v11 =	vsub.f32 v11, v7;
	_ =	sdelay $0x1  }
0x11f: {  	v10 =	vmul.f32 v10, v9;
	v11 =	vmul.f32 v11, v9  }
0x120: {  	v12 =	vsub.f32 v12, v8  }
0x121: {  	v10 =	vadd.f32 $5.000000000e-01, v10;
	v11 =	vadd.f32 $5.000000000e-01, v11  }
0x122: {  	v12 =	vmul.f32 v12, v9  }
0x123: {  	v10 =	vtrunc.f32 v10;
	v11 =	vtrunc.f32 v11  }
0x124: {  	v12 =	vadd.f32 $5.000000000e-01, v12;
	v10 =	vcvt.f32.s32 v10;
	v11 =	vcvt.f32.s32 v11;
	_ =	sdelay $0x1  }
0x125: {  	v12 =	vtrunc.f32 v12;
	vm4 =	vle.s32 v4, v10;
	vm5 =	vle.s32 v5, v11  }
0x126: {  	v12 =	vcvt.f32.s32 v12;
	vm6 =	vgt.s32 v6, v10;
	vm0 =	vmand vm4, vm5  }
0x127: {  	v13 =	vshll.u32 v11, $0x5;
	vm7 =	vgt.s32 v2, v11;
	vm0 =	vmand vm0, vm6  }
0x128: {  	vm8 =	vle.s32 v0, v12;
	v10 =	vshll.u32 v10, $0xD;
	vm0 =	vmand vm7, vm0  }
0x129: {  	vm9 =	vgt.s32 v1, v12;
	v10 =	vadd.s32 v10, v13;
	vm0 =	vmand vm8, vm0  }
0x12a: {  	v10 =	vadd.s32 v12, v10;
	vm0 =	vmand vm9, vm0  }
0x12b: {  	v10 =	vnsel vm0, $0x0, v10  }
0x12c: {  	[tilespmem:s25+$0xFFFFFFF0] =	vst v10  }
0x12d: {  	v10 =	vld [tilespmem:s29+$0x0]  }
0x12e: {  	v11 =	vld [tilespmem:s28+$0x0];
	_ =	sdelay $0x2  }
0x12f: {  	v12 =	vld [tilespmem:s23+$0x0];
	_ =	sdelay $0x1  }
0x130: {  	v10 =	vsub.f32 v10, v3;
	v11 =	vsub.f32 v11, v7;
	_ =	sdelay $0x1  }
0x131: {  	v10 =	vmul.f32 v10, v9;
	v11 =	vmul.f32 v11, v9  }
0x132: {  	v12 =	vsub.f32 v12, v8  }
0x133: {  	v10 =	vadd.f32 $5.000000000e-01, v10;
	v11 =	vadd.f32 $5.000000000e-01, v11  }
0x134: {  	v12 =	vmul.f32 v12, v9  }
0x135: {  	v10 =	vtrunc.f32 v10;
	v11 =	vtrunc.f32 v11  }
0x136: {  	v12 =	vadd.f32 $5.000000000e-01, v12;
	v10 =	vcvt.f32.s32 v10;
	v11 =	vcvt.f32.s32 v11;
	_ =	sdelay $0x1  }
0x137: {  	v12 =	vtrunc.f32 v12;
	vm10 =	vle.s32 v4, v10;
	vm11 =	vle.s32 v5, v11  }
0x138: {  	v12 =	vcvt.f32.s32 v12;
	vm12 =	vgt.s32 v6, v10;
	vm0 =	vmand vm10, vm11  }
0x139: {  	vm13 =	vgt.s32 v2, v11;
	v10 =	vshll.u32 v10, $0xD;
	vm0 =	vmand vm0, vm12  }
0x13a: {  	vm14 =	vle.s32 v0, v12;
	v11 =	vshll.u32 v11, $0x5;
	vm0 =	vmand vm13, vm0  }
0x13b: {  	vm15 =	vgt.s32 v1, v12;
	v10 =	vadd.s32 v10, v11;
	vm0 =	vmand vm14, vm0  }
0x13c: {  	v10 =	vadd.s32 v12, v10;
	vm0 =	vmand vm15, vm0  }
0x13d: {  	v10 =	vnsel vm0, $0x0, v10  }
0x13e: {  	[tilespmem:s25+$0x0] =	vst v10  }
0x13f: {  	v10 =	vld [tilespmem:s29+$0x10]  }
0x140: {  	v11 =	vld [tilespmem:s28+$0x10];
	_ =	sdelay $0x1  }
0x141: {  	v12 =	vld [tilespmem:s23+$0x10];
	_ =	sdelay $0x1  }
0x142: {  	v10 =	vsub.f32 v10, v3  }
0x143: {  	v11 =	vsub.f32 v11, v7  }
0x144: {  	v10 =	vmul.f32 v10, v9  }
0x145: {  	v12 =	vsub.f32 v12, v8;
	v11 =	vmul.f32 v11, v9  }
0x146: {  	v10 =	vadd.f32 $5.000000000e-01, v10  }
0x147: {  	v12 =	vmul.f32 v12, v9;
	v13 =	vadd.f32 $5.000000000e-01, v11  }
0x148: {  	s30 =	simm.s32 $0x6060;
	v10 =	vtrunc.f32 v10  }
0x149: {  	s31 =	simm.s32 $0x2060;
	s29 =	simm.s32 $0x0;
	s28 =	simm.s32 $0xE020;
	v11 =	vadd.f32 $5.000000000e-01, v12;
	v12 =	vtrunc.f32 v13;
	v10 =	vcvt.f32.s32 v10  }
.LBB2_4:
0x14a: {  	s29 =	sadd.s32 $0x4, s29;
	v12 =	vcvt.f32.s32 v12;
	s25 =	sadd.s32 $0x40, s25;
	s23 =	sadd.s32 $0x40, s23  }
0x14b: {  	p0 =	slt.u32 s29, $0x1FC;
	vm0 =	vle.s32 v4, v10  }
0x14c: {  	v11 =	vtrunc.f32 v11;
	vm1 =	vle.s32 v5, v12;
	v13 =	vshll.u32 v12, $0x5  }
0x14d: {  	v11 =	vcvt.f32.s32 v11;
	vm2 =	vgt.s32 v6, v10;
	vm0 =	vmand vm0, vm1  }
0x14e: {  	vm1 =	vgt.s32 v2, v12;
	vm0 =	vmand vm0, vm2  }
0x14f: {  	v10 =	vshll.u32 v10, $0xD;
	vm0 =	vmand vm1, vm0;
	vm1 =	vle.s32 v0, v11  }
0x150: {  	v10 =	vadd.s32 v10, v13;
	vm0 =	vmand vm1, vm0;
	vm1 =	vgt.s32 v1, v11  }
0x151: {  	v10 =	vadd.s32 v11, v10;
	vm0 =	vmand vm1, vm0  }
0x152: {  	v10 =	vnsel vm0, $0x0, v10  }
0x153: {  	[tilespmem:s28+$0x10] =	vst v10;
	s28 =	smov.u32 s25  }
0x154: {  	v10 =	vld [tilespmem:s30+$0xFFFFFFE0]  }
0x155: {  	v11 =	vld [tilespmem:s31+$0xFFFFFFE0]  }
0x156: {  	v12 =	vld [tilespmem:s23+$0xFFFFFFE0];
	_ =	sdelay $0x2  }
0x157: {  	v10 =	vsub.f32 v10, v7  }
0x158: {  	v11 =	vsub.f32 v11, v3  }
0x159: {  	v10 =	vmul.f32 v10, v9;
	v12 =	vsub.f32 v12, v8  }
0x15a: {  	v11 =	vmul.f32 v11, v9  }
0x15b: {  	v10 =	vadd.f32 $5.000000000e-01, v10;
	v12 =	vmul.f32 v12, v9  }
0x15c: {  	v11 =	vadd.f32 $5.000000000e-01, v11  }
0x15d: {  	v10 =	vtrunc.f32 v10;
	v12 =	vadd.f32 $5.000000000e-01, v12  }
0x15e: {  	v11 =	vtrunc.f32 v11;
	v10 =	vcvt.f32.s32 v10  }
0x15f: {  	v11 =	vcvt.f32.s32 v11;
	v12 =	vtrunc.f32 v12  }
0x160: {  	v12 =	vcvt.f32.s32 v12;
	v13 =	vshll.u32 v10, $0x5  }
0x161: {  	vm1 =	vle.s32 v5, v10;
	vm0 =	vle.s32 v4, v11;
	v14 =	vshll.u32 v11, $0xD  }
0x162: {  	vm2 =	vgt.s32 v6, v11;
	vm0 =	vmand vm0, vm1;
	v11 =	vadd.s32 v14, v13  }
0x163: {  	vm1 =	vgt.s32 v2, v10;
	vm0 =	vmand vm0, vm2;
	v10 =	vadd.s32 v12, v11  }
0x164: {  	vm0 =	vmand vm1, vm0;
	vm1 =	vle.s32 v0, v12  }
0x165: {  	vm0 =	vmand vm1, vm0;
	vm1 =	vgt.s32 v1, v12  }
0x166: {  	vm0 =	vmand vm1, vm0  }
0x167: {  	v10 =	vnsel vm0, $0x0, v10  }
0x168: {  	[tilespmem:s25+$0xFFFFFFE0] =	vst v10  }
0x169: {  	v10 =	vld [tilespmem:s31+$0xFFFFFFF0]  }
0x16a: {  	v11 =	vld [tilespmem:s30+$0xFFFFFFF0];
	_ =	sdelay $0x2  }
0x16b: {  	v12 =	vld [tilespmem:s23+$0xFFFFFFF0]  }
0x16c: {  	v10 =	vsub.f32 v10, v3  }
0x16d: {  	v11 =	vsub.f32 v11, v7  }
0x16e: {  	v10 =	vmul.f32 v10, v9  }
0x16f: {  	v11 =	vmul.f32 v11, v9  }
0x170: {  	v10 =	vadd.f32 $5.000000000e-01, v10;
	v12 =	vsub.f32 v12, v8  }
0x171: {  	v11 =	vadd.f32 $5.000000000e-01, v11  }
0x172: {  	v10 =	vtrunc.f32 v10;
	v12 =	vmul.f32 v12, v9  }
0x173: {  	v10 =	vcvt.f32.s32 v10;
	v11 =	vtrunc.f32 v11  }
0x174: {  	v11 =	vcvt.f32.s32 v11;
	v12 =	vadd.f32 $5.000000000e-01, v12  }
0x175: {  	vm0 =	vle.s32 v4, v10  }
0x176: {  	v12 =	vtrunc.f32 v12;
	vm1 =	vle.s32 v5, v11;
	v13 =	vshll.u32 v11, $0x5  }
0x177: {  	vm2 =	vgt.s32 v6, v10;
	v12 =	vcvt.f32.s32 v12;
	vm0 =	vmand vm0, vm1  }
0x178: {  	vm1 =	vgt.s32 v2, v11;
	vm0 =	vmand vm0, vm2  }
0x179: {  	v10 =	vshll.u32 v10, $0xD;
	vm0 =	vmand vm1, vm0;
	vm1 =	vle.s32 v0, v12  }
0x17a: {  	v10 =	vadd.s32 v10, v13;
	vm0 =	vmand vm1, vm0;
	vm1 =	vgt.s32 v1, v12  }
0x17b: {  	v10 =	vadd.s32 v12, v10;
	vm0 =	vmand vm1, vm0  }
0x17c: {  	v10 =	vnsel vm0, $0x0, v10  }
0x17d: {  	[tilespmem:s25+$0xFFFFFFF0] =	vst v10  }
0x17e: {  	v10 =	vld [tilespmem:s31+$0x0]  }
0x17f: {  	v11 =	vld [tilespmem:s30+$0x0];
	_ =	sdelay $0x2  }
0x180: {  	v12 =	vld [tilespmem:s23+$0x0]  }
0x181: {  	v10 =	vsub.f32 v10, v3  }
0x182: {  	v11 =	vsub.f32 v11, v7  }
0x183: {  	v10 =	vmul.f32 v10, v9  }
0x184: {  	v11 =	vmul.f32 v11, v9  }
0x185: {  	v10 =	vadd.f32 $5.000000000e-01, v10;
	v12 =	vsub.f32 v12, v8  }
0x186: {  	v11 =	vadd.f32 $5.000000000e-01, v11  }
0x187: {  	v10 =	vtrunc.f32 v10;
	v12 =	vmul.f32 v12, v9  }
0x188: {  	v10 =	vcvt.f32.s32 v10;
	v11 =	vtrunc.f32 v11  }
0x189: {  	v11 =	vcvt.f32.s32 v11;
	v12 =	vadd.f32 $5.000000000e-01, v12;
	_ =	sdelay $0x1  }
0x18a: {  	vm0 =	vle.s32 v4, v10;
	v12 =	vtrunc.f32 v12;
	vm1 =	vle.s32 v5, v11  }
0x18b: {  	vm2 =	vgt.s32 v6, v10;
	v12 =	vcvt.f32.s32 v12;
	vm0 =	vmand vm0, vm1  }
0x18c: {  	v10 =	vshll.u32 v10, $0xD;
	vm1 =	vgt.s32 v2, v11;
	vm0 =	vmand vm0, vm2  }
0x18d: {  	v11 =	vshll.u32 v11, $0x5;
	vm0 =	vmand vm1, vm0;
	vm1 =	vle.s32 v0, v12  }
0x18e: {  	v10 =	vadd.s32 v10, v11;
	vm0 =	vmand vm1, vm0;
	vm1 =	vgt.s32 v1, v12  }
0x18f: {  	v10 =	vadd.s32 v12, v10;
	vm0 =	vmand vm1, vm0  }
0x190: {  	v10 =	vnsel vm0, $0x0, v10  }
0x191: {  	[tilespmem:s25+$0x0] =	vst v10  }
0x192: {  	v10 =	vld [tilespmem:s31+$0x10]  }
0x193: {  	v11 =	vld [tilespmem:s30+$0x10]  }
0x194: {  	v12 =	vld [tilespmem:s23+$0x10];
	_ =	sdelay $0x2  }
0x195: {  	v10 =	vsub.f32 v10, v3  }
0x196: {  	v11 =	vsub.f32 v11, v7  }
0x197: {  	v10 =	vmul.f32 v10, v9;
	v12 =	vsub.f32 v12, v8  }
.Ltmp1:
0x198: {  	v11 =	vmul.f32 v11, v9;
	(pc) =	sbr.rel @p0 .LBB2_4-.Ltmp1, $4  }
0x199: {  	v10 =	vadd.f32 $5.000000000e-01, v10;
	v12 =	vmul.f32 v12, v9  }
0x19a: {  	v13 =	vadd.f32 $5.000000000e-01, v11  }
0x19b: {  	v10 =	vtrunc.f32 v10;
	v11 =	vadd.f32 $5.000000000e-01, v12  }
0x19c: {  	s31 =	sadd.s32 $0x40, s31;
	s30 =	sadd.s32 $0x40, s30;
	v10 =	vcvt.f32.s32 v10;
	v12 =	vtrunc.f32 v13  }
0x19d: {  	v12 =	vcvt.f32.s32 v12;
	_ =	sdelay $0x1  }
0x19e: {  	v11 =	vtrunc.f32 v11;
	vm0 =	vle.s32 v4, v10;
	vm1 =	vle.s32 v5, v12  }
0x19f: {  	v11 =	vcvt.f32.s32 v11;
	vm2 =	vgt.s32 v6, v10;
	vm0 =	vmand vm0, vm1  }
0x1a0: {  	v10 =	vshll.u32 v10, $0xD;
	vm7 =	vgt.s32 v2, v12;
	vm0 =	vmand vm0, vm2  }
0x1a1: {  	v13 =	vshll.u32 v12, $0x5;
	vm8 =	vle.s32 v0, v11;
	vm0 =	vmand vm7, vm0  }
0x1a2: {  	vm9 =	vgt.s32 v1, v11;
	v10 =	vadd.s32 v10, v13;
	vm0 =	vmand vm8, vm0  }
0x1a3: {  	v10 =	vadd.s32 v11, v10;
	vm0 =	vmand vm9, vm0  }
0x1a4: {  	v10 =	vnsel vm0, $0x0, v10  }
0x1a5: {  	[tilespmem:s28+$0x10] =	vst v10  }
0x1a6: {  	[tilespmem:s18], [sflag:$0x3] =	stream.indirect.gather [hbm4b:s26+s12], $0x1, s17, s12, $0xb8;
	[tilespmem:$0x14600] =	vst v63  }
0x1a7: {  	_ =	swait.ge [sflag:s19], $0x2000  }
0x1a8: {  	[sflag:s19] =	ssyncset.done $0x0  }
0x1a9: {  	s23 =	rddreg [dreg:$0x1d];
	[sflag:s19] =	ssyncadd.s32 $0xFFFFE000  }
0x1aa: {  	[hbm4b:s23+s1] =	stream.linear.scatter [tilespmem:s16], [sflag:$0x4], $0x2000, $0x38;
	[tilespmem:$0x14600] =	vst v63  }
0x1ab: {  	_ =	swait.ge [sflag:s11], $0x2000  }
0x1ac: {  	[sflag:s11] =	ssyncset.done $0x0  }
0x1ad: {  	[sflag:s11] =	ssyncadd.s32 $0xFFFFE000  }
0x1ae: {  	_ =	swait.ge [sflag:s11], $0x2000  }
0x1af: {  	[sflag:s11] =	ssyncset.done $0x0  }
0x1b0: {  	[sflag:s11] =	ssyncadd.s32 $0xFFFFE000  }
0x1b1: {  	_ =	swait.ge [sflag:s11], $0x2000  }
0x1b2: {  	[sflag:s11] =	ssyncset.done $0x0  }
0x1b3: {  	s25 =	rddreg [dreg:$0xc];
	[sflag:s11] =	ssyncadd.s32 $0xFFFFE000  }
0x1b4: {  	[tilespmem:s12], [sflag:$0x1] =	stream.linear.gather [hbm4b:s25+s1], $0x2000, $0x38;
	[tilespmem:$0x14600] =	vst v63  }
0x1b5: {  	s25 =	rddreg [dreg:$0xd]  }
0x1b6: {  	[tilespmem:s13], [sflag:$0x1] =	stream.linear.gather [hbm4b:s25+s1], $0x2000, $0x38;
	[tilespmem:$0x14600] =	vst v63  }
0x1b7: {  	s28 =	simm.s32 $0x4020;
	s25 =	rddreg [dreg:$0xe]  }
0x1b8: {  	[tilespmem:s14], [sflag:$0x1] =	stream.linear.gather [hbm4b:s25+s1], $0x2000, $0x38;
	[tilespmem:$0x14600] =	vst v63  }
0x1b9: {  	s29 =	simm.s32 $0x20;
	v10 =	vld [tilespmem:s28+$0xFFFFFFE0]  }
0x1ba: {  	v11 =	vld [tilespmem:s29+$0xFFFFFFE0];
	_ =	sdelay $0x1  }
0x1bb: {  	s23 =	simm.s32 $0x8020  }
0x1bc: {  	v12 =	vld [tilespmem:s23+$0xFFFFFFE0];
	_ =	sdelay $0x1  }
0x1bd: {  	v10 =	vsub.f32 v10, v7;
	v11 =	vsub.f32 v11, v3;
	_ =	sdelay $0x1  }
0x1be: {  	v10 =	vmul.f32 v10, v9;
	v11 =	vmul.f32 v11, v9  }
0x1bf: {  	v12 =	vsub.f32 v12, v8  }
0x1c0: {  	v10 =	vadd.f32 $5.000000000e-01, v10;
	v11 =	vadd.f32 $5.000000000e-01, v11  }
0x1c1: {  	v12 =	vmul.f32 v12, v9  }
0x1c2: {  	v10 =	vtrunc.f32 v10;
	v11 =	vtrunc.f32 v11  }
0x1c3: {  	v12 =	vadd.f32 $5.000000000e-01, v12;
	v10 =	vcvt.f32.s32 v10;
	v11 =	vcvt.f32.s32 v11;
	_ =	sdelay $0x1  }
0x1c4: {  	v12 =	vtrunc.f32 v12;
	vm10 =	vle.s32 v4, v11;
	vm11 =	vle.s32 v5, v10  }
0x1c5: {  	v12 =	vcvt.f32.s32 v12;
	vm12 =	vgt.s32 v6, v11;
	vm0 =	vmand vm10, vm11  }
0x1c6: {  	v13 =	vshll.u32 v10, $0x5;
	vm13 =	vgt.s32 v2, v10;
	vm0 =	vmand vm0, vm12  }
0x1c7: {  	v10 =	vshll.u32 v11, $0xD;
	vm14 =	vle.s32 v0, v12;
	vm0 =	vmand vm13, vm0  }
0x1c8: {  	vm15 =	vgt.s32 v1, v12;
	v10 =	vadd.s32 v10, v13;
	vm0 =	vmand vm14, vm0  }
0x1c9: {  	v10 =	vadd.s32 v12, v10;
	vm0 =	vmand vm15, vm0  }
0x1ca: {  	s25 =	simm.s32 $0xC020;
	v10 =	vnsel vm0, $0x0, v10  }
0x1cb: {  	[tilespmem:s25+$0xFFFFFFE0] =	vst v10  }
0x1cc: {  	v10 =	vld [tilespmem:s29+$0xFFFFFFF0]  }
0x1cd: {  	v11 =	vld [tilespmem:s28+$0xFFFFFFF0];
	_ =	sdelay $0x2  }
0x1ce: {  	v12 =	vld [tilespmem:s23+$0xFFFFFFF0];
	_ =	sdelay $0x1  }
0x1cf: {  	v10 =	vsub.f32 v10, v3;
	v11 =	vsub.f32 v11, v7;
	_ =	sdelay $0x1  }
0x1d0: {  	v10 =	vmul.f32 v10, v9;
	v11 =	vmul.f32 v11, v9  }
0x1d1: {  	v12 =	vsub.f32 v12, v8  }
0x1d2: {  	v10 =	vadd.f32 $5.000000000e-01, v10;
	v11 =	vadd.f32 $5.000000000e-01, v11  }
0x1d3: {  	v12 =	vmul.f32 v12, v9  }
0x1d4: {  	v10 =	vtrunc.f32 v10;
	v11 =	vtrunc.f32 v11  }
0x1d5: {  	v12 =	vadd.f32 $5.000000000e-01, v12;
	v10 =	vcvt.f32.s32 v10;
	v11 =	vcvt.f32.s32 v11;
	_ =	sdelay $0x1  }
0x1d6: {  	v12 =	vtrunc.f32 v12;
	vm4 =	vle.s32 v4, v10;
	vm5 =	vle.s32 v5, v11  }
0x1d7: {  	v12 =	vcvt.f32.s32 v12;
	vm6 =	vgt.s32 v6, v10;
	vm0 =	vmand vm4, vm5  }
0x1d8: {  	v13 =	vshll.u32 v11, $0x5;
	vm7 =	vgt.s32 v2, v11;
	vm0 =	vmand vm0, vm6  }
0x1d9: {  	vm8 =	vle.s32 v0, v12;
	v10 =	vshll.u32 v10, $0xD;
	vm0 =	vmand vm7, vm0  }
0x1da: {  	vm9 =	vgt.s32 v1, v12;
	v10 =	vadd.s32 v10, v13;
	vm0 =	vmand vm8, vm0  }
0x1db: {  	v10 =	vadd.s32 v12, v10;
	vm0 =	vmand vm9, vm0  }
0x1dc: {  	v10 =	vnsel vm0, $0x0, v10  }
0x1dd: {  	[tilespmem:s25+$0xFFFFFFF0] =	vst v10  }
0x1de: {  	v10 =	vld [tilespmem:s29+$0x0]  }
0x1df: {  	v11 =	vld [tilespmem:s28+$0x0];
	_ =	sdelay $0x2  }
0x1e0: {  	v12 =	vld [tilespmem:s23+$0x0];
	_ =	sdelay $0x1  }
0x1e1: {  	v10 =	vsub.f32 v10, v3;
	v11 =	vsub.f32 v11, v7;
	_ =	sdelay $0x1  }
0x1e2: {  	v10 =	vmul.f32 v10, v9;
	v11 =	vmul.f32 v11, v9  }
0x1e3: {  	v12 =	vsub.f32 v12, v8  }
0x1e4: {  	v10 =	vadd.f32 $5.000000000e-01, v10;
	v11 =	vadd.f32 $5.000000000e-01, v11  }
0x1e5: {  	v12 =	vmul.f32 v12, v9  }
0x1e6: {  	v10 =	vtrunc.f32 v10;
	v11 =	vtrunc.f32 v11  }
0x1e7: {  	v12 =	vadd.f32 $5.000000000e-01, v12;
	v10 =	vcvt.f32.s32 v10;
	v11 =	vcvt.f32.s32 v11;
	_ =	sdelay $0x1  }
0x1e8: {  	v12 =	vtrunc.f32 v12;
	vm10 =	vle.s32 v4, v10;
	vm11 =	vle.s32 v5, v11  }
0x1e9: {  	v12 =	vcvt.f32.s32 v12;
	vm12 =	vgt.s32 v6, v10;
	vm0 =	vmand vm10, vm11  }
0x1ea: {  	vm13 =	vgt.s32 v2, v11;
	v10 =	vshll.u32 v10, $0xD;
	vm0 =	vmand vm0, vm12  }
0x1eb: {  	vm14 =	vle.s32 v0, v12;
	v11 =	vshll.u32 v11, $0x5;
	vm0 =	vmand vm13, vm0  }
0x1ec: {  	vm15 =	vgt.s32 v1, v12;
	v10 =	vadd.s32 v10, v11;
	vm0 =	vmand vm14, vm0  }
0x1ed: {  	v10 =	vadd.s32 v12, v10;
	vm0 =	vmand vm15, vm0  }
0x1ee: {  	v10 =	vnsel vm0, $0x0, v10  }
0x1ef: {  	[tilespmem:s25+$0x0] =	vst v10  }
0x1f0: {  	v10 =	vld [tilespmem:s29+$0x10]  }
0x1f1: {  	v11 =	vld [tilespmem:s28+$0x10];
	_ =	sdelay $0x1  }
0x1f2: {  	v12 =	vld [tilespmem:s23+$0x10];
	_ =	sdelay $0x1  }
0x1f3: {  	v10 =	vsub.f32 v10, v3  }
0x1f4: {  	v11 =	vsub.f32 v11, v7  }
0x1f5: {  	v10 =	vmul.f32 v10, v9  }
0x1f6: {  	v12 =	vsub.f32 v12, v8;
	v11 =	vmul.f32 v11, v9  }
0x1f7: {  	v10 =	vadd.f32 $5.000000000e-01, v10  }
0x1f8: {  	v12 =	vmul.f32 v12, v9;
	v13 =	vadd.f32 $5.000000000e-01, v11  }
0x1f9: {  	s30 =	simm.s32 $0x4060;
	v10 =	vtrunc.f32 v10  }
0x1fa: {  	s31 =	simm.s32 $0x60;
	s29 =	simm.s32 $0x0;
	s28 =	simm.s32 $0xC020;
	v11 =	vadd.f32 $5.000000000e-01, v12;
	v12 =	vtrunc.f32 v13;
	v10 =	vcvt.f32.s32 v10  }
.LBB2_6:
0x1fb: {  	s29 =	sadd.s32 $0x4, s29;
	v12 =	vcvt.f32.s32 v12;
	s25 =	sadd.s32 $0x40, s25;
	s23 =	sadd.s32 $0x40, s23  }
0x1fc: {  	p0 =	slt.u32 s29, $0x1FC;
	vm0 =	vle.s32 v4, v10  }
0x1fd: {  	v11 =	vtrunc.f32 v11;
	vm1 =	vle.s32 v5, v12;
	v13 =	vshll.u32 v12, $0x5  }
0x1fe: {  	v11 =	vcvt.f32.s32 v11;
	vm2 =	vgt.s32 v6, v10;
	vm0 =	vmand vm0, vm1  }
0x1ff: {  	vm1 =	vgt.s32 v2, v12;
	vm0 =	vmand vm0, vm2  }
0x200: {  	v10 =	vshll.u32 v10, $0xD;
	vm0 =	vmand vm1, vm0;
	vm1 =	vle.s32 v0, v11  }
0x201: {  	v10 =	vadd.s32 v10, v13;
	vm0 =	vmand vm1, vm0;
	vm1 =	vgt.s32 v1, v11  }
0x202: {  	v10 =	vadd.s32 v11, v10;
	vm0 =	vmand vm1, vm0  }
0x203: {  	v10 =	vnsel vm0, $0x0, v10  }
0x204: {  	[tilespmem:s28+$0x10] =	vst v10;
	s28 =	smov.u32 s25  }
0x205: {  	v10 =	vld [tilespmem:s30+$0xFFFFFFE0]  }
0x206: {  	v11 =	vld [tilespmem:s31+$0xFFFFFFE0]  }
0x207: {  	v12 =	vld [tilespmem:s23+$0xFFFFFFE0];
	_ =	sdelay $0x2  }
0x208: {  	v10 =	vsub.f32 v10, v7  }
0x209: {  	v11 =	vsub.f32 v11, v3  }
0x20a: {  	v10 =	vmul.f32 v10, v9;
	v12 =	vsub.f32 v12, v8  }
0x20b: {  	v11 =	vmul.f32 v11, v9  }
0x20c: {  	v10 =	vadd.f32 $5.000000000e-01, v10;
	v12 =	vmul.f32 v12, v9  }
0x20d: {  	v11 =	vadd.f32 $5.000000000e-01, v11  }
0x20e: {  	v10 =	vtrunc.f32 v10;
	v12 =	vadd.f32 $5.000000000e-01, v12  }
0x20f: {  	v11 =	vtrunc.f32 v11;
	v10 =	vcvt.f32.s32 v10  }
0x210: {  	v11 =	vcvt.f32.s32 v11;
	v12 =	vtrunc.f32 v12  }
0x211: {  	v12 =	vcvt.f32.s32 v12;
	v13 =	vshll.u32 v10, $0x5  }
0x212: {  	vm1 =	vle.s32 v5, v10;
	vm0 =	vle.s32 v4, v11;
	v14 =	vshll.u32 v11, $0xD  }
0x213: {  	vm2 =	vgt.s32 v6, v11;
	vm0 =	vmand vm0, vm1;
	v11 =	vadd.s32 v14, v13  }
0x214: {  	vm1 =	vgt.s32 v2, v10;
	vm0 =	vmand vm0, vm2;
	v10 =	vadd.s32 v12, v11  }
0x215: {  	vm0 =	vmand vm1, vm0;
	vm1 =	vle.s32 v0, v12  }
0x216: {  	vm0 =	vmand vm1, vm0;
	vm1 =	vgt.s32 v1, v12  }
0x217: {  	vm0 =	vmand vm1, vm0  }
0x218: {  	v10 =	vnsel vm0, $0x0, v10  }
0x219: {  	[tilespmem:s25+$0xFFFFFFE0] =	vst v10  }
0x21a: {  	v10 =	vld [tilespmem:s31+$0xFFFFFFF0]  }
0x21b: {  	v11 =	vld [tilespmem:s30+$0xFFFFFFF0];
	_ =	sdelay $0x2  }
0x21c: {  	v12 =	vld [tilespmem:s23+$0xFFFFFFF0]  }
0x21d: {  	v10 =	vsub.f32 v10, v3  }
0x21e: {  	v11 =	vsub.f32 v11, v7  }
0x21f: {  	v10 =	vmul.f32 v10, v9  }
0x220: {  	v11 =	vmul.f32 v11, v9  }
0x221: {  	v10 =	vadd.f32 $5.000000000e-01, v10;
	v12 =	vsub.f32 v12, v8  }
0x222: {  	v11 =	vadd.f32 $5.000000000e-01, v11  }
0x223: {  	v10 =	vtrunc.f32 v10;
	v12 =	vmul.f32 v12, v9  }
0x224: {  	v10 =	vcvt.f32.s32 v10;
	v11 =	vtrunc.f32 v11  }
0x225: {  	v11 =	vcvt.f32.s32 v11;
	v12 =	vadd.f32 $5.000000000e-01, v12  }
0x226: {  	vm0 =	vle.s32 v4, v10  }
0x227: {  	v12 =	vtrunc.f32 v12;
	vm1 =	vle.s32 v5, v11;
	v13 =	vshll.u32 v11, $0x5  }
0x228: {  	vm2 =	vgt.s32 v6, v10;
	v12 =	vcvt.f32.s32 v12;
	vm0 =	vmand vm0, vm1  }
0x229: {  	vm1 =	vgt.s32 v2, v11;
	vm0 =	vmand vm0, vm2  }
0x22a: {  	v10 =	vshll.u32 v10, $0xD;
	vm0 =	vmand vm1, vm0;
	vm1 =	vle.s32 v0, v12  }
0x22b: {  	v10 =	vadd.s32 v10, v13;
	vm0 =	vmand vm1, vm0;
	vm1 =	vgt.s32 v1, v12  }
0x22c: {  	v10 =	vadd.s32 v12, v10;
	vm0 =	vmand vm1, vm0  }
0x22d: {  	v10 =	vnsel vm0, $0x0, v10  }
0x22e: {  	[tilespmem:s25+$0xFFFFFFF0] =	vst v10  }
0x22f: {  	v10 =	vld [tilespmem:s31+$0x0]  }
0x230: {  	v11 =	vld [tilespmem:s30+$0x0];
	_ =	sdelay $0x2  }
0x231: {  	v12 =	vld [tilespmem:s23+$0x0]  }
0x232: {  	v10 =	vsub.f32 v10, v3  }
0x233: {  	v11 =	vsub.f32 v11, v7  }
0x234: {  	v10 =	vmul.f32 v10, v9  }
0x235: {  	v11 =	vmul.f32 v11, v9  }
0x236: {  	v10 =	vadd.f32 $5.000000000e-01, v10;
	v12 =	vsub.f32 v12, v8  }
0x237: {  	v11 =	vadd.f32 $5.000000000e-01, v11  }
0x238: {  	v10 =	vtrunc.f32 v10;
	v12 =	vmul.f32 v12, v9  }
0x239: {  	v10 =	vcvt.f32.s32 v10;
	v11 =	vtrunc.f32 v11  }
0x23a: {  	v11 =	vcvt.f32.s32 v11;
	v12 =	vadd.f32 $5.000000000e-01, v12;
	_ =	sdelay $0x1  }
0x23b: {  	vm0 =	vle.s32 v4, v10;
	v12 =	vtrunc.f32 v12;
	vm1 =	vle.s32 v5, v11  }
0x23c: {  	vm2 =	vgt.s32 v6, v10;
	v12 =	vcvt.f32.s32 v12;
	vm0 =	vmand vm0, vm1  }
0x23d: {  	v10 =	vshll.u32 v10, $0xD;
	vm1 =	vgt.s32 v2, v11;
	vm0 =	vmand vm0, vm2  }
0x23e: {  	v11 =	vshll.u32 v11, $0x5;
	vm0 =	vmand vm1, vm0;
	vm1 =	vle.s32 v0, v12  }
0x23f: {  	v10 =	vadd.s32 v10, v11;
	vm0 =	vmand vm1, vm0;
	vm1 =	vgt.s32 v1, v12  }
0x240: {  	v10 =	vadd.s32 v12, v10;
	vm0 =	vmand vm1, vm0  }
0x241: {  	v10 =	vnsel vm0, $0x0, v10  }
0x242: {  	[tilespmem:s25+$0x0] =	vst v10  }
0x243: {  	v10 =	vld [tilespmem:s31+$0x10]  }
0x244: {  	v11 =	vld [tilespmem:s30+$0x10]  }
0x245: {  	v12 =	vld [tilespmem:s23+$0x10];
	_ =	sdelay $0x2  }
0x246: {  	v10 =	vsub.f32 v10, v3  }
0x247: {  	v11 =	vsub.f32 v11, v7  }
0x248: {  	v10 =	vmul.f32 v10, v9;
	v12 =	vsub.f32 v12, v8  }
.Ltmp2:
0x249: {  	v11 =	vmul.f32 v11, v9;
	(pc) =	sbr.rel @p0 .LBB2_6-.Ltmp2, $4  }
0x24a: {  	v10 =	vadd.f32 $5.000000000e-01, v10;
	v12 =	vmul.f32 v12, v9  }
0x24b: {  	v13 =	vadd.f32 $5.000000000e-01, v11  }
0x24c: {  	v10 =	vtrunc.f32 v10;
	v11 =	vadd.f32 $5.000000000e-01, v12  }
0x24d: {  	s31 =	sadd.s32 $0x40, s31;
	s30 =	sadd.s32 $0x40, s30;
	v10 =	vcvt.f32.s32 v10;
	v12 =	vtrunc.f32 v13  }
0x24e: {  	v12 =	vcvt.f32.s32 v12;
	_ =	sdelay $0x1  }
0x24f: {  	v11 =	vtrunc.f32 v11;
	vm0 =	vle.s32 v4, v10;
	vm1 =	vle.s32 v5, v12  }
0x250: {  	v11 =	vcvt.f32.s32 v11;
	vm2 =	vgt.s32 v6, v10;
	vm0 =	vmand vm0, vm1  }
0x251: {  	v10 =	vshll.u32 v10, $0xD;
	vm7 =	vgt.s32 v2, v12;
	vm0 =	vmand vm0, vm2  }
0x252: {  	v13 =	vshll.u32 v12, $0x5;
	vm8 =	vle.s32 v0, v11;
	vm0 =	vmand vm7, vm0  }
0x253: {  	vm9 =	vgt.s32 v1, v11;
	v10 =	vadd.s32 v10, v13;
	vm0 =	vmand vm8, vm0  }
0x254: {  	v10 =	vadd.s32 v11, v10;
	vm0 =	vmand vm9, vm0  }
0x255: {  	v10 =	vnsel vm0, $0x0, v10  }
0x256: {  	[tilespmem:s28+$0x10] =	vst v10  }
0x257: {  	_ =	swait.ge [sflag:s20], $0x2000  }
0x258: {  	[sflag:s20] =	ssyncset.done $0x0  }
0x259: {  	[sflag:s20] =	ssyncadd.s32 $0xFFFFE000  }
0x25a: {  	[tilespmem:s16], [sflag:$0x2] =	stream.indirect.gather [hbm4b:s26+s12], $0x1, s15, s12, $0xb8;
	[tilespmem:$0x14600] =	vst v63  }
0x25b: {  	_ =	swait.ge [sflag:s21], $0x2000  }
0x25c: {  	[sflag:s21] =	ssyncset.done $0x0  }
0x25d: {  	[sflag:s21] =	ssyncadd.s32 $0xFFFFE000  }
0x25e: {  	[hbm4b:s24+s1] =	stream.linear.scatter [tilespmem:s18], [sflag:$0x4], $0x2000, $0x38;
	[tilespmem:$0x14600] =	vst v63  }
0x25f: {  	_ =	swait.ge [sflag:s11], $0x2000  }
0x260: {  	[sflag:s11] =	ssyncset.done $0x0  }
0x261: {  	[sflag:s11] =	ssyncadd.s32 $0xFFFFE000  }
0x262: {  	_ =	swait.ge [sflag:s11], $0x2000  }
0x263: {  	[sflag:s11] =	ssyncset.done $0x0  }
0x264: {  	[sflag:s11] =	ssyncadd.s32 $0xFFFFE000  }
0x265: {  	_ =	swait.ge [sflag:s11], $0x2000  }
0x266: {  	[sflag:s11] =	ssyncset.done $0x0  }
0x267: {  	s23 =	rddreg [dreg:$0xf];
	[sflag:s11] =	ssyncadd.s32 $0xFFFFE000  }
0x268: {  	[tilespmem:s1], [sflag:$0x1] =	stream.linear.gather [hbm4b:s23+s1], $0x2000, $0x38;
	[tilespmem:$0x14600] =	vst v63  }
0x269: {  	s25 =	rddreg [dreg:$0x10]  }
0x26a: {  	[tilespmem:s9], [sflag:$0x1] =	stream.linear.gather [hbm4b:s25+s1], $0x2000, $0x38;
	[tilespmem:$0x14600] =	vst v63  }
0x26b: {  	s28 =	simm.s32 $0x6020;
	s25 =	rddreg [dreg:$0x11]  }
0x26c: {  	[tilespmem:s10], [sflag:$0x1] =	stream.linear.gather [hbm4b:s25+s1], $0x2000, $0x38;
	[tilespmem:$0x14600] =	vst v63  }
0x26d: {  	s29 =	simm.s32 $0x2020;
	v10 =	vld [tilespmem:s28+$0xFFFFFFE0]  }
0x26e: {  	v11 =	vld [tilespmem:s29+$0xFFFFFFE0];
	_ =	sdelay $0x1  }
0x26f: {  	s23 =	simm.s32 $0xA020  }
0x270: {  	v12 =	vld [tilespmem:s23+$0xFFFFFFE0];
	_ =	sdelay $0x1  }
0x271: {  	v10 =	vsub.f32 v10, v7;
	v11 =	vsub.f32 v11, v3;
	_ =	sdelay $0x1  }
0x272: {  	v10 =	vmul.f32 v10, v9;
	v11 =	vmul.f32 v11, v9  }
0x273: {  	v12 =	vsub.f32 v12, v8  }
0x274: {  	v10 =	vadd.f32 $5.000000000e-01, v10;
	v11 =	vadd.f32 $5.000000000e-01, v11  }
0x275: {  	v12 =	vmul.f32 v12, v9  }
0x276: {  	v10 =	vtrunc.f32 v10;
	v11 =	vtrunc.f32 v11  }
0x277: {  	v12 =	vadd.f32 $5.000000000e-01, v12;
	v10 =	vcvt.f32.s32 v10;
	v11 =	vcvt.f32.s32 v11;
	_ =	sdelay $0x1  }
0x278: {  	v12 =	vtrunc.f32 v12;
	vm10 =	vle.s32 v4, v11;
	vm11 =	vle.s32 v5, v10  }
0x279: {  	v12 =	vcvt.f32.s32 v12;
	vm12 =	vgt.s32 v6, v11;
	vm0 =	vmand vm10, vm11  }
0x27a: {  	v13 =	vshll.u32 v10, $0x5;
	vm13 =	vgt.s32 v2, v10;
	vm0 =	vmand vm0, vm12  }
0x27b: {  	v10 =	vshll.u32 v11, $0xD;
	vm14 =	vle.s32 v0, v12;
	vm0 =	vmand vm13, vm0  }
0x27c: {  	vm15 =	vgt.s32 v1, v12;
	v10 =	vadd.s32 v10, v13;
	vm0 =	vmand vm14, vm0  }
0x27d: {  	v10 =	vadd.s32 v12, v10;
	vm0 =	vmand vm15, vm0  }
0x27e: {  	s25 =	simm.s32 $0xE020;
	v10 =	vnsel vm0, $0x0, v10  }
0x27f: {  	[tilespmem:s25+$0xFFFFFFE0] =	vst v10  }
0x280: {  	v10 =	vld [tilespmem:s29+$0xFFFFFFF0]  }
0x281: {  	v11 =	vld [tilespmem:s28+$0xFFFFFFF0];
	_ =	sdelay $0x2  }
0x282: {  	v12 =	vld [tilespmem:s23+$0xFFFFFFF0];
	_ =	sdelay $0x1  }
0x283: {  	v10 =	vsub.f32 v10, v3;
	v11 =	vsub.f32 v11, v7;
	_ =	sdelay $0x1  }
0x284: {  	v10 =	vmul.f32 v10, v9;
	v11 =	vmul.f32 v11, v9  }
0x285: {  	v12 =	vsub.f32 v12, v8  }
0x286: {  	v10 =	vadd.f32 $5.000000000e-01, v10;
	v11 =	vadd.f32 $5.000000000e-01, v11  }
0x287: {  	v12 =	vmul.f32 v12, v9  }
0x288: {  	v10 =	vtrunc.f32 v10;
	v11 =	vtrunc.f32 v11  }
0x289: {  	v12 =	vadd.f32 $5.000000000e-01, v12;
	v10 =	vcvt.f32.s32 v10;
	v11 =	vcvt.f32.s32 v11;
	_ =	sdelay $0x1  }
0x28a: {  	v12 =	vtrunc.f32 v12;
	vm4 =	vle.s32 v4, v10;
	vm5 =	vle.s32 v5, v11  }
0x28b: {  	v12 =	vcvt.f32.s32 v12;
	vm6 =	vgt.s32 v6, v10;
	vm0 =	vmand vm4, vm5  }
0x28c: {  	v13 =	vshll.u32 v11, $0x5;
	vm7 =	vgt.s32 v2, v11;
	vm0 =	vmand vm0, vm6  }
0x28d: {  	vm8 =	vle.s32 v0, v12;
	v10 =	vshll.u32 v10, $0xD;
	vm0 =	vmand vm7, vm0  }
0x28e: {  	vm9 =	vgt.s32 v1, v12;
	v10 =	vadd.s32 v10, v13;
	vm0 =	vmand vm8, vm0  }
0x28f: {  	v10 =	vadd.s32 v12, v10;
	vm0 =	vmand vm9, vm0  }
0x290: {  	v10 =	vnsel vm0, $0x0, v10  }
0x291: {  	[tilespmem:s25+$0xFFFFFFF0] =	vst v10  }
0x292: {  	v10 =	vld [tilespmem:s29+$0x0]  }
0x293: {  	v11 =	vld [tilespmem:s28+$0x0];
	_ =	sdelay $0x2  }
0x294: {  	v12 =	vld [tilespmem:s23+$0x0];
	_ =	sdelay $0x1  }
0x295: {  	v10 =	vsub.f32 v10, v3;
	v11 =	vsub.f32 v11, v7;
	_ =	sdelay $0x1  }
0x296: {  	v10 =	vmul.f32 v10, v9;
	v11 =	vmul.f32 v11, v9  }
0x297: {  	v12 =	vsub.f32 v12, v8  }
0x298: {  	v10 =	vadd.f32 $5.000000000e-01, v10;
	v11 =	vadd.f32 $5.000000000e-01, v11  }
0x299: {  	v12 =	vmul.f32 v12, v9  }
0x29a: {  	v10 =	vtrunc.f32 v10;
	v11 =	vtrunc.f32 v11  }
0x29b: {  	v12 =	vadd.f32 $5.000000000e-01, v12;
	v10 =	vcvt.f32.s32 v10;
	v11 =	vcvt.f32.s32 v11;
	_ =	sdelay $0x1  }
0x29c: {  	v12 =	vtrunc.f32 v12;
	vm10 =	vle.s32 v4, v10;
	vm11 =	vle.s32 v5, v11  }
0x29d: {  	v12 =	vcvt.f32.s32 v12;
	vm12 =	vgt.s32 v6, v10;
	vm0 =	vmand vm10, vm11  }
0x29e: {  	vm13 =	vgt.s32 v2, v11;
	v10 =	vshll.u32 v10, $0xD;
	vm0 =	vmand vm0, vm12  }
0x29f: {  	vm14 =	vle.s32 v0, v12;
	v11 =	vshll.u32 v11, $0x5;
	vm0 =	vmand vm13, vm0  }
0x2a0: {  	vm15 =	vgt.s32 v1, v12;
	v10 =	vadd.s32 v10, v11;
	vm0 =	vmand vm14, vm0  }
0x2a1: {  	v10 =	vadd.s32 v12, v10;
	vm0 =	vmand vm15, vm0  }
0x2a2: {  	v10 =	vnsel vm0, $0x0, v10  }
0x2a3: {  	[tilespmem:s25+$0x0] =	vst v10  }
0x2a4: {  	v10 =	vld [tilespmem:s29+$0x10]  }
0x2a5: {  	v11 =	vld [tilespmem:s28+$0x10];
	_ =	sdelay $0x1  }
0x2a6: {  	v12 =	vld [tilespmem:s23+$0x10];
	_ =	sdelay $0x1  }
0x2a7: {  	v10 =	vsub.f32 v10, v3  }
0x2a8: {  	v11 =	vsub.f32 v11, v7  }
0x2a9: {  	v10 =	vmul.f32 v10, v9  }
0x2aa: {  	v12 =	vsub.f32 v12, v8;
	v11 =	vmul.f32 v11, v9  }
0x2ab: {  	v10 =	vadd.f32 $5.000000000e-01, v10  }
0x2ac: {  	v12 =	vmul.f32 v12, v9;
	v13 =	vadd.f32 $5.000000000e-01, v11  }
0x2ad: {  	s30 =	simm.s32 $0x6060;
	v10 =	vtrunc.f32 v10  }
0x2ae: {  	s31 =	simm.s32 $0x2060;
	s29 =	simm.s32 $0x0;
	s28 =	simm.s32 $0xE020;
	v11 =	vadd.f32 $5.000000000e-01, v12;
	v12 =	vtrunc.f32 v13;
	v10 =	vcvt.f32.s32 v10  }
.LBB2_8:
0x2af: {  	s29 =	sadd.s32 $0x4, s29;
	v12 =	vcvt.f32.s32 v12;
	s25 =	sadd.s32 $0x40, s25;
	s23 =	sadd.s32 $0x40, s23  }
0x2b0: {  	p0 =	slt.u32 s29, $0x1FC;
	vm0 =	vle.s32 v4, v10  }
0x2b1: {  	v11 =	vtrunc.f32 v11;
	vm1 =	vle.s32 v5, v12;
	v13 =	vshll.u32 v12, $0x5  }
0x2b2: {  	v11 =	vcvt.f32.s32 v11;
	vm2 =	vgt.s32 v6, v10;
	vm0 =	vmand vm0, vm1  }
0x2b3: {  	vm1 =	vgt.s32 v2, v12;
	vm0 =	vmand vm0, vm2  }
0x2b4: {  	v10 =	vshll.u32 v10, $0xD;
	vm0 =	vmand vm1, vm0;
	vm1 =	vle.s32 v0, v11  }
0x2b5: {  	v10 =	vadd.s32 v10, v13;
	vm0 =	vmand vm1, vm0;
	vm1 =	vgt.s32 v1, v11  }
0x2b6: {  	v10 =	vadd.s32 v11, v10;
	vm0 =	vmand vm1, vm0  }
0x2b7: {  	v10 =	vnsel vm0, $0x0, v10  }
0x2b8: {  	[tilespmem:s28+$0x10] =	vst v10;
	s28 =	smov.u32 s25  }
0x2b9: {  	v10 =	vld [tilespmem:s30+$0xFFFFFFE0]  }
0x2ba: {  	v11 =	vld [tilespmem:s31+$0xFFFFFFE0]  }
0x2bb: {  	v12 =	vld [tilespmem:s23+$0xFFFFFFE0];
	_ =	sdelay $0x2  }
0x2bc: {  	v10 =	vsub.f32 v10, v7  }
0x2bd: {  	v11 =	vsub.f32 v11, v3  }
0x2be: {  	v10 =	vmul.f32 v10, v9;
	v12 =	vsub.f32 v12, v8  }
0x2bf: {  	v11 =	vmul.f32 v11, v9  }
0x2c0: {  	v10 =	vadd.f32 $5.000000000e-01, v10;
	v12 =	vmul.f32 v12, v9  }
0x2c1: {  	v11 =	vadd.f32 $5.000000000e-01, v11  }
0x2c2: {  	v10 =	vtrunc.f32 v10;
	v12 =	vadd.f32 $5.000000000e-01, v12  }
0x2c3: {  	v11 =	vtrunc.f32 v11;
	v10 =	vcvt.f32.s32 v10  }
0x2c4: {  	v11 =	vcvt.f32.s32 v11;
	v12 =	vtrunc.f32 v12  }
0x2c5: {  	v12 =	vcvt.f32.s32 v12;
	v13 =	vshll.u32 v10, $0x5  }
0x2c6: {  	vm1 =	vle.s32 v5, v10;
	vm0 =	vle.s32 v4, v11;
	v14 =	vshll.u32 v11, $0xD  }
0x2c7: {  	vm2 =	vgt.s32 v6, v11;
	vm0 =	vmand vm0, vm1;
	v11 =	vadd.s32 v14, v13  }
0x2c8: {  	vm1 =	vgt.s32 v2, v10;
	vm0 =	vmand vm0, vm2;
	v10 =	vadd.s32 v12, v11  }
0x2c9: {  	vm0 =	vmand vm1, vm0;
	vm1 =	vle.s32 v0, v12  }
0x2ca: {  	vm0 =	vmand vm1, vm0;
	vm1 =	vgt.s32 v1, v12  }
0x2cb: {  	vm0 =	vmand vm1, vm0  }
0x2cc: {  	v10 =	vnsel vm0, $0x0, v10  }
0x2cd: {  	[tilespmem:s25+$0xFFFFFFE0] =	vst v10  }
0x2ce: {  	v10 =	vld [tilespmem:s31+$0xFFFFFFF0]  }
0x2cf: {  	v11 =	vld [tilespmem:s30+$0xFFFFFFF0];
	_ =	sdelay $0x2  }
0x2d0: {  	v12 =	vld [tilespmem:s23+$0xFFFFFFF0]  }
0x2d1: {  	v10 =	vsub.f32 v10, v3  }
0x2d2: {  	v11 =	vsub.f32 v11, v7  }
0x2d3: {  	v10 =	vmul.f32 v10, v9  }
0x2d4: {  	v11 =	vmul.f32 v11, v9  }
0x2d5: {  	v10 =	vadd.f32 $5.000000000e-01, v10;
	v12 =	vsub.f32 v12, v8  }
0x2d6: {  	v11 =	vadd.f32 $5.000000000e-01, v11  }
0x2d7: {  	v10 =	vtrunc.f32 v10;
	v12 =	vmul.f32 v12, v9  }
0x2d8: {  	v10 =	vcvt.f32.s32 v10;
	v11 =	vtrunc.f32 v11  }
0x2d9: {  	v11 =	vcvt.f32.s32 v11;
	v12 =	vadd.f32 $5.000000000e-01, v12  }
0x2da: {  	vm0 =	vle.s32 v4, v10  }
0x2db: {  	v12 =	vtrunc.f32 v12;
	vm1 =	vle.s32 v5, v11;
	v13 =	vshll.u32 v11, $0x5  }
0x2dc: {  	vm2 =	vgt.s32 v6, v10;
	v12 =	vcvt.f32.s32 v12;
	vm0 =	vmand vm0, vm1  }
0x2dd: {  	vm1 =	vgt.s32 v2, v11;
	vm0 =	vmand vm0, vm2  }
0x2de: {  	v10 =	vshll.u32 v10, $0xD;
	vm0 =	vmand vm1, vm0;
	vm1 =	vle.s32 v0, v12  }
0x2df: {  	v10 =	vadd.s32 v10, v13;
	vm0 =	vmand vm1, vm0;
	vm1 =	vgt.s32 v1, v12  }
0x2e0: {  	v10 =	vadd.s32 v12, v10;
	vm0 =	vmand vm1, vm0  }
0x2e1: {  	v10 =	vnsel vm0, $0x0, v10  }
0x2e2: {  	[tilespmem:s25+$0xFFFFFFF0] =	vst v10  }
0x2e3: {  	v10 =	vld [tilespmem:s31+$0x0]  }
0x2e4: {  	v11 =	vld [tilespmem:s30+$0x0];
	_ =	sdelay $0x2  }
0x2e5: {  	v12 =	vld [tilespmem:s23+$0x0]  }
0x2e6: {  	v10 =	vsub.f32 v10, v3  }
0x2e7: {  	v11 =	vsub.f32 v11, v7  }
0x2e8: {  	v10 =	vmul.f32 v10, v9  }
0x2e9: {  	v11 =	vmul.f32 v11, v9  }
0x2ea: {  	v10 =	vadd.f32 $5.000000000e-01, v10;
	v12 =	vsub.f32 v12, v8  }
0x2eb: {  	v11 =	vadd.f32 $5.000000000e-01, v11  }
0x2ec: {  	v10 =	vtrunc.f32 v10;
	v12 =	vmul.f32 v12, v9  }
0x2ed: {  	v10 =	vcvt.f32.s32 v10;
	v11 =	vtrunc.f32 v11  }
0x2ee: {  	v11 =	vcvt.f32.s32 v11;
	v12 =	vadd.f32 $5.000000000e-01, v12;
	_ =	sdelay $0x1  }
0x2ef: {  	vm0 =	vle.s32 v4, v10;
	v12 =	vtrunc.f32 v12;
	vm1 =	vle.s32 v5, v11  }
0x2f0: {  	vm2 =	vgt.s32 v6, v10;
	v12 =	vcvt.f32.s32 v12;
	vm0 =	vmand vm0, vm1  }
0x2f1: {  	v10 =	vshll.u32 v10, $0xD;
	vm1 =	vgt.s32 v2, v11;
	vm0 =	vmand vm0, vm2  }
0x2f2: {  	v11 =	vshll.u32 v11, $0x5;
	vm0 =	vmand vm1, vm0;
	vm1 =	vle.s32 v0, v12  }
0x2f3: {  	v10 =	vadd.s32 v10, v11;
	vm0 =	vmand vm1, vm0;
	vm1 =	vgt.s32 v1, v12  }
0x2f4: {  	v10 =	vadd.s32 v12, v10;
	vm0 =	vmand vm1, vm0  }
0x2f5: {  	v10 =	vnsel vm0, $0x0, v10  }
0x2f6: {  	[tilespmem:s25+$0x0] =	vst v10  }
0x2f7: {  	v10 =	vld [tilespmem:s31+$0x10]  }
0x2f8: {  	v11 =	vld [tilespmem:s30+$0x10]  }
0x2f9: {  	v12 =	vld [tilespmem:s23+$0x10];
	_ =	sdelay $0x2  }
0x2fa: {  	v10 =	vsub.f32 v10, v3  }
0x2fb: {  	v11 =	vsub.f32 v11, v7  }
0x2fc: {  	v10 =	vmul.f32 v10, v9;
	v12 =	vsub.f32 v12, v8  }
.Ltmp3:
0x2fd: {  	v11 =	vmul.f32 v11, v9;
	(pc) =	sbr.rel @p0 .LBB2_8-.Ltmp3, $4  }
0x2fe: {  	v10 =	vadd.f32 $5.000000000e-01, v10;
	v12 =	vmul.f32 v12, v9  }
0x2ff: {  	v13 =	vadd.f32 $5.000000000e-01, v11  }
0x300: {  	v10 =	vtrunc.f32 v10;
	v11 =	vadd.f32 $5.000000000e-01, v12  }
0x301: {  	s31 =	sadd.s32 $0x40, s31;
	s30 =	sadd.s32 $0x40, s30;
	v10 =	vcvt.f32.s32 v10;
	v12 =	vtrunc.f32 v13  }
0x302: {  	v12 =	vcvt.f32.s32 v12;
	_ =	sdelay $0x1  }
0x303: {  	v11 =	vtrunc.f32 v11;
	vm0 =	vle.s32 v4, v10;
	vm1 =	vle.s32 v5, v12  }
0x304: {  	v11 =	vcvt.f32.s32 v11;
	vm2 =	vgt.s32 v6, v10;
	vm0 =	vmand vm0, vm1  }
0x305: {  	v10 =	vshll.u32 v10, $0xD;
	vm7 =	vgt.s32 v2, v12;
	vm0 =	vmand vm0, vm2  }
0x306: {  	v13 =	vshll.u32 v12, $0x5;
	vm8 =	vle.s32 v0, v11;
	vm0 =	vmand vm7, vm0  }
0x307: {  	vm9 =	vgt.s32 v1, v11;
	v10 =	vadd.s32 v10, v13;
	vm0 =	vmand vm8, vm0  }
0x308: {  	v10 =	vadd.s32 v11, v10;
	vm0 =	vmand vm9, vm0  }
0x309: {  	v10 =	vnsel vm0, $0x0, v10  }
0x30a: {  	[tilespmem:s28+$0x10] =	vst v10  }
0x30b: {  	_ =	swait.ge [sflag:s20], $0x2000  }
0x30c: {  	[sflag:s20] =	ssyncset.done $0x0  }
0x30d: {  	[sflag:s20] =	ssyncadd.s32 $0xFFFFE000  }
0x30e: {  	[tilespmem:s18], [sflag:$0x3] =	stream.indirect.gather [hbm4b:s26+s12], $0x1, s17, s12, $0xb8;
	[tilespmem:$0x14600] =	vst v63  }
0x30f: {  	_ =	swait.ge [sflag:s19], $0x2000  }
0x310: {  	[sflag:s19] =	ssyncset.done $0x0  }
0x311: {  	[sflag:s19] =	ssyncadd.s32 $0xFFFFE000  }
0x312: {  	[hbm4b:s0+s1] =	stream.linear.scatter [tilespmem:s16], [sflag:$0x4], $0x2000, $0x38;
	[tilespmem:$0x14600] =	vst v63  }
0x313: {  	_ =	swait.ge [sflag:s11], $0x2000  }
0x314: {  	[sflag:s11] =	ssyncset.done $0x0  }
0x315: {  	[sflag:s11] =	ssyncadd.s32 $0xFFFFE000  }
0x316: {  	_ =	swait.ge [sflag:s11], $0x2000  }
0x317: {  	[sflag:s11] =	ssyncset.done $0x0  }
0x318: {  	[sflag:s11] =	ssyncadd.s32 $0xFFFFE000  }
0x319: {  	_ =	swait.ge [sflag:s11], $0x2000  }
0x31a: {  	[sflag:s11] =	ssyncset.done $0x0  }
0x31b: {  	s23 =	rddreg [dreg:$0x12];
	[sflag:s11] =	ssyncadd.s32 $0xFFFFE000  }
0x31c: {  	[tilespmem:s12], [sflag:$0x1] =	stream.linear.gather [hbm4b:s23+s1], $0x2000, $0x38;
	[tilespmem:$0x14600] =	vst v63  }
0x31d: {  	s25 =	rddreg [dreg:$0x13]  }
0x31e: {  	[tilespmem:s13], [sflag:$0x1] =	stream.linear.gather [hbm4b:s25+s1], $0x2000, $0x38;
	[tilespmem:$0x14600] =	vst v63  }
0x31f: {  	s28 =	simm.s32 $0x4020;
	s25 =	rddreg [dreg:$0x14]  }
0x320: {  	[tilespmem:s14], [sflag:$0x1] =	stream.linear.gather [hbm4b:s25+s1], $0x2000, $0x38;
	[tilespmem:$0x14600] =	vst v63  }
0x321: {  	s29 =	simm.s32 $0x20;
	v10 =	vld [tilespmem:s28+$0xFFFFFFE0]  }
0x322: {  	v11 =	vld [tilespmem:s29+$0xFFFFFFE0];
	_ =	sdelay $0x1  }
0x323: {  	s23 =	simm.s32 $0x8020  }
0x324: {  	v12 =	vld [tilespmem:s23+$0xFFFFFFE0];
	_ =	sdelay $0x1  }
0x325: {  	v10 =	vsub.f32 v10, v7;
	v11 =	vsub.f32 v11, v3;
	_ =	sdelay $0x1  }
0x326: {  	v10 =	vmul.f32 v10, v9;
	v11 =	vmul.f32 v11, v9  }
0x327: {  	v12 =	vsub.f32 v12, v8  }
0x328: {  	v10 =	vadd.f32 $5.000000000e-01, v10;
	v11 =	vadd.f32 $5.000000000e-01, v11  }
0x329: {  	v12 =	vmul.f32 v12, v9  }
0x32a: {  	v10 =	vtrunc.f32 v10;
	v11 =	vtrunc.f32 v11  }
0x32b: {  	v12 =	vadd.f32 $5.000000000e-01, v12;
	v10 =	vcvt.f32.s32 v10;
	v11 =	vcvt.f32.s32 v11;
	_ =	sdelay $0x1  }
0x32c: {  	v12 =	vtrunc.f32 v12;
	vm10 =	vle.s32 v4, v11;
	vm11 =	vle.s32 v5, v10  }
0x32d: {  	v12 =	vcvt.f32.s32 v12;
	vm12 =	vgt.s32 v6, v11;
	vm0 =	vmand vm10, vm11  }
0x32e: {  	v13 =	vshll.u32 v10, $0x5;
	vm13 =	vgt.s32 v2, v10;
	vm0 =	vmand vm0, vm12  }
0x32f: {  	v10 =	vshll.u32 v11, $0xD;
	vm14 =	vle.s32 v0, v12;
	vm0 =	vmand vm13, vm0  }
0x330: {  	vm15 =	vgt.s32 v1, v12;
	v10 =	vadd.s32 v10, v13;
	vm0 =	vmand vm14, vm0  }
0x331: {  	v10 =	vadd.s32 v12, v10;
	vm0 =	vmand vm15, vm0  }
0x332: {  	s25 =	simm.s32 $0xC020;
	v10 =	vnsel vm0, $0x0, v10  }
0x333: {  	[tilespmem:s25+$0xFFFFFFE0] =	vst v10  }
0x334: {  	v10 =	vld [tilespmem:s29+$0xFFFFFFF0]  }
0x335: {  	v11 =	vld [tilespmem:s28+$0xFFFFFFF0];
	_ =	sdelay $0x2  }
0x336: {  	v12 =	vld [tilespmem:s23+$0xFFFFFFF0];
	_ =	sdelay $0x1  }
0x337: {  	v10 =	vsub.f32 v10, v3;
	v11 =	vsub.f32 v11, v7;
	_ =	sdelay $0x1  }
0x338: {  	v10 =	vmul.f32 v10, v9;
	v11 =	vmul.f32 v11, v9  }
0x339: {  	v12 =	vsub.f32 v12, v8  }
0x33a: {  	v10 =	vadd.f32 $5.000000000e-01, v10;
	v11 =	vadd.f32 $5.000000000e-01, v11  }
0x33b: {  	v12 =	vmul.f32 v12, v9  }
0x33c: {  	v10 =	vtrunc.f32 v10;
	v11 =	vtrunc.f32 v11  }
0x33d: {  	v12 =	vadd.f32 $5.000000000e-01, v12;
	v10 =	vcvt.f32.s32 v10;
	v11 =	vcvt.f32.s32 v11;
	_ =	sdelay $0x1  }
0x33e: {  	v12 =	vtrunc.f32 v12;
	vm4 =	vle.s32 v4, v10;
	vm5 =	vle.s32 v5, v11  }
0x33f: {  	v12 =	vcvt.f32.s32 v12;
	vm6 =	vgt.s32 v6, v10;
	vm0 =	vmand vm4, vm5  }
0x340: {  	v13 =	vshll.u32 v11, $0x5;
	vm7 =	vgt.s32 v2, v11;
	vm0 =	vmand vm0, vm6  }
0x341: {  	vm8 =	vle.s32 v0, v12;
	v10 =	vshll.u32 v10, $0xD;
	vm0 =	vmand vm7, vm0  }
0x342: {  	vm9 =	vgt.s32 v1, v12;
	v10 =	vadd.s32 v10, v13;
	vm0 =	vmand vm8, vm0  }
0x343: {  	v10 =	vadd.s32 v12, v10;
	vm0 =	vmand vm9, vm0  }
0x344: {  	v10 =	vnsel vm0, $0x0, v10  }
0x345: {  	[tilespmem:s25+$0xFFFFFFF0] =	vst v10  }
0x346: {  	v10 =	vld [tilespmem:s29+$0x0]  }
0x347: {  	v11 =	vld [tilespmem:s28+$0x0];
	_ =	sdelay $0x2  }
0x348: {  	v12 =	vld [tilespmem:s23+$0x0];
	_ =	sdelay $0x1  }
0x349: {  	v10 =	vsub.f32 v10, v3;
	v11 =	vsub.f32 v11, v7;
	_ =	sdelay $0x1  }
0x34a: {  	v10 =	vmul.f32 v10, v9;
	v11 =	vmul.f32 v11, v9  }
0x34b: {  	v12 =	vsub.f32 v12, v8  }
0x34c: {  	v10 =	vadd.f32 $5.000000000e-01, v10;
	v11 =	vadd.f32 $5.000000000e-01, v11  }
0x34d: {  	v12 =	vmul.f32 v12, v9  }
0x34e: {  	v10 =	vtrunc.f32 v10;
	v11 =	vtrunc.f32 v11  }
0x34f: {  	v12 =	vadd.f32 $5.000000000e-01, v12;
	v10 =	vcvt.f32.s32 v10;
	v11 =	vcvt.f32.s32 v11;
	_ =	sdelay $0x1  }
0x350: {  	v12 =	vtrunc.f32 v12;
	vm10 =	vle.s32 v4, v10;
	vm11 =	vle.s32 v5, v11  }
0x351: {  	v12 =	vcvt.f32.s32 v12;
	vm12 =	vgt.s32 v6, v10;
	vm0 =	vmand vm10, vm11  }
0x352: {  	vm13 =	vgt.s32 v2, v11;
	v10 =	vshll.u32 v10, $0xD;
	vm0 =	vmand vm0, vm12  }
0x353: {  	vm14 =	vle.s32 v0, v12;
	v11 =	vshll.u32 v11, $0x5;
	vm0 =	vmand vm13, vm0  }
0x354: {  	vm15 =	vgt.s32 v1, v12;
	v10 =	vadd.s32 v10, v11;
	vm0 =	vmand vm14, vm0  }
0x355: {  	v10 =	vadd.s32 v12, v10;
	vm0 =	vmand vm15, vm0  }
0x356: {  	v10 =	vnsel vm0, $0x0, v10  }
0x357: {  	[tilespmem:s25+$0x0] =	vst v10  }
0x358: {  	v10 =	vld [tilespmem:s29+$0x10]  }
0x359: {  	v11 =	vld [tilespmem:s28+$0x10];
	_ =	sdelay $0x1  }
0x35a: {  	v12 =	vld [tilespmem:s23+$0x10];
	_ =	sdelay $0x1  }
0x35b: {  	v10 =	vsub.f32 v10, v3  }
0x35c: {  	v11 =	vsub.f32 v11, v7  }
0x35d: {  	v10 =	vmul.f32 v10, v9  }
0x35e: {  	v12 =	vsub.f32 v12, v8;
	v11 =	vmul.f32 v11, v9  }
0x35f: {  	v10 =	vadd.f32 $5.000000000e-01, v10  }
0x360: {  	v12 =	vmul.f32 v12, v9;
	v13 =	vadd.f32 $5.000000000e-01, v11  }
0x361: {  	s30 =	simm.s32 $0x4060;
	v10 =	vtrunc.f32 v10  }
0x362: {  	s31 =	simm.s32 $0x60;
	s29 =	simm.s32 $0x0;
	s28 =	simm.s32 $0xC020;
	v11 =	vadd.f32 $5.000000000e-01, v12;
	v12 =	vtrunc.f32 v13;
	v10 =	vcvt.f32.s32 v10  }
.LBB2_10:
0x363: {  	s29 =	sadd.s32 $0x4, s29;
	v12 =	vcvt.f32.s32 v12;
	s25 =	sadd.s32 $0x40, s25;
	s23 =	sadd.s32 $0x40, s23  }
0x364: {  	p0 =	slt.u32 s29, $0x1FC;
	vm0 =	vle.s32 v4, v10  }
0x365: {  	v11 =	vtrunc.f32 v11;
	vm1 =	vle.s32 v5, v12;
	v13 =	vshll.u32 v12, $0x5  }
0x366: {  	v11 =	vcvt.f32.s32 v11;
	vm2 =	vgt.s32 v6, v10;
	vm0 =	vmand vm0, vm1  }
0x367: {  	vm1 =	vgt.s32 v2, v12;
	vm0 =	vmand vm0, vm2  }
0x368: {  	v10 =	vshll.u32 v10, $0xD;
	vm0 =	vmand vm1, vm0;
	vm1 =	vle.s32 v0, v11  }
0x369: {  	v10 =	vadd.s32 v10, v13;
	vm0 =	vmand vm1, vm0;
	vm1 =	vgt.s32 v1, v11  }
0x36a: {  	v10 =	vadd.s32 v11, v10;
	vm0 =	vmand vm1, vm0  }
0x36b: {  	v10 =	vnsel vm0, $0x0, v10  }
0x36c: {  	[tilespmem:s28+$0x10] =	vst v10;
	s28 =	smov.u32 s25  }
0x36d: {  	v10 =	vld [tilespmem:s30+$0xFFFFFFE0]  }
0x36e: {  	v11 =	vld [tilespmem:s31+$0xFFFFFFE0]  }
0x36f: {  	v12 =	vld [tilespmem:s23+$0xFFFFFFE0];
	_ =	sdelay $0x2  }
0x370: {  	v10 =	vsub.f32 v10, v7  }
0x371: {  	v11 =	vsub.f32 v11, v3  }
0x372: {  	v10 =	vmul.f32 v10, v9;
	v12 =	vsub.f32 v12, v8  }
0x373: {  	v11 =	vmul.f32 v11, v9  }
0x374: {  	v10 =	vadd.f32 $5.000000000e-01, v10;
	v12 =	vmul.f32 v12, v9  }
0x375: {  	v11 =	vadd.f32 $5.000000000e-01, v11  }
0x376: {  	v10 =	vtrunc.f32 v10;
	v12 =	vadd.f32 $5.000000000e-01, v12  }
0x377: {  	v11 =	vtrunc.f32 v11;
	v10 =	vcvt.f32.s32 v10  }
0x378: {  	v11 =	vcvt.f32.s32 v11;
	v12 =	vtrunc.f32 v12  }
0x379: {  	v12 =	vcvt.f32.s32 v12;
	v13 =	vshll.u32 v10, $0x5  }
0x37a: {  	vm1 =	vle.s32 v5, v10;
	vm0 =	vle.s32 v4, v11;
	v14 =	vshll.u32 v11, $0xD  }
0x37b: {  	vm2 =	vgt.s32 v6, v11;
	vm0 =	vmand vm0, vm1;
	v11 =	vadd.s32 v14, v13  }
0x37c: {  	vm1 =	vgt.s32 v2, v10;
	vm0 =	vmand vm0, vm2;
	v10 =	vadd.s32 v12, v11  }
0x37d: {  	vm0 =	vmand vm1, vm0;
	vm1 =	vle.s32 v0, v12  }
0x37e: {  	vm0 =	vmand vm1, vm0;
	vm1 =	vgt.s32 v1, v12  }
0x37f: {  	vm0 =	vmand vm1, vm0  }
0x380: {  	v10 =	vnsel vm0, $0x0, v10  }
0x381: {  	[tilespmem:s25+$0xFFFFFFE0] =	vst v10  }
0x382: {  	v10 =	vld [tilespmem:s31+$0xFFFFFFF0]  }
0x383: {  	v11 =	vld [tilespmem:s30+$0xFFFFFFF0];
	_ =	sdelay $0x2  }
0x384: {  	v12 =	vld [tilespmem:s23+$0xFFFFFFF0]  }
0x385: {  	v10 =	vsub.f32 v10, v3  }
0x386: {  	v11 =	vsub.f32 v11, v7  }
0x387: {  	v10 =	vmul.f32 v10, v9  }
0x388: {  	v11 =	vmul.f32 v11, v9  }
0x389: {  	v10 =	vadd.f32 $5.000000000e-01, v10;
	v12 =	vsub.f32 v12, v8  }
0x38a: {  	v11 =	vadd.f32 $5.000000000e-01, v11  }
0x38b: {  	v10 =	vtrunc.f32 v10;
	v12 =	vmul.f32 v12, v9  }
0x38c: {  	v10 =	vcvt.f32.s32 v10;
	v11 =	vtrunc.f32 v11  }
0x38d: {  	v11 =	vcvt.f32.s32 v11;
	v12 =	vadd.f32 $5.000000000e-01, v12  }
0x38e: {  	vm0 =	vle.s32 v4, v10  }
0x38f: {  	v12 =	vtrunc.f32 v12;
	vm1 =	vle.s32 v5, v11;
	v13 =	vshll.u32 v11, $0x5  }
0x390: {  	vm2 =	vgt.s32 v6, v10;
	v12 =	vcvt.f32.s32 v12;
	vm0 =	vmand vm0, vm1  }
0x391: {  	vm1 =	vgt.s32 v2, v11;
	vm0 =	vmand vm0, vm2  }
0x392: {  	v10 =	vshll.u32 v10, $0xD;
	vm0 =	vmand vm1, vm0;
	vm1 =	vle.s32 v0, v12  }
0x393: {  	v10 =	vadd.s32 v10, v13;
	vm0 =	vmand vm1, vm0;
	vm1 =	vgt.s32 v1, v12  }
0x394: {  	v10 =	vadd.s32 v12, v10;
	vm0 =	vmand vm1, vm0  }
0x395: {  	v10 =	vnsel vm0, $0x0, v10  }
0x396: {  	[tilespmem:s25+$0xFFFFFFF0] =	vst v10  }
0x397: {  	v10 =	vld [tilespmem:s31+$0x0]  }
0x398: {  	v11 =	vld [tilespmem:s30+$0x0];
	_ =	sdelay $0x2  }
0x399: {  	v12 =	vld [tilespmem:s23+$0x0]  }
0x39a: {  	v10 =	vsub.f32 v10, v3  }
0x39b: {  	v11 =	vsub.f32 v11, v7  }
0x39c: {  	v10 =	vmul.f32 v10, v9  }
0x39d: {  	v11 =	vmul.f32 v11, v9  }
0x39e: {  	v10 =	vadd.f32 $5.000000000e-01, v10;
	v12 =	vsub.f32 v12, v8  }
0x39f: {  	v11 =	vadd.f32 $5.000000000e-01, v11  }
0x3a0: {  	v10 =	vtrunc.f32 v10;
	v12 =	vmul.f32 v12, v9  }
0x3a1: {  	v10 =	vcvt.f32.s32 v10;
	v11 =	vtrunc.f32 v11  }
0x3a2: {  	v11 =	vcvt.f32.s32 v11;
	v12 =	vadd.f32 $5.000000000e-01, v12;
	_ =	sdelay $0x1  }
0x3a3: {  	vm0 =	vle.s32 v4, v10;
	v12 =	vtrunc.f32 v12;
	vm1 =	vle.s32 v5, v11  }
0x3a4: {  	vm2 =	vgt.s32 v6, v10;
	v12 =	vcvt.f32.s32 v12;
	vm0 =	vmand vm0, vm1  }
0x3a5: {  	v10 =	vshll.u32 v10, $0xD;
	vm1 =	vgt.s32 v2, v11;
	vm0 =	vmand vm0, vm2  }
0x3a6: {  	v11 =	vshll.u32 v11, $0x5;
	vm0 =	vmand vm1, vm0;
	vm1 =	vle.s32 v0, v12  }
0x3a7: {  	v10 =	vadd.s32 v10, v11;
	vm0 =	vmand vm1, vm0;
	vm1 =	vgt.s32 v1, v12  }
0x3a8: {  	v10 =	vadd.s32 v12, v10;
	vm0 =	vmand vm1, vm0  }
0x3a9: {  	v10 =	vnsel vm0, $0x0, v10  }
0x3aa: {  	[tilespmem:s25+$0x0] =	vst v10  }
0x3ab: {  	v10 =	vld [tilespmem:s31+$0x10]  }
0x3ac: {  	v11 =	vld [tilespmem:s30+$0x10]  }
0x3ad: {  	v12 =	vld [tilespmem:s23+$0x10];
	_ =	sdelay $0x2  }
0x3ae: {  	v10 =	vsub.f32 v10, v3  }
0x3af: {  	v11 =	vsub.f32 v11, v7  }
0x3b0: {  	v10 =	vmul.f32 v10, v9;
	v12 =	vsub.f32 v12, v8  }
.Ltmp4:
0x3b1: {  	v11 =	vmul.f32 v11, v9;
	(pc) =	sbr.rel @p0 .LBB2_10-.Ltmp4, $4  }
0x3b2: {  	v10 =	vadd.f32 $5.000000000e-01, v10;
	v12 =	vmul.f32 v12, v9  }
0x3b3: {  	v13 =	vadd.f32 $5.000000000e-01, v11  }
0x3b4: {  	v10 =	vtrunc.f32 v10;
	v11 =	vadd.f32 $5.000000000e-01, v12  }
0x3b5: {  	s31 =	sadd.s32 $0x40, s31;
	s30 =	sadd.s32 $0x40, s30;
	v10 =	vcvt.f32.s32 v10;
	v12 =	vtrunc.f32 v13  }
0x3b6: {  	v12 =	vcvt.f32.s32 v12;
	_ =	sdelay $0x1  }
0x3b7: {  	v11 =	vtrunc.f32 v11;
	vm0 =	vle.s32 v4, v10;
	vm1 =	vle.s32 v5, v12  }
0x3b8: {  	v11 =	vcvt.f32.s32 v11;
	vm2 =	vgt.s32 v6, v10;
	vm0 =	vmand vm0, vm1  }
0x3b9: {  	v10 =	vshll.u32 v10, $0xD;
	vm7 =	vgt.s32 v2, v12;
	vm0 =	vmand vm0, vm2  }
0x3ba: {  	v13 =	vshll.u32 v12, $0x5;
	vm8 =	vle.s32 v0, v11;
	vm0 =	vmand vm7, vm0  }
0x3bb: {  	vm9 =	vgt.s32 v1, v11;
	v10 =	vadd.s32 v10, v13;
	vm0 =	vmand vm8, vm0  }
0x3bc: {  	v10 =	vadd.s32 v11, v10;
	vm0 =	vmand vm9, vm0  }
0x3bd: {  	v10 =	vnsel vm0, $0x0, v10  }
0x3be: {  	[tilespmem:s28+$0x10] =	vst v10  }
0x3bf: {  	_ =	swait.ge [sflag:s20], $0x2000  }
0x3c0: {  	[sflag:s20] =	ssyncset.done $0x0  }
0x3c1: {  	[sflag:s20] =	ssyncadd.s32 $0xFFFFE000  }
0x3c2: {  	[tilespmem:s16], [sflag:$0x2] =	stream.indirect.gather [hbm4b:s26+s12], $0x1, s15, s12, $0xb8;
	[tilespmem:$0x14600] =	vst v63  }
0x3c3: {  	_ =	swait.ge [sflag:s21], $0x2000  }
0x3c4: {  	[sflag:s21] =	ssyncset.done $0x0  }
0x3c5: {  	[sflag:s21] =	ssyncadd.s32 $0xFFFFE000  }
0x3c6: {  	[hbm4b:s2+s1] =	stream.linear.scatter [tilespmem:s18], [sflag:$0x4], $0x2000, $0x38;
	[tilespmem:$0x14600] =	vst v63  }
0x3c7: {  	_ =	swait.ge [sflag:s11], $0x2000  }
0x3c8: {  	[sflag:s11] =	ssyncset.done $0x0  }
0x3c9: {  	[sflag:s11] =	ssyncadd.s32 $0xFFFFE000  }
0x3ca: {  	_ =	swait.ge [sflag:s11], $0x2000  }
0x3cb: {  	[sflag:s11] =	ssyncset.done $0x0  }
0x3cc: {  	[sflag:s11] =	ssyncadd.s32 $0xFFFFE000  }
0x3cd: {  	_ =	swait.ge [sflag:s11], $0x2000  }
0x3ce: {  	[sflag:s11] =	ssyncset.done $0x0  }
0x3cf: {  	s23 =	rddreg [dreg:$0x15];
	[sflag:s11] =	ssyncadd.s32 $0xFFFFE000  }
0x3d0: {  	[tilespmem:s1], [sflag:$0x1] =	stream.linear.gather [hbm4b:s23+s1], $0x2000, $0x38;
	[tilespmem:$0x14600] =	vst v63  }
0x3d1: {  	s25 =	rddreg [dreg:$0x16]  }
0x3d2: {  	[tilespmem:s9], [sflag:$0x1] =	stream.linear.gather [hbm4b:s25+s1], $0x2000, $0x38;
	[tilespmem:$0x14600] =	vst v63  }
0x3d3: {  	s28 =	simm.s32 $0x6020;
	s25 =	rddreg [dreg:$0x17]  }
0x3d4: {  	[tilespmem:s10], [sflag:$0x1] =	stream.linear.gather [hbm4b:s25+s1], $0x2000, $0x38;
	[tilespmem:$0x14600] =	vst v63  }
0x3d5: {  	s29 =	simm.s32 $0x2020;
	v10 =	vld [tilespmem:s28+$0xFFFFFFE0]  }
0x3d6: {  	v11 =	vld [tilespmem:s29+$0xFFFFFFE0];
	_ =	sdelay $0x1  }
0x3d7: {  	s23 =	simm.s32 $0xA020  }
0x3d8: {  	v12 =	vld [tilespmem:s23+$0xFFFFFFE0];
	_ =	sdelay $0x1  }
0x3d9: {  	v10 =	vsub.f32 v10, v7;
	v11 =	vsub.f32 v11, v3;
	_ =	sdelay $0x1  }
0x3da: {  	v10 =	vmul.f32 v10, v9;
	v11 =	vmul.f32 v11, v9  }
0x3db: {  	v12 =	vsub.f32 v12, v8  }
0x3dc: {  	v10 =	vadd.f32 $5.000000000e-01, v10;
	v11 =	vadd.f32 $5.000000000e-01, v11  }
0x3dd: {  	v12 =	vmul.f32 v12, v9  }
0x3de: {  	v10 =	vtrunc.f32 v10;
	v11 =	vtrunc.f32 v11  }
0x3df: {  	v12 =	vadd.f32 $5.000000000e-01, v12;
	v10 =	vcvt.f32.s32 v10;
	v11 =	vcvt.f32.s32 v11;
	_ =	sdelay $0x1  }
0x3e0: {  	v12 =	vtrunc.f32 v12;
	vm10 =	vle.s32 v4, v11;
	vm11 =	vle.s32 v5, v10  }
0x3e1: {  	v12 =	vcvt.f32.s32 v12;
	vm12 =	vgt.s32 v6, v11;
	vm0 =	vmand vm10, vm11  }
0x3e2: {  	v13 =	vshll.u32 v10, $0x5;
	vm13 =	vgt.s32 v2, v10;
	vm0 =	vmand vm0, vm12  }
0x3e3: {  	v10 =	vshll.u32 v11, $0xD;
	vm14 =	vle.s32 v0, v12;
	vm0 =	vmand vm13, vm0  }
0x3e4: {  	vm15 =	vgt.s32 v1, v12;
	v10 =	vadd.s32 v10, v13;
	vm0 =	vmand vm14, vm0  }
0x3e5: {  	v10 =	vadd.s32 v12, v10;
	vm0 =	vmand vm15, vm0  }
0x3e6: {  	s25 =	simm.s32 $0xE020;
	v10 =	vnsel vm0, $0x0, v10  }
0x3e7: {  	[tilespmem:s25+$0xFFFFFFE0] =	vst v10  }
0x3e8: {  	v10 =	vld [tilespmem:s29+$0xFFFFFFF0]  }
0x3e9: {  	v11 =	vld [tilespmem:s28+$0xFFFFFFF0];
	_ =	sdelay $0x2  }
0x3ea: {  	v12 =	vld [tilespmem:s23+$0xFFFFFFF0];
	_ =	sdelay $0x1  }
0x3eb: {  	v10 =	vsub.f32 v10, v3;
	v11 =	vsub.f32 v11, v7;
	_ =	sdelay $0x1  }
0x3ec: {  	v10 =	vmul.f32 v10, v9;
	v11 =	vmul.f32 v11, v9  }
0x3ed: {  	v12 =	vsub.f32 v12, v8  }
0x3ee: {  	v10 =	vadd.f32 $5.000000000e-01, v10;
	v11 =	vadd.f32 $5.000000000e-01, v11  }
0x3ef: {  	v12 =	vmul.f32 v12, v9  }
0x3f0: {  	v10 =	vtrunc.f32 v10;
	v11 =	vtrunc.f32 v11  }
0x3f1: {  	v12 =	vadd.f32 $5.000000000e-01, v12;
	v10 =	vcvt.f32.s32 v10;
	v11 =	vcvt.f32.s32 v11;
	_ =	sdelay $0x1  }
0x3f2: {  	v12 =	vtrunc.f32 v12;
	vm4 =	vle.s32 v4, v10;
	vm5 =	vle.s32 v5, v11  }
0x3f3: {  	v12 =	vcvt.f32.s32 v12;
	vm6 =	vgt.s32 v6, v10;
	vm0 =	vmand vm4, vm5  }
0x3f4: {  	v13 =	vshll.u32 v11, $0x5;
	vm7 =	vgt.s32 v2, v11;
	vm0 =	vmand vm0, vm6  }
0x3f5: {  	vm8 =	vle.s32 v0, v12;
	v10 =	vshll.u32 v10, $0xD;
	vm0 =	vmand vm7, vm0  }
0x3f6: {  	vm9 =	vgt.s32 v1, v12;
	v10 =	vadd.s32 v10, v13;
	vm0 =	vmand vm8, vm0  }
0x3f7: {  	v10 =	vadd.s32 v12, v10;
	vm0 =	vmand vm9, vm0  }
0x3f8: {  	v10 =	vnsel vm0, $0x0, v10  }
0x3f9: {  	[tilespmem:s25+$0xFFFFFFF0] =	vst v10  }
0x3fa: {  	v10 =	vld [tilespmem:s29+$0x0]  }
0x3fb: {  	v11 =	vld [tilespmem:s28+$0x0];
	_ =	sdelay $0x2  }
0x3fc: {  	v12 =	vld [tilespmem:s23+$0x0];
	_ =	sdelay $0x1  }
0x3fd: {  	v10 =	vsub.f32 v10, v3;
	v11 =	vsub.f32 v11, v7;
	_ =	sdelay $0x1  }
0x3fe: {  	v10 =	vmul.f32 v10, v9;
	v11 =	vmul.f32 v11, v9  }
0x3ff: {  	v12 =	vsub.f32 v12, v8  }
0x400: {  	v10 =	vadd.f32 $5.000000000e-01, v10;
	v11 =	vadd.f32 $5.000000000e-01, v11  }
0x401: {  	v12 =	vmul.f32 v12, v9  }
0x402: {  	v10 =	vtrunc.f32 v10;
	v11 =	vtrunc.f32 v11  }
0x403: {  	v12 =	vadd.f32 $5.000000000e-01, v12;
	v10 =	vcvt.f32.s32 v10;
	v11 =	vcvt.f32.s32 v11;
	_ =	sdelay $0x1  }
0x404: {  	v12 =	vtrunc.f32 v12;
	vm10 =	vle.s32 v4, v10;
	vm11 =	vle.s32 v5, v11  }
0x405: {  	v12 =	vcvt.f32.s32 v12;
	vm12 =	vgt.s32 v6, v10;
	vm0 =	vmand vm10, vm11  }
0x406: {  	vm13 =	vgt.s32 v2, v11;
	v10 =	vshll.u32 v10, $0xD;
	vm0 =	vmand vm0, vm12  }
0x407: {  	vm14 =	vle.s32 v0, v12;
	v11 =	vshll.u32 v11, $0x5;
	vm0 =	vmand vm13, vm0  }
0x408: {  	vm15 =	vgt.s32 v1, v12;
	v10 =	vadd.s32 v10, v11;
	vm0 =	vmand vm14, vm0  }
0x409: {  	v10 =	vadd.s32 v12, v10;
	vm0 =	vmand vm15, vm0  }
0x40a: {  	v10 =	vnsel vm0, $0x0, v10  }
0x40b: {  	[tilespmem:s25+$0x0] =	vst v10  }
0x40c: {  	v10 =	vld [tilespmem:s29+$0x10]  }
0x40d: {  	v11 =	vld [tilespmem:s28+$0x10];
	_ =	sdelay $0x1  }
0x40e: {  	v12 =	vld [tilespmem:s23+$0x10];
	_ =	sdelay $0x1  }
0x40f: {  	v10 =	vsub.f32 v10, v3  }
0x410: {  	v11 =	vsub.f32 v11, v7  }
0x411: {  	v10 =	vmul.f32 v10, v9  }
0x412: {  	v12 =	vsub.f32 v12, v8;
	v11 =	vmul.f32 v11, v9  }
0x413: {  	v10 =	vadd.f32 $5.000000000e-01, v10  }
0x414: {  	v12 =	vmul.f32 v12, v9;
	v13 =	vadd.f32 $5.000000000e-01, v11  }
0x415: {  	s30 =	simm.s32 $0x6060;
	v10 =	vtrunc.f32 v10  }
0x416: {  	s31 =	simm.s32 $0x2060;
	s29 =	simm.s32 $0x0;
	s28 =	simm.s32 $0xE020;
	v11 =	vadd.f32 $5.000000000e-01, v12;
	v12 =	vtrunc.f32 v13;
	v10 =	vcvt.f32.s32 v10  }
.LBB2_12:
0x417: {  	s29 =	sadd.s32 $0x4, s29;
	v12 =	vcvt.f32.s32 v12;
	s25 =	sadd.s32 $0x40, s25;
	s23 =	sadd.s32 $0x40, s23  }
0x418: {  	p0 =	slt.u32 s29, $0x1FC;
	vm0 =	vle.s32 v4, v10  }
0x419: {  	v11 =	vtrunc.f32 v11;
	vm1 =	vle.s32 v5, v12;
	v13 =	vshll.u32 v12, $0x5  }
0x41a: {  	v11 =	vcvt.f32.s32 v11;
	vm2 =	vgt.s32 v6, v10;
	vm0 =	vmand vm0, vm1  }
0x41b: {  	vm1 =	vgt.s32 v2, v12;
	vm0 =	vmand vm0, vm2  }
0x41c: {  	v10 =	vshll.u32 v10, $0xD;
	vm0 =	vmand vm1, vm0;
	vm1 =	vle.s32 v0, v11  }
0x41d: {  	v10 =	vadd.s32 v10, v13;
	vm0 =	vmand vm1, vm0;
	vm1 =	vgt.s32 v1, v11  }
0x41e: {  	v10 =	vadd.s32 v11, v10;
	vm0 =	vmand vm1, vm0  }
0x41f: {  	v10 =	vnsel vm0, $0x0, v10  }
0x420: {  	[tilespmem:s28+$0x10] =	vst v10;
	s28 =	smov.u32 s25  }
0x421: {  	v10 =	vld [tilespmem:s30+$0xFFFFFFE0]  }
0x422: {  	v11 =	vld [tilespmem:s31+$0xFFFFFFE0]  }
0x423: {  	v12 =	vld [tilespmem:s23+$0xFFFFFFE0];
	_ =	sdelay $0x2  }
0x424: {  	v10 =	vsub.f32 v10, v7  }
0x425: {  	v11 =	vsub.f32 v11, v3  }
0x426: {  	v10 =	vmul.f32 v10, v9;
	v12 =	vsub.f32 v12, v8  }
0x427: {  	v11 =	vmul.f32 v11, v9  }
0x428: {  	v10 =	vadd.f32 $5.000000000e-01, v10;
	v12 =	vmul.f32 v12, v9  }
0x429: {  	v11 =	vadd.f32 $5.000000000e-01, v11  }
0x42a: {  	v10 =	vtrunc.f32 v10;
	v12 =	vadd.f32 $5.000000000e-01, v12  }
0x42b: {  	v11 =	vtrunc.f32 v11;
	v10 =	vcvt.f32.s32 v10  }
0x42c: {  	v11 =	vcvt.f32.s32 v11;
	v12 =	vtrunc.f32 v12  }
0x42d: {  	v12 =	vcvt.f32.s32 v12;
	v13 =	vshll.u32 v10, $0x5  }
0x42e: {  	vm1 =	vle.s32 v5, v10;
	vm0 =	vle.s32 v4, v11;
	v14 =	vshll.u32 v11, $0xD  }
0x42f: {  	vm2 =	vgt.s32 v6, v11;
	vm0 =	vmand vm0, vm1;
	v11 =	vadd.s32 v14, v13  }
0x430: {  	vm1 =	vgt.s32 v2, v10;
	vm0 =	vmand vm0, vm2;
	v10 =	vadd.s32 v12, v11  }
0x431: {  	vm0 =	vmand vm1, vm0;
	vm1 =	vle.s32 v0, v12  }
0x432: {  	vm0 =	vmand vm1, vm0;
	vm1 =	vgt.s32 v1, v12  }
0x433: {  	vm0 =	vmand vm1, vm0  }
0x434: {  	v10 =	vnsel vm0, $0x0, v10  }
0x435: {  	[tilespmem:s25+$0xFFFFFFE0] =	vst v10  }
0x436: {  	v10 =	vld [tilespmem:s31+$0xFFFFFFF0]  }
0x437: {  	v11 =	vld [tilespmem:s30+$0xFFFFFFF0];
	_ =	sdelay $0x2  }
0x438: {  	v12 =	vld [tilespmem:s23+$0xFFFFFFF0]  }
0x439: {  	v10 =	vsub.f32 v10, v3  }
0x43a: {  	v11 =	vsub.f32 v11, v7  }
0x43b: {  	v10 =	vmul.f32 v10, v9  }
0x43c: {  	v11 =	vmul.f32 v11, v9  }
0x43d: {  	v10 =	vadd.f32 $5.000000000e-01, v10;
	v12 =	vsub.f32 v12, v8  }
0x43e: {  	v11 =	vadd.f32 $5.000000000e-01, v11  }
0x43f: {  	v10 =	vtrunc.f32 v10;
	v12 =	vmul.f32 v12, v9  }
0x440: {  	v10 =	vcvt.f32.s32 v10;
	v11 =	vtrunc.f32 v11  }
0x441: {  	v11 =	vcvt.f32.s32 v11;
	v12 =	vadd.f32 $5.000000000e-01, v12  }
0x442: {  	vm0 =	vle.s32 v4, v10  }
0x443: {  	v12 =	vtrunc.f32 v12;
	vm1 =	vle.s32 v5, v11;
	v13 =	vshll.u32 v11, $0x5  }
0x444: {  	vm2 =	vgt.s32 v6, v10;
	v12 =	vcvt.f32.s32 v12;
	vm0 =	vmand vm0, vm1  }
0x445: {  	vm1 =	vgt.s32 v2, v11;
	vm0 =	vmand vm0, vm2  }
0x446: {  	v10 =	vshll.u32 v10, $0xD;
	vm0 =	vmand vm1, vm0;
	vm1 =	vle.s32 v0, v12  }
0x447: {  	v10 =	vadd.s32 v10, v13;
	vm0 =	vmand vm1, vm0;
	vm1 =	vgt.s32 v1, v12  }
0x448: {  	v10 =	vadd.s32 v12, v10;
	vm0 =	vmand vm1, vm0  }
0x449: {  	v10 =	vnsel vm0, $0x0, v10  }
0x44a: {  	[tilespmem:s25+$0xFFFFFFF0] =	vst v10  }
0x44b: {  	v10 =	vld [tilespmem:s31+$0x0]  }
0x44c: {  	v11 =	vld [tilespmem:s30+$0x0];
	_ =	sdelay $0x2  }
0x44d: {  	v12 =	vld [tilespmem:s23+$0x0]  }
0x44e: {  	v10 =	vsub.f32 v10, v3  }
0x44f: {  	v11 =	vsub.f32 v11, v7  }
0x450: {  	v10 =	vmul.f32 v10, v9  }
0x451: {  	v11 =	vmul.f32 v11, v9  }
0x452: {  	v10 =	vadd.f32 $5.000000000e-01, v10;
	v12 =	vsub.f32 v12, v8  }
0x453: {  	v11 =	vadd.f32 $5.000000000e-01, v11  }
0x454: {  	v10 =	vtrunc.f32 v10;
	v12 =	vmul.f32 v12, v9  }
0x455: {  	v10 =	vcvt.f32.s32 v10;
	v11 =	vtrunc.f32 v11  }
0x456: {  	v11 =	vcvt.f32.s32 v11;
	v12 =	vadd.f32 $5.000000000e-01, v12;
	_ =	sdelay $0x1  }
0x457: {  	vm0 =	vle.s32 v4, v10;
	v12 =	vtrunc.f32 v12;
	vm1 =	vle.s32 v5, v11  }
0x458: {  	vm2 =	vgt.s32 v6, v10;
	v12 =	vcvt.f32.s32 v12;
	vm0 =	vmand vm0, vm1  }
0x459: {  	v10 =	vshll.u32 v10, $0xD;
	vm1 =	vgt.s32 v2, v11;
	vm0 =	vmand vm0, vm2  }
0x45a: {  	v11 =	vshll.u32 v11, $0x5;
	vm0 =	vmand vm1, vm0;
	vm1 =	vle.s32 v0, v12  }
0x45b: {  	v10 =	vadd.s32 v10, v11;
	vm0 =	vmand vm1, vm0;
	vm1 =	vgt.s32 v1, v12  }
0x45c: {  	v10 =	vadd.s32 v12, v10;
	vm0 =	vmand vm1, vm0  }
0x45d: {  	v10 =	vnsel vm0, $0x0, v10  }
0x45e: {  	[tilespmem:s25+$0x0] =	vst v10  }
0x45f: {  	v10 =	vld [tilespmem:s31+$0x10]  }
0x460: {  	v11 =	vld [tilespmem:s30+$0x10]  }
0x461: {  	v12 =	vld [tilespmem:s23+$0x10];
	_ =	sdelay $0x2  }
0x462: {  	v10 =	vsub.f32 v10, v3  }
0x463: {  	v11 =	vsub.f32 v11, v7  }
0x464: {  	v10 =	vmul.f32 v10, v9;
	v12 =	vsub.f32 v12, v8  }
.Ltmp5:
0x465: {  	v11 =	vmul.f32 v11, v9;
	(pc) =	sbr.rel @p0 .LBB2_12-.Ltmp5, $4  }
0x466: {  	v10 =	vadd.f32 $5.000000000e-01, v10;
	v12 =	vmul.f32 v12, v9  }
0x467: {  	v13 =	vadd.f32 $5.000000000e-01, v11  }
0x468: {  	v10 =	vtrunc.f32 v10;
	v11 =	vadd.f32 $5.000000000e-01, v12  }
0x469: {  	s31 =	sadd.s32 $0x40, s31;
	s30 =	sadd.s32 $0x40, s30;
	v10 =	vcvt.f32.s32 v10;
	v12 =	vtrunc.f32 v13  }
0x46a: {  	v12 =	vcvt.f32.s32 v12;
	_ =	sdelay $0x1  }
0x46b: {  	v11 =	vtrunc.f32 v11;
	vm0 =	vle.s32 v4, v10;
	vm1 =	vle.s32 v5, v12  }
0x46c: {  	v11 =	vcvt.f32.s32 v11;
	vm2 =	vgt.s32 v6, v10;
	vm0 =	vmand vm0, vm1  }
0x46d: {  	v10 =	vshll.u32 v10, $0xD;
	vm7 =	vgt.s32 v2, v12;
	vm0 =	vmand vm0, vm2  }
0x46e: {  	v13 =	vshll.u32 v12, $0x5;
	vm8 =	vle.s32 v0, v11;
	vm0 =	vmand vm7, vm0  }
0x46f: {  	vm9 =	vgt.s32 v1, v11;
	v10 =	vadd.s32 v10, v13;
	vm0 =	vmand vm8, vm0  }
0x470: {  	v10 =	vadd.s32 v11, v10;
	vm0 =	vmand vm9, vm0  }
0x471: {  	v10 =	vnsel vm0, $0x0, v10  }
0x472: {  	[tilespmem:s28+$0x10] =	vst v10  }
0x473: {  	_ =	swait.ge [sflag:s20], $0x2000  }
0x474: {  	[sflag:s20] =	ssyncset.done $0x0  }
0x475: {  	[sflag:s20] =	ssyncadd.s32 $0xFFFFE000  }
0x476: {  	[tilespmem:s18], [sflag:$0x3] =	stream.indirect.gather [hbm4b:s26+s12], $0x1, s17, s12, $0xb8;
	[tilespmem:$0x14600] =	vst v63  }
0x477: {  	_ =	swait.ge [sflag:s19], $0x2000  }
0x478: {  	[sflag:s19] =	ssyncset.done $0x0  }
0x479: {  	[sflag:s19] =	ssyncadd.s32 $0xFFFFE000  }
0x47a: {  	[hbm4b:s3+s1] =	stream.linear.scatter [tilespmem:s16], [sflag:$0x4], $0x2000, $0x38;
	[tilespmem:$0x14600] =	vst v63  }
0x47b: {  	_ =	swait.ge [sflag:s11], $0x2000  }
0x47c: {  	[sflag:s11] =	ssyncset.done $0x0  }
0x47d: {  	[sflag:s11] =	ssyncadd.s32 $0xFFFFE000  }
0x47e: {  	_ =	swait.ge [sflag:s11], $0x2000  }
0x47f: {  	[sflag:s11] =	ssyncset.done $0x0  }
0x480: {  	[sflag:s11] =	ssyncadd.s32 $0xFFFFE000  }
0x481: {  	_ =	swait.ge [sflag:s11], $0x2000  }
0x482: {  	[sflag:s11] =	ssyncset.done $0x0  }
0x483: {  	s23 =	rddreg [dreg:$0x18];
	[sflag:s11] =	ssyncadd.s32 $0xFFFFE000  }
0x484: {  	[tilespmem:s12], [sflag:$0x1] =	stream.linear.gather [hbm4b:s23+s1], $0x2000, $0x38;
	[tilespmem:$0x14600] =	vst v63  }
0x485: {  	s25 =	rddreg [dreg:$0x19]  }
0x486: {  	[tilespmem:s13], [sflag:$0x1] =	stream.linear.gather [hbm4b:s25+s1], $0x2000, $0x38;
	[tilespmem:$0x14600] =	vst v63  }
0x487: {  	s28 =	simm.s32 $0x4020;
	s25 =	rddreg [dreg:$0x1a]  }
0x488: {  	[tilespmem:s14], [sflag:$0x1] =	stream.linear.gather [hbm4b:s25+s1], $0x2000, $0x38;
	[tilespmem:$0x14600] =	vst v63  }
0x489: {  	s29 =	simm.s32 $0x20;
	v10 =	vld [tilespmem:s28+$0xFFFFFFE0]  }
0x48a: {  	v11 =	vld [tilespmem:s29+$0xFFFFFFE0];
	_ =	sdelay $0x1  }
0x48b: {  	s23 =	simm.s32 $0x8020  }
0x48c: {  	v12 =	vld [tilespmem:s23+$0xFFFFFFE0];
	_ =	sdelay $0x1  }
0x48d: {  	v10 =	vsub.f32 v10, v7;
	v11 =	vsub.f32 v11, v3;
	_ =	sdelay $0x1  }
0x48e: {  	v10 =	vmul.f32 v10, v9;
	v11 =	vmul.f32 v11, v9  }
0x48f: {  	v12 =	vsub.f32 v12, v8  }
0x490: {  	v10 =	vadd.f32 $5.000000000e-01, v10;
	v11 =	vadd.f32 $5.000000000e-01, v11  }
0x491: {  	v12 =	vmul.f32 v12, v9  }
0x492: {  	v10 =	vtrunc.f32 v10;
	v11 =	vtrunc.f32 v11  }
0x493: {  	v12 =	vadd.f32 $5.000000000e-01, v12;
	v10 =	vcvt.f32.s32 v10;
	v11 =	vcvt.f32.s32 v11;
	_ =	sdelay $0x1  }
0x494: {  	v12 =	vtrunc.f32 v12;
	vm10 =	vle.s32 v4, v11;
	vm11 =	vle.s32 v5, v10  }
0x495: {  	v12 =	vcvt.f32.s32 v12;
	vm12 =	vgt.s32 v6, v11;
	vm0 =	vmand vm10, vm11  }
0x496: {  	v13 =	vshll.u32 v10, $0x5;
	vm13 =	vgt.s32 v2, v10;
	vm0 =	vmand vm0, vm12  }
0x497: {  	v10 =	vshll.u32 v11, $0xD;
	vm14 =	vle.s32 v0, v12;
	vm0 =	vmand vm13, vm0  }
0x498: {  	vm15 =	vgt.s32 v1, v12;
	v10 =	vadd.s32 v10, v13;
	vm0 =	vmand vm14, vm0  }
0x499: {  	v10 =	vadd.s32 v12, v10;
	vm0 =	vmand vm15, vm0  }
0x49a: {  	s25 =	simm.s32 $0xC020;
	v10 =	vnsel vm0, $0x0, v10  }
0x49b: {  	[tilespmem:s25+$0xFFFFFFE0] =	vst v10  }
0x49c: {  	v10 =	vld [tilespmem:s29+$0xFFFFFFF0]  }
0x49d: {  	v11 =	vld [tilespmem:s28+$0xFFFFFFF0];
	_ =	sdelay $0x2  }
0x49e: {  	v12 =	vld [tilespmem:s23+$0xFFFFFFF0];
	_ =	sdelay $0x1  }
0x49f: {  	v10 =	vsub.f32 v10, v3;
	v11 =	vsub.f32 v11, v7;
	_ =	sdelay $0x1  }
0x4a0: {  	v10 =	vmul.f32 v10, v9;
	v11 =	vmul.f32 v11, v9  }
0x4a1: {  	v12 =	vsub.f32 v12, v8  }
0x4a2: {  	v10 =	vadd.f32 $5.000000000e-01, v10;
	v11 =	vadd.f32 $5.000000000e-01, v11  }
0x4a3: {  	v12 =	vmul.f32 v12, v9  }
0x4a4: {  	v10 =	vtrunc.f32 v10;
	v11 =	vtrunc.f32 v11  }
0x4a5: {  	v12 =	vadd.f32 $5.000000000e-01, v12;
	v10 =	vcvt.f32.s32 v10;
	v11 =	vcvt.f32.s32 v11;
	_ =	sdelay $0x1  }
0x4a6: {  	v12 =	vtrunc.f32 v12;
	vm4 =	vle.s32 v4, v10;
	vm5 =	vle.s32 v5, v11  }
0x4a7: {  	v12 =	vcvt.f32.s32 v12;
	vm6 =	vgt.s32 v6, v10;
	vm0 =	vmand vm4, vm5  }
0x4a8: {  	v13 =	vshll.u32 v11, $0x5;
	vm7 =	vgt.s32 v2, v11;
	vm0 =	vmand vm0, vm6  }
0x4a9: {  	vm8 =	vle.s32 v0, v12;
	v10 =	vshll.u32 v10, $0xD;
	vm0 =	vmand vm7, vm0  }
0x4aa: {  	vm9 =	vgt.s32 v1, v12;
	v10 =	vadd.s32 v10, v13;
	vm0 =	vmand vm8, vm0  }
0x4ab: {  	v10 =	vadd.s32 v12, v10;
	vm0 =	vmand vm9, vm0  }
0x4ac: {  	v10 =	vnsel vm0, $0x0, v10  }
0x4ad: {  	[tilespmem:s25+$0xFFFFFFF0] =	vst v10  }
0x4ae: {  	v10 =	vld [tilespmem:s29+$0x0]  }
0x4af: {  	v11 =	vld [tilespmem:s28+$0x0];
	_ =	sdelay $0x2  }
0x4b0: {  	v12 =	vld [tilespmem:s23+$0x0];
	_ =	sdelay $0x1  }
0x4b1: {  	v10 =	vsub.f32 v10, v3;
	v11 =	vsub.f32 v11, v7;
	_ =	sdelay $0x1  }
0x4b2: {  	v10 =	vmul.f32 v10, v9;
	v11 =	vmul.f32 v11, v9  }
0x4b3: {  	v12 =	vsub.f32 v12, v8  }
0x4b4: {  	v10 =	vadd.f32 $5.000000000e-01, v10;
	v11 =	vadd.f32 $5.000000000e-01, v11  }
0x4b5: {  	v12 =	vmul.f32 v12, v9  }
0x4b6: {  	v10 =	vtrunc.f32 v10;
	v11 =	vtrunc.f32 v11  }
0x4b7: {  	v12 =	vadd.f32 $5.000000000e-01, v12;
	v10 =	vcvt.f32.s32 v10;
	v11 =	vcvt.f32.s32 v11;
	_ =	sdelay $0x1  }
0x4b8: {  	v12 =	vtrunc.f32 v12;
	vm10 =	vle.s32 v4, v10;
	vm11 =	vle.s32 v5, v11  }
0x4b9: {  	v12 =	vcvt.f32.s32 v12;
	vm12 =	vgt.s32 v6, v10;
	vm0 =	vmand vm10, vm11  }
0x4ba: {  	vm13 =	vgt.s32 v2, v11;
	v10 =	vshll.u32 v10, $0xD;
	vm0 =	vmand vm0, vm12  }
0x4bb: {  	vm14 =	vle.s32 v0, v12;
	v11 =	vshll.u32 v11, $0x5;
	vm0 =	vmand vm13, vm0  }
0x4bc: {  	vm15 =	vgt.s32 v1, v12;
	v10 =	vadd.s32 v10, v11;
	vm0 =	vmand vm14, vm0  }
0x4bd: {  	v10 =	vadd.s32 v12, v10;
	vm0 =	vmand vm15, vm0  }
0x4be: {  	v10 =	vnsel vm0, $0x0, v10  }
0x4bf: {  	[tilespmem:s25+$0x0] =	vst v10  }
0x4c0: {  	v10 =	vld [tilespmem:s29+$0x10]  }
0x4c1: {  	v11 =	vld [tilespmem:s28+$0x10];
	_ =	sdelay $0x1  }
0x4c2: {  	v12 =	vld [tilespmem:s23+$0x10];
	_ =	sdelay $0x1  }
0x4c3: {  	v10 =	vsub.f32 v10, v3  }
0x4c4: {  	v11 =	vsub.f32 v11, v7  }
0x4c5: {  	v10 =	vmul.f32 v10, v9  }
0x4c6: {  	v12 =	vsub.f32 v12, v8;
	v11 =	vmul.f32 v11, v9  }
0x4c7: {  	v10 =	vadd.f32 $5.000000000e-01, v10  }
0x4c8: {  	v12 =	vmul.f32 v12, v9;
	v13 =	vadd.f32 $5.000000000e-01, v11  }
0x4c9: {  	s30 =	simm.s32 $0x4060;
	v10 =	vtrunc.f32 v10  }
0x4ca: {  	s31 =	simm.s32 $0x60;
	s29 =	simm.s32 $0x0;
	s28 =	simm.s32 $0xC020;
	v11 =	vadd.f32 $5.000000000e-01, v12;
	v12 =	vtrunc.f32 v13;
	v10 =	vcvt.f32.s32 v10  }
.LBB2_14:
0x4cb: {  	s29 =	sadd.s32 $0x4, s29;
	v12 =	vcvt.f32.s32 v12;
	s25 =	sadd.s32 $0x40, s25;
	s23 =	sadd.s32 $0x40, s23  }
0x4cc: {  	p0 =	slt.u32 s29, $0x1FC;
	vm0 =	vle.s32 v4, v10  }
0x4cd: {  	v11 =	vtrunc.f32 v11;
	vm1 =	vle.s32 v5, v12;
	v13 =	vshll.u32 v12, $0x5  }
0x4ce: {  	v11 =	vcvt.f32.s32 v11;
	vm2 =	vgt.s32 v6, v10;
	vm0 =	vmand vm0, vm1  }
0x4cf: {  	vm1 =	vgt.s32 v2, v12;
	vm0 =	vmand vm0, vm2  }
0x4d0: {  	v10 =	vshll.u32 v10, $0xD;
	vm0 =	vmand vm1, vm0;
	vm1 =	vle.s32 v0, v11  }
0x4d1: {  	v10 =	vadd.s32 v10, v13;
	vm0 =	vmand vm1, vm0;
	vm1 =	vgt.s32 v1, v11  }
0x4d2: {  	v10 =	vadd.s32 v11, v10;
	vm0 =	vmand vm1, vm0  }
0x4d3: {  	v10 =	vnsel vm0, $0x0, v10  }
0x4d4: {  	[tilespmem:s28+$0x10] =	vst v10;
	s28 =	smov.u32 s25  }
0x4d5: {  	v10 =	vld [tilespmem:s30+$0xFFFFFFE0]  }
0x4d6: {  	v11 =	vld [tilespmem:s31+$0xFFFFFFE0]  }
0x4d7: {  	v12 =	vld [tilespmem:s23+$0xFFFFFFE0];
	_ =	sdelay $0x2  }
0x4d8: {  	v10 =	vsub.f32 v10, v7  }
0x4d9: {  	v11 =	vsub.f32 v11, v3  }
0x4da: {  	v10 =	vmul.f32 v10, v9;
	v12 =	vsub.f32 v12, v8  }
0x4db: {  	v11 =	vmul.f32 v11, v9  }
0x4dc: {  	v10 =	vadd.f32 $5.000000000e-01, v10;
	v12 =	vmul.f32 v12, v9  }
0x4dd: {  	v11 =	vadd.f32 $5.000000000e-01, v11  }
0x4de: {  	v10 =	vtrunc.f32 v10;
	v12 =	vadd.f32 $5.000000000e-01, v12  }
0x4df: {  	v11 =	vtrunc.f32 v11;
	v10 =	vcvt.f32.s32 v10  }
0x4e0: {  	v11 =	vcvt.f32.s32 v11;
	v12 =	vtrunc.f32 v12  }
0x4e1: {  	v12 =	vcvt.f32.s32 v12;
	v13 =	vshll.u32 v10, $0x5  }
0x4e2: {  	vm1 =	vle.s32 v5, v10;
	vm0 =	vle.s32 v4, v11;
	v14 =	vshll.u32 v11, $0xD  }
0x4e3: {  	vm2 =	vgt.s32 v6, v11;
	vm0 =	vmand vm0, vm1;
	v11 =	vadd.s32 v14, v13  }
0x4e4: {  	vm1 =	vgt.s32 v2, v10;
	vm0 =	vmand vm0, vm2;
	v10 =	vadd.s32 v12, v11  }
0x4e5: {  	vm0 =	vmand vm1, vm0;
	vm1 =	vle.s32 v0, v12  }
0x4e6: {  	vm0 =	vmand vm1, vm0;
	vm1 =	vgt.s32 v1, v12  }
0x4e7: {  	vm0 =	vmand vm1, vm0  }
0x4e8: {  	v10 =	vnsel vm0, $0x0, v10  }
0x4e9: {  	[tilespmem:s25+$0xFFFFFFE0] =	vst v10  }
0x4ea: {  	v10 =	vld [tilespmem:s31+$0xFFFFFFF0]  }
0x4eb: {  	v11 =	vld [tilespmem:s30+$0xFFFFFFF0];
	_ =	sdelay $0x2  }
0x4ec: {  	v12 =	vld [tilespmem:s23+$0xFFFFFFF0]  }
0x4ed: {  	v10 =	vsub.f32 v10, v3  }
0x4ee: {  	v11 =	vsub.f32 v11, v7  }
0x4ef: {  	v10 =	vmul.f32 v10, v9  }
0x4f0: {  	v11 =	vmul.f32 v11, v9  }
0x4f1: {  	v10 =	vadd.f32 $5.000000000e-01, v10;
	v12 =	vsub.f32 v12, v8  }
0x4f2: {  	v11 =	vadd.f32 $5.000000000e-01, v11  }
0x4f3: {  	v10 =	vtrunc.f32 v10;
	v12 =	vmul.f32 v12, v9  }
0x4f4: {  	v10 =	vcvt.f32.s32 v10;
	v11 =	vtrunc.f32 v11  }
0x4f5: {  	v11 =	vcvt.f32.s32 v11;
	v12 =	vadd.f32 $5.000000000e-01, v12  }
0x4f6: {  	vm0 =	vle.s32 v4, v10  }
0x4f7: {  	v12 =	vtrunc.f32 v12;
	vm1 =	vle.s32 v5, v11;
	v13 =	vshll.u32 v11, $0x5  }
0x4f8: {  	vm2 =	vgt.s32 v6, v10;
	v12 =	vcvt.f32.s32 v12;
	vm0 =	vmand vm0, vm1  }
0x4f9: {  	vm1 =	vgt.s32 v2, v11;
	vm0 =	vmand vm0, vm2  }
0x4fa: {  	v10 =	vshll.u32 v10, $0xD;
	vm0 =	vmand vm1, vm0;
	vm1 =	vle.s32 v0, v12  }
0x4fb: {  	v10 =	vadd.s32 v10, v13;
	vm0 =	vmand vm1, vm0;
	vm1 =	vgt.s32 v1, v12  }
0x4fc: {  	v10 =	vadd.s32 v12, v10;
	vm0 =	vmand vm1, vm0  }
0x4fd: {  	v10 =	vnsel vm0, $0x0, v10  }
0x4fe: {  	[tilespmem:s25+$0xFFFFFFF0] =	vst v10  }
0x4ff: {  	v10 =	vld [tilespmem:s31+$0x0]  }
0x500: {  	v11 =	vld [tilespmem:s30+$0x0];
	_ =	sdelay $0x2  }
0x501: {  	v12 =	vld [tilespmem:s23+$0x0]  }
0x502: {  	v10 =	vsub.f32 v10, v3  }
0x503: {  	v11 =	vsub.f32 v11, v7  }
0x504: {  	v10 =	vmul.f32 v10, v9  }
0x505: {  	v11 =	vmul.f32 v11, v9  }
0x506: {  	v10 =	vadd.f32 $5.000000000e-01, v10;
	v12 =	vsub.f32 v12, v8  }
0x507: {  	v11 =	vadd.f32 $5.000000000e-01, v11  }
0x508: {  	v10 =	vtrunc.f32 v10;
	v12 =	vmul.f32 v12, v9  }
0x509: {  	v10 =	vcvt.f32.s32 v10;
	v11 =	vtrunc.f32 v11  }
0x50a: {  	v11 =	vcvt.f32.s32 v11;
	v12 =	vadd.f32 $5.000000000e-01, v12;
	_ =	sdelay $0x1  }
0x50b: {  	vm0 =	vle.s32 v4, v10;
	v12 =	vtrunc.f32 v12;
	vm1 =	vle.s32 v5, v11  }
0x50c: {  	vm2 =	vgt.s32 v6, v10;
	v12 =	vcvt.f32.s32 v12;
	vm0 =	vmand vm0, vm1  }
0x50d: {  	v10 =	vshll.u32 v10, $0xD;
	vm1 =	vgt.s32 v2, v11;
	vm0 =	vmand vm0, vm2  }
0x50e: {  	v11 =	vshll.u32 v11, $0x5;
	vm0 =	vmand vm1, vm0;
	vm1 =	vle.s32 v0, v12  }
0x50f: {  	v10 =	vadd.s32 v10, v11;
	vm0 =	vmand vm1, vm0;
	vm1 =	vgt.s32 v1, v12  }
0x510: {  	v10 =	vadd.s32 v12, v10;
	vm0 =	vmand vm1, vm0  }
0x511: {  	v10 =	vnsel vm0, $0x0, v10  }
0x512: {  	[tilespmem:s25+$0x0] =	vst v10  }
0x513: {  	v10 =	vld [tilespmem:s31+$0x10]  }
0x514: {  	v11 =	vld [tilespmem:s30+$0x10]  }
0x515: {  	v12 =	vld [tilespmem:s23+$0x10];
	_ =	sdelay $0x2  }
0x516: {  	v10 =	vsub.f32 v10, v3  }
0x517: {  	v11 =	vsub.f32 v11, v7  }
0x518: {  	v10 =	vmul.f32 v10, v9;
	v12 =	vsub.f32 v12, v8  }
.Ltmp6:
0x519: {  	v11 =	vmul.f32 v11, v9;
	(pc) =	sbr.rel @p0 .LBB2_14-.Ltmp6, $4  }
0x51a: {  	v10 =	vadd.f32 $5.000000000e-01, v10;
	v12 =	vmul.f32 v12, v9  }
0x51b: {  	v13 =	vadd.f32 $5.000000000e-01, v11  }
0x51c: {  	v10 =	vtrunc.f32 v10;
	v11 =	vadd.f32 $5.000000000e-01, v12  }
0x51d: {  	s31 =	sadd.s32 $0x40, s31;
	s30 =	sadd.s32 $0x40, s30;
	v10 =	vcvt.f32.s32 v10;
	v12 =	vtrunc.f32 v13  }
0x51e: {  	v12 =	vcvt.f32.s32 v12;
	_ =	sdelay $0x1  }
0x51f: {  	v11 =	vtrunc.f32 v11;
	vm0 =	vle.s32 v4, v10;
	vm1 =	vle.s32 v5, v12  }
0x520: {  	v11 =	vcvt.f32.s32 v11;
	vm2 =	vgt.s32 v6, v10;
	vm0 =	vmand vm0, vm1  }
0x521: {  	v10 =	vshll.u32 v10, $0xD;
	vm7 =	vgt.s32 v2, v12;
	vm0 =	vmand vm0, vm2  }
0x522: {  	v13 =	vshll.u32 v12, $0x5;
	vm8 =	vle.s32 v0, v11;
	vm0 =	vmand vm7, vm0  }
0x523: {  	vm9 =	vgt.s32 v1, v11;
	v10 =	vadd.s32 v10, v13;
	vm0 =	vmand vm8, vm0  }
0x524: {  	v10 =	vadd.s32 v11, v10;
	vm0 =	vmand vm9, vm0  }
0x525: {  	v10 =	vnsel vm0, $0x0, v10  }
0x526: {  	[tilespmem:s28+$0x10] =	vst v10  }
0x527: {  	_ =	swait.ge [sflag:s20], $0x2000  }
0x528: {  	[sflag:s20] =	ssyncset.done $0x0  }
0x529: {  	[sflag:s20] =	ssyncadd.s32 $0xFFFFE000  }
0x52a: {  	[tilespmem:s16], [sflag:$0x2] =	stream.indirect.gather [hbm4b:s26+s12], $0x1, s15, s12, $0xb8;
	[tilespmem:$0x14600] =	vst v63  }
0x52b: {  	_ =	swait.ge [sflag:s21], $0x2000  }
0x52c: {  	[sflag:s21] =	ssyncset.done $0x0  }
0x52d: {  	[sflag:s21] =	ssyncadd.s32 $0xFFFFE000  }
0x52e: {  	[hbm4b:s4+s1] =	stream.linear.scatter [tilespmem:s18], [sflag:$0x4], $0x2000, $0x38;
	[tilespmem:$0x14600] =	vst v63  }
0x52f: {  	_ =	swait.ge [sflag:s11], $0x2000  }
0x530: {  	[sflag:s11] =	ssyncset.done $0x0  }
0x531: {  	[sflag:s11] =	ssyncadd.s32 $0xFFFFE000  }
0x532: {  	_ =	swait.ge [sflag:s11], $0x2000  }
0x533: {  	[sflag:s11] =	ssyncset.done $0x0  }
0x534: {  	[sflag:s11] =	ssyncadd.s32 $0xFFFFE000  }
0x535: {  	_ =	swait.ge [sflag:s11], $0x2000  }
0x536: {  	[sflag:s11] =	ssyncset.done $0x0  }
0x537: {  	s28 =	simm.s32 $0x6020;
	[sflag:s11] =	ssyncadd.s32 $0xFFFFE000  }
0x538: {  	s29 =	simm.s32 $0x2020;
	v10 =	vld [tilespmem:s28+$0xFFFFFFE0]  }
0x539: {  	v11 =	vld [tilespmem:s29+$0xFFFFFFE0];
	_ =	sdelay $0x1  }
0x53a: {  	s23 =	simm.s32 $0xA020  }
0x53b: {  	v12 =	vld [tilespmem:s23+$0xFFFFFFE0];
	_ =	sdelay $0x1  }
0x53c: {  	v10 =	vsub.f32 v10, v7;
	v11 =	vsub.f32 v11, v3;
	_ =	sdelay $0x1  }
0x53d: {  	v10 =	vmul.f32 v10, v9;
	v11 =	vmul.f32 v11, v9  }
0x53e: {  	v12 =	vsub.f32 v12, v8  }
0x53f: {  	v10 =	vadd.f32 $5.000000000e-01, v10;
	v11 =	vadd.f32 $5.000000000e-01, v11  }
0x540: {  	v12 =	vmul.f32 v12, v9  }
0x541: {  	v10 =	vtrunc.f32 v10;
	v11 =	vtrunc.f32 v11  }
0x542: {  	v12 =	vadd.f32 $5.000000000e-01, v12;
	v10 =	vcvt.f32.s32 v10;
	v11 =	vcvt.f32.s32 v11;
	_ =	sdelay $0x1  }
0x543: {  	v12 =	vtrunc.f32 v12;
	vm10 =	vle.s32 v4, v11;
	vm11 =	vle.s32 v5, v10  }
0x544: {  	v12 =	vcvt.f32.s32 v12;
	vm12 =	vgt.s32 v6, v11;
	vm0 =	vmand vm10, vm11  }
0x545: {  	v13 =	vshll.u32 v10, $0x5;
	vm13 =	vgt.s32 v2, v10;
	vm0 =	vmand vm0, vm12  }
0x546: {  	v10 =	vshll.u32 v11, $0xD;
	vm14 =	vle.s32 v0, v12;
	vm0 =	vmand vm13, vm0  }
0x547: {  	vm15 =	vgt.s32 v1, v12;
	v10 =	vadd.s32 v10, v13;
	vm0 =	vmand vm14, vm0  }
0x548: {  	v10 =	vadd.s32 v12, v10;
	vm0 =	vmand vm15, vm0  }
0x549: {  	s25 =	simm.s32 $0xE020;
	v10 =	vnsel vm0, $0x0, v10  }
0x54a: {  	[tilespmem:s25+$0xFFFFFFE0] =	vst v10  }
0x54b: {  	v10 =	vld [tilespmem:s29+$0xFFFFFFF0]  }
0x54c: {  	v11 =	vld [tilespmem:s28+$0xFFFFFFF0];
	_ =	sdelay $0x2  }
0x54d: {  	v12 =	vld [tilespmem:s23+$0xFFFFFFF0];
	_ =	sdelay $0x1  }
0x54e: {  	v10 =	vsub.f32 v10, v3;
	v11 =	vsub.f32 v11, v7;
	_ =	sdelay $0x1  }
0x54f: {  	v10 =	vmul.f32 v10, v9;
	v11 =	vmul.f32 v11, v9  }
0x550: {  	v12 =	vsub.f32 v12, v8  }
0x551: {  	v10 =	vadd.f32 $5.000000000e-01, v10;
	v11 =	vadd.f32 $5.000000000e-01, v11  }
0x552: {  	v12 =	vmul.f32 v12, v9  }
0x553: {  	v10 =	vtrunc.f32 v10;
	v11 =	vtrunc.f32 v11  }
0x554: {  	v12 =	vadd.f32 $5.000000000e-01, v12;
	v10 =	vcvt.f32.s32 v10;
	v11 =	vcvt.f32.s32 v11;
	_ =	sdelay $0x1  }
0x555: {  	v12 =	vtrunc.f32 v12;
	vm4 =	vle.s32 v4, v10;
	vm5 =	vle.s32 v5, v11  }
0x556: {  	v12 =	vcvt.f32.s32 v12;
	vm6 =	vgt.s32 v6, v10;
	vm0 =	vmand vm4, vm5  }
0x557: {  	v13 =	vshll.u32 v11, $0x5;
	vm7 =	vgt.s32 v2, v11;
	vm0 =	vmand vm0, vm6  }
0x558: {  	vm8 =	vle.s32 v0, v12;
	v10 =	vshll.u32 v10, $0xD;
	vm0 =	vmand vm7, vm0  }
0x559: {  	vm9 =	vgt.s32 v1, v12;
	v10 =	vadd.s32 v10, v13;
	vm0 =	vmand vm8, vm0  }
0x55a: {  	v10 =	vadd.s32 v12, v10;
	vm0 =	vmand vm9, vm0  }
0x55b: {  	v10 =	vnsel vm0, $0x0, v10  }
0x55c: {  	[tilespmem:s25+$0xFFFFFFF0] =	vst v10  }
0x55d: {  	v10 =	vld [tilespmem:s29+$0x0]  }
0x55e: {  	v11 =	vld [tilespmem:s28+$0x0];
	_ =	sdelay $0x2  }
0x55f: {  	v12 =	vld [tilespmem:s23+$0x0];
	_ =	sdelay $0x1  }
0x560: {  	v10 =	vsub.f32 v10, v3;
	v11 =	vsub.f32 v11, v7;
	_ =	sdelay $0x1  }
0x561: {  	v10 =	vmul.f32 v10, v9;
	v11 =	vmul.f32 v11, v9  }
0x562: {  	v12 =	vsub.f32 v12, v8  }
0x563: {  	v10 =	vadd.f32 $5.000000000e-01, v10;
	v11 =	vadd.f32 $5.000000000e-01, v11  }
0x564: {  	v12 =	vmul.f32 v12, v9  }
0x565: {  	v10 =	vtrunc.f32 v10;
	v11 =	vtrunc.f32 v11  }
0x566: {  	v12 =	vadd.f32 $5.000000000e-01, v12;
	v10 =	vcvt.f32.s32 v10;
	v11 =	vcvt.f32.s32 v11;
	_ =	sdelay $0x1  }
0x567: {  	v12 =	vtrunc.f32 v12;
	vm10 =	vle.s32 v4, v10;
	vm11 =	vle.s32 v5, v11  }
0x568: {  	v12 =	vcvt.f32.s32 v12;
	vm12 =	vgt.s32 v6, v10;
	vm0 =	vmand vm10, vm11  }
0x569: {  	vm13 =	vgt.s32 v2, v11;
	v10 =	vshll.u32 v10, $0xD;
	vm0 =	vmand vm0, vm12  }
0x56a: {  	vm14 =	vle.s32 v0, v12;
	v11 =	vshll.u32 v11, $0x5;
	vm0 =	vmand vm13, vm0  }
0x56b: {  	vm15 =	vgt.s32 v1, v12;
	v10 =	vadd.s32 v10, v11;
	vm0 =	vmand vm14, vm0  }
0x56c: {  	v10 =	vadd.s32 v12, v10;
	vm0 =	vmand vm15, vm0  }
0x56d: {  	v10 =	vnsel vm0, $0x0, v10  }
0x56e: {  	[tilespmem:s25+$0x0] =	vst v10  }
0x56f: {  	v10 =	vld [tilespmem:s29+$0x10]  }
0x570: {  	v11 =	vld [tilespmem:s28+$0x10];
	_ =	sdelay $0x1  }
0x571: {  	v12 =	vld [tilespmem:s23+$0x10];
	_ =	sdelay $0x1  }
0x572: {  	v10 =	vsub.f32 v10, v3  }
0x573: {  	v11 =	vsub.f32 v11, v7  }
0x574: {  	v10 =	vmul.f32 v10, v9  }
0x575: {  	v12 =	vsub.f32 v12, v8;
	v11 =	vmul.f32 v11, v9  }
0x576: {  	v10 =	vadd.f32 $5.000000000e-01, v10  }
0x577: {  	v12 =	vmul.f32 v12, v9;
	v13 =	vadd.f32 $5.000000000e-01, v11  }
0x578: {  	s30 =	simm.s32 $0x6060;
	v10 =	vtrunc.f32 v10  }
0x579: {  	s31 =	simm.s32 $0x2060;
	s29 =	simm.s32 $0x0;
	s28 =	simm.s32 $0xE020;
	v11 =	vadd.f32 $5.000000000e-01, v12;
	v12 =	vtrunc.f32 v13;
	v10 =	vcvt.f32.s32 v10  }
.LBB2_16:
0x57a: {  	s29 =	sadd.s32 $0x4, s29;
	v12 =	vcvt.f32.s32 v12;
	s25 =	sadd.s32 $0x40, s25;
	s23 =	sadd.s32 $0x40, s23  }
0x57b: {  	p0 =	slt.u32 s29, $0x1FC;
	vm0 =	vle.s32 v4, v10  }
0x57c: {  	v11 =	vtrunc.f32 v11;
	vm1 =	vle.s32 v5, v12;
	v13 =	vshll.u32 v12, $0x5  }
0x57d: {  	v11 =	vcvt.f32.s32 v11;
	vm2 =	vgt.s32 v6, v10;
	vm0 =	vmand vm0, vm1  }
0x57e: {  	vm1 =	vgt.s32 v2, v12;
	vm0 =	vmand vm0, vm2  }
0x57f: {  	v10 =	vshll.u32 v10, $0xD;
	vm0 =	vmand vm1, vm0;
	vm1 =	vle.s32 v0, v11  }
0x580: {  	v10 =	vadd.s32 v10, v13;
	vm0 =	vmand vm1, vm0;
	vm1 =	vgt.s32 v1, v11  }
0x581: {  	v10 =	vadd.s32 v11, v10;
	vm0 =	vmand vm1, vm0  }
0x582: {  	v10 =	vnsel vm0, $0x0, v10  }
0x583: {  	[tilespmem:s28+$0x10] =	vst v10;
	s28 =	smov.u32 s25  }
0x584: {  	v10 =	vld [tilespmem:s30+$0xFFFFFFE0]  }
0x585: {  	v11 =	vld [tilespmem:s31+$0xFFFFFFE0]  }
0x586: {  	v12 =	vld [tilespmem:s23+$0xFFFFFFE0];
	_ =	sdelay $0x2  }
0x587: {  	v10 =	vsub.f32 v10, v7  }
0x588: {  	v11 =	vsub.f32 v11, v3  }
0x589: {  	v10 =	vmul.f32 v10, v9;
	v12 =	vsub.f32 v12, v8  }
0x58a: {  	v11 =	vmul.f32 v11, v9  }
0x58b: {  	v10 =	vadd.f32 $5.000000000e-01, v10;
	v12 =	vmul.f32 v12, v9  }
0x58c: {  	v11 =	vadd.f32 $5.000000000e-01, v11  }
0x58d: {  	v10 =	vtrunc.f32 v10;
	v12 =	vadd.f32 $5.000000000e-01, v12  }
0x58e: {  	v11 =	vtrunc.f32 v11;
	v10 =	vcvt.f32.s32 v10  }
0x58f: {  	v11 =	vcvt.f32.s32 v11;
	v12 =	vtrunc.f32 v12  }
0x590: {  	v12 =	vcvt.f32.s32 v12;
	v13 =	vshll.u32 v10, $0x5  }
0x591: {  	vm1 =	vle.s32 v5, v10;
	vm0 =	vle.s32 v4, v11;
	v14 =	vshll.u32 v11, $0xD  }
0x592: {  	vm2 =	vgt.s32 v6, v11;
	vm0 =	vmand vm0, vm1;
	v11 =	vadd.s32 v14, v13  }
0x593: {  	vm1 =	vgt.s32 v2, v10;
	vm0 =	vmand vm0, vm2;
	v10 =	vadd.s32 v12, v11  }
0x594: {  	vm0 =	vmand vm1, vm0;
	vm1 =	vle.s32 v0, v12  }
0x595: {  	vm0 =	vmand vm1, vm0;
	vm1 =	vgt.s32 v1, v12  }
0x596: {  	vm0 =	vmand vm1, vm0  }
0x597: {  	v10 =	vnsel vm0, $0x0, v10  }
0x598: {  	[tilespmem:s25+$0xFFFFFFE0] =	vst v10  }
0x599: {  	v10 =	vld [tilespmem:s31+$0xFFFFFFF0]  }
0x59a: {  	v11 =	vld [tilespmem:s30+$0xFFFFFFF0];
	_ =	sdelay $0x2  }
0x59b: {  	v12 =	vld [tilespmem:s23+$0xFFFFFFF0]  }
0x59c: {  	v10 =	vsub.f32 v10, v3  }
0x59d: {  	v11 =	vsub.f32 v11, v7  }
0x59e: {  	v10 =	vmul.f32 v10, v9  }
0x59f: {  	v11 =	vmul.f32 v11, v9  }
0x5a0: {  	v10 =	vadd.f32 $5.000000000e-01, v10;
	v12 =	vsub.f32 v12, v8  }
0x5a1: {  	v11 =	vadd.f32 $5.000000000e-01, v11  }
0x5a2: {  	v10 =	vtrunc.f32 v10;
	v12 =	vmul.f32 v12, v9  }
0x5a3: {  	v10 =	vcvt.f32.s32 v10;
	v11 =	vtrunc.f32 v11  }
0x5a4: {  	v11 =	vcvt.f32.s32 v11;
	v12 =	vadd.f32 $5.000000000e-01, v12  }
0x5a5: {  	vm0 =	vle.s32 v4, v10  }
0x5a6: {  	v12 =	vtrunc.f32 v12;
	vm1 =	vle.s32 v5, v11;
	v13 =	vshll.u32 v11, $0x5  }
0x5a7: {  	vm2 =	vgt.s32 v6, v10;
	v12 =	vcvt.f32.s32 v12;
	vm0 =	vmand vm0, vm1  }
0x5a8: {  	vm1 =	vgt.s32 v2, v11;
	vm0 =	vmand vm0, vm2  }
0x5a9: {  	v10 =	vshll.u32 v10, $0xD;
	vm0 =	vmand vm1, vm0;
	vm1 =	vle.s32 v0, v12  }
0x5aa: {  	v10 =	vadd.s32 v10, v13;
	vm0 =	vmand vm1, vm0;
	vm1 =	vgt.s32 v1, v12  }
0x5ab: {  	v10 =	vadd.s32 v12, v10;
	vm0 =	vmand vm1, vm0  }
0x5ac: {  	v10 =	vnsel vm0, $0x0, v10  }
0x5ad: {  	[tilespmem:s25+$0xFFFFFFF0] =	vst v10  }
0x5ae: {  	v10 =	vld [tilespmem:s31+$0x0]  }
0x5af: {  	v11 =	vld [tilespmem:s30+$0x0];
	_ =	sdelay $0x2  }
0x5b0: {  	v12 =	vld [tilespmem:s23+$0x0]  }
0x5b1: {  	v10 =	vsub.f32 v10, v3  }
0x5b2: {  	v11 =	vsub.f32 v11, v7  }
0x5b3: {  	v10 =	vmul.f32 v10, v9  }
0x5b4: {  	v11 =	vmul.f32 v11, v9  }
0x5b5: {  	v10 =	vadd.f32 $5.000000000e-01, v10;
	v12 =	vsub.f32 v12, v8  }
0x5b6: {  	v11 =	vadd.f32 $5.000000000e-01, v11  }
0x5b7: {  	v10 =	vtrunc.f32 v10;
	v12 =	vmul.f32 v12, v9  }
0x5b8: {  	v10 =	vcvt.f32.s32 v10;
	v11 =	vtrunc.f32 v11  }
0x5b9: {  	v11 =	vcvt.f32.s32 v11;
	v12 =	vadd.f32 $5.000000000e-01, v12;
	_ =	sdelay $0x1  }
0x5ba: {  	vm0 =	vle.s32 v4, v10;
	v12 =	vtrunc.f32 v12;
	vm1 =	vle.s32 v5, v11  }
0x5bb: {  	vm2 =	vgt.s32 v6, v10;
	v12 =	vcvt.f32.s32 v12;
	vm0 =	vmand vm0, vm1  }
0x5bc: {  	v10 =	vshll.u32 v10, $0xD;
	vm1 =	vgt.s32 v2, v11;
	vm0 =	vmand vm0, vm2  }
0x5bd: {  	v11 =	vshll.u32 v11, $0x5;
	vm0 =	vmand vm1, vm0;
	vm1 =	vle.s32 v0, v12  }
0x5be: {  	v10 =	vadd.s32 v10, v11;
	vm0 =	vmand vm1, vm0;
	vm1 =	vgt.s32 v1, v12  }
0x5bf: {  	v10 =	vadd.s32 v12, v10;
	vm0 =	vmand vm1, vm0  }
0x5c0: {  	v10 =	vnsel vm0, $0x0, v10  }
0x5c1: {  	[tilespmem:s25+$0x0] =	vst v10  }
0x5c2: {  	v10 =	vld [tilespmem:s31+$0x10]  }
0x5c3: {  	v11 =	vld [tilespmem:s30+$0x10]  }
0x5c4: {  	v12 =	vld [tilespmem:s23+$0x10];
	_ =	sdelay $0x2  }
0x5c5: {  	v10 =	vsub.f32 v10, v3  }
0x5c6: {  	v11 =	vsub.f32 v11, v7  }
0x5c7: {  	v10 =	vmul.f32 v10, v9;
	v12 =	vsub.f32 v12, v8  }
.Ltmp7:
0x5c8: {  	v11 =	vmul.f32 v11, v9;
	(pc) =	sbr.rel @p0 .LBB2_16-.Ltmp7, $4  }
0x5c9: {  	v10 =	vadd.f32 $5.000000000e-01, v10;
	v12 =	vmul.f32 v12, v9  }
0x5ca: {  	v13 =	vadd.f32 $5.000000000e-01, v11  }
0x5cb: {  	v10 =	vtrunc.f32 v10;
	v11 =	vadd.f32 $5.000000000e-01, v12  }
0x5cc: {  	s31 =	sadd.s32 $0x40, s31;
	s30 =	sadd.s32 $0x40, s30;
	v10 =	vcvt.f32.s32 v10;
	v12 =	vtrunc.f32 v13  }
0x5cd: {  	v3 =	vcvt.f32.s32 v12;
	_ =	sdelay $0x1  }
0x5ce: {  	v61 =	vtrunc.f32 v11;
	vm0 =	vle.s32 v4, v10;
	vm1 =	vle.s32 v5, v3  }
0x5cf: {  	v4 =	vcvt.f32.s32 v61;
	vm2 =	vgt.s32 v6, v10;
	vm0 =	vmand vm0, vm1  }
0x5d0: {  	v63 =	vshll.u32 v10, $0xD;
	vm13 =	vgt.s32 v2, v3;
	vm0 =	vmand vm0, vm2  }
0x5d1: {  	v62 =	vshll.u32 v3, $0x5;
	vm14 =	vle.s32 v0, v4;
	vm0 =	vmand vm13, vm0  }
0x5d2: {  	vm15 =	vgt.s32 v1, v4;
	v0 =	vadd.s32 v63, v62;
	vm0 =	vmand vm14, vm0  }
0x5d3: {  	v0 =	vadd.s32 v4, v0;
	vm0 =	vmand vm15, vm0  }
0x5d4: {  	v0 =	vnsel vm0, $0x0, v0  }
0x5d5: {  	[tilespmem:s28+$0x10] =	vst v0  }
0x5d6: {  	_ =	swait.ge [sflag:s20], $0x2000  }
0x5d7: {  	[sflag:s20] =	ssyncset.done $0x0  }
0x5d8: {  	[sflag:s20] =	ssyncadd.s32 $0xFFFFE000  }
0x5d9: {  	[tilespmem:s18], [sflag:$0x3] =	stream.indirect.gather [hbm4b:s26+s12], $0x1, s17, s12, $0xb8;
	[tilespmem:$0x14600] =	vst v63  }
0x5da: {  	_ =	swait.ge [sflag:s19], $0x2000  }
0x5db: {  	[sflag:s19] =	ssyncset.done $0x0  }
0x5dc: {  	[sflag:s19] =	ssyncadd.s32 $0xFFFFE000  }
0x5dd: {  	[hbm4b:s5+s1] =	stream.linear.scatter [tilespmem:s16], [sflag:$0x4], $0x2000, $0x38;
	[tilespmem:$0x14600] =	vst v63  }
0x5de: {  	_ =	swait.ge [sflag:s21], $0x2000  }
0x5df: {  	[sflag:s21] =	ssyncset.done $0x0  }
0x5e0: {  	s22 =	sadd.s32 $0x1, s22;
	[sflag:s21] =	ssyncadd.s32 $0xFFFFE000  }
0x5e1: {  	[hbm4b:s6+s1] =	stream.linear.scatter [tilespmem:s18], [sflag:$0x4], $0x2000, $0x38;
	[tilespmem:$0x14600] =	vst v63  }
0x5e2: {  	p0 =	sne.s32 s22, s7;
	_ =	swait.ge [sflag:s20], $0x2000  }
.Ltmp8:
0x5e3: {  	[sflag:s20] =	ssyncset.done $0x0;
	(pc) =	sbr.rel @p0 .LBB2_1-.Ltmp8, $4  }
0x5e4: {  	[sflag:s20] =	ssyncadd.s32 $0xFFFFE000  }
0x5e5: {  	_ =	swait.ge [sflag:s20], $0x2000  }
0x5e6: {  	[sflag:s20] =	ssyncset.done $0x0  }
0x5e7: {  	[sflag:s20] =	ssyncadd.s32 $0xFFFFE000  }
0x5e8: {  	_ =	sfence.sel $0x180000  }
0x5e9: {  	[bflag:$0x0] =	sbarrier.arrive $0xFFFF  }
0x5ea: {  	_ =	strace $0x90000047  }
0x5eb: {  	s0 =	stileid.u32;
	[bflag:$0x2] =	sbarrier.arrive $0xFFFF  }
0x5ec: {  	p0 =	sne.s32 s0, $0x0;
	s0 =	rddreg [dreg:$0x2]  }
0x5ed: {  	s0 =	sadd.s32 @!p0 $0x100000, s0  }
0x5ee: {  	[sflag:s0] =	ssyncadd.tile.s32 @!p0 $0x1;
	_ =	shalt  }
.Lfunc_end2:
_tile_overlayer_lowered:
.L_overlay_start_2:
0x5ef: {  	(tag) =	ssettag $0x2  }
0x5f0: {  	s0 =	rddreg [dreg:$0x0];
	s2 =	stileid.u32  }
0x5f1: {  	s1 =	rddreg [dreg:$0x1];
	p0 =	sne.s32 s2, $0x0  }
0x5f2: {  	s3 =	rddreg [dreg:$0x2];
	[bflag:$0x3] =	sbarrier.arrive $0xFFFF;
	s2 =	simm.s32 @!p0 $0x1C05  }
0x5f3: {  	[timem:s3], [sflag:s2] =	dma.local @!p0 [hbm:s0], s1  }
0x5f4: {  	s0 =	simm.s32 @!p0 $0x5  }
0x5f5: {  	_ =	swait.ge @!p0 [sflag:s0], s1  }
0x5f6: {  	s1 =	ssub.s32 @!p0 $0x0, s1;
	[sflag:s0] =	ssyncset.done @!p0 $0x0  }
0x5f7: {  	[sflag:s0] =	ssyncadd.s32 @!p0 s1  }
0x5f8: {  	[bflag:$0x3] =	sbarrier.arrive $0xFFFF  }
0x5f9: {  	_ =	shalt  }

</sc_bundles>
